<compile_context>
chip_gen: v7x
topology: tpu7x:2x2x1
jax: 0.10.2.dev20260603
libtpu: 0.0.44.dev20260713+nightly
codegen_flags: <defaults>
</compile_context>

<pallas_src>
import functools

import jax
import jax.numpy as jnp
from jax import lax
from jax.experimental import pallas as pl
from jax.experimental.pallas import tpu as pltpu
from jax.experimental.pallas import tpu_sc as plsc

_B = 16384
_D = 64
_V = 1000000
_NSLAB = _V // 128 + 1
_TAIL_C = _NSLAB - 1
_TAIL_U = _TAIL_C * 128
_RING = 6
_PAIRS = 123


def _iota16():
    return lax.iota(jnp.int32, 16)


@jax.jit
def _gather_scan(idx, table_t, tail):
    mesh = plsc.VectorSubcoreMesh(core_axis_name="c", subcore_axis_name="s")

    @functools.partial(
        pl.kernel,
        mesh=mesh,
        out_type=jax.ShapeDtypeStruct((_B + 128, 128), jnp.float32),
        scratch_types=[
            pltpu.VMEM((_B,), jnp.int32),
            pltpu.VMEM((4096,), jnp.int32),
            pltpu.VMEM((256,), jnp.int32),
            pltpu.VMEM_SHARED((16, _RING, _D, 128), jnp.float32),
            pltpu.VMEM((_D, 128), jnp.float32),
            pltpu.VMEM((_D, 128), jnp.float32),
            pltpu.VMEM((128, 128), jnp.float32),
            pltpu.VMEM((128,), jnp.int32),
            pltpu.SemaphoreType.DMA((_RING,)),
            pltpu.SemaphoreType.DMA,
            pltpu.SemaphoreType.DMA,
        ],
        compiler_params=pltpu.CompilerParams(needs_layout_passes=False),
    )
    def k(idx_hbm, table_hbm, tail_hbm, out_hbm,
          idx_v, bucket_v, fill_v, sp_ring, t0, t1, stage_v, sl_v,
          sem_h, sem_x, sem_s):
        wid = lax.axis_index("s") * 2 + lax.axis_index("c")
        sid = lax.axis_index("s")
        c0 = 244 * wid + jnp.minimum(wid, 5)
        cnf = jnp.where(wid < 5, 245, jnp.where(wid == 31, 243, 244))
        cend = c0 + jnp.where(wid < 5, 245, 244)

        def fire_h(g):
            slot = lax.rem(g, _RING)
            pltpu.async_copy(
                table_hbm.at[
                    :, pl.ds(pl.multiple_of((c0 + g) * 128, 128), 128)],
                sp_ring.at[sid, slot], sem_h.at[slot])

        def wait_h(g):
            slot = lax.rem(g, _RING)
            pltpu.make_async_copy(
                table_hbm.at[:, pl.ds(0, 128)],
                sp_ring.at[sid, 0], sem_h.at[slot]).wait()

        def fire_x(g, tbuf):
            pltpu.async_copy(sp_ring.at[sid, lax.rem(g, _RING)], tbuf, sem_x)

        def wait_x(tbuf):
            pltpu.make_async_copy(sp_ring.at[sid, 0], tbuf, sem_x).wait()

        for j in range(_RING):
            fire_h(jnp.int32(j))
        def init_sl(i, _):
            sl_v[pl.ds(i * 16, 16)] = jnp.full((16,), _B, jnp.int32)
            return 0
        lax.fori_loop(0, 8, init_sl, 0)

        def init_fill(i, _):
            fill_v[pl.ds(i * 16, 16)] = jnp.zeros((16,), jnp.int32)
            return 0
        lax.fori_loop(0, 16, init_fill, 0)

        pltpu.sync_copy(idx_hbm, idx_v)

        def bin_body(i, _):
            u = idx_v[pl.ds(i * 16, 16)]
            cc = lax.shift_right_logical(u, 7)
            mine = (cc >= c0) & (cc < cend)
            lb = cc - c0
            rank, last = plsc.scan_count(lb, mask=mine)
            base = plsc.load_gather(fill_v, [lb], mask=mine)
            slotb = base + rank - 1
            inb = mine & (slotb < 16)
            pack = (_iota16() + i * 16) | ((u & 127) << 14)
            plsc.store_scatter(bucket_v, [lb * 16 + slotb], pack, mask=inb)
            plsc.store_scatter(fill_v, [lb], base + rank, mask=mine & last)
            return 0

        lax.fori_loop(0, _B // 16, bin_body, 0)

        def ov_body(q, s):
            f16 = fill_v[pl.ds(q * 16, 16)]
            return s + jnp.sum(jnp.maximum(f16 - 16, 0))

        m_ov = lax.fori_loop(0, 16, ov_body, 0)

        def flush_reset(_sp):
            pltpu.async_copy(stage_v, out_hbm.at[sl_v], sem_s).wait()
            return 0

        def bucket_proc(lb, tbuf, sp):
            nh = plsc.load_gather(fill_v, [jnp.full((16,), 0, jnp.int32) + lb])
            sel = _iota16() < nh
            n = jnp.max(jnp.minimum(nh, 16))

            def do_group(sp):
                pp = bucket_v[pl.ds(lb * 16, 16)]
                bb = pp & 16383
                colv = lax.shift_right_logical(pp, 14)
                slot = sp + plsc.cumsum(sel.astype(jnp.int32)) - 1
                for f in range(_D):
                    fvec = jnp.full((16,), f, jnp.int32)
                    vals = plsc.load_gather(tbuf, [fvec, colv], mask=sel)
                    plsc.store_scatter(stage_v, [slot, fvec], vals, mask=sel)
                plsc.store_scatter(sl_v, [slot], bb, mask=sel)
                sp = sp + n
                return lax.cond(sp >= 112, flush_reset, lambda s: s, sp)

            return lax.cond(n > 0, do_group, lambda s: s, sp)

        wait_h(jnp.int32(0))
        fire_x(jnp.int32(0), t0)

        def make_step(tbuf, tother):
            def step(g, sp):
                wait_x(tbuf)
                @pl.when(g + _RING < cnf)
                def _():
                    fire_h(g + _RING)

                @pl.when(g + 1 < cnf)
                def _():
                    wait_h(g + 1)
                    fire_x(g + 1, tother)
                return bucket_proc(g, tbuf, sp)
            return step

        step0 = make_step(t0, t1)
        step1 = make_step(t1, t0)

        def pair_body(p, sp):
            sp = lax.cond(2 * p < cnf,
                          lambda s: step0(2 * p, s), lambda s: s, sp)
            sp = lax.cond(2 * p + 1 < cnf,
                          lambda s: step1(2 * p + 1, s), lambda s: s, sp)
            return sp

        sp = lax.fori_loop(0, _PAIRS, pair_body, 0)

        def do_tail(sp):
            pltpu.sync_copy(tail_hbm, t0)
            return bucket_proc(jnp.int32(243), t0, sp)

        sp = lax.cond(wid == 31, do_tail, lambda s: s, sp)

        def fallback(sp):
            def slab_body(jj, sp):
                c = c0 + jj

                @pl.when(c == _TAIL_C)
                def _():
                    pltpu.sync_copy(tail_hbm, t0)

                @pl.when(c != _TAIL_C)
                def _():
                    pltpu.sync_copy(
                        table_hbm.at[
                            :, pl.ds(pl.multiple_of(c * 128, 128), 128)],
                        t0)

                def qbody(q, sp):
                    uu = idx_v[pl.ds(q * 16, 16)]
                    sel = lax.shift_right_logical(uu, 7) == c
                    n = jnp.max(plsc.all_reduce_population_count(sel))

                    def do_group(sp):
                        bb = _iota16() + q * 16
                        colv = uu & 127
                        slot = sp + plsc.cumsum(sel.astype(jnp.int32)) - 1
                        for f in range(_D):
                            fvec = jnp.full((16,), f, jnp.int32)
                            vals = plsc.load_gather(
                                t0, [fvec, colv], mask=sel)
                            plsc.store_scatter(
                                stage_v, [slot, fvec], vals, mask=sel)
                        plsc.store_scatter(sl_v, [slot], bb, mask=sel)
                        sp = sp + n
                        return lax.cond(sp >= 112, flush_reset,
                                        lambda s: s, sp)

                    return lax.cond(n > 0, do_group, lambda s: s, sp)

                return lax.fori_loop(0, _B // 16, qbody, sp)

            return lax.fori_loop(0, cend - c0, slab_body, sp)

        sp = lax.cond(m_ov > 0, fallback, lambda s: s, sp)

        pltpu.async_copy(stage_v, out_hbm.at[sl_v], sem_s).wait()

    return k(idx, table_t, tail)


def kernel(user_indices, visual_tokens):
    B = user_indices.shape[0]
    V, T, D = visual_tokens.shape
    table_t = visual_tokens.reshape(V * T, D).T
    tail = jnp.pad(table_t[:, _TAIL_U:], ((0, 0), (0, 128 - (V - _TAIL_U))))
    idx = user_indices.astype(jnp.int32)
    out3 = _gather_scan(idx, table_t, tail)
    return out3[:B, :D].reshape(B, T, D)

# --- scband reference (transcript-rebuilt; emitter-appended) ---
"""Pipeline reference for scband-visual-prompt-tokens-38379827757443 (READ-ONLY COPY).

The authoritative reference and input builder live on the scoring server;
editing this copy changes nothing except your own understanding.
"""

import jax, jax.numpy as jnp
import numpy as np

NUM_USERS = 1000000
EMBED_DIM = 64
BATCH = 16384

def setup_inputs(seed: int = 0) -> dict:
    key = jax.random.key(seed)
    k1, k2 = jax.random.split(key)
    user_indices = jax.random.randint(k1, (BATCH,), 0, NUM_USERS, dtype=jnp.int64 if jax.config.jax_enable_x64 else jnp.int32)
    visual_tokens = jax.random.normal(k2, (NUM_USERS, 1, EMBED_DIM), dtype=jnp.float32) * 0.02
    return {"user_indices": user_indices, "visual_tokens": visual_tokens}

def reference(user_indices, visual_tokens):
    # Faithful translation of: self.visual_tokens[user_indices]
    return jnp.take(visual_tokens, user_indices, axis=0)

if __name__ == "__main__":
    import jax
    _d = setup_inputs()
    print(jax.jit(kernel)(*tuple(_d.values())))

</pallas_src>

<mosaic_0001>
#map = affine_map<(d0, d1) -> (0)>
#map1 = affine_map<(d0, d1) -> (0, 0)>
module attributes {stable_mosaic.version = 14 : i64} {
  func.func @k(%arg0: i32, %arg1: i32, %arg2: memref<16384xi32, #tpu.memory_space<hbm>>, %arg3: memref<64x1000000xf32, #tpu.memory_space<hbm>>, %arg4: memref<64x128xf32, #tpu.memory_space<hbm>>, %arg5: memref<16512x128xf32, #tpu.memory_space<hbm>>, %arg6: memref<16384xi32, #tpu.memory_space<vmem>>, %arg7: memref<4096xi32, #tpu.memory_space<vmem>>, %arg8: memref<256xi32, #tpu.memory_space<vmem>>, %arg9: memref<16x6x64x128xf32, #tpu.memory_space<vmem_shared>>, %arg10: memref<64x128xf32, #tpu.memory_space<vmem>>, %arg11: memref<64x128xf32, #tpu.memory_space<vmem>>, %arg12: memref<128x128xf32, #tpu.memory_space<vmem>>, %arg13: memref<128xi32, #tpu.memory_space<vmem>>, %arg14: memref<6x!tpu.dma_semaphore, #tpu.memory_space<semaphore_mem>>, %arg15: memref<!tpu.dma_semaphore, #tpu.memory_space<semaphore_mem>>, %arg16: memref<!tpu.dma_semaphore, #tpu.memory_space<semaphore_mem>>) attributes {dimension_semantics = [#tpu.dimension_semantics<core_parallel>, #tpu.dimension_semantics<subcore_parallel>], iteration_bounds = array<i64: 2, 16>, scalar_prefetch = 0 : i64, scratch_operands = 11 : i64, tpu.core_type = #tpu.core_type<sc_vector_subcore>, window_params = [{transform_indices = #map}, {transform_indices = #map1}, {transform_indices = #map1}, {transform_indices = #map1}]} {
    %mul3A = arith.constant 2 : i32
    %mul3A_0 = arith.muli %arg1, %mul3A : i32
    %add3A = arith.addi %mul3A_0, %arg0 : i32
    %mul3A_1 = arith.constant 244 : i32
    %mul3A_2 = arith.muli %mul3A_1, %add3A : i32
    %min3A = arith.constant 5 : i32
    %min3A_3 = arith.minsi %add3A, %min3A : i32
    %add3A_4 = arith.addi %mul3A_2, %min3A_3 : i32
    %lt3A = arith.constant 5 : i32
    %lt3A_5 = arith.cmpi slt, %add3A, %lt3A : i32
    %eq3A = arith.constant 31 : i32
    %eq3A_6 = arith.cmpi eq, %add3A, %eq3A : i32
    %jit3A = arith.constant 243 : i32
    %jit3A_7 = arith.constant 244 : i32
    %select_n3A = arith.select %eq3A_6, %jit3A, %jit3A_7 : i32
    %jit3A_8 = arith.constant 245 : i32
    %select_n3A_9 = arith.select %lt3A_5, %jit3A_8, %select_n3A : i32
    %lt3A_10 = arith.constant 5 : i32
    %lt3A_11 = arith.cmpi slt, %add3A, %lt3A_10 : i32
    %jit3A_12 = arith.constant 245 : i32
    %jit3A_13 = arith.constant 244 : i32
    %select_n3A_14 = arith.select %lt3A_11, %jit3A_12, %jit3A_13 : i32
    %add3A_15 = arith.addi %add3A_4, %select_n3A_14 : i32
    %rem3A = arith.constant 0 : i32
    %rem3A_16 = arith.constant 6 : i32
    %rem3A_17 = arith.remsi %rem3A, %rem3A_16 : i32
    %add3A_18 = arith.constant 0 : i32
    %add3A_19 = arith.addi %add3A_4, %add3A_18 : i32
    %mul3A_20 = arith.constant 128 : i32
    %mul3A_21 = arith.muli %add3A_19, %mul3A_20 : i32
    %multiple_of3A = tpu.assume_multiple %mul3A_21, 128 : i32
    %dma_start3A = tpu.memref_slice %arg14[%rem3A_17] : memref<6x!tpu.dma_semaphore, #tpu.memory_space<semaphore_mem>> -> memref<1x!tpu.dma_semaphore, #tpu.memory_space<semaphore_mem>>
    %dma_start3A_22 = tpu.memref_squeeze %dma_start3A : memref<1x!tpu.dma_semaphore, #tpu.memory_space<semaphore_mem>> -> memref<!tpu.dma_semaphore, #tpu.memory_space<semaphore_mem>>
    %dma_start3A_23 = arith.constant 0 : i32
    %dma_start3A_24 = arith.constant 0 : i32
    %dma_start3A_25 = tpu.memref_slice %arg9[%arg1, %rem3A_17, %dma_start3A_23, %dma_start3A_24] : memref<16x6x64x128xf32, #tpu.memory_space<vmem_shared>> -> memref<1x1x64x128xf32, #tpu.memory_space<vmem_shared>>
    %dma_start3A_26 = tpu.memref_squeeze %dma_start3A_25 : memref<1x1x64x128xf32, #tpu.memory_space<vmem_shared>> -> memref<64x128xf32, #tpu.memory_space<vmem_shared>>
    %dma_start3A_27 = arith.constant 0 : i32
    %dma_start3A_28 = tpu.memref_slice %arg3[%dma_start3A_27, %multiple_of3A] : memref<64x1000000xf32, #tpu.memory_space<hbm>> -> memref<64x128xf32, #tpu.memory_space<hbm>>
    tpu.enqueue_dma source(%dma_start3A_28 : memref<64x128xf32, #tpu.memory_space<hbm>>) target(%dma_start3A_26 : memref<64x128xf32, #tpu.memory_space<vmem_shared>>) target_semaphore(%dma_start3A_22 : memref<!tpu.dma_semaphore, #tpu.memory_space<semaphore_mem>>)
    %rem3A_29 = arith.constant 1 : i32
    %rem3A_30 = arith.constant 6 : i32
    %rem3A_31 = arith.remsi %rem3A_29, %rem3A_30 : i32
    %add3A_32 = arith.constant 1 : i32
    %add3A_33 = arith.addi %add3A_4, %add3A_32 : i32
    %mul3A_34 = arith.constant 128 : i32
    %mul3A_35 = arith.muli %add3A_33, %mul3A_34 : i32
    %multiple_of3A_36 = tpu.assume_multiple %mul3A_35, 128 : i32
    %dma_start3A_37 = tpu.memref_slice %arg14[%rem3A_31] : memref<6x!tpu.dma_semaphore, #tpu.memory_space<semaphore_mem>> -> memref<1x!tpu.dma_semaphore, #tpu.memory_space<semaphore_mem>>
    %dma_start3A_38 = tpu.memref_squeeze %dma_start3A_37 : memref<1x!tpu.dma_semaphore, #tpu.memory_space<semaphore_mem>> -> memref<!tpu.dma_semaphore, #tpu.memory_space<semaphore_mem>>
    %dma_start3A_39 = arith.constant 0 : i32
    %dma_start3A_40 = arith.constant 0 : i32
    %dma_start3A_41 = tpu.memref_slice %arg9[%arg1, %rem3A_31, %dma_start3A_39, %dma_start3A_40] : memref<16x6x64x128xf32, #tpu.memory_space<vmem_shared>> -> memref<1x1x64x128xf32, #tpu.memory_space<vmem_shared>>
    %dma_start3A_42 = tpu.memref_squeeze %dma_start3A_41 : memref<1x1x64x128xf32, #tpu.memory_space<vmem_shared>> -> memref<64x128xf32, #tpu.memory_space<vmem_shared>>
    %dma_start3A_43 = arith.constant 0 : i32
    %dma_start3A_44 = tpu.memref_slice %arg3[%dma_start3A_43, %multiple_of3A_36] : memref<64x1000000xf32, #tpu.memory_space<hbm>> -> memref<64x128xf32, #tpu.memory_space<hbm>>
    tpu.enqueue_dma source(%dma_start3A_44 : memref<64x128xf32, #tpu.memory_space<hbm>>) target(%dma_start3A_42 : memref<64x128xf32, #tpu.memory_space<vmem_shared>>) target_semaphore(%dma_start3A_38 : memref<!tpu.dma_semaphore, #tpu.memory_space<semaphore_mem>>)
    %rem3A_45 = arith.constant 2 : i32
    %rem3A_46 = arith.constant 6 : i32
    %rem3A_47 = arith.remsi %rem3A_45, %rem3A_46 : i32
    %add3A_48 = arith.constant 2 : i32
    %add3A_49 = arith.addi %add3A_4, %add3A_48 : i32
    %mul3A_50 = arith.constant 128 : i32
    %mul3A_51 = arith.muli %add3A_49, %mul3A_50 : i32
    %multiple_of3A_52 = tpu.assume_multiple %mul3A_51, 128 : i32
    %dma_start3A_53 = tpu.memref_slice %arg14[%rem3A_47] : memref<6x!tpu.dma_semaphore, #tpu.memory_space<semaphore_mem>> -> memref<1x!tpu.dma_semaphore, #tpu.memory_space<semaphore_mem>>
    %dma_start3A_54 = tpu.memref_squeeze %dma_start3A_53 : memref<1x!tpu.dma_semaphore, #tpu.memory_space<semaphore_mem>> -> memref<!tpu.dma_semaphore, #tpu.memory_space<semaphore_mem>>
    %dma_start3A_55 = arith.constant 0 : i32
    %dma_start3A_56 = arith.constant 0 : i32
    %dma_start3A_57 = tpu.memref_slice %arg9[%arg1, %rem3A_47, %dma_start3A_55, %dma_start3A_56] : memref<16x6x64x128xf32, #tpu.memory_space<vmem_shared>> -> memref<1x1x64x128xf32, #tpu.memory_space<vmem_shared>>
    %dma_start3A_58 = tpu.memref_squeeze %dma_start3A_57 : memref<1x1x64x128xf32, #tpu.memory_space<vmem_shared>> -> memref<64x128xf32, #tpu.memory_space<vmem_shared>>
    %dma_start3A_59 = arith.constant 0 : i32
    %dma_start3A_60 = tpu.memref_slice %arg3[%dma_start3A_59, %multiple_of3A_52] : memref<64x1000000xf32, #tpu.memory_space<hbm>> -> memref<64x128xf32, #tpu.memory_space<hbm>>
    tpu.enqueue_dma source(%dma_start3A_60 : memref<64x128xf32, #tpu.memory_space<hbm>>) target(%dma_start3A_58 : memref<64x128xf32, #tpu.memory_space<vmem_shared>>) target_semaphore(%dma_start3A_54 : memref<!tpu.dma_semaphore, #tpu.memory_space<semaphore_mem>>)
    %rem3A_61 = arith.constant 3 : i32
    %rem3A_62 = arith.constant 6 : i32
    %rem3A_63 = arith.remsi %rem3A_61, %rem3A_62 : i32
    %add3A_64 = arith.constant 3 : i32
    %add3A_65 = arith.addi %add3A_4, %add3A_64 : i32
    %mul3A_66 = arith.constant 128 : i32
    %mul3A_67 = arith.muli %add3A_65, %mul3A_66 : i32
    %multiple_of3A_68 = tpu.assume_multiple %mul3A_67, 128 : i32
    %dma_start3A_69 = tpu.memref_slice %arg14[%rem3A_63] : memref<6x!tpu.dma_semaphore, #tpu.memory_space<semaphore_mem>> -> memref<1x!tpu.dma_semaphore, #tpu.memory_space<semaphore_mem>>
    %dma_start3A_70 = tpu.memref_squeeze %dma_start3A_69 : memref<1x!tpu.dma_semaphore, #tpu.memory_space<semaphore_mem>> -> memref<!tpu.dma_semaphore, #tpu.memory_space<semaphore_mem>>
    %dma_start3A_71 = arith.constant 0 : i32
    %dma_start3A_72 = arith.constant 0 : i32
    %dma_start3A_73 = tpu.memref_slice %arg9[%arg1, %rem3A_63, %dma_start3A_71, %dma_start3A_72] : memref<16x6x64x128xf32, #tpu.memory_space<vmem_shared>> -> memref<1x1x64x128xf32, #tpu.memory_space<vmem_shared>>
    %dma_start3A_74 = tpu.memref_squeeze %dma_start3A_73 : memref<1x1x64x128xf32, #tpu.memory_space<vmem_shared>> -> memref<64x128xf32, #tpu.memory_space<vmem_shared>>
    %dma_start3A_75 = arith.constant 0 : i32
    %dma_start3A_76 = tpu.memref_slice %arg3[%dma_start3A_75, %multiple_of3A_68] : memref<64x1000000xf32, #tpu.memory_space<hbm>> -> memref<64x128xf32, #tpu.memory_space<hbm>>
    tpu.enqueue_dma source(%dma_start3A_76 : memref<64x128xf32, #tpu.memory_space<hbm>>) target(%dma_start3A_74 : memref<64x128xf32, #tpu.memory_space<vmem_shared>>) target_semaphore(%dma_start3A_70 : memref<!tpu.dma_semaphore, #tpu.memory_space<semaphore_mem>>)
    %rem3A_77 = arith.constant 4 : i32
    %rem3A_78 = arith.constant 6 : i32
    %rem3A_79 = arith.remsi %rem3A_77, %rem3A_78 : i32
    %add3A_80 = arith.constant 4 : i32
    %add3A_81 = arith.addi %add3A_4, %add3A_80 : i32
    %mul3A_82 = arith.constant 128 : i32
    %mul3A_83 = arith.muli %add3A_81, %mul3A_82 : i32
    %multiple_of3A_84 = tpu.assume_multiple %mul3A_83, 128 : i32
    %dma_start3A_85 = tpu.memref_slice %arg14[%rem3A_79] : memref<6x!tpu.dma_semaphore, #tpu.memory_space<semaphore_mem>> -> memref<1x!tpu.dma_semaphore, #tpu.memory_space<semaphore_mem>>
    %dma_start3A_86 = tpu.memref_squeeze %dma_start3A_85 : memref<1x!tpu.dma_semaphore, #tpu.memory_space<semaphore_mem>> -> memref<!tpu.dma_semaphore, #tpu.memory_space<semaphore_mem>>
    %dma_start3A_87 = arith.constant 0 : i32
    %dma_start3A_88 = arith.constant 0 : i32
    %dma_start3A_89 = tpu.memref_slice %arg9[%arg1, %rem3A_79, %dma_start3A_87, %dma_start3A_88] : memref<16x6x64x128xf32, #tpu.memory_space<vmem_shared>> -> memref<1x1x64x128xf32, #tpu.memory_space<vmem_shared>>
    %dma_start3A_90 = tpu.memref_squeeze %dma_start3A_89 : memref<1x1x64x128xf32, #tpu.memory_space<vmem_shared>> -> memref<64x128xf32, #tpu.memory_space<vmem_shared>>
    %dma_start3A_91 = arith.constant 0 : i32
    %dma_start3A_92 = tpu.memref_slice %arg3[%dma_start3A_91, %multiple_of3A_84] : memref<64x1000000xf32, #tpu.memory_space<hbm>> -> memref<64x128xf32, #tpu.memory_space<hbm>>
    tpu.enqueue_dma source(%dma_start3A_92 : memref<64x128xf32, #tpu.memory_space<hbm>>) target(%dma_start3A_90 : memref<64x128xf32, #tpu.memory_space<vmem_shared>>) target_semaphore(%dma_start3A_86 : memref<!tpu.dma_semaphore, #tpu.memory_space<semaphore_mem>>)
    %rem3A_93 = arith.constant 5 : i32
    %rem3A_94 = arith.constant 6 : i32
    %rem3A_95 = arith.remsi %rem3A_93, %rem3A_94 : i32
    %add3A_96 = arith.constant 5 : i32
    %add3A_97 = arith.addi %add3A_4, %add3A_96 : i32
    %mul3A_98 = arith.constant 128 : i32
    %mul3A_99 = arith.muli %add3A_97, %mul3A_98 : i32
    %multiple_of3A_100 = tpu.assume_multiple %mul3A_99, 128 : i32
    %dma_start3A_101 = tpu.memref_slice %arg14[%rem3A_95] : memref<6x!tpu.dma_semaphore, #tpu.memory_space<semaphore_mem>> -> memref<1x!tpu.dma_semaphore, #tpu.memory_space<semaphore_mem>>
    %dma_start3A_102 = tpu.memref_squeeze %dma_start3A_101 : memref<1x!tpu.dma_semaphore, #tpu.memory_space<semaphore_mem>> -> memref<!tpu.dma_semaphore, #tpu.memory_space<semaphore_mem>>
    %dma_start3A_103 = arith.constant 0 : i32
    %dma_start3A_104 = arith.constant 0 : i32
    %dma_start3A_105 = tpu.memref_slice %arg9[%arg1, %rem3A_95, %dma_start3A_103, %dma_start3A_104] : memref<16x6x64x128xf32, #tpu.memory_space<vmem_shared>> -> memref<1x1x64x128xf32, #tpu.memory_space<vmem_shared>>
    %dma_start3A_106 = tpu.memref_squeeze %dma_start3A_105 : memref<1x1x64x128xf32, #tpu.memory_space<vmem_shared>> -> memref<64x128xf32, #tpu.memory_space<vmem_shared>>
    %dma_start3A_107 = arith.constant 0 : i32
    %dma_start3A_108 = tpu.memref_slice %arg3[%dma_start3A_107, %multiple_of3A_100] : memref<64x1000000xf32, #tpu.memory_space<hbm>> -> memref<64x128xf32, #tpu.memory_space<hbm>>
    tpu.enqueue_dma source(%dma_start3A_108 : memref<64x128xf32, #tpu.memory_space<hbm>>) target(%dma_start3A_106 : memref<64x128xf32, #tpu.memory_space<vmem_shared>>) target_semaphore(%dma_start3A_102 : memref<!tpu.dma_semaphore, #tpu.memory_space<semaphore_mem>>)
    %scan3A = arith.constant 0 : i32
    %scan3A_109 = arith.constant 0 : i32
    %scan3A_110 = arith.constant 8 : i32
    %scan3A_111 = arith.addi %scan3A_109, %scan3A_110 : i32
    %scan3A_112 = arith.constant 1 : i32
    %scan3A_113 = scf.for %scan3A_181 = %scan3A_109 to %scan3A_111 step %scan3A_112 iter_args(%scan3A_182 = %scan3A) -> (i32)  : i32 {
      %broadcast_in_dim3A = arith.constant 16384 : i32
      %broadcast_in_dim3A_183 = vector.broadcast %broadcast_in_dim3A : i32 to vector<16xi32>
      %mul3A_184 = arith.constant 16 : i32
      %mul3A_185 = arith.muli %scan3A_181, %mul3A_184 : i32
      %swap3A = arith.index_cast %mul3A_185 : i32 to index
      %swap3A_186 = tpu.vector_load %arg13[%swap3A] {strides = array<i32>} : memref<128xi32, #tpu.memory_space<vmem>>, vector<16xi32>,
      tpu.vector_store %arg13[%swap3A], %broadcast_in_dim3A_183 {strides = array<i32>} : memref<128xi32, #tpu.memory_space<vmem>>, vector<16xi32>,
      %scan3A_187 = arith.constant 0 : i32
      scf.yield %scan3A_187 : i32
    }
    %scan3A_114 = arith.constant 8 : i32
    %scan3A_115 = arith.constant 0 : i32
    %scan3A_116 = arith.constant 0 : i32
    %scan3A_117 = arith.constant 16 : i32
    %scan3A_118 = arith.addi %scan3A_116, %scan3A_117 : i32
    %scan3A_119 = arith.constant 1 : i32
    %scan3A_120 = scf.for %scan3A_181 = %scan3A_116 to %scan3A_118 step %scan3A_119 iter_args(%scan3A_182 = %scan3A_115) -> (i32)  : i32 {
      %broadcast_in_dim3A = arith.constant 0 : i32
      %broadcast_in_dim3A_183 = vector.broadcast %broadcast_in_dim3A : i32 to vector<16xi32>
      %mul3A_184 = arith.constant 16 : i32
      %mul3A_185 = arith.muli %scan3A_181, %mul3A_184 : i32
      %swap3A = arith.index_cast %mul3A_185 : i32 to index
      %swap3A_186 = tpu.vector_load %arg8[%swap3A] {strides = array<i32>} : memref<256xi32, #tpu.memory_space<vmem>>, vector<16xi32>,
      tpu.vector_store %arg8[%swap3A], %broadcast_in_dim3A_183 {strides = array<i32>} : memref<256xi32, #tpu.memory_space<vmem>>, vector<16xi32>,
      %scan3A_187 = arith.constant 0 : i32
      scf.yield %scan3A_187 : i32
    }
    %scan3A_121 = arith.constant 16 : i32
    "tpu.region"() ({
      %run_scoped3A = tpu.sem_alloc : memref<!tpu.dma_semaphore, #tpu.memory_space<semaphore_mem>>
      tpu.enqueue_dma source(%arg2 : memref<16384xi32, #tpu.memory_space<hbm>>) target(%arg6 : memref<16384xi32, #tpu.memory_space<vmem>>) target_semaphore(%run_scoped3A : memref<!tpu.dma_semaphore, #tpu.memory_space<semaphore_mem>>)
      tpu.wait_dma2 semaphore(%run_scoped3A : memref<!tpu.dma_semaphore, #tpu.memory_space<semaphore_mem>>) src(%arg2 : memref<16384xi32, #tpu.memory_space<hbm>>) dst(%arg6 : memref<16384xi32, #tpu.memory_space<vmem>>)
      tpu.yield
    }) : () -> ()
    %scan3A_122 = arith.constant 0 : i32
    %scan3A_123 = arith.constant 0 : i32
    %scan3A_124 = arith.constant 1024 : i32
    %scan3A_125 = arith.addi %scan3A_123, %scan3A_124 : i32
    %scan3A_126 = arith.constant 1 : i32
    %scan3A_127 = scf.for %scan3A_181 = %scan3A_123 to %scan3A_125 step %scan3A_126 iter_args(%scan3A_182 = %scan3A_122) -> (i32)  : i32 {
      %mul3A_183 = arith.constant 16 : i32
      %mul3A_184 = arith.muli %scan3A_181, %mul3A_183 : i32
      %get3A = arith.index_cast %mul3A_184 : i32 to index
      %get3A_185 = tpu.vector_load %arg6[%get3A] {strides = array<i32>} : memref<16384xi32, #tpu.memory_space<vmem>>, vector<16xi32>,
      %shift_right_logical3A = arith.constant 7 : i32
      %shift_right_logical3A_186 = vector.broadcast %shift_right_logical3A : i32 to vector<16xi32>
      %shift_right_logical3A_187 = arith.shrui %get3A_185, %shift_right_logical3A_186 : vector<16xi32>
      %ge3A = vector.broadcast %add3A_4 : i32 to vector<16xi32>
      %ge3A_188 = arith.cmpi sge, %shift_right_logical3A_187, %ge3A : vector<16xi32>
      %lt3A_189 = vector.broadcast %add3A_15 : i32 to vector<16xi32>
      %lt3A_190 = arith.cmpi slt, %shift_right_logical3A_187, %lt3A_189 : vector<16xi32>
      %and3A = arith.andi %ge3A_188, %lt3A_190 : vector<16xi1>
      %sub3A = vector.broadcast %add3A_4 : i32 to vector<16xi32>
      %sub3A_191 = arith.subi %shift_right_logical3A_187, %sub3A : vector<16xi32>
      %unique3A, %unique3A_192 = tpu.scan_count mask(%and3A : vector<16xi1>) value(%sub3A_191 : vector<16xi32>) : vector<16xi1>, vector<16xi32>
      %gather3A = tpu.vector_load_idx %arg8[%sub3A_191] masked %and3A : memref<256xi32, #tpu.memory_space<vmem>>[vector<16xi32>], vector<16xi32>, vector<16xi1>
      %add3A_193 = arith.addi %gather3A, %unique3A_192 : vector<16xi32>
      %sub3A_194 = arith.constant 1 : i32
      %sub3A_195 = vector.broadcast %sub3A_194 : i32 to vector<16xi32>
      %sub3A_196 = arith.subi %add3A_193, %sub3A_195 : vector<16xi32>
      %lt3A_197 = arith.constant 16 : i32
      %lt3A_198 = vector.broadcast %lt3A_197 : i32 to vector<16xi32>
      %lt3A_199 = arith.cmpi slt, %sub3A_196, %lt3A_198 : vector<16xi32>
      %and3A_200 = arith.andi %and3A, %lt3A_199 : vector<16xi1>
      %iota3A = tpu.iota {dimensions = array<i32: 0>} : vector<16xi32>
      %mul3A_201 = arith.constant 16 : i32
      %mul3A_202 = arith.muli %scan3A_181, %mul3A_201 : i32
      %add3A_203 = vector.broadcast %mul3A_202 : i32 to vector<16xi32>
      %add3A_204 = arith.addi %iota3A, %add3A_203 : vector<16xi32>
      %and3A_205 = arith.constant 127 : i32
      %and3A_206 = vector.broadcast %and3A_205 : i32 to vector<16xi32>
      %and3A_207 = arith.andi %get3A_185, %and3A_206 : vector<16xi32>
      %shift_left3A = arith.constant 14 : i32
      %shift_left3A_208 = vector.broadcast %shift_left3A : i32 to vector<16xi32>
      %shift_left3A_209 = arith.shli %and3A_207, %shift_left3A_208 : vector<16xi32>
      %or3A = arith.ori %add3A_204, %shift_left3A_209 : vector<16xi32>
      %mul3A_210 = arith.constant 16 : i32
      %mul3A_211 = vector.broadcast %mul3A_210 : i32 to vector<16xi32>
      %mul3A_212 = arith.muli %sub3A_191, %mul3A_211 : vector<16xi32>
      %add3A_213 = arith.addi %mul3A_212, %sub3A_196 : vector<16xi32>
      tpu.vector_store_idx %arg7[%add3A_213], %or3A masked %and3A_200 : memref<4096xi32, #tpu.memory_space<vmem>>[vector<16xi32>], vector<16xi32>, vector<16xi1>
      %add3A_214 = arith.addi %gather3A, %unique3A_192 : vector<16xi32>
      %and3A_215 = arith.andi %and3A, %unique3A : vector<16xi1>
      tpu.vector_store_idx %arg8[%sub3A_191], %add3A_214 masked %and3A_215 : memref<256xi32, #tpu.memory_space<vmem>>[vector<16xi32>], vector<16xi32>, vector<16xi1>
      %scan3A_216 = arith.constant 0 : i32
      scf.yield %scan3A_216 : i32
    }
    %scan3A_128 = arith.constant 1024 : i32
    %scan3A_129 = arith.constant 0 : i32
    %scan3A_130 = arith.constant 0 : i32
    %scan3A_131 = arith.constant 16 : i32
    %scan3A_132 = arith.addi %scan3A_130, %scan3A_131 : i32
    %scan3A_133 = arith.constant 1 : i32
    %scan3A_134 = scf.for %scan3A_181 = %scan3A_130 to %scan3A_132 step %scan3A_133 iter_args(%scan3A_182 = %scan3A_129) -> (i32)  : i32 {
      %mul3A_183 = arith.constant 16 : i32
      %mul3A_184 = arith.muli %scan3A_181, %mul3A_183 : i32
      %get3A = arith.index_cast %mul3A_184 : i32 to index
      %get3A_185 = tpu.vector_load %arg8[%get3A] {strides = array<i32>} : memref<256xi32, #tpu.memory_space<vmem>>, vector<16xi32>,
      %sub3A = arith.constant 16 : i32
      %sub3A_186 = vector.broadcast %sub3A : i32 to vector<16xi32>
      %sub3A_187 = arith.subi %get3A_185, %sub3A_186 : vector<16xi32>
      %max3A = arith.constant 0 : i32
      %max3A_188 = vector.broadcast %max3A : i32 to vector<16xi32>
      %max3A_189 = arith.maxsi %sub3A_187, %max3A_188 : vector<16xi32>
      %reduce_sum3A = arith.constant true
      %reduce_sum3A_190 = vector.broadcast %reduce_sum3A : i1 to vector<16xi1>
      %reduce_sum3A_191 = tpu.scan <sum>, %max3A_189 masked %reduce_sum3A_190 : vector<16xi32>, vector<16xi1> -> vector<16xi32>
      %reduce_sum3A_192 = vector.extract %reduce_sum3A_191[15] : i32 from vector<16xi32>
      %add3A_193 = arith.addi %scan3A_182, %reduce_sum3A_192 : i32
      scf.yield %add3A_193 : i32
    }
    %scan3A_135 = arith.constant 16 : i32
    %rem3A_136 = arith.constant 0 : i32
    %rem3A_137 = arith.constant 6 : i32
    %rem3A_138 = arith.remsi %rem3A_136, %rem3A_137 : i32
    %dma_wait3A = arith.constant 0 : i32
    %dma_wait3A_139 = tpu.memref_slice %arg14[%rem3A_138] : memref<6x!tpu.dma_semaphore, #tpu.memory_space<semaphore_mem>> -> memref<1x!tpu.dma_semaphore, #tpu.memory_space<semaphore_mem>>
    %dma_wait3A_140 = tpu.memref_squeeze %dma_wait3A_139 : memref<1x!tpu.dma_semaphore, #tpu.memory_space<semaphore_mem>> -> memref<!tpu.dma_semaphore, #tpu.memory_space<semaphore_mem>>
    %dma_wait3A_141 = arith.constant 0 : i32
    %dma_wait3A_142 = arith.constant 0 : i32
    %dma_wait3A_143 = tpu.memref_slice %arg9[%arg1, %dma_wait3A, %dma_wait3A_141, %dma_wait3A_142] : memref<16x6x64x128xf32, #tpu.memory_space<vmem_shared>> -> memref<1x1x64x128xf32, #tpu.memory_space<vmem_shared>>
    %dma_wait3A_144 = tpu.memref_squeeze %dma_wait3A_143 : memref<1x1x64x128xf32, #tpu.memory_space<vmem_shared>> -> memref<64x128xf32, #tpu.memory_space<vmem_shared>>
    %dma_wait3A_145 = arith.constant 0 : i32
    %dma_wait3A_146 = arith.constant 0 : i32
    %dma_wait3A_147 = tpu.memref_slice %arg3[%dma_wait3A_145, %dma_wait3A_146] : memref<64x1000000xf32, #tpu.memory_space<hbm>> -> memref<64x128xf32, #tpu.memory_space<hbm>>
    tpu.wait_dma2 semaphore(%dma_wait3A_140 : memref<!tpu.dma_semaphore, #tpu.memory_space<semaphore_mem>>) src(%dma_wait3A_147 : memref<64x128xf32, #tpu.memory_space<hbm>>) dst(%dma_wait3A_144 : memref<64x128xf32, #tpu.memory_space<vmem_shared>>)
    %rem3A_148 = arith.constant 0 : i32
    %rem3A_149 = arith.constant 6 : i32
    %rem3A_150 = arith.remsi %rem3A_148, %rem3A_149 : i32
    %dma_start3A_151 = arith.constant 0 : i32
    %dma_start3A_152 = arith.constant 0 : i32
    %dma_start3A_153 = tpu.memref_slice %arg9[%arg1, %rem3A_150, %dma_start3A_151, %dma_start3A_152] : memref<16x6x64x128xf32, #tpu.memory_space<vmem_shared>> -> memref<1x1x64x128xf32, #tpu.memory_space<vmem_shared>>
    %dma_start3A_154 = tpu.memref_squeeze %dma_start3A_153 : memref<1x1x64x128xf32, #tpu.memory_space<vmem_shared>> -> memref<64x128xf32, #tpu.memory_space<vmem_shared>>
    %dma_start3A_155 = arith.constant 0 : i32
    %dma_start3A_156 = arith.constant 0 : i32
    %dma_start3A_157 = tpu.memref_slice %arg9[%arg1, %rem3A_150, %dma_start3A_155, %dma_start3A_156] : memref<16x6x64x128xf32, #tpu.memory_space<vmem_shared>> -> memref<1x1x64x128xf32, #tpu.memory_space<vmem_shared>>
    %dma_start3A_158 = tpu.memref_squeeze %dma_start3A_157 : memref<1x1x64x128xf32, #tpu.memory_space<vmem_shared>> -> memref<64x128xf32, #tpu.memory_space<vmem_shared>>
    tpu.enqueue_dma source(%dma_start3A_158 : memref<64x128xf32, #tpu.memory_space<vmem_shared>>) target(%arg10 : memref<64x128xf32, #tpu.memory_space<vmem>>) target_semaphore(%arg15 : memref<!tpu.dma_semaphore, #tpu.memory_space<semaphore_mem>>)
    %scan3A_159 = arith.constant 0 : i32
    %scan3A_160 = arith.constant 0 : i32
    %scan3A_161 = arith.constant 123 : i32
    %scan3A_162 = arith.addi %scan3A_160, %scan3A_161 : i32
    %scan3A_163 = arith.constant 1 : i32
    %scan3A_164 = scf.for %scan3A_181 = %scan3A_160 to %scan3A_162 step %scan3A_163 iter_args(%scan3A_182 = %scan3A_159) -> (i32)  : i32 {
      %mul3A_183 = arith.constant 2 : i32
      %mul3A_184 = arith.muli %mul3A_183, %scan3A_181 : i32
      %lt3A_185 = arith.cmpi slt, %mul3A_184, %select_n3A_9 : i32
      %convert_element_type3A_186 = arith.extui %lt3A_185 : i1 to i32
      %cond3A_187 = arith.constant 0 : i32
      %cond3A_188 = arith.cmpi ne, %convert_element_type3A_186, %cond3A_187 : i32
      %cond3A_189 = scf.if %cond3A_188 -> (i32) {
        %mul3A_199 = arith.constant 2 : i32
        %mul3A_200 = arith.muli %mul3A_199, %scan3A_181 : i32
        %dma_wait3A_201 = arith.constant 0 : i32
        %dma_wait3A_202 = arith.constant 0 : i32
        %dma_wait3A_203 = arith.constant 0 : i32
        %dma_wait3A_204 = tpu.memref_slice %arg9[%arg1, %dma_wait3A_201, %dma_wait3A_202, %dma_wait3A_203] : memref<16x6x64x128xf32, #tpu.memory_space<vmem_shared>> -> memref<1x1x64x128xf32, #tpu.memory_space<vmem_shared>>
        %dma_wait3A_205 = tpu.memref_squeeze %dma_wait3A_204 : memref<1x1x64x128xf32, #tpu.memory_space<vmem_shared>> -> memref<64x128xf32, #tpu.memory_space<vmem_shared>>
        %dma_wait3A_206 = arith.constant 0 : i32
        %dma_wait3A_207 = arith.constant 0 : i32
        %dma_wait3A_208 = tpu.memref_slice %arg9[%arg1, %dma_wait3A_201, %dma_wait3A_206, %dma_wait3A_207] : memref<16x6x64x128xf32, #tpu.memory_space<vmem_shared>> -> memref<1x1x64x128xf32, #tpu.memory_space<vmem_shared>>
        %dma_wait3A_209 = tpu.memref_squeeze %dma_wait3A_208 : memref<1x1x64x128xf32, #tpu.memory_space<vmem_shared>> -> memref<64x128xf32, #tpu.memory_space<vmem_shared>>
        tpu.wait_dma2 semaphore(%arg15 : memref<!tpu.dma_semaphore, #tpu.memory_space<semaphore_mem>>) src(%dma_wait3A_209 : memref<64x128xf32, #tpu.memory_space<vmem_shared>>) dst(%arg10 : memref<64x128xf32, #tpu.memory_space<vmem>>)
        %add3A_210 = arith.constant 6 : i32
        %add3A_211 = arith.addi %mul3A_200, %add3A_210 : i32
        %lt3A_212 = arith.cmpi slt, %add3A_211, %select_n3A_9 : i32
        %convert_element_type3A_213 = arith.extui %lt3A_212 : i1 to i32
        %cond3A_214 = arith.constant 0 : i32
        %cond3A_215 = arith.cmpi ne, %convert_element_type3A_213, %cond3A_214 : i32
        scf.if %cond3A_215 {
          %add3A_242 = arith.constant 6 : i32
          %add3A_243 = arith.addi %mul3A_200, %add3A_242 : i32
          %rem3A_244 = arith.constant 6 : i32
          %rem3A_245 = arith.remsi %add3A_243, %rem3A_244 : i32
          %add3A_246 = arith.addi %add3A_4, %add3A_243 : i32
          %mul3A_247 = arith.constant 128 : i32
          %mul3A_248 = arith.muli %add3A_246, %mul3A_247 : i32
          %multiple_of3A_249 = tpu.assume_multiple %mul3A_248, 128 : i32
          %dma_start3A_250 = tpu.memref_slice %arg14[%rem3A_245] : memref<6x!tpu.dma_semaphore, #tpu.memory_space<semaphore_mem>> -> memref<1x!tpu.dma_semaphore, #tpu.memory_space<semaphore_mem>>
          %dma_start3A_251 = tpu.memref_squeeze %dma_start3A_250 : memref<1x!tpu.dma_semaphore, #tpu.memory_space<semaphore_mem>> -> memref<!tpu.dma_semaphore, #tpu.memory_space<semaphore_mem>>
          %dma_start3A_252 = arith.constant 0 : i32
          %dma_start3A_253 = arith.constant 0 : i32
          %dma_start3A_254 = tpu.memref_slice %arg9[%arg1, %rem3A_245, %dma_start3A_252, %dma_start3A_253] : memref<16x6x64x128xf32, #tpu.memory_space<vmem_shared>> -> memref<1x1x64x128xf32, #tpu.memory_space<vmem_shared>>
          %dma_start3A_255 = tpu.memref_squeeze %dma_start3A_254 : memref<1x1x64x128xf32, #tpu.memory_space<vmem_shared>> -> memref<64x128xf32, #tpu.memory_space<vmem_shared>>
          %dma_start3A_256 = arith.constant 0 : i32
          %dma_start3A_257 = tpu.memref_slice %arg3[%dma_start3A_256, %multiple_of3A_249] : memref<64x1000000xf32, #tpu.memory_space<hbm>> -> memref<64x128xf32, #tpu.memory_space<hbm>>
          tpu.enqueue_dma source(%dma_start3A_257 : memref<64x128xf32, #tpu.memory_space<hbm>>) target(%dma_start3A_255 : memref<64x128xf32, #tpu.memory_space<vmem_shared>>) target_semaphore(%dma_start3A_251 : memref<!tpu.dma_semaphore, #tpu.memory_space<semaphore_mem>>)
        } else {
        }
        %add3A_216 = arith.constant 1 : i32
        %add3A_217 = arith.addi %mul3A_200, %add3A_216 : i32
        %lt3A_218 = arith.cmpi slt, %add3A_217, %select_n3A_9 : i32
        %convert_element_type3A_219 = arith.extui %lt3A_218 : i1 to i32
        %cond3A_220 = arith.constant 0 : i32
        %cond3A_221 = arith.cmpi ne, %convert_element_type3A_219, %cond3A_220 : i32
        scf.if %cond3A_221 {
          %add3A_242 = arith.constant 1 : i32
          %add3A_243 = arith.addi %mul3A_200, %add3A_242 : i32
          %rem3A_244 = arith.constant 6 : i32
          %rem3A_245 = arith.remsi %add3A_243, %rem3A_244 : i32
          %dma_wait3A_246 = arith.constant 0 : i32
          %dma_wait3A_247 = tpu.memref_slice %arg14[%rem3A_245] : memref<6x!tpu.dma_semaphore, #tpu.memory_space<semaphore_mem>> -> memref<1x!tpu.dma_semaphore, #tpu.memory_space<semaphore_mem>>
          %dma_wait3A_248 = tpu.memref_squeeze %dma_wait3A_247 : memref<1x!tpu.dma_semaphore, #tpu.memory_space<semaphore_mem>> -> memref<!tpu.dma_semaphore, #tpu.memory_space<semaphore_mem>>
          %dma_wait3A_249 = arith.constant 0 : i32
          %dma_wait3A_250 = arith.constant 0 : i32
          %dma_wait3A_251 = tpu.memref_slice %arg9[%arg1, %dma_wait3A_246, %dma_wait3A_249, %dma_wait3A_250] : memref<16x6x64x128xf32, #tpu.memory_space<vmem_shared>> -> memref<1x1x64x128xf32, #tpu.memory_space<vmem_shared>>
          %dma_wait3A_252 = tpu.memref_squeeze %dma_wait3A_251 : memref<1x1x64x128xf32, #tpu.memory_space<vmem_shared>> -> memref<64x128xf32, #tpu.memory_space<vmem_shared>>
          %dma_wait3A_253 = arith.constant 0 : i32
          %dma_wait3A_254 = arith.constant 0 : i32
          %dma_wait3A_255 = tpu.memref_slice %arg3[%dma_wait3A_253, %dma_wait3A_254] : memref<64x1000000xf32, #tpu.memory_space<hbm>> -> memref<64x128xf32, #tpu.memory_space<hbm>>
          tpu.wait_dma2 semaphore(%dma_wait3A_248 : memref<!tpu.dma_semaphore, #tpu.memory_space<semaphore_mem>>) src(%dma_wait3A_255 : memref<64x128xf32, #tpu.memory_space<hbm>>) dst(%dma_wait3A_252 : memref<64x128xf32, #tpu.memory_space<vmem_shared>>)
          %add3A_256 = arith.constant 1 : i32
          %add3A_257 = arith.addi %mul3A_200, %add3A_256 : i32
          %rem3A_258 = arith.constant 6 : i32
          %rem3A_259 = arith.remsi %add3A_257, %rem3A_258 : i32
          %dma_start3A_260 = arith.constant 0 : i32
          %dma_start3A_261 = arith.constant 0 : i32
          %dma_start3A_262 = tpu.memref_slice %arg9[%arg1, %rem3A_259, %dma_start3A_260, %dma_start3A_261] : memref<16x6x64x128xf32, #tpu.memory_space<vmem_shared>> -> memref<1x1x64x128xf32, #tpu.memory_space<vmem_shared>>
          %dma_start3A_263 = tpu.memref_squeeze %dma_start3A_262 : memref<1x1x64x128xf32, #tpu.memory_space<vmem_shared>> -> memref<64x128xf32, #tpu.memory_space<vmem_shared>>
          %dma_start3A_264 = arith.constant 0 : i32
          %dma_start3A_265 = arith.constant 0 : i32
          %dma_start3A_266 = tpu.memref_slice %arg9[%arg1, %rem3A_259, %dma_start3A_264, %dma_start3A_265] : memref<16x6x64x128xf32, #tpu.memory_space<vmem_shared>> -> memref<1x1x64x128xf32, #tpu.memory_space<vmem_shared>>
          %dma_start3A_267 = tpu.memref_squeeze %dma_start3A_266 : memref<1x1x64x128xf32, #tpu.memory_space<vmem_shared>> -> memref<64x128xf32, #tpu.memory_space<vmem_shared>>
          tpu.enqueue_dma source(%dma_start3A_267 : memref<64x128xf32, #tpu.memory_space<vmem_shared>>) target(%arg11 : memref<64x128xf32, #tpu.memory_space<vmem>>) target_semaphore(%arg15 : memref<!tpu.dma_semaphore, #tpu.memory_space<semaphore_mem>>)
        } else {
        }
        %broadcast_in_dim3A = arith.constant 0 : i32
        %broadcast_in_dim3A_222 = vector.broadcast %broadcast_in_dim3A : i32 to vector<16xi32>
        %add3A_223 = vector.broadcast %mul3A_200 : i32 to vector<16xi32>
        %add3A_224 = arith.addi %broadcast_in_dim3A_222, %add3A_223 : vector<16xi32>
        %gather3A = tpu.vector_load_idx %arg8[%add3A_224] : memref<256xi32, #tpu.memory_space<vmem>>[vector<16xi32>], vector<16xi32>,
        %iota3A = tpu.iota {dimensions = array<i32: 0>} : vector<16xi32>
        %lt3A_225 = arith.cmpi slt, %iota3A, %gather3A : vector<16xi32>
        %min3A_226 = arith.constant 16 : i32
        %min3A_227 = vector.broadcast %min3A_226 : i32 to vector<16xi32>
        %min3A_228 = arith.minsi %gather3A, %min3A_227 : vector<16xi32>
        %reduce_max3A = arith.constant true
        %reduce_max3A_229 = vector.broadcast %reduce_max3A : i1 to vector<16xi1>
        %reduce_max3A_230 = arith.constant -2147483648 : i32
        %reduce_max3A_231 = vector.broadcast %reduce_max3A_230 : i32 to vector<16xi32>
        %reduce_max3A_232 = arith.xori %min3A_228, %reduce_max3A_231 : vector<16xi32>
        %reduce_max3A_233 = tpu.scan <max>, %reduce_max3A_232 masked %reduce_max3A_229 : vector<16xi32>, vector<16xi1> -> vector<16xi32>
        %reduce_max3A_234 = arith.xori %reduce_max3A_233, %reduce_max3A_231 : vector<16xi32>
        %reduce_max3A_235 = vector.extract %reduce_max3A_234[15] : i32 from vector<16xi32>
        %gt3A_236 = arith.constant 0 : i32
        %gt3A_237 = arith.cmpi sgt, %reduce_max3A_235, %gt3A_236 : i32
        %convert_element_type3A_238 = arith.extui %gt3A_237 : i1 to i32
        %cond3A_239 = arith.constant 0 : i32
        %cond3A_240 = arith.cmpi ne, %convert_element_type3A_238, %cond3A_239 : i32
        %cond3A_241 = scf.if %cond3A_240 -> (i32) {
          %mul3A_242 = arith.constant 16 : i32
          %mul3A_243 = arith.muli %mul3A_200, %mul3A_242 : i32
          %get3A = arith.index_cast %mul3A_243 : i32 to index
          %get3A_244 = tpu.vector_load %arg7[%get3A] {strides = array<i32>} : memref<4096xi32, #tpu.memory_space<vmem>>, vector<16xi32>,
          %and3A = arith.constant 16383 : i32
          %and3A_245 = vector.broadcast %and3A : i32 to vector<16xi32>
          %and3A_246 = arith.andi %get3A_244, %and3A_245 : vector<16xi32>
          %shift_right_logical3A = arith.constant 14 : i32
          %shift_right_logical3A_247 = vector.broadcast %shift_right_logical3A : i32 to vector<16xi32>
          %shift_right_logical3A_248 = arith.shrui %get3A_244, %shift_right_logical3A_247 : vector<16xi32>
          %convert_element_type3A_249 = arith.extui %lt3A_225 : vector<16xi1> to vector<16xi32>
          %broadcast_in_dim3A_250 = arith.constant true
          %broadcast_in_dim3A_251 = vector.broadcast %broadcast_in_dim3A_250 : i1 to vector<16xi1>
          %masked_cumsum3A = tpu.scan <sum>, %convert_element_type3A_249 masked %broadcast_in_dim3A_251 : vector<16xi32>, vector<16xi1> -> vector<16xi32>
          %add3A_252 = vector.broadcast %scan3A_182 : i32 to vector<16xi32>
          %add3A_253 = arith.addi %add3A_252, %masked_cumsum3A : vector<16xi32>
          %sub3A = arith.constant 1 : i32
          %sub3A_254 = vector.broadcast %sub3A : i32 to vector<16xi32>
          %sub3A_255 = arith.subi %add3A_253, %sub3A_254 : vector<16xi32>
          %broadcast_in_dim3A_256 = arith.constant 0 : i32
          %broadcast_in_dim3A_257 = vector.broadcast %broadcast_in_dim3A_256 : i32 to vector<16xi32>
          %gather3A_258 = tpu.vector_load_idx %arg10[%broadcast_in_dim3A_257, %shift_right_logical3A_248] masked %lt3A_225 : memref<64x128xf32, #tpu.memory_space<vmem>>[vector<16xi32>, vector<16xi32>], vector<16xf32>, vector<16xi1>
          tpu.vector_store_idx %arg12[%sub3A_255, %broadcast_in_dim3A_257], %gather3A_258 masked %lt3A_225 : memref<128x128xf32, #tpu.memory_space<vmem>>[vector<16xi32>, vector<16xi32>], vector<16xf32>, vector<16xi1>
          %broadcast_in_dim3A_259 = arith.constant 1 : i32
          %broadcast_in_dim3A_260 = vector.broadcast %broadcast_in_dim3A_259 : i32 to vector<16xi32>
          %gather3A_261 = tpu.vector_load_idx %arg10[%broadcast_in_dim3A_260, %shift_right_logical3A_248] masked %lt3A_225 : memref<64x128xf32, #tpu.memory_space<vmem>>[vector<16xi32>, vector<16xi32>], vector<16xf32>, vector<16xi1>
          tpu.vector_store_idx %arg12[%sub3A_255, %broadcast_in_dim3A_260], %gather3A_261 masked %lt3A_225 : memref<128x128xf32, #tpu.memory_space<vmem>>[vector<16xi32>, vector<16xi32>], vector<16xf32>, vector<16xi1>
          %broadcast_in_dim3A_262 = arith.constant 2 : i32
          %broadcast_in_dim3A_263 = vector.broadcast %broadcast_in_dim3A_262 : i32 to vector<16xi32>
          %gather3A_264 = tpu.vector_load_idx %arg10[%broadcast_in_dim3A_263, %shift_right_logical3A_248] masked %lt3A_225 : memref<64x128xf32, #tpu.memory_space<vmem>>[vector<16xi32>, vector<16xi32>], vector<16xf32>, vector<16xi1>
          tpu.vector_store_idx %arg12[%sub3A_255, %broadcast_in_dim3A_263], %gather3A_264 masked %lt3A_225 : memref<128x128xf32, #tpu.memory_space<vmem>>[vector<16xi32>, vector<16xi32>], vector<16xf32>, vector<16xi1>
          %broadcast_in_dim3A_265 = arith.constant 3 : i32
          %broadcast_in_dim3A_266 = vector.broadcast %broadcast_in_dim3A_265 : i32 to vector<16xi32>
          %gather3A_267 = tpu.vector_load_idx %arg10[%broadcast_in_dim3A_266, %shift_right_logical3A_248] masked %lt3A_225 : memref<64x128xf32, #tpu.memory_space<vmem>>[vector<16xi32>, vector<16xi32>], vector<16xf32>, vector<16xi1>
          tpu.vector_store_idx %arg12[%sub3A_255, %broadcast_in_dim3A_266], %gather3A_267 masked %lt3A_225 : memref<128x128xf32, #tpu.memory_space<vmem>>[vector<16xi32>, vector<16xi32>], vector<16xf32>, vector<16xi1>
          %broadcast_in_dim3A_268 = arith.constant 4 : i32
          %broadcast_in_dim3A_269 = vector.broadcast %broadcast_in_dim3A_268 : i32 to vector<16xi32>
          %gather3A_270 = tpu.vector_load_idx %arg10[%broadcast_in_dim3A_269, %shift_right_logical3A_248] masked %lt3A_225 : memref<64x128xf32, #tpu.memory_space<vmem>>[vector<16xi32>, vector<16xi32>], vector<16xf32>, vector<16xi1>
          tpu.vector_store_idx %arg12[%sub3A_255, %broadcast_in_dim3A_269], %gather3A_270 masked %lt3A_225 : memref<128x128xf32, #tpu.memory_space<vmem>>[vector<16xi32>, vector<16xi32>], vector<16xf32>, vector<16xi1>
          %broadcast_in_dim3A_271 = arith.constant 5 : i32
          %broadcast_in_dim3A_272 = vector.broadcast %broadcast_in_dim3A_271 : i32 to vector<16xi32>
          %gather3A_273 = tpu.vector_load_idx %arg10[%broadcast_in_dim3A_272, %shift_right_logical3A_248] masked %lt3A_225 : memref<64x128xf32, #tpu.memory_space<vmem>>[vector<16xi32>, vector<16xi32>], vector<16xf32>, vector<16xi1>
          tpu.vector_store_idx %arg12[%sub3A_255, %broadcast_in_dim3A_272], %gather3A_273 masked %lt3A_225 : memref<128x128xf32, #tpu.memory_space<vmem>>[vector<16xi32>, vector<16xi32>], vector<16xf32>, vector<16xi1>
          %broadcast_in_dim3A_274 = arith.constant 6 : i32
          %broadcast_in_dim3A_275 = vector.broadcast %broadcast_in_dim3A_274 : i32 to vector<16xi32>
          %gather3A_276 = tpu.vector_load_idx %arg10[%broadcast_in_dim3A_275, %shift_right_logical3A_248] masked %lt3A_225 : memref<64x128xf32, #tpu.memory_space<vmem>>[vector<16xi32>, vector<16xi32>], vector<16xf32>, vector<16xi1>
          tpu.vector_store_idx %arg12[%sub3A_255, %broadcast_in_dim3A_275], %gather3A_276 masked %lt3A_225 : memref<128x128xf32, #tpu.memory_space<vmem>>[vector<16xi32>, vector<16xi32>], vector<16xf32>, vector<16xi1>
          %broadcast_in_dim3A_277 = arith.constant 7 : i32
          %broadcast_in_dim3A_278 = vector.broadcast %broadcast_in_dim3A_277 : i32 to vector<16xi32>
          %gather3A_279 = tpu.vector_load_idx %arg10[%broadcast_in_dim3A_278, %shift_right_logical3A_248] masked %lt3A_225 : memref<64x128xf32, #tpu.memory_space<vmem>>[vector<16xi32>, vector<16xi32>], vector<16xf32>, vector<16xi1>
          tpu.vector_store_idx %arg12[%sub3A_255, %broadcast_in_dim3A_278], %gather3A_279 masked %lt3A_225 : memref<128x128xf32, #tpu.memory_space<vmem>>[vector<16xi32>, vector<16xi32>], vector<16xf32>, vector<16xi1>
          %broadcast_in_dim3A_280 = arith.constant 8 : i32
          %broadcast_in_dim3A_281 = vector.broadcast %broadcast_in_dim3A_280 : i32 to vector<16xi32>
          %gather3A_282 = tpu.vector_load_idx %arg10[%broadcast_in_dim3A_281, %shift_right_logical3A_248] masked %lt3A_225 : memref<64x128xf32, #tpu.memory_space<vmem>>[vector<16xi32>, vector<16xi32>], vector<16xf32>, vector<16xi1>
          tpu.vector_store_idx %arg12[%sub3A_255, %broadcast_in_dim3A_281], %gather3A_282 masked %lt3A_225 : memref<128x128xf32, #tpu.memory_space<vmem>>[vector<16xi32>, vector<16xi32>], vector<16xf32>, vector<16xi1>
          %broadcast_in_dim3A_283 = arith.constant 9 : i32
          %broadcast_in_dim3A_284 = vector.broadcast %broadcast_in_dim3A_283 : i32 to vector<16xi32>
          %gather3A_285 = tpu.vector_load_idx %arg10[%broadcast_in_dim3A_284, %shift_right_logical3A_248] masked %lt3A_225 : memref<64x128xf32, #tpu.memory_space<vmem>>[vector<16xi32>, vector<16xi32>], vector<16xf32>, vector<16xi1>
          tpu.vector_store_idx %arg12[%sub3A_255, %broadcast_in_dim3A_284], %gather3A_285 masked %lt3A_225 : memref<128x128xf32, #tpu.memory_space<vmem>>[vector<16xi32>, vector<16xi32>], vector<16xf32>, vector<16xi1>
          %broadcast_in_dim3A_286 = arith.constant 10 : i32
          %broadcast_in_dim3A_287 = vector.broadcast %broadcast_in_dim3A_286 : i32 to vector<16xi32>
          %gather3A_288 = tpu.vector_load_idx %arg10[%broadcast_in_dim3A_287, %shift_right_logical3A_248] masked %lt3A_225 : memref<64x128xf32, #tpu.memory_space<vmem>>[vector<16xi32>, vector<16xi32>], vector<16xf32>, vector<16xi1>
          tpu.vector_store_idx %arg12[%sub3A_255, %broadcast_in_dim3A_287], %gather3A_288 masked %lt3A_225 : memref<128x128xf32, #tpu.memory_space<vmem>>[vector<16xi32>, vector<16xi32>], vector<16xf32>, vector<16xi1>
          %broadcast_in_dim3A_289 = arith.constant 11 : i32
          %broadcast_in_dim3A_290 = vector.broadcast %broadcast_in_dim3A_289 : i32 to vector<16xi32>
          %gather3A_291 = tpu.vector_load_idx %arg10[%broadcast_in_dim3A_290, %shift_right_logical3A_248] masked %lt3A_225 : memref<64x128xf32, #tpu.memory_space<vmem>>[vector<16xi32>, vector<16xi32>], vector<16xf32>, vector<16xi1>
          tpu.vector_store_idx %arg12[%sub3A_255, %broadcast_in_dim3A_290], %gather3A_291 masked %lt3A_225 : memref<128x128xf32, #tpu.memory_space<vmem>>[vector<16xi32>, vector<16xi32>], vector<16xf32>, vector<16xi1>
          %broadcast_in_dim3A_292 = arith.constant 12 : i32
          %broadcast_in_dim3A_293 = vector.broadcast %broadcast_in_dim3A_292 : i32 to vector<16xi32>
          %gather3A_294 = tpu.vector_load_idx %arg10[%broadcast_in_dim3A_293, %shift_right_logical3A_248] masked %lt3A_225 : memref<64x128xf32, #tpu.memory_space<vmem>>[vector<16xi32>, vector<16xi32>], vector<16xf32>, vector<16xi1>
          tpu.vector_store_idx %arg12[%sub3A_255, %broadcast_in_dim3A_293], %gather3A_294 masked %lt3A_225 : memref<128x128xf32, #tpu.memory_space<vmem>>[vector<16xi32>, vector<16xi32>], vector<16xf32>, vector<16xi1>
          %broadcast_in_dim3A_295 = arith.constant 13 : i32
          %broadcast_in_dim3A_296 = vector.broadcast %broadcast_in_dim3A_295 : i32 to vector<16xi32>
          %gather3A_297 = tpu.vector_load_idx %arg10[%broadcast_in_dim3A_296, %shift_right_logical3A_248] masked %lt3A_225 : memref<64x128xf32, #tpu.memory_space<vmem>>[vector<16xi32>, vector<16xi32>], vector<16xf32>, vector<16xi1>
          tpu.vector_store_idx %arg12[%sub3A_255, %broadcast_in_dim3A_296], %gather3A_297 masked %lt3A_225 : memref<128x128xf32, #tpu.memory_space<vmem>>[vector<16xi32>, vector<16xi32>], vector<16xf32>, vector<16xi1>
          %broadcast_in_dim3A_298 = arith.constant 14 : i32
          %broadcast_in_dim3A_299 = vector.broadcast %broadcast_in_dim3A_298 : i32 to vector<16xi32>
          %gather3A_300 = tpu.vector_load_idx %arg10[%broadcast_in_dim3A_299, %shift_right_logical3A_248] masked %lt3A_225 : memref<64x128xf32, #tpu.memory_space<vmem>>[vector<16xi32>, vector<16xi32>], vector<16xf32>, vector<16xi1>
          tpu.vector_store_idx %arg12[%sub3A_255, %broadcast_in_dim3A_299], %gather3A_300 masked %lt3A_225 : memref<128x128xf32, #tpu.memory_space<vmem>>[vector<16xi32>, vector<16xi32>], vector<16xf32>, vector<16xi1>
          %broadcast_in_dim3A_301 = arith.constant 15 : i32
          %broadcast_in_dim3A_302 = vector.broadcast %broadcast_in_dim3A_301 : i32 to vector<16xi32>
          %gather3A_303 = tpu.vector_load_idx %arg10[%broadcast_in_dim3A_302, %shift_right_logical3A_248] masked %lt3A_225 : memref<64x128xf32, #tpu.memory_space<vmem>>[vector<16xi32>, vector<16xi32>], vector<16xf32>, vector<16xi1>
          tpu.vector_store_idx %arg12[%sub3A_255, %broadcast_in_dim3A_302], %gather3A_303 masked %lt3A_225 : memref<128x128xf32, #tpu.memory_space<vmem>>[vector<16xi32>, vector<16xi32>], vector<16xf32>, vector<16xi1>
          %broadcast_in_dim3A_304 = arith.constant 16 : i32
          %broadcast_in_dim3A_305 = vector.broadcast %broadcast_in_dim3A_304 : i32 to vector<16xi32>
          %gather3A_306 = tpu.vector_load_idx %arg10[%broadcast_in_dim3A_305, %shift_right_logical3A_248] masked %lt3A_225 : memref<64x128xf32, #tpu.memory_space<vmem>>[vector<16xi32>, vector<16xi32>], vector<16xf32>, vector<16xi1>
          tpu.vector_store_idx %arg12[%sub3A_255, %broadcast_in_dim3A_305], %gather3A_306 masked %lt3A_225 : memref<128x128xf32, #tpu.memory_space<vmem>>[vector<16xi32>, vector<16xi32>], vector<16xf32>, vector<16xi1>
          %broadcast_in_dim3A_307 = arith.constant 17 : i32
          %broadcast_in_dim3A_308 = vector.broadcast %broadcast_in_dim3A_307 : i32 to vector<16xi32>
          %gather3A_309 = tpu.vector_load_idx %arg10[%broadcast_in_dim3A_308, %shift_right_logical3A_248] masked %lt3A_225 : memref<64x128xf32, #tpu.memory_space<vmem>>[vector<16xi32>, vector<16xi32>], vector<16xf32>, vector<16xi1>
          tpu.vector_store_idx %arg12[%sub3A_255, %broadcast_in_dim3A_308], %gather3A_309 masked %lt3A_225 : memref<128x128xf32, #tpu.memory_space<vmem>>[vector<16xi32>, vector<16xi32>], vector<16xf32>, vector<16xi1>
          %broadcast_in_dim3A_310 = arith.constant 18 : i32
          %broadcast_in_dim3A_311 = vector.broadcast %broadcast_in_dim3A_310 : i32 to vector<16xi32>
          %gather3A_312 = tpu.vector_load_idx %arg10[%broadcast_in_dim3A_311, %shift_right_logical3A_248] masked %lt3A_225 : memref<64x128xf32, #tpu.memory_space<vmem>>[vector<16xi32>, vector<16xi32>], vector<16xf32>, vector<16xi1>
          tpu.vector_store_idx %arg12[%sub3A_255, %broadcast_in_dim3A_311], %gather3A_312 masked %lt3A_225 : memref<128x128xf32, #tpu.memory_space<vmem>>[vector<16xi32>, vector<16xi32>], vector<16xf32>, vector<16xi1>
          %broadcast_in_dim3A_313 = arith.constant 19 : i32
          %broadcast_in_dim3A_314 = vector.broadcast %broadcast_in_dim3A_313 : i32 to vector<16xi32>
          %gather3A_315 = tpu.vector_load_idx %arg10[%broadcast_in_dim3A_314, %shift_right_logical3A_248] masked %lt3A_225 : memref<64x128xf32, #tpu.memory_space<vmem>>[vector<16xi32>, vector<16xi32>], vector<16xf32>, vector<16xi1>
          tpu.vector_store_idx %arg12[%sub3A_255, %broadcast_in_dim3A_314], %gather3A_315 masked %lt3A_225 : memref<128x128xf32, #tpu.memory_space<vmem>>[vector<16xi32>, vector<16xi32>], vector<16xf32>, vector<16xi1>
          %broadcast_in_dim3A_316 = arith.constant 20 : i32
          %broadcast_in_dim3A_317 = vector.broadcast %broadcast_in_dim3A_316 : i32 to vector<16xi32>
          %gather3A_318 = tpu.vector_load_idx %arg10[%broadcast_in_dim3A_317, %shift_right_logical3A_248] masked %lt3A_225 : memref<64x128xf32, #tpu.memory_space<vmem>>[vector<16xi32>, vector<16xi32>], vector<16xf32>, vector<16xi1>
          tpu.vector_store_idx %arg12[%sub3A_255, %broadcast_in_dim3A_317], %gather3A_318 masked %lt3A_225 : memref<128x128xf32, #tpu.memory_space<vmem>>[vector<16xi32>, vector<16xi32>], vector<16xf32>, vector<16xi1>
          %broadcast_in_dim3A_319 = arith.constant 21 : i32
          %broadcast_in_dim3A_320 = vector.broadcast %broadcast_in_dim3A_319 : i32 to vector<16xi32>
          %gather3A_321 = tpu.vector_load_idx %arg10[%broadcast_in_dim3A_320, %shift_right_logical3A_248] masked %lt3A_225 : memref<64x128xf32, #tpu.memory_space<vmem>>[vector<16xi32>, vector<16xi32>], vector<16xf32>, vector<16xi1>
          tpu.vector_store_idx %arg12[%sub3A_255, %broadcast_in_dim3A_320], %gather3A_321 masked %lt3A_225 : memref<128x128xf32, #tpu.memory_space<vmem>>[vector<16xi32>, vector<16xi32>], vector<16xf32>, vector<16xi1>
          %broadcast_in_dim3A_322 = arith.constant 22 : i32
          %broadcast_in_dim3A_323 = vector.broadcast %broadcast_in_dim3A_322 : i32 to vector<16xi32>
          %gather3A_324 = tpu.vector_load_idx %arg10[%broadcast_in_dim3A_323, %shift_right_logical3A_248] masked %lt3A_225 : memref<64x128xf32, #tpu.memory_space<vmem>>[vector<16xi32>, vector<16xi32>], vector<16xf32>, vector<16xi1>
          tpu.vector_store_idx %arg12[%sub3A_255, %broadcast_in_dim3A_323], %gather3A_324 masked %lt3A_225 : memref<128x128xf32, #tpu.memory_space<vmem>>[vector<16xi32>, vector<16xi32>], vector<16xf32>, vector<16xi1>
          %broadcast_in_dim3A_325 = arith.constant 23 : i32
          %broadcast_in_dim3A_326 = vector.broadcast %broadcast_in_dim3A_325 : i32 to vector<16xi32>
          %gather3A_327 = tpu.vector_load_idx %arg10[%broadcast_in_dim3A_326, %shift_right_logical3A_248] masked %lt3A_225 : memref<64x128xf32, #tpu.memory_space<vmem>>[vector<16xi32>, vector<16xi32>], vector<16xf32>, vector<16xi1>
          tpu.vector_store_idx %arg12[%sub3A_255, %broadcast_in_dim3A_326], %gather3A_327 masked %lt3A_225 : memref<128x128xf32, #tpu.memory_space<vmem>>[vector<16xi32>, vector<16xi32>], vector<16xf32>, vector<16xi1>
          %broadcast_in_dim3A_328 = arith.constant 24 : i32
          %broadcast_in_dim3A_329 = vector.broadcast %broadcast_in_dim3A_328 : i32 to vector<16xi32>
          %gather3A_330 = tpu.vector_load_idx %arg10[%broadcast_in_dim3A_329, %shift_right_logical3A_248] masked %lt3A_225 : memref<64x128xf32, #tpu.memory_space<vmem>>[vector<16xi32>, vector<16xi32>], vector<16xf32>, vector<16xi1>
          tpu.vector_store_idx %arg12[%sub3A_255, %broadcast_in_dim3A_329], %gather3A_330 masked %lt3A_225 : memref<128x128xf32, #tpu.memory_space<vmem>>[vector<16xi32>, vector<16xi32>], vector<16xf32>, vector<16xi1>
          %broadcast_in_dim3A_331 = arith.constant 25 : i32
          %broadcast_in_dim3A_332 = vector.broadcast %broadcast_in_dim3A_331 : i32 to vector<16xi32>
          %gather3A_333 = tpu.vector_load_idx %arg10[%broadcast_in_dim3A_332, %shift_right_logical3A_248] masked %lt3A_225 : memref<64x128xf32, #tpu.memory_space<vmem>>[vector<16xi32>, vector<16xi32>], vector<16xf32>, vector<16xi1>
          tpu.vector_store_idx %arg12[%sub3A_255, %broadcast_in_dim3A_332], %gather3A_333 masked %lt3A_225 : memref<128x128xf32, #tpu.memory_space<vmem>>[vector<16xi32>, vector<16xi32>], vector<16xf32>, vector<16xi1>
          %broadcast_in_dim3A_334 = arith.constant 26 : i32
          %broadcast_in_dim3A_335 = vector.broadcast %broadcast_in_dim3A_334 : i32 to vector<16xi32>
          %gather3A_336 = tpu.vector_load_idx %arg10[%broadcast_in_dim3A_335, %shift_right_logical3A_248] masked %lt3A_225 : memref<64x128xf32, #tpu.memory_space<vmem>>[vector<16xi32>, vector<16xi32>], vector<16xf32>, vector<16xi1>
          tpu.vector_store_idx %arg12[%sub3A_255, %broadcast_in_dim3A_335], %gather3A_336 masked %lt3A_225 : memref<128x128xf32, #tpu.memory_space<vmem>>[vector<16xi32>, vector<16xi32>], vector<16xf32>, vector<16xi1>
          %broadcast_in_dim3A_337 = arith.constant 27 : i32
          %broadcast_in_dim3A_338 = vector.broadcast %broadcast_in_dim3A_337 : i32 to vector<16xi32>
          %gather3A_339 = tpu.vector_load_idx %arg10[%broadcast_in_dim3A_338, %shift_right_logical3A_248] masked %lt3A_225 : memref<64x128xf32, #tpu.memory_space<vmem>>[vector<16xi32>, vector<16xi32>], vector<16xf32>, vector<16xi1>
          tpu.vector_store_idx %arg12[%sub3A_255, %broadcast_in_dim3A_338], %gather3A_339 masked %lt3A_225 : memref<128x128xf32, #tpu.memory_space<vmem>>[vector<16xi32>, vector<16xi32>], vector<16xf32>, vector<16xi1>
          %broadcast_in_dim3A_340 = arith.constant 28 : i32
          %broadcast_in_dim3A_341 = vector.broadcast %broadcast_in_dim3A_340 : i32 to vector<16xi32>
          %gather3A_342 = tpu.vector_load_idx %arg10[%broadcast_in_dim3A_341, %shift_right_logical3A_248] masked %lt3A_225 : memref<64x128xf32, #tpu.memory_space<vmem>>[vector<16xi32>, vector<16xi32>], vector<16xf32>, vector<16xi1>
          tpu.vector_store_idx %arg12[%sub3A_255, %broadcast_in_dim3A_341], %gather3A_342 masked %lt3A_225 : memref<128x128xf32, #tpu.memory_space<vmem>>[vector<16xi32>, vector<16xi32>], vector<16xf32>, vector<16xi1>
          %broadcast_in_dim3A_343 = arith.constant 29 : i32
          %broadcast_in_dim3A_344 = vector.broadcast %broadcast_in_dim3A_343 : i32 to vector<16xi32>
          %gather3A_345 = tpu.vector_load_idx %arg10[%broadcast_in_dim3A_344, %shift_right_logical3A_248] masked %lt3A_225 : memref<64x128xf32, #tpu.memory_space<vmem>>[vector<16xi32>, vector<16xi32>], vector<16xf32>, vector<16xi1>
          tpu.vector_store_idx %arg12[%sub3A_255, %broadcast_in_dim3A_344], %gather3A_345 masked %lt3A_225 : memref<128x128xf32, #tpu.memory_space<vmem>>[vector<16xi32>, vector<16xi32>], vector<16xf32>, vector<16xi1>
          %broadcast_in_dim3A_346 = arith.constant 30 : i32
          %broadcast_in_dim3A_347 = vector.broadcast %broadcast_in_dim3A_346 : i32 to vector<16xi32>
          %gather3A_348 = tpu.vector_load_idx %arg10[%broadcast_in_dim3A_347, %shift_right_logical3A_248] masked %lt3A_225 : memref<64x128xf32, #tpu.memory_space<vmem>>[vector<16xi32>, vector<16xi32>], vector<16xf32>, vector<16xi1>
          tpu.vector_store_idx %arg12[%sub3A_255, %broadcast_in_dim3A_347], %gather3A_348 masked %lt3A_225 : memref<128x128xf32, #tpu.memory_space<vmem>>[vector<16xi32>, vector<16xi32>], vector<16xf32>, vector<16xi1>
          %broadcast_in_dim3A_349 = arith.constant 31 : i32
          %broadcast_in_dim3A_350 = vector.broadcast %broadcast_in_dim3A_349 : i32 to vector<16xi32>
          %gather3A_351 = tpu.vector_load_idx %arg10[%broadcast_in_dim3A_350, %shift_right_logical3A_248] masked %lt3A_225 : memref<64x128xf32, #tpu.memory_space<vmem>>[vector<16xi32>, vector<16xi32>], vector<16xf32>, vector<16xi1>
          tpu.vector_store_idx %arg12[%sub3A_255, %broadcast_in_dim3A_350], %gather3A_351 masked %lt3A_225 : memref<128x128xf32, #tpu.memory_space<vmem>>[vector<16xi32>, vector<16xi32>], vector<16xf32>, vector<16xi1>
          %broadcast_in_dim3A_352 = arith.constant 32 : i32
          %broadcast_in_dim3A_353 = vector.broadcast %broadcast_in_dim3A_352 : i32 to vector<16xi32>
          %gather3A_354 = tpu.vector_load_idx %arg10[%broadcast_in_dim3A_353, %shift_right_logical3A_248] masked %lt3A_225 : memref<64x128xf32, #tpu.memory_space<vmem>>[vector<16xi32>, vector<16xi32>], vector<16xf32>, vector<16xi1>
          tpu.vector_store_idx %arg12[%sub3A_255, %broadcast_in_dim3A_353], %gather3A_354 masked %lt3A_225 : memref<128x128xf32, #tpu.memory_space<vmem>>[vector<16xi32>, vector<16xi32>], vector<16xf32>, vector<16xi1>
          %broadcast_in_dim3A_355 = arith.constant 33 : i32
          %broadcast_in_dim3A_356 = vector.broadcast %broadcast_in_dim3A_355 : i32 to vector<16xi32>
          %gather3A_357 = tpu.vector_load_idx %arg10[%broadcast_in_dim3A_356, %shift_right_logical3A_248] masked %lt3A_225 : memref<64x128xf32, #tpu.memory_space<vmem>>[vector<16xi32>, vector<16xi32>], vector<16xf32>, vector<16xi1>
          tpu.vector_store_idx %arg12[%sub3A_255, %broadcast_in_dim3A_356], %gather3A_357 masked %lt3A_225 : memref<128x128xf32, #tpu.memory_space<vmem>>[vector<16xi32>, vector<16xi32>], vector<16xf32>, vector<16xi1>
          %broadcast_in_dim3A_358 = arith.constant 34 : i32
          %broadcast_in_dim3A_359 = vector.broadcast %broadcast_in_dim3A_358 : i32 to vector<16xi32>
          %gather3A_360 = tpu.vector_load_idx %arg10[%broadcast_in_dim3A_359, %shift_right_logical3A_248] masked %lt3A_225 : memref<64x128xf32, #tpu.memory_space<vmem>>[vector<16xi32>, vector<16xi32>], vector<16xf32>, vector<16xi1>
          tpu.vector_store_idx %arg12[%sub3A_255, %broadcast_in_dim3A_359], %gather3A_360 masked %lt3A_225 : memref<128x128xf32, #tpu.memory_space<vmem>>[vector<16xi32>, vector<16xi32>], vector<16xf32>, vector<16xi1>
          %broadcast_in_dim3A_361 = arith.constant 35 : i32
          %broadcast_in_dim3A_362 = vector.broadcast %broadcast_in_dim3A_361 : i32 to vector<16xi32>
          %gather3A_363 = tpu.vector_load_idx %arg10[%broadcast_in_dim3A_362, %shift_right_logical3A_248] masked %lt3A_225 : memref<64x128xf32, #tpu.memory_space<vmem>>[vector<16xi32>, vector<16xi32>], vector<16xf32>, vector<16xi1>
          tpu.vector_store_idx %arg12[%sub3A_255, %broadcast_in_dim3A_362], %gather3A_363 masked %lt3A_225 : memref<128x128xf32, #tpu.memory_space<vmem>>[vector<16xi32>, vector<16xi32>], vector<16xf32>, vector<16xi1>
          %broadcast_in_dim3A_364 = arith.constant 36 : i32
          %broadcast_in_dim3A_365 = vector.broadcast %broadcast_in_dim3A_364 : i32 to vector<16xi32>
          %gather3A_366 = tpu.vector_load_idx %arg10[%broadcast_in_dim3A_365, %shift_right_logical3A_248] masked %lt3A_225 : memref<64x128xf32, #tpu.memory_space<vmem>>[vector<16xi32>, vector<16xi32>], vector<16xf32>, vector<16xi1>
          tpu.vector_store_idx %arg12[%sub3A_255, %broadcast_in_dim3A_365], %gather3A_366 masked %lt3A_225 : memref<128x128xf32, #tpu.memory_space<vmem>>[vector<16xi32>, vector<16xi32>], vector<16xf32>, vector<16xi1>
          %broadcast_in_dim3A_367 = arith.constant 37 : i32
          %broadcast_in_dim3A_368 = vector.broadcast %broadcast_in_dim3A_367 : i32 to vector<16xi32>
          %gather3A_369 = tpu.vector_load_idx %arg10[%broadcast_in_dim3A_368, %shift_right_logical3A_248] masked %lt3A_225 : memref<64x128xf32, #tpu.memory_space<vmem>>[vector<16xi32>, vector<16xi32>], vector<16xf32>, vector<16xi1>
          tpu.vector_store_idx %arg12[%sub3A_255, %broadcast_in_dim3A_368], %gather3A_369 masked %lt3A_225 : memref<128x128xf32, #tpu.memory_space<vmem>>[vector<16xi32>, vector<16xi32>], vector<16xf32>, vector<16xi1>
          %broadcast_in_dim3A_370 = arith.constant 38 : i32
          %broadcast_in_dim3A_371 = vector.broadcast %broadcast_in_dim3A_370 : i32 to vector<16xi32>
          %gather3A_372 = tpu.vector_load_idx %arg10[%broadcast_in_dim3A_371, %shift_right_logical3A_248] masked %lt3A_225 : memref<64x128xf32, #tpu.memory_space<vmem>>[vector<16xi32>, vector<16xi32>], vector<16xf32>, vector<16xi1>
          tpu.vector_store_idx %arg12[%sub3A_255, %broadcast_in_dim3A_371], %gather3A_372 masked %lt3A_225 : memref<128x128xf32, #tpu.memory_space<vmem>>[vector<16xi32>, vector<16xi32>], vector<16xf32>, vector<16xi1>
          %broadcast_in_dim3A_373 = arith.constant 39 : i32
          %broadcast_in_dim3A_374 = vector.broadcast %broadcast_in_dim3A_373 : i32 to vector<16xi32>
          %gather3A_375 = tpu.vector_load_idx %arg10[%broadcast_in_dim3A_374, %shift_right_logical3A_248] masked %lt3A_225 : memref<64x128xf32, #tpu.memory_space<vmem>>[vector<16xi32>, vector<16xi32>], vector<16xf32>, vector<16xi1>
          tpu.vector_store_idx %arg12[%sub3A_255, %broadcast_in_dim3A_374], %gather3A_375 masked %lt3A_225 : memref<128x128xf32, #tpu.memory_space<vmem>>[vector<16xi32>, vector<16xi32>], vector<16xf32>, vector<16xi1>
          %broadcast_in_dim3A_376 = arith.constant 40 : i32
          %broadcast_in_dim3A_377 = vector.broadcast %broadcast_in_dim3A_376 : i32 to vector<16xi32>
          %gather3A_378 = tpu.vector_load_idx %arg10[%broadcast_in_dim3A_377, %shift_right_logical3A_248] masked %lt3A_225 : memref<64x128xf32, #tpu.memory_space<vmem>>[vector<16xi32>, vector<16xi32>], vector<16xf32>, vector<16xi1>
          tpu.vector_store_idx %arg12[%sub3A_255, %broadcast_in_dim3A_377], %gather3A_378 masked %lt3A_225 : memref<128x128xf32, #tpu.memory_space<vmem>>[vector<16xi32>, vector<16xi32>], vector<16xf32>, vector<16xi1>
          %broadcast_in_dim3A_379 = arith.constant 41 : i32
          %broadcast_in_dim3A_380 = vector.broadcast %broadcast_in_dim3A_379 : i32 to vector<16xi32>
          %gather3A_381 = tpu.vector_load_idx %arg10[%broadcast_in_dim3A_380, %shift_right_logical3A_248] masked %lt3A_225 : memref<64x128xf32, #tpu.memory_space<vmem>>[vector<16xi32>, vector<16xi32>], vector<16xf32>, vector<16xi1>
          tpu.vector_store_idx %arg12[%sub3A_255, %broadcast_in_dim3A_380], %gather3A_381 masked %lt3A_225 : memref<128x128xf32, #tpu.memory_space<vmem>>[vector<16xi32>, vector<16xi32>], vector<16xf32>, vector<16xi1>
          %broadcast_in_dim3A_382 = arith.constant 42 : i32
          %broadcast_in_dim3A_383 = vector.broadcast %broadcast_in_dim3A_382 : i32 to vector<16xi32>
          %gather3A_384 = tpu.vector_load_idx %arg10[%broadcast_in_dim3A_383, %shift_right_logical3A_248] masked %lt3A_225 : memref<64x128xf32, #tpu.memory_space<vmem>>[vector<16xi32>, vector<16xi32>], vector<16xf32>, vector<16xi1>
          tpu.vector_store_idx %arg12[%sub3A_255, %broadcast_in_dim3A_383], %gather3A_384 masked %lt3A_225 : memref<128x128xf32, #tpu.memory_space<vmem>>[vector<16xi32>, vector<16xi32>], vector<16xf32>, vector<16xi1>
          %broadcast_in_dim3A_385 = arith.constant 43 : i32
          %broadcast_in_dim3A_386 = vector.broadcast %broadcast_in_dim3A_385 : i32 to vector<16xi32>
          %gather3A_387 = tpu.vector_load_idx %arg10[%broadcast_in_dim3A_386, %shift_right_logical3A_248] masked %lt3A_225 : memref<64x128xf32, #tpu.memory_space<vmem>>[vector<16xi32>, vector<16xi32>], vector<16xf32>, vector<16xi1>
          tpu.vector_store_idx %arg12[%sub3A_255, %broadcast_in_dim3A_386], %gather3A_387 masked %lt3A_225 : memref<128x128xf32, #tpu.memory_space<vmem>>[vector<16xi32>, vector<16xi32>], vector<16xf32>, vector<16xi1>
          %broadcast_in_dim3A_388 = arith.constant 44 : i32
          %broadcast_in_dim3A_389 = vector.broadcast %broadcast_in_dim3A_388 : i32 to vector<16xi32>
          %gather3A_390 = tpu.vector_load_idx %arg10[%broadcast_in_dim3A_389, %shift_right_logical3A_248] masked %lt3A_225 : memref<64x128xf32, #tpu.memory_space<vmem>>[vector<16xi32>, vector<16xi32>], vector<16xf32>, vector<16xi1>
          tpu.vector_store_idx %arg12[%sub3A_255, %broadcast_in_dim3A_389], %gather3A_390 masked %lt3A_225 : memref<128x128xf32, #tpu.memory_space<vmem>>[vector<16xi32>, vector<16xi32>], vector<16xf32>, vector<16xi1>
          %broadcast_in_dim3A_391 = arith.constant 45 : i32
          %broadcast_in_dim3A_392 = vector.broadcast %broadcast_in_dim3A_391 : i32 to vector<16xi32>
          %gather3A_393 = tpu.vector_load_idx %arg10[%broadcast_in_dim3A_392, %shift_right_logical3A_248] masked %lt3A_225 : memref<64x128xf32, #tpu.memory_space<vmem>>[vector<16xi32>, vector<16xi32>], vector<16xf32>, vector<16xi1>
          tpu.vector_store_idx %arg12[%sub3A_255, %broadcast_in_dim3A_392], %gather3A_393 masked %lt3A_225 : memref<128x128xf32, #tpu.memory_space<vmem>>[vector<16xi32>, vector<16xi32>], vector<16xf32>, vector<16xi1>
          %broadcast_in_dim3A_394 = arith.constant 46 : i32
          %broadcast_in_dim3A_395 = vector.broadcast %broadcast_in_dim3A_394 : i32 to vector<16xi32>
          %gather3A_396 = tpu.vector_load_idx %arg10[%broadcast_in_dim3A_395, %shift_right_logical3A_248] masked %lt3A_225 : memref<64x128xf32, #tpu.memory_space<vmem>>[vector<16xi32>, vector<16xi32>], vector<16xf32>, vector<16xi1>
          tpu.vector_store_idx %arg12[%sub3A_255, %broadcast_in_dim3A_395], %gather3A_396 masked %lt3A_225 : memref<128x128xf32, #tpu.memory_space<vmem>>[vector<16xi32>, vector<16xi32>], vector<16xf32>, vector<16xi1>
          %broadcast_in_dim3A_397 = arith.constant 47 : i32
          %broadcast_in_dim3A_398 = vector.broadcast %broadcast_in_dim3A_397 : i32 to vector<16xi32>
          %gather3A_399 = tpu.vector_load_idx %arg10[%broadcast_in_dim3A_398, %shift_right_logical3A_248] masked %lt3A_225 : memref<64x128xf32, #tpu.memory_space<vmem>>[vector<16xi32>, vector<16xi32>], vector<16xf32>, vector<16xi1>
          tpu.vector_store_idx %arg12[%sub3A_255, %broadcast_in_dim3A_398], %gather3A_399 masked %lt3A_225 : memref<128x128xf32, #tpu.memory_space<vmem>>[vector<16xi32>, vector<16xi32>], vector<16xf32>, vector<16xi1>
          %broadcast_in_dim3A_400 = arith.constant 48 : i32
          %broadcast_in_dim3A_401 = vector.broadcast %broadcast_in_dim3A_400 : i32 to vector<16xi32>
          %gather3A_402 = tpu.vector_load_idx %arg10[%broadcast_in_dim3A_401, %shift_right_logical3A_248] masked %lt3A_225 : memref<64x128xf32, #tpu.memory_space<vmem>>[vector<16xi32>, vector<16xi32>], vector<16xf32>, vector<16xi1>
          tpu.vector_store_idx %arg12[%sub3A_255, %broadcast_in_dim3A_401], %gather3A_402 masked %lt3A_225 : memref<128x128xf32, #tpu.memory_space<vmem>>[vector<16xi32>, vector<16xi32>], vector<16xf32>, vector<16xi1>
          %broadcast_in_dim3A_403 = arith.constant 49 : i32
          %broadcast_in_dim3A_404 = vector.broadcast %broadcast_in_dim3A_403 : i32 to vector<16xi32>
          %gather3A_405 = tpu.vector_load_idx %arg10[%broadcast_in_dim3A_404, %shift_right_logical3A_248] masked %lt3A_225 : memref<64x128xf32, #tpu.memory_space<vmem>>[vector<16xi32>, vector<16xi32>], vector<16xf32>, vector<16xi1>
          tpu.vector_store_idx %arg12[%sub3A_255, %broadcast_in_dim3A_404], %gather3A_405 masked %lt3A_225 : memref<128x128xf32, #tpu.memory_space<vmem>>[vector<16xi32>, vector<16xi32>], vector<16xf32>, vector<16xi1>
          %broadcast_in_dim3A_406 = arith.constant 50 : i32
          %broadcast_in_dim3A_407 = vector.broadcast %broadcast_in_dim3A_406 : i32 to vector<16xi32>
          %gather3A_408 = tpu.vector_load_idx %arg10[%broadcast_in_dim3A_407, %shift_right_logical3A_248] masked %lt3A_225 : memref<64x128xf32, #tpu.memory_space<vmem>>[vector<16xi32>, vector<16xi32>], vector<16xf32>, vector<16xi1>
          tpu.vector_store_idx %arg12[%sub3A_255, %broadcast_in_dim3A_407], %gather3A_408 masked %lt3A_225 : memref<128x128xf32, #tpu.memory_space<vmem>>[vector<16xi32>, vector<16xi32>], vector<16xf32>, vector<16xi1>
          %broadcast_in_dim3A_409 = arith.constant 51 : i32
          %broadcast_in_dim3A_410 = vector.broadcast %broadcast_in_dim3A_409 : i32 to vector<16xi32>
          %gather3A_411 = tpu.vector_load_idx %arg10[%broadcast_in_dim3A_410, %shift_right_logical3A_248] masked %lt3A_225 : memref<64x128xf32, #tpu.memory_space<vmem>>[vector<16xi32>, vector<16xi32>], vector<16xf32>, vector<16xi1>
          tpu.vector_store_idx %arg12[%sub3A_255, %broadcast_in_dim3A_410], %gather3A_411 masked %lt3A_225 : memref<128x128xf32, #tpu.memory_space<vmem>>[vector<16xi32>, vector<16xi32>], vector<16xf32>, vector<16xi1>
          %broadcast_in_dim3A_412 = arith.constant 52 : i32
          %broadcast_in_dim3A_413 = vector.broadcast %broadcast_in_dim3A_412 : i32 to vector<16xi32>
          %gather3A_414 = tpu.vector_load_idx %arg10[%broadcast_in_dim3A_413, %shift_right_logical3A_248] masked %lt3A_225 : memref<64x128xf32, #tpu.memory_space<vmem>>[vector<16xi32>, vector<16xi32>], vector<16xf32>, vector<16xi1>
          tpu.vector_store_idx %arg12[%sub3A_255, %broadcast_in_dim3A_413], %gather3A_414 masked %lt3A_225 : memref<128x128xf32, #tpu.memory_space<vmem>>[vector<16xi32>, vector<16xi32>], vector<16xf32>, vector<16xi1>
          %broadcast_in_dim3A_415 = arith.constant 53 : i32
          %broadcast_in_dim3A_416 = vector.broadcast %broadcast_in_dim3A_415 : i32 to vector<16xi32>
          %gather3A_417 = tpu.vector_load_idx %arg10[%broadcast_in_dim3A_416, %shift_right_logical3A_248] masked %lt3A_225 : memref<64x128xf32, #tpu.memory_space<vmem>>[vector<16xi32>, vector<16xi32>], vector<16xf32>, vector<16xi1>
          tpu.vector_store_idx %arg12[%sub3A_255, %broadcast_in_dim3A_416], %gather3A_417 masked %lt3A_225 : memref<128x128xf32, #tpu.memory_space<vmem>>[vector<16xi32>, vector<16xi32>], vector<16xf32>, vector<16xi1>
          %broadcast_in_dim3A_418 = arith.constant 54 : i32
          %broadcast_in_dim3A_419 = vector.broadcast %broadcast_in_dim3A_418 : i32 to vector<16xi32>
          %gather3A_420 = tpu.vector_load_idx %arg10[%broadcast_in_dim3A_419, %shift_right_logical3A_248] masked %lt3A_225 : memref<64x128xf32, #tpu.memory_space<vmem>>[vector<16xi32>, vector<16xi32>], vector<16xf32>, vector<16xi1>
          tpu.vector_store_idx %arg12[%sub3A_255, %broadcast_in_dim3A_419], %gather3A_420 masked %lt3A_225 : memref<128x128xf32, #tpu.memory_space<vmem>>[vector<16xi32>, vector<16xi32>], vector<16xf32>, vector<16xi1>
          %broadcast_in_dim3A_421 = arith.constant 55 : i32
          %broadcast_in_dim3A_422 = vector.broadcast %broadcast_in_dim3A_421 : i32 to vector<16xi32>
          %gather3A_423 = tpu.vector_load_idx %arg10[%broadcast_in_dim3A_422, %shift_right_logical3A_248] masked %lt3A_225 : memref<64x128xf32, #tpu.memory_space<vmem>>[vector<16xi32>, vector<16xi32>], vector<16xf32>, vector<16xi1>
          tpu.vector_store_idx %arg12[%sub3A_255, %broadcast_in_dim3A_422], %gather3A_423 masked %lt3A_225 : memref<128x128xf32, #tpu.memory_space<vmem>>[vector<16xi32>, vector<16xi32>], vector<16xf32>, vector<16xi1>
          %broadcast_in_dim3A_424 = arith.constant 56 : i32
          %broadcast_in_dim3A_425 = vector.broadcast %broadcast_in_dim3A_424 : i32 to vector<16xi32>
          %gather3A_426 = tpu.vector_load_idx %arg10[%broadcast_in_dim3A_425, %shift_right_logical3A_248] masked %lt3A_225 : memref<64x128xf32, #tpu.memory_space<vmem>>[vector<16xi32>, vector<16xi32>], vector<16xf32>, vector<16xi1>
          tpu.vector_store_idx %arg12[%sub3A_255, %broadcast_in_dim3A_425], %gather3A_426 masked %lt3A_225 : memref<128x128xf32, #tpu.memory_space<vmem>>[vector<16xi32>, vector<16xi32>], vector<16xf32>, vector<16xi1>
          %broadcast_in_dim3A_427 = arith.constant 57 : i32
          %broadcast_in_dim3A_428 = vector.broadcast %broadcast_in_dim3A_427 : i32 to vector<16xi32>
          %gather3A_429 = tpu.vector_load_idx %arg10[%broadcast_in_dim3A_428, %shift_right_logical3A_248] masked %lt3A_225 : memref<64x128xf32, #tpu.memory_space<vmem>>[vector<16xi32>, vector<16xi32>], vector<16xf32>, vector<16xi1>
          tpu.vector_store_idx %arg12[%sub3A_255, %broadcast_in_dim3A_428], %gather3A_429 masked %lt3A_225 : memref<128x128xf32, #tpu.memory_space<vmem>>[vector<16xi32>, vector<16xi32>], vector<16xf32>, vector<16xi1>
          %broadcast_in_dim3A_430 = arith.constant 58 : i32
          %broadcast_in_dim3A_431 = vector.broadcast %broadcast_in_dim3A_430 : i32 to vector<16xi32>
          %gather3A_432 = tpu.vector_load_idx %arg10[%broadcast_in_dim3A_431, %shift_right_logical3A_248] masked %lt3A_225 : memref<64x128xf32, #tpu.memory_space<vmem>>[vector<16xi32>, vector<16xi32>], vector<16xf32>, vector<16xi1>
          tpu.vector_store_idx %arg12[%sub3A_255, %broadcast_in_dim3A_431], %gather3A_432 masked %lt3A_225 : memref<128x128xf32, #tpu.memory_space<vmem>>[vector<16xi32>, vector<16xi32>], vector<16xf32>, vector<16xi1>
          %broadcast_in_dim3A_433 = arith.constant 59 : i32
          %broadcast_in_dim3A_434 = vector.broadcast %broadcast_in_dim3A_433 : i32 to vector<16xi32>
          %gather3A_435 = tpu.vector_load_idx %arg10[%broadcast_in_dim3A_434, %shift_right_logical3A_248] masked %lt3A_225 : memref<64x128xf32, #tpu.memory_space<vmem>>[vector<16xi32>, vector<16xi32>], vector<16xf32>, vector<16xi1>
          tpu.vector_store_idx %arg12[%sub3A_255, %broadcast_in_dim3A_434], %gather3A_435 masked %lt3A_225 : memref<128x128xf32, #tpu.memory_space<vmem>>[vector<16xi32>, vector<16xi32>], vector<16xf32>, vector<16xi1>
          %broadcast_in_dim3A_436 = arith.constant 60 : i32
          %broadcast_in_dim3A_437 = vector.broadcast %broadcast_in_dim3A_436 : i32 to vector<16xi32>
          %gather3A_438 = tpu.vector_load_idx %arg10[%broadcast_in_dim3A_437, %shift_right_logical3A_248] masked %lt3A_225 : memref<64x128xf32, #tpu.memory_space<vmem>>[vector<16xi32>, vector<16xi32>], vector<16xf32>, vector<16xi1>
          tpu.vector_store_idx %arg12[%sub3A_255, %broadcast_in_dim3A_437], %gather3A_438 masked %lt3A_225 : memref<128x128xf32, #tpu.memory_space<vmem>>[vector<16xi32>, vector<16xi32>], vector<16xf32>, vector<16xi1>
          %broadcast_in_dim3A_439 = arith.constant 61 : i32
          %broadcast_in_dim3A_440 = vector.broadcast %broadcast_in_dim3A_439 : i32 to vector<16xi32>
          %gather3A_441 = tpu.vector_load_idx %arg10[%broadcast_in_dim3A_440, %shift_right_logical3A_248] masked %lt3A_225 : memref<64x128xf32, #tpu.memory_space<vmem>>[vector<16xi32>, vector<16xi32>], vector<16xf32>, vector<16xi1>
          tpu.vector_store_idx %arg12[%sub3A_255, %broadcast_in_dim3A_440], %gather3A_441 masked %lt3A_225 : memref<128x128xf32, #tpu.memory_space<vmem>>[vector<16xi32>, vector<16xi32>], vector<16xf32>, vector<16xi1>
          %broadcast_in_dim3A_442 = arith.constant 62 : i32
          %broadcast_in_dim3A_443 = vector.broadcast %broadcast_in_dim3A_442 : i32 to vector<16xi32>
          %gather3A_444 = tpu.vector_load_idx %arg10[%broadcast_in_dim3A_443, %shift_right_logical3A_248] masked %lt3A_225 : memref<64x128xf32, #tpu.memory_space<vmem>>[vector<16xi32>, vector<16xi32>], vector<16xf32>, vector<16xi1>
          tpu.vector_store_idx %arg12[%sub3A_255, %broadcast_in_dim3A_443], %gather3A_444 masked %lt3A_225 : memref<128x128xf32, #tpu.memory_space<vmem>>[vector<16xi32>, vector<16xi32>], vector<16xf32>, vector<16xi1>
          %broadcast_in_dim3A_445 = arith.constant 63 : i32
          %broadcast_in_dim3A_446 = vector.broadcast %broadcast_in_dim3A_445 : i32 to vector<16xi32>
          %gather3A_447 = tpu.vector_load_idx %arg10[%broadcast_in_dim3A_446, %shift_right_logical3A_248] masked %lt3A_225 : memref<64x128xf32, #tpu.memory_space<vmem>>[vector<16xi32>, vector<16xi32>], vector<16xf32>, vector<16xi1>
          tpu.vector_store_idx %arg12[%sub3A_255, %broadcast_in_dim3A_446], %gather3A_447 masked %lt3A_225 : memref<128x128xf32, #tpu.memory_space<vmem>>[vector<16xi32>, vector<16xi32>], vector<16xf32>, vector<16xi1>
          tpu.vector_store_idx %arg13[%sub3A_255], %and3A_246 masked %lt3A_225 : memref<128xi32, #tpu.memory_space<vmem>>[vector<16xi32>], vector<16xi32>, vector<16xi1>
          %add3A_448 = arith.addi %scan3A_182, %reduce_max3A_235 : i32
          %ge3A = arith.constant 112 : i32
          %ge3A_449 = arith.cmpi sge, %add3A_448, %ge3A : i32
          %convert_element_type3A_450 = arith.extui %ge3A_449 : i1 to i32
          %cond3A_451 = arith.constant 0 : i32
          %cond3A_452 = arith.cmpi ne, %convert_element_type3A_450, %cond3A_451 : i32
          %cond3A_453 = scf.if %cond3A_452 -> (i32) {
            %dma_start3A_454 = arith.constant 0 : i32
            %dma_start3A_455 = arith.constant 0 : i32
            %dma_start3A_456 = tpu.memref_slice %arg5[%dma_start3A_454, %dma_start3A_455] : memref<16512x128xf32, #tpu.memory_space<hbm>> -> memref<16512x128xf32, #tpu.memory_space<hbm>>
            tpu.enqueue_indirect_dma source(%arg12 : memref<128x128xf32, #tpu.memory_space<vmem>>) target(%dma_start3A_456 : memref<16512x128xf32, #tpu.memory_space<hbm>>) offsets(%arg13 : memref<128xi32, #tpu.memory_space<vmem>>) semaphore(%arg16 : memref<!tpu.dma_semaphore, #tpu.memory_space<semaphore_mem>>)
            %dma_wait3A_457 = arith.constant 0 : i32
            %dma_wait3A_458 = arith.constant 0 : i32
            %dma_wait3A_459 = tpu.memref_slice %arg5[%dma_wait3A_457, %dma_wait3A_458] : memref<16512x128xf32, #tpu.memory_space<hbm>> -> memref<16512x128xf32, #tpu.memory_space<hbm>>
            tpu.wait_indirect_dma semaphore(%arg16 : memref<!tpu.dma_semaphore, #tpu.memory_space<semaphore_mem>>) src(%arg12 : memref<128x128xf32, #tpu.memory_space<vmem>>) dst(%dma_wait3A_459 : memref<16512x128xf32, #tpu.memory_space<hbm>>)
            %cond3A_460 = arith.constant 0 : i32
            scf.yield %cond3A_460 : i32
          } else {
            scf.yield %add3A_448 : i32
          }
          scf.yield %cond3A_453 : i32
        } else {
          scf.yield %scan3A_182 : i32
        }
        scf.yield %cond3A_241 : i32
      } else {
        scf.yield %scan3A_182 : i32
      }
      %mul3A_190 = arith.constant 2 : i32
      %mul3A_191 = arith.muli %mul3A_190, %scan3A_181 : i32
      %add3A_192 = arith.constant 1 : i32
      %add3A_193 = arith.addi %mul3A_191, %add3A_192 : i32
      %lt3A_194 = arith.cmpi slt, %add3A_193, %select_n3A_9 : i32
      %convert_element_type3A_195 = arith.extui %lt3A_194 : i1 to i32
      %cond3A_196 = arith.constant 0 : i32
      %cond3A_197 = arith.cmpi ne, %convert_element_type3A_195, %cond3A_196 : i32
      %cond3A_198 = scf.if %cond3A_197 -> (i32) {
        %mul3A_199 = arith.constant 2 : i32
        %mul3A_200 = arith.muli %mul3A_199, %scan3A_181 : i32
        %add3A_201 = arith.constant 1 : i32
        %add3A_202 = arith.addi %mul3A_200, %add3A_201 : i32
        %dma_wait3A_203 = arith.constant 0 : i32
        %dma_wait3A_204 = arith.constant 0 : i32
        %dma_wait3A_205 = arith.constant 0 : i32
        %dma_wait3A_206 = tpu.memref_slice %arg9[%arg1, %dma_wait3A_203, %dma_wait3A_204, %dma_wait3A_205] : memref<16x6x64x128xf32, #tpu.memory_space<vmem_shared>> -> memref<1x1x64x128xf32, #tpu.memory_space<vmem_shared>>
        %dma_wait3A_207 = tpu.memref_squeeze %dma_wait3A_206 : memref<1x1x64x128xf32, #tpu.memory_space<vmem_shared>> -> memref<64x128xf32, #tpu.memory_space<vmem_shared>>
        %dma_wait3A_208 = arith.constant 0 : i32
        %dma_wait3A_209 = arith.constant 0 : i32
        %dma_wait3A_210 = tpu.memref_slice %arg9[%arg1, %dma_wait3A_203, %dma_wait3A_208, %dma_wait3A_209] : memref<16x6x64x128xf32, #tpu.memory_space<vmem_shared>> -> memref<1x1x64x128xf32, #tpu.memory_space<vmem_shared>>
        %dma_wait3A_211 = tpu.memref_squeeze %dma_wait3A_210 : memref<1x1x64x128xf32, #tpu.memory_space<vmem_shared>> -> memref<64x128xf32, #tpu.memory_space<vmem_shared>>
        tpu.wait_dma2 semaphore(%arg15 : memref<!tpu.dma_semaphore, #tpu.memory_space<semaphore_mem>>) src(%dma_wait3A_211 : memref<64x128xf32, #tpu.memory_space<vmem_shared>>) dst(%arg11 : memref<64x128xf32, #tpu.memory_space<vmem>>)
        %add3A_212 = arith.constant 6 : i32
        %add3A_213 = arith.addi %add3A_202, %add3A_212 : i32
        %lt3A_214 = arith.cmpi slt, %add3A_213, %select_n3A_9 : i32
        %convert_element_type3A_215 = arith.extui %lt3A_214 : i1 to i32
        %cond3A_216 = arith.constant 0 : i32
        %cond3A_217 = arith.cmpi ne, %convert_element_type3A_215, %cond3A_216 : i32
        scf.if %cond3A_217 {
          %add3A_244 = arith.constant 6 : i32
          %add3A_245 = arith.addi %add3A_202, %add3A_244 : i32
          %rem3A_246 = arith.constant 6 : i32
          %rem3A_247 = arith.remsi %add3A_245, %rem3A_246 : i32
          %add3A_248 = arith.addi %add3A_4, %add3A_245 : i32
          %mul3A_249 = arith.constant 128 : i32
          %mul3A_250 = arith.muli %add3A_248, %mul3A_249 : i32
          %multiple_of3A_251 = tpu.assume_multiple %mul3A_250, 128 : i32
          %dma_start3A_252 = tpu.memref_slice %arg14[%rem3A_247] : memref<6x!tpu.dma_semaphore, #tpu.memory_space<semaphore_mem>> -> memref<1x!tpu.dma_semaphore, #tpu.memory_space<semaphore_mem>>
          %dma_start3A_253 = tpu.memref_squeeze %dma_start3A_252 : memref<1x!tpu.dma_semaphore, #tpu.memory_space<semaphore_mem>> -> memref<!tpu.dma_semaphore, #tpu.memory_space<semaphore_mem>>
          %dma_start3A_254 = arith.constant 0 : i32
          %dma_start3A_255 = arith.constant 0 : i32
          %dma_start3A_256 = tpu.memref_slice %arg9[%arg1, %rem3A_247, %dma_start3A_254, %dma_start3A_255] : memref<16x6x64x128xf32, #tpu.memory_space<vmem_shared>> -> memref<1x1x64x128xf32, #tpu.memory_space<vmem_shared>>
          %dma_start3A_257 = tpu.memref_squeeze %dma_start3A_256 : memref<1x1x64x128xf32, #tpu.memory_space<vmem_shared>> -> memref<64x128xf32, #tpu.memory_space<vmem_shared>>
          %dma_start3A_258 = arith.constant 0 : i32
          %dma_start3A_259 = tpu.memref_slice %arg3[%dma_start3A_258, %multiple_of3A_251] : memref<64x1000000xf32, #tpu.memory_space<hbm>> -> memref<64x128xf32, #tpu.memory_space<hbm>>
          tpu.enqueue_dma source(%dma_start3A_259 : memref<64x128xf32, #tpu.memory_space<hbm>>) target(%dma_start3A_257 : memref<64x128xf32, #tpu.memory_space<vmem_shared>>) target_semaphore(%dma_start3A_253 : memref<!tpu.dma_semaphore, #tpu.memory_space<semaphore_mem>>)
        } else {
        }
        %add3A_218 = arith.constant 1 : i32
        %add3A_219 = arith.addi %add3A_202, %add3A_218 : i32
        %lt3A_220 = arith.cmpi slt, %add3A_219, %select_n3A_9 : i32
        %convert_element_type3A_221 = arith.extui %lt3A_220 : i1 to i32
        %cond3A_222 = arith.constant 0 : i32
        %cond3A_223 = arith.cmpi ne, %convert_element_type3A_221, %cond3A_222 : i32
        scf.if %cond3A_223 {
          %add3A_244 = arith.constant 1 : i32
          %add3A_245 = arith.addi %add3A_202, %add3A_244 : i32
          %rem3A_246 = arith.constant 6 : i32
          %rem3A_247 = arith.remsi %add3A_245, %rem3A_246 : i32
          %dma_wait3A_248 = arith.constant 0 : i32
          %dma_wait3A_249 = tpu.memref_slice %arg14[%rem3A_247] : memref<6x!tpu.dma_semaphore, #tpu.memory_space<semaphore_mem>> -> memref<1x!tpu.dma_semaphore, #tpu.memory_space<semaphore_mem>>
          %dma_wait3A_250 = tpu.memref_squeeze %dma_wait3A_249 : memref<1x!tpu.dma_semaphore, #tpu.memory_space<semaphore_mem>> -> memref<!tpu.dma_semaphore, #tpu.memory_space<semaphore_mem>>
          %dma_wait3A_251 = arith.constant 0 : i32
          %dma_wait3A_252 = arith.constant 0 : i32
          %dma_wait3A_253 = tpu.memref_slice %arg9[%arg1, %dma_wait3A_248, %dma_wait3A_251, %dma_wait3A_252] : memref<16x6x64x128xf32, #tpu.memory_space<vmem_shared>> -> memref<1x1x64x128xf32, #tpu.memory_space<vmem_shared>>
          %dma_wait3A_254 = tpu.memref_squeeze %dma_wait3A_253 : memref<1x1x64x128xf32, #tpu.memory_space<vmem_shared>> -> memref<64x128xf32, #tpu.memory_space<vmem_shared>>
          %dma_wait3A_255 = arith.constant 0 : i32
          %dma_wait3A_256 = arith.constant 0 : i32
          %dma_wait3A_257 = tpu.memref_slice %arg3[%dma_wait3A_255, %dma_wait3A_256] : memref<64x1000000xf32, #tpu.memory_space<hbm>> -> memref<64x128xf32, #tpu.memory_space<hbm>>
          tpu.wait_dma2 semaphore(%dma_wait3A_250 : memref<!tpu.dma_semaphore, #tpu.memory_space<semaphore_mem>>) src(%dma_wait3A_257 : memref<64x128xf32, #tpu.memory_space<hbm>>) dst(%dma_wait3A_254 : memref<64x128xf32, #tpu.memory_space<vmem_shared>>)
          %add3A_258 = arith.constant 1 : i32
          %add3A_259 = arith.addi %add3A_202, %add3A_258 : i32
          %rem3A_260 = arith.constant 6 : i32
          %rem3A_261 = arith.remsi %add3A_259, %rem3A_260 : i32
          %dma_start3A_262 = arith.constant 0 : i32
          %dma_start3A_263 = arith.constant 0 : i32
          %dma_start3A_264 = tpu.memref_slice %arg9[%arg1, %rem3A_261, %dma_start3A_262, %dma_start3A_263] : memref<16x6x64x128xf32, #tpu.memory_space<vmem_shared>> -> memref<1x1x64x128xf32, #tpu.memory_space<vmem_shared>>
          %dma_start3A_265 = tpu.memref_squeeze %dma_start3A_264 : memref<1x1x64x128xf32, #tpu.memory_space<vmem_shared>> -> memref<64x128xf32, #tpu.memory_space<vmem_shared>>
          %dma_start3A_266 = arith.constant 0 : i32
          %dma_start3A_267 = arith.constant 0 : i32
          %dma_start3A_268 = tpu.memref_slice %arg9[%arg1, %rem3A_261, %dma_start3A_266, %dma_start3A_267] : memref<16x6x64x128xf32, #tpu.memory_space<vmem_shared>> -> memref<1x1x64x128xf32, #tpu.memory_space<vmem_shared>>
          %dma_start3A_269 = tpu.memref_squeeze %dma_start3A_268 : memref<1x1x64x128xf32, #tpu.memory_space<vmem_shared>> -> memref<64x128xf32, #tpu.memory_space<vmem_shared>>
          tpu.enqueue_dma source(%dma_start3A_269 : memref<64x128xf32, #tpu.memory_space<vmem_shared>>) target(%arg10 : memref<64x128xf32, #tpu.memory_space<vmem>>) target_semaphore(%arg15 : memref<!tpu.dma_semaphore, #tpu.memory_space<semaphore_mem>>)
        } else {
        }
        %broadcast_in_dim3A = arith.constant 0 : i32
        %broadcast_in_dim3A_224 = vector.broadcast %broadcast_in_dim3A : i32 to vector<16xi32>
        %add3A_225 = vector.broadcast %add3A_202 : i32 to vector<16xi32>
        %add3A_226 = arith.addi %broadcast_in_dim3A_224, %add3A_225 : vector<16xi32>
        %gather3A = tpu.vector_load_idx %arg8[%add3A_226] : memref<256xi32, #tpu.memory_space<vmem>>[vector<16xi32>], vector<16xi32>,
        %iota3A = tpu.iota {dimensions = array<i32: 0>} : vector<16xi32>
        %lt3A_227 = arith.cmpi slt, %iota3A, %gather3A : vector<16xi32>
        %min3A_228 = arith.constant 16 : i32
        %min3A_229 = vector.broadcast %min3A_228 : i32 to vector<16xi32>
        %min3A_230 = arith.minsi %gather3A, %min3A_229 : vector<16xi32>
        %reduce_max3A = arith.constant true
        %reduce_max3A_231 = vector.broadcast %reduce_max3A : i1 to vector<16xi1>
        %reduce_max3A_232 = arith.constant -2147483648 : i32
        %reduce_max3A_233 = vector.broadcast %reduce_max3A_232 : i32 to vector<16xi32>
        %reduce_max3A_234 = arith.xori %min3A_230, %reduce_max3A_233 : vector<16xi32>
        %reduce_max3A_235 = tpu.scan <max>, %reduce_max3A_234 masked %reduce_max3A_231 : vector<16xi32>, vector<16xi1> -> vector<16xi32>
        %reduce_max3A_236 = arith.xori %reduce_max3A_235, %reduce_max3A_233 : vector<16xi32>
        %reduce_max3A_237 = vector.extract %reduce_max3A_236[15] : i32 from vector<16xi32>
        %gt3A_238 = arith.constant 0 : i32
        %gt3A_239 = arith.cmpi sgt, %reduce_max3A_237, %gt3A_238 : i32
        %convert_element_type3A_240 = arith.extui %gt3A_239 : i1 to i32
        %cond3A_241 = arith.constant 0 : i32
        %cond3A_242 = arith.cmpi ne, %convert_element_type3A_240, %cond3A_241 : i32
        %cond3A_243 = scf.if %cond3A_242 -> (i32) {
          %mul3A_244 = arith.constant 16 : i32
          %mul3A_245 = arith.muli %add3A_202, %mul3A_244 : i32
          %get3A = arith.index_cast %mul3A_245 : i32 to index
          %get3A_246 = tpu.vector_load %arg7[%get3A] {strides = array<i32>} : memref<4096xi32, #tpu.memory_space<vmem>>, vector<16xi32>,
          %and3A = arith.constant 16383 : i32
          %and3A_247 = vector.broadcast %and3A : i32 to vector<16xi32>
          %and3A_248 = arith.andi %get3A_246, %and3A_247 : vector<16xi32>
          %shift_right_logical3A = arith.constant 14 : i32
          %shift_right_logical3A_249 = vector.broadcast %shift_right_logical3A : i32 to vector<16xi32>
          %shift_right_logical3A_250 = arith.shrui %get3A_246, %shift_right_logical3A_249 : vector<16xi32>
          %convert_element_type3A_251 = arith.extui %lt3A_227 : vector<16xi1> to vector<16xi32>
          %broadcast_in_dim3A_252 = arith.constant true
          %broadcast_in_dim3A_253 = vector.broadcast %broadcast_in_dim3A_252 : i1 to vector<16xi1>
          %masked_cumsum3A = tpu.scan <sum>, %convert_element_type3A_251 masked %broadcast_in_dim3A_253 : vector<16xi32>, vector<16xi1> -> vector<16xi32>
          %add3A_254 = vector.broadcast %cond3A_189 : i32 to vector<16xi32>
          %add3A_255 = arith.addi %add3A_254, %masked_cumsum3A : vector<16xi32>
          %sub3A = arith.constant 1 : i32
          %sub3A_256 = vector.broadcast %sub3A : i32 to vector<16xi32>
          %sub3A_257 = arith.subi %add3A_255, %sub3A_256 : vector<16xi32>
          %broadcast_in_dim3A_258 = arith.constant 0 : i32
          %broadcast_in_dim3A_259 = vector.broadcast %broadcast_in_dim3A_258 : i32 to vector<16xi32>
          %gather3A_260 = tpu.vector_load_idx %arg11[%broadcast_in_dim3A_259, %shift_right_logical3A_250] masked %lt3A_227 : memref<64x128xf32, #tpu.memory_space<vmem>>[vector<16xi32>, vector<16xi32>], vector<16xf32>, vector<16xi1>
          tpu.vector_store_idx %arg12[%sub3A_257, %broadcast_in_dim3A_259], %gather3A_260 masked %lt3A_227 : memref<128x128xf32, #tpu.memory_space<vmem>>[vector<16xi32>, vector<16xi32>], vector<16xf32>, vector<16xi1>
          %broadcast_in_dim3A_261 = arith.constant 1 : i32
          %broadcast_in_dim3A_262 = vector.broadcast %broadcast_in_dim3A_261 : i32 to vector<16xi32>
          %gather3A_263 = tpu.vector_load_idx %arg11[%broadcast_in_dim3A_262, %shift_right_logical3A_250] masked %lt3A_227 : memref<64x128xf32, #tpu.memory_space<vmem>>[vector<16xi32>, vector<16xi32>], vector<16xf32>, vector<16xi1>
          tpu.vector_store_idx %arg12[%sub3A_257, %broadcast_in_dim3A_262], %gather3A_263 masked %lt3A_227 : memref<128x128xf32, #tpu.memory_space<vmem>>[vector<16xi32>, vector<16xi32>], vector<16xf32>, vector<16xi1>
          %broadcast_in_dim3A_264 = arith.constant 2 : i32
          %broadcast_in_dim3A_265 = vector.broadcast %broadcast_in_dim3A_264 : i32 to vector<16xi32>
          %gather3A_266 = tpu.vector_load_idx %arg11[%broadcast_in_dim3A_265, %shift_right_logical3A_250] masked %lt3A_227 : memref<64x128xf32, #tpu.memory_space<vmem>>[vector<16xi32>, vector<16xi32>], vector<16xf32>, vector<16xi1>
          tpu.vector_store_idx %arg12[%sub3A_257, %broadcast_in_dim3A_265], %gather3A_266 masked %lt3A_227 : memref<128x128xf32, #tpu.memory_space<vmem>>[vector<16xi32>, vector<16xi32>], vector<16xf32>, vector<16xi1>
          %broadcast_in_dim3A_267 = arith.constant 3 : i32
          %broadcast_in_dim3A_268 = vector.broadcast %broadcast_in_dim3A_267 : i32 to vector<16xi32>
          %gather3A_269 = tpu.vector_load_idx %arg11[%broadcast_in_dim3A_268, %shift_right_logical3A_250] masked %lt3A_227 : memref<64x128xf32, #tpu.memory_space<vmem>>[vector<16xi32>, vector<16xi32>], vector<16xf32>, vector<16xi1>
          tpu.vector_store_idx %arg12[%sub3A_257, %broadcast_in_dim3A_268], %gather3A_269 masked %lt3A_227 : memref<128x128xf32, #tpu.memory_space<vmem>>[vector<16xi32>, vector<16xi32>], vector<16xf32>, vector<16xi1>
          %broadcast_in_dim3A_270 = arith.constant 4 : i32
          %broadcast_in_dim3A_271 = vector.broadcast %broadcast_in_dim3A_270 : i32 to vector<16xi32>
          %gather3A_272 = tpu.vector_load_idx %arg11[%broadcast_in_dim3A_271, %shift_right_logical3A_250] masked %lt3A_227 : memref<64x128xf32, #tpu.memory_space<vmem>>[vector<16xi32>, vector<16xi32>], vector<16xf32>, vector<16xi1>
          tpu.vector_store_idx %arg12[%sub3A_257, %broadcast_in_dim3A_271], %gather3A_272 masked %lt3A_227 : memref<128x128xf32, #tpu.memory_space<vmem>>[vector<16xi32>, vector<16xi32>], vector<16xf32>, vector<16xi1>
          %broadcast_in_dim3A_273 = arith.constant 5 : i32
          %broadcast_in_dim3A_274 = vector.broadcast %broadcast_in_dim3A_273 : i32 to vector<16xi32>
          %gather3A_275 = tpu.vector_load_idx %arg11[%broadcast_in_dim3A_274, %shift_right_logical3A_250] masked %lt3A_227 : memref<64x128xf32, #tpu.memory_space<vmem>>[vector<16xi32>, vector<16xi32>], vector<16xf32>, vector<16xi1>
          tpu.vector_store_idx %arg12[%sub3A_257, %broadcast_in_dim3A_274], %gather3A_275 masked %lt3A_227 : memref<128x128xf32, #tpu.memory_space<vmem>>[vector<16xi32>, vector<16xi32>], vector<16xf32>, vector<16xi1>
          %broadcast_in_dim3A_276 = arith.constant 6 : i32
          %broadcast_in_dim3A_277 = vector.broadcast %broadcast_in_dim3A_276 : i32 to vector<16xi32>
          %gather3A_278 = tpu.vector_load_idx %arg11[%broadcast_in_dim3A_277, %shift_right_logical3A_250] masked %lt3A_227 : memref<64x128xf32, #tpu.memory_space<vmem>>[vector<16xi32>, vector<16xi32>], vector<16xf32>, vector<16xi1>
          tpu.vector_store_idx %arg12[%sub3A_257, %broadcast_in_dim3A_277], %gather3A_278 masked %lt3A_227 : memref<128x128xf32, #tpu.memory_space<vmem>>[vector<16xi32>, vector<16xi32>], vector<16xf32>, vector<16xi1>
          %broadcast_in_dim3A_279 = arith.constant 7 : i32
          %broadcast_in_dim3A_280 = vector.broadcast %broadcast_in_dim3A_279 : i32 to vector<16xi32>
          %gather3A_281 = tpu.vector_load_idx %arg11[%broadcast_in_dim3A_280, %shift_right_logical3A_250] masked %lt3A_227 : memref<64x128xf32, #tpu.memory_space<vmem>>[vector<16xi32>, vector<16xi32>], vector<16xf32>, vector<16xi1>
          tpu.vector_store_idx %arg12[%sub3A_257, %broadcast_in_dim3A_280], %gather3A_281 masked %lt3A_227 : memref<128x128xf32, #tpu.memory_space<vmem>>[vector<16xi32>, vector<16xi32>], vector<16xf32>, vector<16xi1>
          %broadcast_in_dim3A_282 = arith.constant 8 : i32
          %broadcast_in_dim3A_283 = vector.broadcast %broadcast_in_dim3A_282 : i32 to vector<16xi32>
          %gather3A_284 = tpu.vector_load_idx %arg11[%broadcast_in_dim3A_283, %shift_right_logical3A_250] masked %lt3A_227 : memref<64x128xf32, #tpu.memory_space<vmem>>[vector<16xi32>, vector<16xi32>], vector<16xf32>, vector<16xi1>
          tpu.vector_store_idx %arg12[%sub3A_257, %broadcast_in_dim3A_283], %gather3A_284 masked %lt3A_227 : memref<128x128xf32, #tpu.memory_space<vmem>>[vector<16xi32>, vector<16xi32>], vector<16xf32>, vector<16xi1>
          %broadcast_in_dim3A_285 = arith.constant 9 : i32
          %broadcast_in_dim3A_286 = vector.broadcast %broadcast_in_dim3A_285 : i32 to vector<16xi32>
          %gather3A_287 = tpu.vector_load_idx %arg11[%broadcast_in_dim3A_286, %shift_right_logical3A_250] masked %lt3A_227 : memref<64x128xf32, #tpu.memory_space<vmem>>[vector<16xi32>, vector<16xi32>], vector<16xf32>, vector<16xi1>
          tpu.vector_store_idx %arg12[%sub3A_257, %broadcast_in_dim3A_286], %gather3A_287 masked %lt3A_227 : memref<128x128xf32, #tpu.memory_space<vmem>>[vector<16xi32>, vector<16xi32>], vector<16xf32>, vector<16xi1>
          %broadcast_in_dim3A_288 = arith.constant 10 : i32
          %broadcast_in_dim3A_289 = vector.broadcast %broadcast_in_dim3A_288 : i32 to vector<16xi32>
          %gather3A_290 = tpu.vector_load_idx %arg11[%broadcast_in_dim3A_289, %shift_right_logical3A_250] masked %lt3A_227 : memref<64x128xf32, #tpu.memory_space<vmem>>[vector<16xi32>, vector<16xi32>], vector<16xf32>, vector<16xi1>
          tpu.vector_store_idx %arg12[%sub3A_257, %broadcast_in_dim3A_289], %gather3A_290 masked %lt3A_227 : memref<128x128xf32, #tpu.memory_space<vmem>>[vector<16xi32>, vector<16xi32>], vector<16xf32>, vector<16xi1>
          %broadcast_in_dim3A_291 = arith.constant 11 : i32
          %broadcast_in_dim3A_292 = vector.broadcast %broadcast_in_dim3A_291 : i32 to vector<16xi32>
          %gather3A_293 = tpu.vector_load_idx %arg11[%broadcast_in_dim3A_292, %shift_right_logical3A_250] masked %lt3A_227 : memref<64x128xf32, #tpu.memory_space<vmem>>[vector<16xi32>, vector<16xi32>], vector<16xf32>, vector<16xi1>
          tpu.vector_store_idx %arg12[%sub3A_257, %broadcast_in_dim3A_292], %gather3A_293 masked %lt3A_227 : memref<128x128xf32, #tpu.memory_space<vmem>>[vector<16xi32>, vector<16xi32>], vector<16xf32>, vector<16xi1>
          %broadcast_in_dim3A_294 = arith.constant 12 : i32
          %broadcast_in_dim3A_295 = vector.broadcast %broadcast_in_dim3A_294 : i32 to vector<16xi32>
          %gather3A_296 = tpu.vector_load_idx %arg11[%broadcast_in_dim3A_295, %shift_right_logical3A_250] masked %lt3A_227 : memref<64x128xf32, #tpu.memory_space<vmem>>[vector<16xi32>, vector<16xi32>], vector<16xf32>, vector<16xi1>
          tpu.vector_store_idx %arg12[%sub3A_257, %broadcast_in_dim3A_295], %gather3A_296 masked %lt3A_227 : memref<128x128xf32, #tpu.memory_space<vmem>>[vector<16xi32>, vector<16xi32>], vector<16xf32>, vector<16xi1>
          %broadcast_in_dim3A_297 = arith.constant 13 : i32
          %broadcast_in_dim3A_298 = vector.broadcast %broadcast_in_dim3A_297 : i32 to vector<16xi32>
          %gather3A_299 = tpu.vector_load_idx %arg11[%broadcast_in_dim3A_298, %shift_right_logical3A_250] masked %lt3A_227 : memref<64x128xf32, #tpu.memory_space<vmem>>[vector<16xi32>, vector<16xi32>], vector<16xf32>, vector<16xi1>
          tpu.vector_store_idx %arg12[%sub3A_257, %broadcast_in_dim3A_298], %gather3A_299 masked %lt3A_227 : memref<128x128xf32, #tpu.memory_space<vmem>>[vector<16xi32>, vector<16xi32>], vector<16xf32>, vector<16xi1>
          %broadcast_in_dim3A_300 = arith.constant 14 : i32
          %broadcast_in_dim3A_301 = vector.broadcast %broadcast_in_dim3A_300 : i32 to vector<16xi32>
          %gather3A_302 = tpu.vector_load_idx %arg11[%broadcast_in_dim3A_301, %shift_right_logical3A_250] masked %lt3A_227 : memref<64x128xf32, #tpu.memory_space<vmem>>[vector<16xi32>, vector<16xi32>], vector<16xf32>, vector<16xi1>
          tpu.vector_store_idx %arg12[%sub3A_257, %broadcast_in_dim3A_301], %gather3A_302 masked %lt3A_227 : memref<128x128xf32, #tpu.memory_space<vmem>>[vector<16xi32>, vector<16xi32>], vector<16xf32>, vector<16xi1>
          %broadcast_in_dim3A_303 = arith.constant 15 : i32
          %broadcast_in_dim3A_304 = vector.broadcast %broadcast_in_dim3A_303 : i32 to vector<16xi32>
          %gather3A_305 = tpu.vector_load_idx %arg11[%broadcast_in_dim3A_304, %shift_right_logical3A_250] masked %lt3A_227 : memref<64x128xf32, #tpu.memory_space<vmem>>[vector<16xi32>, vector<16xi32>], vector<16xf32>, vector<16xi1>
          tpu.vector_store_idx %arg12[%sub3A_257, %broadcast_in_dim3A_304], %gather3A_305 masked %lt3A_227 : memref<128x128xf32, #tpu.memory_space<vmem>>[vector<16xi32>, vector<16xi32>], vector<16xf32>, vector<16xi1>
          %broadcast_in_dim3A_306 = arith.constant 16 : i32
          %broadcast_in_dim3A_307 = vector.broadcast %broadcast_in_dim3A_306 : i32 to vector<16xi32>
          %gather3A_308 = tpu.vector_load_idx %arg11[%broadcast_in_dim3A_307, %shift_right_logical3A_250] masked %lt3A_227 : memref<64x128xf32, #tpu.memory_space<vmem>>[vector<16xi32>, vector<16xi32>], vector<16xf32>, vector<16xi1>
          tpu.vector_store_idx %arg12[%sub3A_257, %broadcast_in_dim3A_307], %gather3A_308 masked %lt3A_227 : memref<128x128xf32, #tpu.memory_space<vmem>>[vector<16xi32>, vector<16xi32>], vector<16xf32>, vector<16xi1>
          %broadcast_in_dim3A_309 = arith.constant 17 : i32
          %broadcast_in_dim3A_310 = vector.broadcast %broadcast_in_dim3A_309 : i32 to vector<16xi32>
          %gather3A_311 = tpu.vector_load_idx %arg11[%broadcast_in_dim3A_310, %shift_right_logical3A_250] masked %lt3A_227 : memref<64x128xf32, #tpu.memory_space<vmem>>[vector<16xi32>, vector<16xi32>], vector<16xf32>, vector<16xi1>
          tpu.vector_store_idx %arg12[%sub3A_257, %broadcast_in_dim3A_310], %gather3A_311 masked %lt3A_227 : memref<128x128xf32, #tpu.memory_space<vmem>>[vector<16xi32>, vector<16xi32>], vector<16xf32>, vector<16xi1>
          %broadcast_in_dim3A_312 = arith.constant 18 : i32
          %broadcast_in_dim3A_313 = vector.broadcast %broadcast_in_dim3A_312 : i32 to vector<16xi32>
          %gather3A_314 = tpu.vector_load_idx %arg11[%broadcast_in_dim3A_313, %shift_right_logical3A_250] masked %lt3A_227 : memref<64x128xf32, #tpu.memory_space<vmem>>[vector<16xi32>, vector<16xi32>], vector<16xf32>, vector<16xi1>
          tpu.vector_store_idx %arg12[%sub3A_257, %broadcast_in_dim3A_313], %gather3A_314 masked %lt3A_227 : memref<128x128xf32, #tpu.memory_space<vmem>>[vector<16xi32>, vector<16xi32>], vector<16xf32>, vector<16xi1>
          %broadcast_in_dim3A_315 = arith.constant 19 : i32
          %broadcast_in_dim3A_316 = vector.broadcast %broadcast_in_dim3A_315 : i32 to vector<16xi32>
          %gather3A_317 = tpu.vector_load_idx %arg11[%broadcast_in_dim3A_316, %shift_right_logical3A_250] masked %lt3A_227 : memref<64x128xf32, #tpu.memory_space<vmem>>[vector<16xi32>, vector<16xi32>], vector<16xf32>, vector<16xi1>
          tpu.vector_store_idx %arg12[%sub3A_257, %broadcast_in_dim3A_316], %gather3A_317 masked %lt3A_227 : memref<128x128xf32, #tpu.memory_space<vmem>>[vector<16xi32>, vector<16xi32>], vector<16xf32>, vector<16xi1>
          %broadcast_in_dim3A_318 = arith.constant 20 : i32
          %broadcast_in_dim3A_319 = vector.broadcast %broadcast_in_dim3A_318 : i32 to vector<16xi32>
          %gather3A_320 = tpu.vector_load_idx %arg11[%broadcast_in_dim3A_319, %shift_right_logical3A_250] masked %lt3A_227 : memref<64x128xf32, #tpu.memory_space<vmem>>[vector<16xi32>, vector<16xi32>], vector<16xf32>, vector<16xi1>
          tpu.vector_store_idx %arg12[%sub3A_257, %broadcast_in_dim3A_319], %gather3A_320 masked %lt3A_227 : memref<128x128xf32, #tpu.memory_space<vmem>>[vector<16xi32>, vector<16xi32>], vector<16xf32>, vector<16xi1>
          %broadcast_in_dim3A_321 = arith.constant 21 : i32
          %broadcast_in_dim3A_322 = vector.broadcast %broadcast_in_dim3A_321 : i32 to vector<16xi32>
          %gather3A_323 = tpu.vector_load_idx %arg11[%broadcast_in_dim3A_322, %shift_right_logical3A_250] masked %lt3A_227 : memref<64x128xf32, #tpu.memory_space<vmem>>[vector<16xi32>, vector<16xi32>], vector<16xf32>, vector<16xi1>
          tpu.vector_store_idx %arg12[%sub3A_257, %broadcast_in_dim3A_322], %gather3A_323 masked %lt3A_227 : memref<128x128xf32, #tpu.memory_space<vmem>>[vector<16xi32>, vector<16xi32>], vector<16xf32>, vector<16xi1>
          %broadcast_in_dim3A_324 = arith.constant 22 : i32
          %broadcast_in_dim3A_325 = vector.broadcast %broadcast_in_dim3A_324 : i32 to vector<16xi32>
          %gather3A_326 = tpu.vector_load_idx %arg11[%broadcast_in_dim3A_325, %shift_right_logical3A_250] masked %lt3A_227 : memref<64x128xf32, #tpu.memory_space<vmem>>[vector<16xi32>, vector<16xi32>], vector<16xf32>, vector<16xi1>
          tpu.vector_store_idx %arg12[%sub3A_257, %broadcast_in_dim3A_325], %gather3A_326 masked %lt3A_227 : memref<128x128xf32, #tpu.memory_space<vmem>>[vector<16xi32>, vector<16xi32>], vector<16xf32>, vector<16xi1>
          %broadcast_in_dim3A_327 = arith.constant 23 : i32
          %broadcast_in_dim3A_328 = vector.broadcast %broadcast_in_dim3A_327 : i32 to vector<16xi32>
          %gather3A_329 = tpu.vector_load_idx %arg11[%broadcast_in_dim3A_328, %shift_right_logical3A_250] masked %lt3A_227 : memref<64x128xf32, #tpu.memory_space<vmem>>[vector<16xi32>, vector<16xi32>], vector<16xf32>, vector<16xi1>
          tpu.vector_store_idx %arg12[%sub3A_257, %broadcast_in_dim3A_328], %gather3A_329 masked %lt3A_227 : memref<128x128xf32, #tpu.memory_space<vmem>>[vector<16xi32>, vector<16xi32>], vector<16xf32>, vector<16xi1>
          %broadcast_in_dim3A_330 = arith.constant 24 : i32
          %broadcast_in_dim3A_331 = vector.broadcast %broadcast_in_dim3A_330 : i32 to vector<16xi32>
          %gather3A_332 = tpu.vector_load_idx %arg11[%broadcast_in_dim3A_331, %shift_right_logical3A_250] masked %lt3A_227 : memref<64x128xf32, #tpu.memory_space<vmem>>[vector<16xi32>, vector<16xi32>], vector<16xf32>, vector<16xi1>
          tpu.vector_store_idx %arg12[%sub3A_257, %broadcast_in_dim3A_331], %gather3A_332 masked %lt3A_227 : memref<128x128xf32, #tpu.memory_space<vmem>>[vector<16xi32>, vector<16xi32>], vector<16xf32>, vector<16xi1>
          %broadcast_in_dim3A_333 = arith.constant 25 : i32
          %broadcast_in_dim3A_334 = vector.broadcast %broadcast_in_dim3A_333 : i32 to vector<16xi32>
          %gather3A_335 = tpu.vector_load_idx %arg11[%broadcast_in_dim3A_334, %shift_right_logical3A_250] masked %lt3A_227 : memref<64x128xf32, #tpu.memory_space<vmem>>[vector<16xi32>, vector<16xi32>], vector<16xf32>, vector<16xi1>
          tpu.vector_store_idx %arg12[%sub3A_257, %broadcast_in_dim3A_334], %gather3A_335 masked %lt3A_227 : memref<128x128xf32, #tpu.memory_space<vmem>>[vector<16xi32>, vector<16xi32>], vector<16xf32>, vector<16xi1>
          %broadcast_in_dim3A_336 = arith.constant 26 : i32
          %broadcast_in_dim3A_337 = vector.broadcast %broadcast_in_dim3A_336 : i32 to vector<16xi32>
          %gather3A_338 = tpu.vector_load_idx %arg11[%broadcast_in_dim3A_337, %shift_right_logical3A_250] masked %lt3A_227 : memref<64x128xf32, #tpu.memory_space<vmem>>[vector<16xi32>, vector<16xi32>], vector<16xf32>, vector<16xi1>
          tpu.vector_store_idx %arg12[%sub3A_257, %broadcast_in_dim3A_337], %gather3A_338 masked %lt3A_227 : memref<128x128xf32, #tpu.memory_space<vmem>>[vector<16xi32>, vector<16xi32>], vector<16xf32>, vector<16xi1>
          %broadcast_in_dim3A_339 = arith.constant 27 : i32
          %broadcast_in_dim3A_340 = vector.broadcast %broadcast_in_dim3A_339 : i32 to vector<16xi32>
          %gather3A_341 = tpu.vector_load_idx %arg11[%broadcast_in_dim3A_340, %shift_right_logical3A_250] masked %lt3A_227 : memref<64x128xf32, #tpu.memory_space<vmem>>[vector<16xi32>, vector<16xi32>], vector<16xf32>, vector<16xi1>
          tpu.vector_store_idx %arg12[%sub3A_257, %broadcast_in_dim3A_340], %gather3A_341 masked %lt3A_227 : memref<128x128xf32, #tpu.memory_space<vmem>>[vector<16xi32>, vector<16xi32>], vector<16xf32>, vector<16xi1>
          %broadcast_in_dim3A_342 = arith.constant 28 : i32
          %broadcast_in_dim3A_343 = vector.broadcast %broadcast_in_dim3A_342 : i32 to vector<16xi32>
          %gather3A_344 = tpu.vector_load_idx %arg11[%broadcast_in_dim3A_343, %shift_right_logical3A_250] masked %lt3A_227 : memref<64x128xf32, #tpu.memory_space<vmem>>[vector<16xi32>, vector<16xi32>], vector<16xf32>, vector<16xi1>
          tpu.vector_store_idx %arg12[%sub3A_257, %broadcast_in_dim3A_343], %gather3A_344 masked %lt3A_227 : memref<128x128xf32, #tpu.memory_space<vmem>>[vector<16xi32>, vector<16xi32>], vector<16xf32>, vector<16xi1>
          %broadcast_in_dim3A_345 = arith.constant 29 : i32
          %broadcast_in_dim3A_346 = vector.broadcast %broadcast_in_dim3A_345 : i32 to vector<16xi32>
          %gather3A_347 = tpu.vector_load_idx %arg11[%broadcast_in_dim3A_346, %shift_right_logical3A_250] masked %lt3A_227 : memref<64x128xf32, #tpu.memory_space<vmem>>[vector<16xi32>, vector<16xi32>], vector<16xf32>, vector<16xi1>
          tpu.vector_store_idx %arg12[%sub3A_257, %broadcast_in_dim3A_346], %gather3A_347 masked %lt3A_227 : memref<128x128xf32, #tpu.memory_space<vmem>>[vector<16xi32>, vector<16xi32>], vector<16xf32>, vector<16xi1>
          %broadcast_in_dim3A_348 = arith.constant 30 : i32
          %broadcast_in_dim3A_349 = vector.broadcast %broadcast_in_dim3A_348 : i32 to vector<16xi32>
          %gather3A_350 = tpu.vector_load_idx %arg11[%broadcast_in_dim3A_349, %shift_right_logical3A_250] masked %lt3A_227 : memref<64x128xf32, #tpu.memory_space<vmem>>[vector<16xi32>, vector<16xi32>], vector<16xf32>, vector<16xi1>
          tpu.vector_store_idx %arg12[%sub3A_257, %broadcast_in_dim3A_349], %gather3A_350 masked %lt3A_227 : memref<128x128xf32, #tpu.memory_space<vmem>>[vector<16xi32>, vector<16xi32>], vector<16xf32>, vector<16xi1>
          %broadcast_in_dim3A_351 = arith.constant 31 : i32
          %broadcast_in_dim3A_352 = vector.broadcast %broadcast_in_dim3A_351 : i32 to vector<16xi32>
          %gather3A_353 = tpu.vector_load_idx %arg11[%broadcast_in_dim3A_352, %shift_right_logical3A_250] masked %lt3A_227 : memref<64x128xf32, #tpu.memory_space<vmem>>[vector<16xi32>, vector<16xi32>], vector<16xf32>, vector<16xi1>
          tpu.vector_store_idx %arg12[%sub3A_257, %broadcast_in_dim3A_352], %gather3A_353 masked %lt3A_227 : memref<128x128xf32, #tpu.memory_space<vmem>>[vector<16xi32>, vector<16xi32>], vector<16xf32>, vector<16xi1>
          %broadcast_in_dim3A_354 = arith.constant 32 : i32
          %broadcast_in_dim3A_355 = vector.broadcast %broadcast_in_dim3A_354 : i32 to vector<16xi32>
          %gather3A_356 = tpu.vector_load_idx %arg11[%broadcast_in_dim3A_355, %shift_right_logical3A_250] masked %lt3A_227 : memref<64x128xf32, #tpu.memory_space<vmem>>[vector<16xi32>, vector<16xi32>], vector<16xf32>, vector<16xi1>
          tpu.vector_store_idx %arg12[%sub3A_257, %broadcast_in_dim3A_355], %gather3A_356 masked %lt3A_227 : memref<128x128xf32, #tpu.memory_space<vmem>>[vector<16xi32>, vector<16xi32>], vector<16xf32>, vector<16xi1>
          %broadcast_in_dim3A_357 = arith.constant 33 : i32
          %broadcast_in_dim3A_358 = vector.broadcast %broadcast_in_dim3A_357 : i32 to vector<16xi32>
          %gather3A_359 = tpu.vector_load_idx %arg11[%broadcast_in_dim3A_358, %shift_right_logical3A_250] masked %lt3A_227 : memref<64x128xf32, #tpu.memory_space<vmem>>[vector<16xi32>, vector<16xi32>], vector<16xf32>, vector<16xi1>
          tpu.vector_store_idx %arg12[%sub3A_257, %broadcast_in_dim3A_358], %gather3A_359 masked %lt3A_227 : memref<128x128xf32, #tpu.memory_space<vmem>>[vector<16xi32>, vector<16xi32>], vector<16xf32>, vector<16xi1>
          %broadcast_in_dim3A_360 = arith.constant 34 : i32
          %broadcast_in_dim3A_361 = vector.broadcast %broadcast_in_dim3A_360 : i32 to vector<16xi32>
          %gather3A_362 = tpu.vector_load_idx %arg11[%broadcast_in_dim3A_361, %shift_right_logical3A_250] masked %lt3A_227 : memref<64x128xf32, #tpu.memory_space<vmem>>[vector<16xi32>, vector<16xi32>], vector<16xf32>, vector<16xi1>
          tpu.vector_store_idx %arg12[%sub3A_257, %broadcast_in_dim3A_361], %gather3A_362 masked %lt3A_227 : memref<128x128xf32, #tpu.memory_space<vmem>>[vector<16xi32>, vector<16xi32>], vector<16xf32>, vector<16xi1>
          %broadcast_in_dim3A_363 = arith.constant 35 : i32
          %broadcast_in_dim3A_364 = vector.broadcast %broadcast_in_dim3A_363 : i32 to vector<16xi32>
          %gather3A_365 = tpu.vector_load_idx %arg11[%broadcast_in_dim3A_364, %shift_right_logical3A_250] masked %lt3A_227 : memref<64x128xf32, #tpu.memory_space<vmem>>[vector<16xi32>, vector<16xi32>], vector<16xf32>, vector<16xi1>
          tpu.vector_store_idx %arg12[%sub3A_257, %broadcast_in_dim3A_364], %gather3A_365 masked %lt3A_227 : memref<128x128xf32, #tpu.memory_space<vmem>>[vector<16xi32>, vector<16xi32>], vector<16xf32>, vector<16xi1>
          %broadcast_in_dim3A_366 = arith.constant 36 : i32
          %broadcast_in_dim3A_367 = vector.broadcast %broadcast_in_dim3A_366 : i32 to vector<16xi32>
          %gather3A_368 = tpu.vector_load_idx %arg11[%broadcast_in_dim3A_367, %shift_right_logical3A_250] masked %lt3A_227 : memref<64x128xf32, #tpu.memory_space<vmem>>[vector<16xi32>, vector<16xi32>], vector<16xf32>, vector<16xi1>
          tpu.vector_store_idx %arg12[%sub3A_257, %broadcast_in_dim3A_367], %gather3A_368 masked %lt3A_227 : memref<128x128xf32, #tpu.memory_space<vmem>>[vector<16xi32>, vector<16xi32>], vector<16xf32>, vector<16xi1>
          %broadcast_in_dim3A_369 = arith.constant 37 : i32
          %broadcast_in_dim3A_370 = vector.broadcast %broadcast_in_dim3A_369 : i32 to vector<16xi32>
          %gather3A_371 = tpu.vector_load_idx %arg11[%broadcast_in_dim3A_370, %shift_right_logical3A_250] masked %lt3A_227 : memref<64x128xf32, #tpu.memory_space<vmem>>[vector<16xi32>, vector<16xi32>], vector<16xf32>, vector<16xi1>
          tpu.vector_store_idx %arg12[%sub3A_257, %broadcast_in_dim3A_370], %gather3A_371 masked %lt3A_227 : memref<128x128xf32, #tpu.memory_space<vmem>>[vector<16xi32>, vector<16xi32>], vector<16xf32>, vector<16xi1>
          %broadcast_in_dim3A_372 = arith.constant 38 : i32
          %broadcast_in_dim3A_373 = vector.broadcast %broadcast_in_dim3A_372 : i32 to vector<16xi32>
          %gather3A_374 = tpu.vector_load_idx %arg11[%broadcast_in_dim3A_373, %shift_right_logical3A_250] masked %lt3A_227 : memref<64x128xf32, #tpu.memory_space<vmem>>[vector<16xi32>, vector<16xi32>], vector<16xf32>, vector<16xi1>
          tpu.vector_store_idx %arg12[%sub3A_257, %broadcast_in_dim3A_373], %gather3A_374 masked %lt3A_227 : memref<128x128xf32, #tpu.memory_space<vmem>>[vector<16xi32>, vector<16xi32>], vector<16xf32>, vector<16xi1>
          %broadcast_in_dim3A_375 = arith.constant 39 : i32
          %broadcast_in_dim3A_376 = vector.broadcast %broadcast_in_dim3A_375 : i32 to vector<16xi32>
          %gather3A_377 = tpu.vector_load_idx %arg11[%broadcast_in_dim3A_376, %shift_right_logical3A_250] masked %lt3A_227 : memref<64x128xf32, #tpu.memory_space<vmem>>[vector<16xi32>, vector<16xi32>], vector<16xf32>, vector<16xi1>
          tpu.vector_store_idx %arg12[%sub3A_257, %broadcast_in_dim3A_376], %gather3A_377 masked %lt3A_227 : memref<128x128xf32, #tpu.memory_space<vmem>>[vector<16xi32>, vector<16xi32>], vector<16xf32>, vector<16xi1>
          %broadcast_in_dim3A_378 = arith.constant 40 : i32
          %broadcast_in_dim3A_379 = vector.broadcast %broadcast_in_dim3A_378 : i32 to vector<16xi32>
          %gather3A_380 = tpu.vector_load_idx %arg11[%broadcast_in_dim3A_379, %shift_right_logical3A_250] masked %lt3A_227 : memref<64x128xf32, #tpu.memory_space<vmem>>[vector<16xi32>, vector<16xi32>], vector<16xf32>, vector<16xi1>
          tpu.vector_store_idx %arg12[%sub3A_257, %broadcast_in_dim3A_379], %gather3A_380 masked %lt3A_227 : memref<128x128xf32, #tpu.memory_space<vmem>>[vector<16xi32>, vector<16xi32>], vector<16xf32>, vector<16xi1>
          %broadcast_in_dim3A_381 = arith.constant 41 : i32
          %broadcast_in_dim3A_382 = vector.broadcast %broadcast_in_dim3A_381 : i32 to vector<16xi32>
          %gather3A_383 = tpu.vector_load_idx %arg11[%broadcast_in_dim3A_382, %shift_right_logical3A_250] masked %lt3A_227 : memref<64x128xf32, #tpu.memory_space<vmem>>[vector<16xi32>, vector<16xi32>], vector<16xf32>, vector<16xi1>
          tpu.vector_store_idx %arg12[%sub3A_257, %broadcast_in_dim3A_382], %gather3A_383 masked %lt3A_227 : memref<128x128xf32, #tpu.memory_space<vmem>>[vector<16xi32>, vector<16xi32>], vector<16xf32>, vector<16xi1>
          %broadcast_in_dim3A_384 = arith.constant 42 : i32
          %broadcast_in_dim3A_385 = vector.broadcast %broadcast_in_dim3A_384 : i32 to vector<16xi32>
          %gather3A_386 = tpu.vector_load_idx %arg11[%broadcast_in_dim3A_385, %shift_right_logical3A_250] masked %lt3A_227 : memref<64x128xf32, #tpu.memory_space<vmem>>[vector<16xi32>, vector<16xi32>], vector<16xf32>, vector<16xi1>
          tpu.vector_store_idx %arg12[%sub3A_257, %broadcast_in_dim3A_385], %gather3A_386 masked %lt3A_227 : memref<128x128xf32, #tpu.memory_space<vmem>>[vector<16xi32>, vector<16xi32>], vector<16xf32>, vector<16xi1>
          %broadcast_in_dim3A_387 = arith.constant 43 : i32
          %broadcast_in_dim3A_388 = vector.broadcast %broadcast_in_dim3A_387 : i32 to vector<16xi32>
          %gather3A_389 = tpu.vector_load_idx %arg11[%broadcast_in_dim3A_388, %shift_right_logical3A_250] masked %lt3A_227 : memref<64x128xf32, #tpu.memory_space<vmem>>[vector<16xi32>, vector<16xi32>], vector<16xf32>, vector<16xi1>
          tpu.vector_store_idx %arg12[%sub3A_257, %broadcast_in_dim3A_388], %gather3A_389 masked %lt3A_227 : memref<128x128xf32, #tpu.memory_space<vmem>>[vector<16xi32>, vector<16xi32>], vector<16xf32>, vector<16xi1>
          %broadcast_in_dim3A_390 = arith.constant 44 : i32
          %broadcast_in_dim3A_391 = vector.broadcast %broadcast_in_dim3A_390 : i32 to vector<16xi32>
          %gather3A_392 = tpu.vector_load_idx %arg11[%broadcast_in_dim3A_391, %shift_right_logical3A_250] masked %lt3A_227 : memref<64x128xf32, #tpu.memory_space<vmem>>[vector<16xi32>, vector<16xi32>], vector<16xf32>, vector<16xi1>
          tpu.vector_store_idx %arg12[%sub3A_257, %broadcast_in_dim3A_391], %gather3A_392 masked %lt3A_227 : memref<128x128xf32, #tpu.memory_space<vmem>>[vector<16xi32>, vector<16xi32>], vector<16xf32>, vector<16xi1>
          %broadcast_in_dim3A_393 = arith.constant 45 : i32
          %broadcast_in_dim3A_394 = vector.broadcast %broadcast_in_dim3A_393 : i32 to vector<16xi32>
          %gather3A_395 = tpu.vector_load_idx %arg11[%broadcast_in_dim3A_394, %shift_right_logical3A_250] masked %lt3A_227 : memref<64x128xf32, #tpu.memory_space<vmem>>[vector<16xi32>, vector<16xi32>], vector<16xf32>, vector<16xi1>
          tpu.vector_store_idx %arg12[%sub3A_257, %broadcast_in_dim3A_394], %gather3A_395 masked %lt3A_227 : memref<128x128xf32, #tpu.memory_space<vmem>>[vector<16xi32>, vector<16xi32>], vector<16xf32>, vector<16xi1>
          %broadcast_in_dim3A_396 = arith.constant 46 : i32
          %broadcast_in_dim3A_397 = vector.broadcast %broadcast_in_dim3A_396 : i32 to vector<16xi32>
          %gather3A_398 = tpu.vector_load_idx %arg11[%broadcast_in_dim3A_397, %shift_right_logical3A_250] masked %lt3A_227 : memref<64x128xf32, #tpu.memory_space<vmem>>[vector<16xi32>, vector<16xi32>], vector<16xf32>, vector<16xi1>
          tpu.vector_store_idx %arg12[%sub3A_257, %broadcast_in_dim3A_397], %gather3A_398 masked %lt3A_227 : memref<128x128xf32, #tpu.memory_space<vmem>>[vector<16xi32>, vector<16xi32>], vector<16xf32>, vector<16xi1>
          %broadcast_in_dim3A_399 = arith.constant 47 : i32
          %broadcast_in_dim3A_400 = vector.broadcast %broadcast_in_dim3A_399 : i32 to vector<16xi32>
          %gather3A_401 = tpu.vector_load_idx %arg11[%broadcast_in_dim3A_400, %shift_right_logical3A_250] masked %lt3A_227 : memref<64x128xf32, #tpu.memory_space<vmem>>[vector<16xi32>, vector<16xi32>], vector<16xf32>, vector<16xi1>
          tpu.vector_store_idx %arg12[%sub3A_257, %broadcast_in_dim3A_400], %gather3A_401 masked %lt3A_227 : memref<128x128xf32, #tpu.memory_space<vmem>>[vector<16xi32>, vector<16xi32>], vector<16xf32>, vector<16xi1>
          %broadcast_in_dim3A_402 = arith.constant 48 : i32
          %broadcast_in_dim3A_403 = vector.broadcast %broadcast_in_dim3A_402 : i32 to vector<16xi32>
          %gather3A_404 = tpu.vector_load_idx %arg11[%broadcast_in_dim3A_403, %shift_right_logical3A_250] masked %lt3A_227 : memref<64x128xf32, #tpu.memory_space<vmem>>[vector<16xi32>, vector<16xi32>], vector<16xf32>, vector<16xi1>
          tpu.vector_store_idx %arg12[%sub3A_257, %broadcast_in_dim3A_403], %gather3A_404 masked %lt3A_227 : memref<128x128xf32, #tpu.memory_space<vmem>>[vector<16xi32>, vector<16xi32>], vector<16xf32>, vector<16xi1>
          %broadcast_in_dim3A_405 = arith.constant 49 : i32
          %broadcast_in_dim3A_406 = vector.broadcast %broadcast_in_dim3A_405 : i32 to vector<16xi32>
          %gather3A_407 = tpu.vector_load_idx %arg11[%broadcast_in_dim3A_406, %shift_right_logical3A_250] masked %lt3A_227 : memref<64x128xf32, #tpu.memory_space<vmem>>[vector<16xi32>, vector<16xi32>], vector<16xf32>, vector<16xi1>
          tpu.vector_store_idx %arg12[%sub3A_257, %broadcast_in_dim3A_406], %gather3A_407 masked %lt3A_227 : memref<128x128xf32, #tpu.memory_space<vmem>>[vector<16xi32>, vector<16xi32>], vector<16xf32>, vector<16xi1>
          %broadcast_in_dim3A_408 = arith.constant 50 : i32
          %broadcast_in_dim3A_409 = vector.broadcast %broadcast_in_dim3A_408 : i32 to vector<16xi32>
          %gather3A_410 = tpu.vector_load_idx %arg11[%broadcast_in_dim3A_409, %shift_right_logical3A_250] masked %lt3A_227 : memref<64x128xf32, #tpu.memory_space<vmem>>[vector<16xi32>, vector<16xi32>], vector<16xf32>, vector<16xi1>
          tpu.vector_store_idx %arg12[%sub3A_257, %broadcast_in_dim3A_409], %gather3A_410 masked %lt3A_227 : memref<128x128xf32, #tpu.memory_space<vmem>>[vector<16xi32>, vector<16xi32>], vector<16xf32>, vector<16xi1>
          %broadcast_in_dim3A_411 = arith.constant 51 : i32
          %broadcast_in_dim3A_412 = vector.broadcast %broadcast_in_dim3A_411 : i32 to vector<16xi32>
          %gather3A_413 = tpu.vector_load_idx %arg11[%broadcast_in_dim3A_412, %shift_right_logical3A_250] masked %lt3A_227 : memref<64x128xf32, #tpu.memory_space<vmem>>[vector<16xi32>, vector<16xi32>], vector<16xf32>, vector<16xi1>
          tpu.vector_store_idx %arg12[%sub3A_257, %broadcast_in_dim3A_412], %gather3A_413 masked %lt3A_227 : memref<128x128xf32, #tpu.memory_space<vmem>>[vector<16xi32>, vector<16xi32>], vector<16xf32>, vector<16xi1>
          %broadcast_in_dim3A_414 = arith.constant 52 : i32
          %broadcast_in_dim3A_415 = vector.broadcast %broadcast_in_dim3A_414 : i32 to vector<16xi32>
          %gather3A_416 = tpu.vector_load_idx %arg11[%broadcast_in_dim3A_415, %shift_right_logical3A_250] masked %lt3A_227 : memref<64x128xf32, #tpu.memory_space<vmem>>[vector<16xi32>, vector<16xi32>], vector<16xf32>, vector<16xi1>
          tpu.vector_store_idx %arg12[%sub3A_257, %broadcast_in_dim3A_415], %gather3A_416 masked %lt3A_227 : memref<128x128xf32, #tpu.memory_space<vmem>>[vector<16xi32>, vector<16xi32>], vector<16xf32>, vector<16xi1>
          %broadcast_in_dim3A_417 = arith.constant 53 : i32
          %broadcast_in_dim3A_418 = vector.broadcast %broadcast_in_dim3A_417 : i32 to vector<16xi32>
          %gather3A_419 = tpu.vector_load_idx %arg11[%broadcast_in_dim3A_418, %shift_right_logical3A_250] masked %lt3A_227 : memref<64x128xf32, #tpu.memory_space<vmem>>[vector<16xi32>, vector<16xi32>], vector<16xf32>, vector<16xi1>
          tpu.vector_store_idx %arg12[%sub3A_257, %broadcast_in_dim3A_418], %gather3A_419 masked %lt3A_227 : memref<128x128xf32, #tpu.memory_space<vmem>>[vector<16xi32>, vector<16xi32>], vector<16xf32>, vector<16xi1>
          %broadcast_in_dim3A_420 = arith.constant 54 : i32
          %broadcast_in_dim3A_421 = vector.broadcast %broadcast_in_dim3A_420 : i32 to vector<16xi32>
          %gather3A_422 = tpu.vector_load_idx %arg11[%broadcast_in_dim3A_421, %shift_right_logical3A_250] masked %lt3A_227 : memref<64x128xf32, #tpu.memory_space<vmem>>[vector<16xi32>, vector<16xi32>], vector<16xf32>, vector<16xi1>
          tpu.vector_store_idx %arg12[%sub3A_257, %broadcast_in_dim3A_421], %gather3A_422 masked %lt3A_227 : memref<128x128xf32, #tpu.memory_space<vmem>>[vector<16xi32>, vector<16xi32>], vector<16xf32>, vector<16xi1>
          %broadcast_in_dim3A_423 = arith.constant 55 : i32
          %broadcast_in_dim3A_424 = vector.broadcast %broadcast_in_dim3A_423 : i32 to vector<16xi32>
          %gather3A_425 = tpu.vector_load_idx %arg11[%broadcast_in_dim3A_424, %shift_right_logical3A_250] masked %lt3A_227 : memref<64x128xf32, #tpu.memory_space<vmem>>[vector<16xi32>, vector<16xi32>], vector<16xf32>, vector<16xi1>
          tpu.vector_store_idx %arg12[%sub3A_257, %broadcast_in_dim3A_424], %gather3A_425 masked %lt3A_227 : memref<128x128xf32, #tpu.memory_space<vmem>>[vector<16xi32>, vector<16xi32>], vector<16xf32>, vector<16xi1>
          %broadcast_in_dim3A_426 = arith.constant 56 : i32
          %broadcast_in_dim3A_427 = vector.broadcast %broadcast_in_dim3A_426 : i32 to vector<16xi32>
          %gather3A_428 = tpu.vector_load_idx %arg11[%broadcast_in_dim3A_427, %shift_right_logical3A_250] masked %lt3A_227 : memref<64x128xf32, #tpu.memory_space<vmem>>[vector<16xi32>, vector<16xi32>], vector<16xf32>, vector<16xi1>
          tpu.vector_store_idx %arg12[%sub3A_257, %broadcast_in_dim3A_427], %gather3A_428 masked %lt3A_227 : memref<128x128xf32, #tpu.memory_space<vmem>>[vector<16xi32>, vector<16xi32>], vector<16xf32>, vector<16xi1>
          %broadcast_in_dim3A_429 = arith.constant 57 : i32
          %broadcast_in_dim3A_430 = vector.broadcast %broadcast_in_dim3A_429 : i32 to vector<16xi32>
          %gather3A_431 = tpu.vector_load_idx %arg11[%broadcast_in_dim3A_430, %shift_right_logical3A_250] masked %lt3A_227 : memref<64x128xf32, #tpu.memory_space<vmem>>[vector<16xi32>, vector<16xi32>], vector<16xf32>, vector<16xi1>
          tpu.vector_store_idx %arg12[%sub3A_257, %broadcast_in_dim3A_430], %gather3A_431 masked %lt3A_227 : memref<128x128xf32, #tpu.memory_space<vmem>>[vector<16xi32>, vector<16xi32>], vector<16xf32>, vector<16xi1>
          %broadcast_in_dim3A_432 = arith.constant 58 : i32
          %broadcast_in_dim3A_433 = vector.broadcast %broadcast_in_dim3A_432 : i32 to vector<16xi32>
          %gather3A_434 = tpu.vector_load_idx %arg11[%broadcast_in_dim3A_433, %shift_right_logical3A_250] masked %lt3A_227 : memref<64x128xf32, #tpu.memory_space<vmem>>[vector<16xi32>, vector<16xi32>], vector<16xf32>, vector<16xi1>
          tpu.vector_store_idx %arg12[%sub3A_257, %broadcast_in_dim3A_433], %gather3A_434 masked %lt3A_227 : memref<128x128xf32, #tpu.memory_space<vmem>>[vector<16xi32>, vector<16xi32>], vector<16xf32>, vector<16xi1>
          %broadcast_in_dim3A_435 = arith.constant 59 : i32
          %broadcast_in_dim3A_436 = vector.broadcast %broadcast_in_dim3A_435 : i32 to vector<16xi32>
          %gather3A_437 = tpu.vector_load_idx %arg11[%broadcast_in_dim3A_436, %shift_right_logical3A_250] masked %lt3A_227 : memref<64x128xf32, #tpu.memory_space<vmem>>[vector<16xi32>, vector<16xi32>], vector<16xf32>, vector<16xi1>
          tpu.vector_store_idx %arg12[%sub3A_257, %broadcast_in_dim3A_436], %gather3A_437 masked %lt3A_227 : memref<128x128xf32, #tpu.memory_space<vmem>>[vector<16xi32>, vector<16xi32>], vector<16xf32>, vector<16xi1>
          %broadcast_in_dim3A_438 = arith.constant 60 : i32
          %broadcast_in_dim3A_439 = vector.broadcast %broadcast_in_dim3A_438 : i32 to vector<16xi32>
          %gather3A_440 = tpu.vector_load_idx %arg11[%broadcast_in_dim3A_439, %shift_right_logical3A_250] masked %lt3A_227 : memref<64x128xf32, #tpu.memory_space<vmem>>[vector<16xi32>, vector<16xi32>], vector<16xf32>, vector<16xi1>
          tpu.vector_store_idx %arg12[%sub3A_257, %broadcast_in_dim3A_439], %gather3A_440 masked %lt3A_227 : memref<128x128xf32, #tpu.memory_space<vmem>>[vector<16xi32>, vector<16xi32>], vector<16xf32>, vector<16xi1>
          %broadcast_in_dim3A_441 = arith.constant 61 : i32
          %broadcast_in_dim3A_442 = vector.broadcast %broadcast_in_dim3A_441 : i32 to vector<16xi32>
          %gather3A_443 = tpu.vector_load_idx %arg11[%broadcast_in_dim3A_442, %shift_right_logical3A_250] masked %lt3A_227 : memref<64x128xf32, #tpu.memory_space<vmem>>[vector<16xi32>, vector<16xi32>], vector<16xf32>, vector<16xi1>
          tpu.vector_store_idx %arg12[%sub3A_257, %broadcast_in_dim3A_442], %gather3A_443 masked %lt3A_227 : memref<128x128xf32, #tpu.memory_space<vmem>>[vector<16xi32>, vector<16xi32>], vector<16xf32>, vector<16xi1>
          %broadcast_in_dim3A_444 = arith.constant 62 : i32
          %broadcast_in_dim3A_445 = vector.broadcast %broadcast_in_dim3A_444 : i32 to vector<16xi32>
          %gather3A_446 = tpu.vector_load_idx %arg11[%broadcast_in_dim3A_445, %shift_right_logical3A_250] masked %lt3A_227 : memref<64x128xf32, #tpu.memory_space<vmem>>[vector<16xi32>, vector<16xi32>], vector<16xf32>, vector<16xi1>
          tpu.vector_store_idx %arg12[%sub3A_257, %broadcast_in_dim3A_445], %gather3A_446 masked %lt3A_227 : memref<128x128xf32, #tpu.memory_space<vmem>>[vector<16xi32>, vector<16xi32>], vector<16xf32>, vector<16xi1>
          %broadcast_in_dim3A_447 = arith.constant 63 : i32
          %broadcast_in_dim3A_448 = vector.broadcast %broadcast_in_dim3A_447 : i32 to vector<16xi32>
          %gather3A_449 = tpu.vector_load_idx %arg11[%broadcast_in_dim3A_448, %shift_right_logical3A_250] masked %lt3A_227 : memref<64x128xf32, #tpu.memory_space<vmem>>[vector<16xi32>, vector<16xi32>], vector<16xf32>, vector<16xi1>
          tpu.vector_store_idx %arg12[%sub3A_257, %broadcast_in_dim3A_448], %gather3A_449 masked %lt3A_227 : memref<128x128xf32, #tpu.memory_space<vmem>>[vector<16xi32>, vector<16xi32>], vector<16xf32>, vector<16xi1>
          tpu.vector_store_idx %arg13[%sub3A_257], %and3A_248 masked %lt3A_227 : memref<128xi32, #tpu.memory_space<vmem>>[vector<16xi32>], vector<16xi32>, vector<16xi1>
          %add3A_450 = arith.addi %cond3A_189, %reduce_max3A_237 : i32
          %ge3A = arith.constant 112 : i32
          %ge3A_451 = arith.cmpi sge, %add3A_450, %ge3A : i32
          %convert_element_type3A_452 = arith.extui %ge3A_451 : i1 to i32
          %cond3A_453 = arith.constant 0 : i32
          %cond3A_454 = arith.cmpi ne, %convert_element_type3A_452, %cond3A_453 : i32
          %cond3A_455 = scf.if %cond3A_454 -> (i32) {
            %dma_start3A_456 = arith.constant 0 : i32
            %dma_start3A_457 = arith.constant 0 : i32
            %dma_start3A_458 = tpu.memref_slice %arg5[%dma_start3A_456, %dma_start3A_457] : memref<16512x128xf32, #tpu.memory_space<hbm>> -> memref<16512x128xf32, #tpu.memory_space<hbm>>
            tpu.enqueue_indirect_dma source(%arg12 : memref<128x128xf32, #tpu.memory_space<vmem>>) target(%dma_start3A_458 : memref<16512x128xf32, #tpu.memory_space<hbm>>) offsets(%arg13 : memref<128xi32, #tpu.memory_space<vmem>>) semaphore(%arg16 : memref<!tpu.dma_semaphore, #tpu.memory_space<semaphore_mem>>)
            %dma_wait3A_459 = arith.constant 0 : i32
            %dma_wait3A_460 = arith.constant 0 : i32
            %dma_wait3A_461 = tpu.memref_slice %arg5[%dma_wait3A_459, %dma_wait3A_460] : memref<16512x128xf32, #tpu.memory_space<hbm>> -> memref<16512x128xf32, #tpu.memory_space<hbm>>
            tpu.wait_indirect_dma semaphore(%arg16 : memref<!tpu.dma_semaphore, #tpu.memory_space<semaphore_mem>>) src(%arg12 : memref<128x128xf32, #tpu.memory_space<vmem>>) dst(%dma_wait3A_461 : memref<16512x128xf32, #tpu.memory_space<hbm>>)
            %cond3A_462 = arith.constant 0 : i32
            scf.yield %cond3A_462 : i32
          } else {
            scf.yield %add3A_450 : i32
          }
          scf.yield %cond3A_455 : i32
        } else {
          scf.yield %cond3A_189 : i32
        }
        scf.yield %cond3A_243 : i32
      } else {
        scf.yield %cond3A_189 : i32
      }
      scf.yield %cond3A_198 : i32
    }
    %scan3A_165 = arith.constant 123 : i32
    %eq3A_166 = arith.constant 31 : i32
    %eq3A_167 = arith.cmpi eq, %add3A, %eq3A_166 : i32
    %convert_element_type3A = arith.extui %eq3A_167 : i1 to i32
    %cond3A = arith.constant 0 : i32
    %cond3A_168 = arith.cmpi ne, %convert_element_type3A, %cond3A : i32
    %cond3A_169 = scf.if %cond3A_168 -> (i32) {
      "tpu.region"() ({
        %run_scoped3A = tpu.sem_alloc : memref<!tpu.dma_semaphore, #tpu.memory_space<semaphore_mem>>
        tpu.enqueue_dma source(%arg4 : memref<64x128xf32, #tpu.memory_space<hbm>>) target(%arg10 : memref<64x128xf32, #tpu.memory_space<vmem>>) target_semaphore(%run_scoped3A : memref<!tpu.dma_semaphore, #tpu.memory_space<semaphore_mem>>)
        tpu.wait_dma2 semaphore(%run_scoped3A : memref<!tpu.dma_semaphore, #tpu.memory_space<semaphore_mem>>) src(%arg4 : memref<64x128xf32, #tpu.memory_space<hbm>>) dst(%arg10 : memref<64x128xf32, #tpu.memory_space<vmem>>)
        tpu.yield
      }) : () -> ()
      %broadcast_in_dim3A = arith.constant 0 : i32
      %broadcast_in_dim3A_181 = vector.broadcast %broadcast_in_dim3A : i32 to vector<16xi32>
      %add3A_182 = arith.constant 243 : i32
      %add3A_183 = vector.broadcast %add3A_182 : i32 to vector<16xi32>
      %add3A_184 = arith.addi %broadcast_in_dim3A_181, %add3A_183 : vector<16xi32>
      %gather3A = tpu.vector_load_idx %arg8[%add3A_184] : memref<256xi32, #tpu.memory_space<vmem>>[vector<16xi32>], vector<16xi32>,
      %iota3A = tpu.iota {dimensions = array<i32: 0>} : vector<16xi32>
      %lt3A_185 = arith.cmpi slt, %iota3A, %gather3A : vector<16xi32>
      %min3A_186 = arith.constant 16 : i32
      %min3A_187 = vector.broadcast %min3A_186 : i32 to vector<16xi32>
      %min3A_188 = arith.minsi %gather3A, %min3A_187 : vector<16xi32>
      %reduce_max3A = arith.constant true
      %reduce_max3A_189 = vector.broadcast %reduce_max3A : i1 to vector<16xi1>
      %reduce_max3A_190 = arith.constant -2147483648 : i32
      %reduce_max3A_191 = vector.broadcast %reduce_max3A_190 : i32 to vector<16xi32>
      %reduce_max3A_192 = arith.xori %min3A_188, %reduce_max3A_191 : vector<16xi32>
      %reduce_max3A_193 = tpu.scan <max>, %reduce_max3A_192 masked %reduce_max3A_189 : vector<16xi32>, vector<16xi1> -> vector<16xi32>
      %reduce_max3A_194 = arith.xori %reduce_max3A_193, %reduce_max3A_191 : vector<16xi32>
      %reduce_max3A_195 = vector.extract %reduce_max3A_194[15] : i32 from vector<16xi32>
      %gt3A_196 = arith.constant 0 : i32
      %gt3A_197 = arith.cmpi sgt, %reduce_max3A_195, %gt3A_196 : i32
      %convert_element_type3A_198 = arith.extui %gt3A_197 : i1 to i32
      %cond3A_199 = arith.constant 243 : i32
      %cond3A_200 = arith.constant 0 : i32
      %cond3A_201 = arith.cmpi ne, %convert_element_type3A_198, %cond3A_200 : i32
      %cond3A_202 = scf.if %cond3A_201 -> (i32) {
        %mul3A_203 = arith.constant 16 : i32
        %mul3A_204 = arith.muli %cond3A_199, %mul3A_203 : i32
        %get3A = arith.index_cast %mul3A_204 : i32 to index
        %get3A_205 = tpu.vector_load %arg7[%get3A] {strides = array<i32>} : memref<4096xi32, #tpu.memory_space<vmem>>, vector<16xi32>,
        %and3A = arith.constant 16383 : i32
        %and3A_206 = vector.broadcast %and3A : i32 to vector<16xi32>
        %and3A_207 = arith.andi %get3A_205, %and3A_206 : vector<16xi32>
        %shift_right_logical3A = arith.constant 14 : i32
        %shift_right_logical3A_208 = vector.broadcast %shift_right_logical3A : i32 to vector<16xi32>
        %shift_right_logical3A_209 = arith.shrui %get3A_205, %shift_right_logical3A_208 : vector<16xi32>
        %convert_element_type3A_210 = arith.extui %lt3A_185 : vector<16xi1> to vector<16xi32>
        %broadcast_in_dim3A_211 = arith.constant true
        %broadcast_in_dim3A_212 = vector.broadcast %broadcast_in_dim3A_211 : i1 to vector<16xi1>
        %masked_cumsum3A = tpu.scan <sum>, %convert_element_type3A_210 masked %broadcast_in_dim3A_212 : vector<16xi32>, vector<16xi1> -> vector<16xi32>
        %add3A_213 = vector.broadcast %scan3A_164 : i32 to vector<16xi32>
        %add3A_214 = arith.addi %add3A_213, %masked_cumsum3A : vector<16xi32>
        %sub3A = arith.constant 1 : i32
        %sub3A_215 = vector.broadcast %sub3A : i32 to vector<16xi32>
        %sub3A_216 = arith.subi %add3A_214, %sub3A_215 : vector<16xi32>
        %broadcast_in_dim3A_217 = arith.constant 0 : i32
        %broadcast_in_dim3A_218 = vector.broadcast %broadcast_in_dim3A_217 : i32 to vector<16xi32>
        %gather3A_219 = tpu.vector_load_idx %arg10[%broadcast_in_dim3A_218, %shift_right_logical3A_209] masked %lt3A_185 : memref<64x128xf32, #tpu.memory_space<vmem>>[vector<16xi32>, vector<16xi32>], vector<16xf32>, vector<16xi1>
        tpu.vector_store_idx %arg12[%sub3A_216, %broadcast_in_dim3A_218], %gather3A_219 masked %lt3A_185 : memref<128x128xf32, #tpu.memory_space<vmem>>[vector<16xi32>, vector<16xi32>], vector<16xf32>, vector<16xi1>
        %broadcast_in_dim3A_220 = arith.constant 1 : i32
        %broadcast_in_dim3A_221 = vector.broadcast %broadcast_in_dim3A_220 : i32 to vector<16xi32>
        %gather3A_222 = tpu.vector_load_idx %arg10[%broadcast_in_dim3A_221, %shift_right_logical3A_209] masked %lt3A_185 : memref<64x128xf32, #tpu.memory_space<vmem>>[vector<16xi32>, vector<16xi32>], vector<16xf32>, vector<16xi1>
        tpu.vector_store_idx %arg12[%sub3A_216, %broadcast_in_dim3A_221], %gather3A_222 masked %lt3A_185 : memref<128x128xf32, #tpu.memory_space<vmem>>[vector<16xi32>, vector<16xi32>], vector<16xf32>, vector<16xi1>
        %broadcast_in_dim3A_223 = arith.constant 2 : i32
        %broadcast_in_dim3A_224 = vector.broadcast %broadcast_in_dim3A_223 : i32 to vector<16xi32>
        %gather3A_225 = tpu.vector_load_idx %arg10[%broadcast_in_dim3A_224, %shift_right_logical3A_209] masked %lt3A_185 : memref<64x128xf32, #tpu.memory_space<vmem>>[vector<16xi32>, vector<16xi32>], vector<16xf32>, vector<16xi1>
        tpu.vector_store_idx %arg12[%sub3A_216, %broadcast_in_dim3A_224], %gather3A_225 masked %lt3A_185 : memref<128x128xf32, #tpu.memory_space<vmem>>[vector<16xi32>, vector<16xi32>], vector<16xf32>, vector<16xi1>
        %broadcast_in_dim3A_226 = arith.constant 3 : i32
        %broadcast_in_dim3A_227 = vector.broadcast %broadcast_in_dim3A_226 : i32 to vector<16xi32>
        %gather3A_228 = tpu.vector_load_idx %arg10[%broadcast_in_dim3A_227, %shift_right_logical3A_209] masked %lt3A_185 : memref<64x128xf32, #tpu.memory_space<vmem>>[vector<16xi32>, vector<16xi32>], vector<16xf32>, vector<16xi1>
        tpu.vector_store_idx %arg12[%sub3A_216, %broadcast_in_dim3A_227], %gather3A_228 masked %lt3A_185 : memref<128x128xf32, #tpu.memory_space<vmem>>[vector<16xi32>, vector<16xi32>], vector<16xf32>, vector<16xi1>
        %broadcast_in_dim3A_229 = arith.constant 4 : i32
        %broadcast_in_dim3A_230 = vector.broadcast %broadcast_in_dim3A_229 : i32 to vector<16xi32>
        %gather3A_231 = tpu.vector_load_idx %arg10[%broadcast_in_dim3A_230, %shift_right_logical3A_209] masked %lt3A_185 : memref<64x128xf32, #tpu.memory_space<vmem>>[vector<16xi32>, vector<16xi32>], vector<16xf32>, vector<16xi1>
        tpu.vector_store_idx %arg12[%sub3A_216, %broadcast_in_dim3A_230], %gather3A_231 masked %lt3A_185 : memref<128x128xf32, #tpu.memory_space<vmem>>[vector<16xi32>, vector<16xi32>], vector<16xf32>, vector<16xi1>
        %broadcast_in_dim3A_232 = arith.constant 5 : i32
        %broadcast_in_dim3A_233 = vector.broadcast %broadcast_in_dim3A_232 : i32 to vector<16xi32>
        %gather3A_234 = tpu.vector_load_idx %arg10[%broadcast_in_dim3A_233, %shift_right_logical3A_209] masked %lt3A_185 : memref<64x128xf32, #tpu.memory_space<vmem>>[vector<16xi32>, vector<16xi32>], vector<16xf32>, vector<16xi1>
        tpu.vector_store_idx %arg12[%sub3A_216, %broadcast_in_dim3A_233], %gather3A_234 masked %lt3A_185 : memref<128x128xf32, #tpu.memory_space<vmem>>[vector<16xi32>, vector<16xi32>], vector<16xf32>, vector<16xi1>
        %broadcast_in_dim3A_235 = arith.constant 6 : i32
        %broadcast_in_dim3A_236 = vector.broadcast %broadcast_in_dim3A_235 : i32 to vector<16xi32>
        %gather3A_237 = tpu.vector_load_idx %arg10[%broadcast_in_dim3A_236, %shift_right_logical3A_209] masked %lt3A_185 : memref<64x128xf32, #tpu.memory_space<vmem>>[vector<16xi32>, vector<16xi32>], vector<16xf32>, vector<16xi1>
        tpu.vector_store_idx %arg12[%sub3A_216, %broadcast_in_dim3A_236], %gather3A_237 masked %lt3A_185 : memref<128x128xf32, #tpu.memory_space<vmem>>[vector<16xi32>, vector<16xi32>], vector<16xf32>, vector<16xi1>
        %broadcast_in_dim3A_238 = arith.constant 7 : i32
        %broadcast_in_dim3A_239 = vector.broadcast %broadcast_in_dim3A_238 : i32 to vector<16xi32>
        %gather3A_240 = tpu.vector_load_idx %arg10[%broadcast_in_dim3A_239, %shift_right_logical3A_209] masked %lt3A_185 : memref<64x128xf32, #tpu.memory_space<vmem>>[vector<16xi32>, vector<16xi32>], vector<16xf32>, vector<16xi1>
        tpu.vector_store_idx %arg12[%sub3A_216, %broadcast_in_dim3A_239], %gather3A_240 masked %lt3A_185 : memref<128x128xf32, #tpu.memory_space<vmem>>[vector<16xi32>, vector<16xi32>], vector<16xf32>, vector<16xi1>
        %broadcast_in_dim3A_241 = arith.constant 8 : i32
        %broadcast_in_dim3A_242 = vector.broadcast %broadcast_in_dim3A_241 : i32 to vector<16xi32>
        %gather3A_243 = tpu.vector_load_idx %arg10[%broadcast_in_dim3A_242, %shift_right_logical3A_209] masked %lt3A_185 : memref<64x128xf32, #tpu.memory_space<vmem>>[vector<16xi32>, vector<16xi32>], vector<16xf32>, vector<16xi1>
        tpu.vector_store_idx %arg12[%sub3A_216, %broadcast_in_dim3A_242], %gather3A_243 masked %lt3A_185 : memref<128x128xf32, #tpu.memory_space<vmem>>[vector<16xi32>, vector<16xi32>], vector<16xf32>, vector<16xi1>
        %broadcast_in_dim3A_244 = arith.constant 9 : i32
        %broadcast_in_dim3A_245 = vector.broadcast %broadcast_in_dim3A_244 : i32 to vector<16xi32>
        %gather3A_246 = tpu.vector_load_idx %arg10[%broadcast_in_dim3A_245, %shift_right_logical3A_209] masked %lt3A_185 : memref<64x128xf32, #tpu.memory_space<vmem>>[vector<16xi32>, vector<16xi32>], vector<16xf32>, vector<16xi1>
        tpu.vector_store_idx %arg12[%sub3A_216, %broadcast_in_dim3A_245], %gather3A_246 masked %lt3A_185 : memref<128x128xf32, #tpu.memory_space<vmem>>[vector<16xi32>, vector<16xi32>], vector<16xf32>, vector<16xi1>
        %broadcast_in_dim3A_247 = arith.constant 10 : i32
        %broadcast_in_dim3A_248 = vector.broadcast %broadcast_in_dim3A_247 : i32 to vector<16xi32>
        %gather3A_249 = tpu.vector_load_idx %arg10[%broadcast_in_dim3A_248, %shift_right_logical3A_209] masked %lt3A_185 : memref<64x128xf32, #tpu.memory_space<vmem>>[vector<16xi32>, vector<16xi32>], vector<16xf32>, vector<16xi1>
        tpu.vector_store_idx %arg12[%sub3A_216, %broadcast_in_dim3A_248], %gather3A_249 masked %lt3A_185 : memref<128x128xf32, #tpu.memory_space<vmem>>[vector<16xi32>, vector<16xi32>], vector<16xf32>, vector<16xi1>
        %broadcast_in_dim3A_250 = arith.constant 11 : i32
        %broadcast_in_dim3A_251 = vector.broadcast %broadcast_in_dim3A_250 : i32 to vector<16xi32>
        %gather3A_252 = tpu.vector_load_idx %arg10[%broadcast_in_dim3A_251, %shift_right_logical3A_209] masked %lt3A_185 : memref<64x128xf32, #tpu.memory_space<vmem>>[vector<16xi32>, vector<16xi32>], vector<16xf32>, vector<16xi1>
        tpu.vector_store_idx %arg12[%sub3A_216, %broadcast_in_dim3A_251], %gather3A_252 masked %lt3A_185 : memref<128x128xf32, #tpu.memory_space<vmem>>[vector<16xi32>, vector<16xi32>], vector<16xf32>, vector<16xi1>
        %broadcast_in_dim3A_253 = arith.constant 12 : i32
        %broadcast_in_dim3A_254 = vector.broadcast %broadcast_in_dim3A_253 : i32 to vector<16xi32>
        %gather3A_255 = tpu.vector_load_idx %arg10[%broadcast_in_dim3A_254, %shift_right_logical3A_209] masked %lt3A_185 : memref<64x128xf32, #tpu.memory_space<vmem>>[vector<16xi32>, vector<16xi32>], vector<16xf32>, vector<16xi1>
        tpu.vector_store_idx %arg12[%sub3A_216, %broadcast_in_dim3A_254], %gather3A_255 masked %lt3A_185 : memref<128x128xf32, #tpu.memory_space<vmem>>[vector<16xi32>, vector<16xi32>], vector<16xf32>, vector<16xi1>
        %broadcast_in_dim3A_256 = arith.constant 13 : i32
        %broadcast_in_dim3A_257 = vector.broadcast %broadcast_in_dim3A_256 : i32 to vector<16xi32>
        %gather3A_258 = tpu.vector_load_idx %arg10[%broadcast_in_dim3A_257, %shift_right_logical3A_209] masked %lt3A_185 : memref<64x128xf32, #tpu.memory_space<vmem>>[vector<16xi32>, vector<16xi32>], vector<16xf32>, vector<16xi1>
        tpu.vector_store_idx %arg12[%sub3A_216, %broadcast_in_dim3A_257], %gather3A_258 masked %lt3A_185 : memref<128x128xf32, #tpu.memory_space<vmem>>[vector<16xi32>, vector<16xi32>], vector<16xf32>, vector<16xi1>
        %broadcast_in_dim3A_259 = arith.constant 14 : i32
        %broadcast_in_dim3A_260 = vector.broadcast %broadcast_in_dim3A_259 : i32 to vector<16xi32>
        %gather3A_261 = tpu.vector_load_idx %arg10[%broadcast_in_dim3A_260, %shift_right_logical3A_209] masked %lt3A_185 : memref<64x128xf32, #tpu.memory_space<vmem>>[vector<16xi32>, vector<16xi32>], vector<16xf32>, vector<16xi1>
        tpu.vector_store_idx %arg12[%sub3A_216, %broadcast_in_dim3A_260], %gather3A_261 masked %lt3A_185 : memref<128x128xf32, #tpu.memory_space<vmem>>[vector<16xi32>, vector<16xi32>], vector<16xf32>, vector<16xi1>
        %broadcast_in_dim3A_262 = arith.constant 15 : i32
        %broadcast_in_dim3A_263 = vector.broadcast %broadcast_in_dim3A_262 : i32 to vector<16xi32>
        %gather3A_264 = tpu.vector_load_idx %arg10[%broadcast_in_dim3A_263, %shift_right_logical3A_209] masked %lt3A_185 : memref<64x128xf32, #tpu.memory_space<vmem>>[vector<16xi32>, vector<16xi32>], vector<16xf32>, vector<16xi1>
        tpu.vector_store_idx %arg12[%sub3A_216, %broadcast_in_dim3A_263], %gather3A_264 masked %lt3A_185 : memref<128x128xf32, #tpu.memory_space<vmem>>[vector<16xi32>, vector<16xi32>], vector<16xf32>, vector<16xi1>
        %broadcast_in_dim3A_265 = arith.constant 16 : i32
        %broadcast_in_dim3A_266 = vector.broadcast %broadcast_in_dim3A_265 : i32 to vector<16xi32>
        %gather3A_267 = tpu.vector_load_idx %arg10[%broadcast_in_dim3A_266, %shift_right_logical3A_209] masked %lt3A_185 : memref<64x128xf32, #tpu.memory_space<vmem>>[vector<16xi32>, vector<16xi32>], vector<16xf32>, vector<16xi1>
        tpu.vector_store_idx %arg12[%sub3A_216, %broadcast_in_dim3A_266], %gather3A_267 masked %lt3A_185 : memref<128x128xf32, #tpu.memory_space<vmem>>[vector<16xi32>, vector<16xi32>], vector<16xf32>, vector<16xi1>
        %broadcast_in_dim3A_268 = arith.constant 17 : i32
        %broadcast_in_dim3A_269 = vector.broadcast %broadcast_in_dim3A_268 : i32 to vector<16xi32>
        %gather3A_270 = tpu.vector_load_idx %arg10[%broadcast_in_dim3A_269, %shift_right_logical3A_209] masked %lt3A_185 : memref<64x128xf32, #tpu.memory_space<vmem>>[vector<16xi32>, vector<16xi32>], vector<16xf32>, vector<16xi1>
        tpu.vector_store_idx %arg12[%sub3A_216, %broadcast_in_dim3A_269], %gather3A_270 masked %lt3A_185 : memref<128x128xf32, #tpu.memory_space<vmem>>[vector<16xi32>, vector<16xi32>], vector<16xf32>, vector<16xi1>
        %broadcast_in_dim3A_271 = arith.constant 18 : i32
        %broadcast_in_dim3A_272 = vector.broadcast %broadcast_in_dim3A_271 : i32 to vector<16xi32>
        %gather3A_273 = tpu.vector_load_idx %arg10[%broadcast_in_dim3A_272, %shift_right_logical3A_209] masked %lt3A_185 : memref<64x128xf32, #tpu.memory_space<vmem>>[vector<16xi32>, vector<16xi32>], vector<16xf32>, vector<16xi1>
        tpu.vector_store_idx %arg12[%sub3A_216, %broadcast_in_dim3A_272], %gather3A_273 masked %lt3A_185 : memref<128x128xf32, #tpu.memory_space<vmem>>[vector<16xi32>, vector<16xi32>], vector<16xf32>, vector<16xi1>
        %broadcast_in_dim3A_274 = arith.constant 19 : i32
        %broadcast_in_dim3A_275 = vector.broadcast %broadcast_in_dim3A_274 : i32 to vector<16xi32>
        %gather3A_276 = tpu.vector_load_idx %arg10[%broadcast_in_dim3A_275, %shift_right_logical3A_209] masked %lt3A_185 : memref<64x128xf32, #tpu.memory_space<vmem>>[vector<16xi32>, vector<16xi32>], vector<16xf32>, vector<16xi1>
        tpu.vector_store_idx %arg12[%sub3A_216, %broadcast_in_dim3A_275], %gather3A_276 masked %lt3A_185 : memref<128x128xf32, #tpu.memory_space<vmem>>[vector<16xi32>, vector<16xi32>], vector<16xf32>, vector<16xi1>
        %broadcast_in_dim3A_277 = arith.constant 20 : i32
        %broadcast_in_dim3A_278 = vector.broadcast %broadcast_in_dim3A_277 : i32 to vector<16xi32>
        %gather3A_279 = tpu.vector_load_idx %arg10[%broadcast_in_dim3A_278, %shift_right_logical3A_209] masked %lt3A_185 : memref<64x128xf32, #tpu.memory_space<vmem>>[vector<16xi32>, vector<16xi32>], vector<16xf32>, vector<16xi1>
        tpu.vector_store_idx %arg12[%sub3A_216, %broadcast_in_dim3A_278], %gather3A_279 masked %lt3A_185 : memref<128x128xf32, #tpu.memory_space<vmem>>[vector<16xi32>, vector<16xi32>], vector<16xf32>, vector<16xi1>
        %broadcast_in_dim3A_280 = arith.constant 21 : i32
        %broadcast_in_dim3A_281 = vector.broadcast %broadcast_in_dim3A_280 : i32 to vector<16xi32>
        %gather3A_282 = tpu.vector_load_idx %arg10[%broadcast_in_dim3A_281, %shift_right_logical3A_209] masked %lt3A_185 : memref<64x128xf32, #tpu.memory_space<vmem>>[vector<16xi32>, vector<16xi32>], vector<16xf32>, vector<16xi1>
        tpu.vector_store_idx %arg12[%sub3A_216, %broadcast_in_dim3A_281], %gather3A_282 masked %lt3A_185 : memref<128x128xf32, #tpu.memory_space<vmem>>[vector<16xi32>, vector<16xi32>], vector<16xf32>, vector<16xi1>
        %broadcast_in_dim3A_283 = arith.constant 22 : i32
        %broadcast_in_dim3A_284 = vector.broadcast %broadcast_in_dim3A_283 : i32 to vector<16xi32>
        %gather3A_285 = tpu.vector_load_idx %arg10[%broadcast_in_dim3A_284, %shift_right_logical3A_209] masked %lt3A_185 : memref<64x128xf32, #tpu.memory_space<vmem>>[vector<16xi32>, vector<16xi32>], vector<16xf32>, vector<16xi1>
        tpu.vector_store_idx %arg12[%sub3A_216, %broadcast_in_dim3A_284], %gather3A_285 masked %lt3A_185 : memref<128x128xf32, #tpu.memory_space<vmem>>[vector<16xi32>, vector<16xi32>], vector<16xf32>, vector<16xi1>
        %broadcast_in_dim3A_286 = arith.constant 23 : i32
        %broadcast_in_dim3A_287 = vector.broadcast %broadcast_in_dim3A_286 : i32 to vector<16xi32>
        %gather3A_288 = tpu.vector_load_idx %arg10[%broadcast_in_dim3A_287, %shift_right_logical3A_209] masked %lt3A_185 : memref<64x128xf32, #tpu.memory_space<vmem>>[vector<16xi32>, vector<16xi32>], vector<16xf32>, vector<16xi1>
        tpu.vector_store_idx %arg12[%sub3A_216, %broadcast_in_dim3A_287], %gather3A_288 masked %lt3A_185 : memref<128x128xf32, #tpu.memory_space<vmem>>[vector<16xi32>, vector<16xi32>], vector<16xf32>, vector<16xi1>
        %broadcast_in_dim3A_289 = arith.constant 24 : i32
        %broadcast_in_dim3A_290 = vector.broadcast %broadcast_in_dim3A_289 : i32 to vector<16xi32>
        %gather3A_291 = tpu.vector_load_idx %arg10[%broadcast_in_dim3A_290, %shift_right_logical3A_209] masked %lt3A_185 : memref<64x128xf32, #tpu.memory_space<vmem>>[vector<16xi32>, vector<16xi32>], vector<16xf32>, vector<16xi1>
        tpu.vector_store_idx %arg12[%sub3A_216, %broadcast_in_dim3A_290], %gather3A_291 masked %lt3A_185 : memref<128x128xf32, #tpu.memory_space<vmem>>[vector<16xi32>, vector<16xi32>], vector<16xf32>, vector<16xi1>
        %broadcast_in_dim3A_292 = arith.constant 25 : i32
        %broadcast_in_dim3A_293 = vector.broadcast %broadcast_in_dim3A_292 : i32 to vector<16xi32>
        %gather3A_294 = tpu.vector_load_idx %arg10[%broadcast_in_dim3A_293, %shift_right_logical3A_209] masked %lt3A_185 : memref<64x128xf32, #tpu.memory_space<vmem>>[vector<16xi32>, vector<16xi32>], vector<16xf32>, vector<16xi1>
        tpu.vector_store_idx %arg12[%sub3A_216, %broadcast_in_dim3A_293], %gather3A_294 masked %lt3A_185 : memref<128x128xf32, #tpu.memory_space<vmem>>[vector<16xi32>, vector<16xi32>], vector<16xf32>, vector<16xi1>
        %broadcast_in_dim3A_295 = arith.constant 26 : i32
        %broadcast_in_dim3A_296 = vector.broadcast %broadcast_in_dim3A_295 : i32 to vector<16xi32>
        %gather3A_297 = tpu.vector_load_idx %arg10[%broadcast_in_dim3A_296, %shift_right_logical3A_209] masked %lt3A_185 : memref<64x128xf32, #tpu.memory_space<vmem>>[vector<16xi32>, vector<16xi32>], vector<16xf32>, vector<16xi1>
        tpu.vector_store_idx %arg12[%sub3A_216, %broadcast_in_dim3A_296], %gather3A_297 masked %lt3A_185 : memref<128x128xf32, #tpu.memory_space<vmem>>[vector<16xi32>, vector<16xi32>], vector<16xf32>, vector<16xi1>
        %broadcast_in_dim3A_298 = arith.constant 27 : i32
        %broadcast_in_dim3A_299 = vector.broadcast %broadcast_in_dim3A_298 : i32 to vector<16xi32>
        %gather3A_300 = tpu.vector_load_idx %arg10[%broadcast_in_dim3A_299, %shift_right_logical3A_209] masked %lt3A_185 : memref<64x128xf32, #tpu.memory_space<vmem>>[vector<16xi32>, vector<16xi32>], vector<16xf32>, vector<16xi1>
        tpu.vector_store_idx %arg12[%sub3A_216, %broadcast_in_dim3A_299], %gather3A_300 masked %lt3A_185 : memref<128x128xf32, #tpu.memory_space<vmem>>[vector<16xi32>, vector<16xi32>], vector<16xf32>, vector<16xi1>
        %broadcast_in_dim3A_301 = arith.constant 28 : i32
        %broadcast_in_dim3A_302 = vector.broadcast %broadcast_in_dim3A_301 : i32 to vector<16xi32>
        %gather3A_303 = tpu.vector_load_idx %arg10[%broadcast_in_dim3A_302, %shift_right_logical3A_209] masked %lt3A_185 : memref<64x128xf32, #tpu.memory_space<vmem>>[vector<16xi32>, vector<16xi32>], vector<16xf32>, vector<16xi1>
        tpu.vector_store_idx %arg12[%sub3A_216, %broadcast_in_dim3A_302], %gather3A_303 masked %lt3A_185 : memref<128x128xf32, #tpu.memory_space<vmem>>[vector<16xi32>, vector<16xi32>], vector<16xf32>, vector<16xi1>
        %broadcast_in_dim3A_304 = arith.constant 29 : i32
        %broadcast_in_dim3A_305 = vector.broadcast %broadcast_in_dim3A_304 : i32 to vector<16xi32>
        %gather3A_306 = tpu.vector_load_idx %arg10[%broadcast_in_dim3A_305, %shift_right_logical3A_209] masked %lt3A_185 : memref<64x128xf32, #tpu.memory_space<vmem>>[vector<16xi32>, vector<16xi32>], vector<16xf32>, vector<16xi1>
        tpu.vector_store_idx %arg12[%sub3A_216, %broadcast_in_dim3A_305], %gather3A_306 masked %lt3A_185 : memref<128x128xf32, #tpu.memory_space<vmem>>[vector<16xi32>, vector<16xi32>], vector<16xf32>, vector<16xi1>
        %broadcast_in_dim3A_307 = arith.constant 30 : i32
        %broadcast_in_dim3A_308 = vector.broadcast %broadcast_in_dim3A_307 : i32 to vector<16xi32>
        %gather3A_309 = tpu.vector_load_idx %arg10[%broadcast_in_dim3A_308, %shift_right_logical3A_209] masked %lt3A_185 : memref<64x128xf32, #tpu.memory_space<vmem>>[vector<16xi32>, vector<16xi32>], vector<16xf32>, vector<16xi1>
        tpu.vector_store_idx %arg12[%sub3A_216, %broadcast_in_dim3A_308], %gather3A_309 masked %lt3A_185 : memref<128x128xf32, #tpu.memory_space<vmem>>[vector<16xi32>, vector<16xi32>], vector<16xf32>, vector<16xi1>
        %broadcast_in_dim3A_310 = arith.constant 31 : i32
        %broadcast_in_dim3A_311 = vector.broadcast %broadcast_in_dim3A_310 : i32 to vector<16xi32>
        %gather3A_312 = tpu.vector_load_idx %arg10[%broadcast_in_dim3A_311, %shift_right_logical3A_209] masked %lt3A_185 : memref<64x128xf32, #tpu.memory_space<vmem>>[vector<16xi32>, vector<16xi32>], vector<16xf32>, vector<16xi1>
        tpu.vector_store_idx %arg12[%sub3A_216, %broadcast_in_dim3A_311], %gather3A_312 masked %lt3A_185 : memref<128x128xf32, #tpu.memory_space<vmem>>[vector<16xi32>, vector<16xi32>], vector<16xf32>, vector<16xi1>
        %broadcast_in_dim3A_313 = arith.constant 32 : i32
        %broadcast_in_dim3A_314 = vector.broadcast %broadcast_in_dim3A_313 : i32 to vector<16xi32>
        %gather3A_315 = tpu.vector_load_idx %arg10[%broadcast_in_dim3A_314, %shift_right_logical3A_209] masked %lt3A_185 : memref<64x128xf32, #tpu.memory_space<vmem>>[vector<16xi32>, vector<16xi32>], vector<16xf32>, vector<16xi1>
        tpu.vector_store_idx %arg12[%sub3A_216, %broadcast_in_dim3A_314], %gather3A_315 masked %lt3A_185 : memref<128x128xf32, #tpu.memory_space<vmem>>[vector<16xi32>, vector<16xi32>], vector<16xf32>, vector<16xi1>
        %broadcast_in_dim3A_316 = arith.constant 33 : i32
        %broadcast_in_dim3A_317 = vector.broadcast %broadcast_in_dim3A_316 : i32 to vector<16xi32>
        %gather3A_318 = tpu.vector_load_idx %arg10[%broadcast_in_dim3A_317, %shift_right_logical3A_209] masked %lt3A_185 : memref<64x128xf32, #tpu.memory_space<vmem>>[vector<16xi32>, vector<16xi32>], vector<16xf32>, vector<16xi1>
        tpu.vector_store_idx %arg12[%sub3A_216, %broadcast_in_dim3A_317], %gather3A_318 masked %lt3A_185 : memref<128x128xf32, #tpu.memory_space<vmem>>[vector<16xi32>, vector<16xi32>], vector<16xf32>, vector<16xi1>
        %broadcast_in_dim3A_319 = arith.constant 34 : i32
        %broadcast_in_dim3A_320 = vector.broadcast %broadcast_in_dim3A_319 : i32 to vector<16xi32>
        %gather3A_321 = tpu.vector_load_idx %arg10[%broadcast_in_dim3A_320, %shift_right_logical3A_209] masked %lt3A_185 : memref<64x128xf32, #tpu.memory_space<vmem>>[vector<16xi32>, vector<16xi32>], vector<16xf32>, vector<16xi1>
        tpu.vector_store_idx %arg12[%sub3A_216, %broadcast_in_dim3A_320], %gather3A_321 masked %lt3A_185 : memref<128x128xf32, #tpu.memory_space<vmem>>[vector<16xi32>, vector<16xi32>], vector<16xf32>, vector<16xi1>
        %broadcast_in_dim3A_322 = arith.constant 35 : i32
        %broadcast_in_dim3A_323 = vector.broadcast %broadcast_in_dim3A_322 : i32 to vector<16xi32>
        %gather3A_324 = tpu.vector_load_idx %arg10[%broadcast_in_dim3A_323, %shift_right_logical3A_209] masked %lt3A_185 : memref<64x128xf32, #tpu.memory_space<vmem>>[vector<16xi32>, vector<16xi32>], vector<16xf32>, vector<16xi1>
        tpu.vector_store_idx %arg12[%sub3A_216, %broadcast_in_dim3A_323], %gather3A_324 masked %lt3A_185 : memref<128x128xf32, #tpu.memory_space<vmem>>[vector<16xi32>, vector<16xi32>], vector<16xf32>, vector<16xi1>
        %broadcast_in_dim3A_325 = arith.constant 36 : i32
        %broadcast_in_dim3A_326 = vector.broadcast %broadcast_in_dim3A_325 : i32 to vector<16xi32>
        %gather3A_327 = tpu.vector_load_idx %arg10[%broadcast_in_dim3A_326, %shift_right_logical3A_209] masked %lt3A_185 : memref<64x128xf32, #tpu.memory_space<vmem>>[vector<16xi32>, vector<16xi32>], vector<16xf32>, vector<16xi1>
        tpu.vector_store_idx %arg12[%sub3A_216, %broadcast_in_dim3A_326], %gather3A_327 masked %lt3A_185 : memref<128x128xf32, #tpu.memory_space<vmem>>[vector<16xi32>, vector<16xi32>], vector<16xf32>, vector<16xi1>
        %broadcast_in_dim3A_328 = arith.constant 37 : i32
        %broadcast_in_dim3A_329 = vector.broadcast %broadcast_in_dim3A_328 : i32 to vector<16xi32>
        %gather3A_330 = tpu.vector_load_idx %arg10[%broadcast_in_dim3A_329, %shift_right_logical3A_209] masked %lt3A_185 : memref<64x128xf32, #tpu.memory_space<vmem>>[vector<16xi32>, vector<16xi32>], vector<16xf32>, vector<16xi1>
        tpu.vector_store_idx %arg12[%sub3A_216, %broadcast_in_dim3A_329], %gather3A_330 masked %lt3A_185 : memref<128x128xf32, #tpu.memory_space<vmem>>[vector<16xi32>, vector<16xi32>], vector<16xf32>, vector<16xi1>
        %broadcast_in_dim3A_331 = arith.constant 38 : i32
        %broadcast_in_dim3A_332 = vector.broadcast %broadcast_in_dim3A_331 : i32 to vector<16xi32>
        %gather3A_333 = tpu.vector_load_idx %arg10[%broadcast_in_dim3A_332, %shift_right_logical3A_209] masked %lt3A_185 : memref<64x128xf32, #tpu.memory_space<vmem>>[vector<16xi32>, vector<16xi32>], vector<16xf32>, vector<16xi1>
        tpu.vector_store_idx %arg12[%sub3A_216, %broadcast_in_dim3A_332], %gather3A_333 masked %lt3A_185 : memref<128x128xf32, #tpu.memory_space<vmem>>[vector<16xi32>, vector<16xi32>], vector<16xf32>, vector<16xi1>
        %broadcast_in_dim3A_334 = arith.constant 39 : i32
        %broadcast_in_dim3A_335 = vector.broadcast %broadcast_in_dim3A_334 : i32 to vector<16xi32>
        %gather3A_336 = tpu.vector_load_idx %arg10[%broadcast_in_dim3A_335, %shift_right_logical3A_209] masked %lt3A_185 : memref<64x128xf32, #tpu.memory_space<vmem>>[vector<16xi32>, vector<16xi32>], vector<16xf32>, vector<16xi1>
        tpu.vector_store_idx %arg12[%sub3A_216, %broadcast_in_dim3A_335], %gather3A_336 masked %lt3A_185 : memref<128x128xf32, #tpu.memory_space<vmem>>[vector<16xi32>, vector<16xi32>], vector<16xf32>, vector<16xi1>
        %broadcast_in_dim3A_337 = arith.constant 40 : i32
        %broadcast_in_dim3A_338 = vector.broadcast %broadcast_in_dim3A_337 : i32 to vector<16xi32>
        %gather3A_339 = tpu.vector_load_idx %arg10[%broadcast_in_dim3A_338, %shift_right_logical3A_209] masked %lt3A_185 : memref<64x128xf32, #tpu.memory_space<vmem>>[vector<16xi32>, vector<16xi32>], vector<16xf32>, vector<16xi1>
        tpu.vector_store_idx %arg12[%sub3A_216, %broadcast_in_dim3A_338], %gather3A_339 masked %lt3A_185 : memref<128x128xf32, #tpu.memory_space<vmem>>[vector<16xi32>, vector<16xi32>], vector<16xf32>, vector<16xi1>
        %broadcast_in_dim3A_340 = arith.constant 41 : i32
        %broadcast_in_dim3A_341 = vector.broadcast %broadcast_in_dim3A_340 : i32 to vector<16xi32>
        %gather3A_342 = tpu.vector_load_idx %arg10[%broadcast_in_dim3A_341, %shift_right_logical3A_209] masked %lt3A_185 : memref<64x128xf32, #tpu.memory_space<vmem>>[vector<16xi32>, vector<16xi32>], vector<16xf32>, vector<16xi1>
        tpu.vector_store_idx %arg12[%sub3A_216, %broadcast_in_dim3A_341], %gather3A_342 masked %lt3A_185 : memref<128x128xf32, #tpu.memory_space<vmem>>[vector<16xi32>, vector<16xi32>], vector<16xf32>, vector<16xi1>
        %broadcast_in_dim3A_343 = arith.constant 42 : i32
        %broadcast_in_dim3A_344 = vector.broadcast %broadcast_in_dim3A_343 : i32 to vector<16xi32>
        %gather3A_345 = tpu.vector_load_idx %arg10[%broadcast_in_dim3A_344, %shift_right_logical3A_209] masked %lt3A_185 : memref<64x128xf32, #tpu.memory_space<vmem>>[vector<16xi32>, vector<16xi32>], vector<16xf32>, vector<16xi1>
        tpu.vector_store_idx %arg12[%sub3A_216, %broadcast_in_dim3A_344], %gather3A_345 masked %lt3A_185 : memref<128x128xf32, #tpu.memory_space<vmem>>[vector<16xi32>, vector<16xi32>], vector<16xf32>, vector<16xi1>
        %broadcast_in_dim3A_346 = arith.constant 43 : i32
        %broadcast_in_dim3A_347 = vector.broadcast %broadcast_in_dim3A_346 : i32 to vector<16xi32>
        %gather3A_348 = tpu.vector_load_idx %arg10[%broadcast_in_dim3A_347, %shift_right_logical3A_209] masked %lt3A_185 : memref<64x128xf32, #tpu.memory_space<vmem>>[vector<16xi32>, vector<16xi32>], vector<16xf32>, vector<16xi1>
        tpu.vector_store_idx %arg12[%sub3A_216, %broadcast_in_dim3A_347], %gather3A_348 masked %lt3A_185 : memref<128x128xf32, #tpu.memory_space<vmem>>[vector<16xi32>, vector<16xi32>], vector<16xf32>, vector<16xi1>
        %broadcast_in_dim3A_349 = arith.constant 44 : i32
        %broadcast_in_dim3A_350 = vector.broadcast %broadcast_in_dim3A_349 : i32 to vector<16xi32>
        %gather3A_351 = tpu.vector_load_idx %arg10[%broadcast_in_dim3A_350, %shift_right_logical3A_209] masked %lt3A_185 : memref<64x128xf32, #tpu.memory_space<vmem>>[vector<16xi32>, vector<16xi32>], vector<16xf32>, vector<16xi1>
        tpu.vector_store_idx %arg12[%sub3A_216, %broadcast_in_dim3A_350], %gather3A_351 masked %lt3A_185 : memref<128x128xf32, #tpu.memory_space<vmem>>[vector<16xi32>, vector<16xi32>], vector<16xf32>, vector<16xi1>
        %broadcast_in_dim3A_352 = arith.constant 45 : i32
        %broadcast_in_dim3A_353 = vector.broadcast %broadcast_in_dim3A_352 : i32 to vector<16xi32>
        %gather3A_354 = tpu.vector_load_idx %arg10[%broadcast_in_dim3A_353, %shift_right_logical3A_209] masked %lt3A_185 : memref<64x128xf32, #tpu.memory_space<vmem>>[vector<16xi32>, vector<16xi32>], vector<16xf32>, vector<16xi1>
        tpu.vector_store_idx %arg12[%sub3A_216, %broadcast_in_dim3A_353], %gather3A_354 masked %lt3A_185 : memref<128x128xf32, #tpu.memory_space<vmem>>[vector<16xi32>, vector<16xi32>], vector<16xf32>, vector<16xi1>
        %broadcast_in_dim3A_355 = arith.constant 46 : i32
        %broadcast_in_dim3A_356 = vector.broadcast %broadcast_in_dim3A_355 : i32 to vector<16xi32>
        %gather3A_357 = tpu.vector_load_idx %arg10[%broadcast_in_dim3A_356, %shift_right_logical3A_209] masked %lt3A_185 : memref<64x128xf32, #tpu.memory_space<vmem>>[vector<16xi32>, vector<16xi32>], vector<16xf32>, vector<16xi1>
        tpu.vector_store_idx %arg12[%sub3A_216, %broadcast_in_dim3A_356], %gather3A_357 masked %lt3A_185 : memref<128x128xf32, #tpu.memory_space<vmem>>[vector<16xi32>, vector<16xi32>], vector<16xf32>, vector<16xi1>
        %broadcast_in_dim3A_358 = arith.constant 47 : i32
        %broadcast_in_dim3A_359 = vector.broadcast %broadcast_in_dim3A_358 : i32 to vector<16xi32>
        %gather3A_360 = tpu.vector_load_idx %arg10[%broadcast_in_dim3A_359, %shift_right_logical3A_209] masked %lt3A_185 : memref<64x128xf32, #tpu.memory_space<vmem>>[vector<16xi32>, vector<16xi32>], vector<16xf32>, vector<16xi1>
        tpu.vector_store_idx %arg12[%sub3A_216, %broadcast_in_dim3A_359], %gather3A_360 masked %lt3A_185 : memref<128x128xf32, #tpu.memory_space<vmem>>[vector<16xi32>, vector<16xi32>], vector<16xf32>, vector<16xi1>
        %broadcast_in_dim3A_361 = arith.constant 48 : i32
        %broadcast_in_dim3A_362 = vector.broadcast %broadcast_in_dim3A_361 : i32 to vector<16xi32>
        %gather3A_363 = tpu.vector_load_idx %arg10[%broadcast_in_dim3A_362, %shift_right_logical3A_209] masked %lt3A_185 : memref<64x128xf32, #tpu.memory_space<vmem>>[vector<16xi32>, vector<16xi32>], vector<16xf32>, vector<16xi1>
        tpu.vector_store_idx %arg12[%sub3A_216, %broadcast_in_dim3A_362], %gather3A_363 masked %lt3A_185 : memref<128x128xf32, #tpu.memory_space<vmem>>[vector<16xi32>, vector<16xi32>], vector<16xf32>, vector<16xi1>
        %broadcast_in_dim3A_364 = arith.constant 49 : i32
        %broadcast_in_dim3A_365 = vector.broadcast %broadcast_in_dim3A_364 : i32 to vector<16xi32>
        %gather3A_366 = tpu.vector_load_idx %arg10[%broadcast_in_dim3A_365, %shift_right_logical3A_209] masked %lt3A_185 : memref<64x128xf32, #tpu.memory_space<vmem>>[vector<16xi32>, vector<16xi32>], vector<16xf32>, vector<16xi1>
        tpu.vector_store_idx %arg12[%sub3A_216, %broadcast_in_dim3A_365], %gather3A_366 masked %lt3A_185 : memref<128x128xf32, #tpu.memory_space<vmem>>[vector<16xi32>, vector<16xi32>], vector<16xf32>, vector<16xi1>
        %broadcast_in_dim3A_367 = arith.constant 50 : i32
        %broadcast_in_dim3A_368 = vector.broadcast %broadcast_in_dim3A_367 : i32 to vector<16xi32>
        %gather3A_369 = tpu.vector_load_idx %arg10[%broadcast_in_dim3A_368, %shift_right_logical3A_209] masked %lt3A_185 : memref<64x128xf32, #tpu.memory_space<vmem>>[vector<16xi32>, vector<16xi32>], vector<16xf32>, vector<16xi1>
        tpu.vector_store_idx %arg12[%sub3A_216, %broadcast_in_dim3A_368], %gather3A_369 masked %lt3A_185 : memref<128x128xf32, #tpu.memory_space<vmem>>[vector<16xi32>, vector<16xi32>], vector<16xf32>, vector<16xi1>
        %broadcast_in_dim3A_370 = arith.constant 51 : i32
        %broadcast_in_dim3A_371 = vector.broadcast %broadcast_in_dim3A_370 : i32 to vector<16xi32>
        %gather3A_372 = tpu.vector_load_idx %arg10[%broadcast_in_dim3A_371, %shift_right_logical3A_209] masked %lt3A_185 : memref<64x128xf32, #tpu.memory_space<vmem>>[vector<16xi32>, vector<16xi32>], vector<16xf32>, vector<16xi1>
        tpu.vector_store_idx %arg12[%sub3A_216, %broadcast_in_dim3A_371], %gather3A_372 masked %lt3A_185 : memref<128x128xf32, #tpu.memory_space<vmem>>[vector<16xi32>, vector<16xi32>], vector<16xf32>, vector<16xi1>
        %broadcast_in_dim3A_373 = arith.constant 52 : i32
        %broadcast_in_dim3A_374 = vector.broadcast %broadcast_in_dim3A_373 : i32 to vector<16xi32>
        %gather3A_375 = tpu.vector_load_idx %arg10[%broadcast_in_dim3A_374, %shift_right_logical3A_209] masked %lt3A_185 : memref<64x128xf32, #tpu.memory_space<vmem>>[vector<16xi32>, vector<16xi32>], vector<16xf32>, vector<16xi1>
        tpu.vector_store_idx %arg12[%sub3A_216, %broadcast_in_dim3A_374], %gather3A_375 masked %lt3A_185 : memref<128x128xf32, #tpu.memory_space<vmem>>[vector<16xi32>, vector<16xi32>], vector<16xf32>, vector<16xi1>
        %broadcast_in_dim3A_376 = arith.constant 53 : i32
        %broadcast_in_dim3A_377 = vector.broadcast %broadcast_in_dim3A_376 : i32 to vector<16xi32>
        %gather3A_378 = tpu.vector_load_idx %arg10[%broadcast_in_dim3A_377, %shift_right_logical3A_209] masked %lt3A_185 : memref<64x128xf32, #tpu.memory_space<vmem>>[vector<16xi32>, vector<16xi32>], vector<16xf32>, vector<16xi1>
        tpu.vector_store_idx %arg12[%sub3A_216, %broadcast_in_dim3A_377], %gather3A_378 masked %lt3A_185 : memref<128x128xf32, #tpu.memory_space<vmem>>[vector<16xi32>, vector<16xi32>], vector<16xf32>, vector<16xi1>
        %broadcast_in_dim3A_379 = arith.constant 54 : i32
        %broadcast_in_dim3A_380 = vector.broadcast %broadcast_in_dim3A_379 : i32 to vector<16xi32>
        %gather3A_381 = tpu.vector_load_idx %arg10[%broadcast_in_dim3A_380, %shift_right_logical3A_209] masked %lt3A_185 : memref<64x128xf32, #tpu.memory_space<vmem>>[vector<16xi32>, vector<16xi32>], vector<16xf32>, vector<16xi1>
        tpu.vector_store_idx %arg12[%sub3A_216, %broadcast_in_dim3A_380], %gather3A_381 masked %lt3A_185 : memref<128x128xf32, #tpu.memory_space<vmem>>[vector<16xi32>, vector<16xi32>], vector<16xf32>, vector<16xi1>
        %broadcast_in_dim3A_382 = arith.constant 55 : i32
        %broadcast_in_dim3A_383 = vector.broadcast %broadcast_in_dim3A_382 : i32 to vector<16xi32>
        %gather3A_384 = tpu.vector_load_idx %arg10[%broadcast_in_dim3A_383, %shift_right_logical3A_209] masked %lt3A_185 : memref<64x128xf32, #tpu.memory_space<vmem>>[vector<16xi32>, vector<16xi32>], vector<16xf32>, vector<16xi1>
        tpu.vector_store_idx %arg12[%sub3A_216, %broadcast_in_dim3A_383], %gather3A_384 masked %lt3A_185 : memref<128x128xf32, #tpu.memory_space<vmem>>[vector<16xi32>, vector<16xi32>], vector<16xf32>, vector<16xi1>
        %broadcast_in_dim3A_385 = arith.constant 56 : i32
        %broadcast_in_dim3A_386 = vector.broadcast %broadcast_in_dim3A_385 : i32 to vector<16xi32>
        %gather3A_387 = tpu.vector_load_idx %arg10[%broadcast_in_dim3A_386, %shift_right_logical3A_209] masked %lt3A_185 : memref<64x128xf32, #tpu.memory_space<vmem>>[vector<16xi32>, vector<16xi32>], vector<16xf32>, vector<16xi1>
        tpu.vector_store_idx %arg12[%sub3A_216, %broadcast_in_dim3A_386], %gather3A_387 masked %lt3A_185 : memref<128x128xf32, #tpu.memory_space<vmem>>[vector<16xi32>, vector<16xi32>], vector<16xf32>, vector<16xi1>
        %broadcast_in_dim3A_388 = arith.constant 57 : i32
        %broadcast_in_dim3A_389 = vector.broadcast %broadcast_in_dim3A_388 : i32 to vector<16xi32>
        %gather3A_390 = tpu.vector_load_idx %arg10[%broadcast_in_dim3A_389, %shift_right_logical3A_209] masked %lt3A_185 : memref<64x128xf32, #tpu.memory_space<vmem>>[vector<16xi32>, vector<16xi32>], vector<16xf32>, vector<16xi1>
        tpu.vector_store_idx %arg12[%sub3A_216, %broadcast_in_dim3A_389], %gather3A_390 masked %lt3A_185 : memref<128x128xf32, #tpu.memory_space<vmem>>[vector<16xi32>, vector<16xi32>], vector<16xf32>, vector<16xi1>
        %broadcast_in_dim3A_391 = arith.constant 58 : i32
        %broadcast_in_dim3A_392 = vector.broadcast %broadcast_in_dim3A_391 : i32 to vector<16xi32>
        %gather3A_393 = tpu.vector_load_idx %arg10[%broadcast_in_dim3A_392, %shift_right_logical3A_209] masked %lt3A_185 : memref<64x128xf32, #tpu.memory_space<vmem>>[vector<16xi32>, vector<16xi32>], vector<16xf32>, vector<16xi1>
        tpu.vector_store_idx %arg12[%sub3A_216, %broadcast_in_dim3A_392], %gather3A_393 masked %lt3A_185 : memref<128x128xf32, #tpu.memory_space<vmem>>[vector<16xi32>, vector<16xi32>], vector<16xf32>, vector<16xi1>
        %broadcast_in_dim3A_394 = arith.constant 59 : i32
        %broadcast_in_dim3A_395 = vector.broadcast %broadcast_in_dim3A_394 : i32 to vector<16xi32>
        %gather3A_396 = tpu.vector_load_idx %arg10[%broadcast_in_dim3A_395, %shift_right_logical3A_209] masked %lt3A_185 : memref<64x128xf32, #tpu.memory_space<vmem>>[vector<16xi32>, vector<16xi32>], vector<16xf32>, vector<16xi1>
        tpu.vector_store_idx %arg12[%sub3A_216, %broadcast_in_dim3A_395], %gather3A_396 masked %lt3A_185 : memref<128x128xf32, #tpu.memory_space<vmem>>[vector<16xi32>, vector<16xi32>], vector<16xf32>, vector<16xi1>
        %broadcast_in_dim3A_397 = arith.constant 60 : i32
        %broadcast_in_dim3A_398 = vector.broadcast %broadcast_in_dim3A_397 : i32 to vector<16xi32>
        %gather3A_399 = tpu.vector_load_idx %arg10[%broadcast_in_dim3A_398, %shift_right_logical3A_209] masked %lt3A_185 : memref<64x128xf32, #tpu.memory_space<vmem>>[vector<16xi32>, vector<16xi32>], vector<16xf32>, vector<16xi1>
        tpu.vector_store_idx %arg12[%sub3A_216, %broadcast_in_dim3A_398], %gather3A_399 masked %lt3A_185 : memref<128x128xf32, #tpu.memory_space<vmem>>[vector<16xi32>, vector<16xi32>], vector<16xf32>, vector<16xi1>
        %broadcast_in_dim3A_400 = arith.constant 61 : i32
        %broadcast_in_dim3A_401 = vector.broadcast %broadcast_in_dim3A_400 : i32 to vector<16xi32>
        %gather3A_402 = tpu.vector_load_idx %arg10[%broadcast_in_dim3A_401, %shift_right_logical3A_209] masked %lt3A_185 : memref<64x128xf32, #tpu.memory_space<vmem>>[vector<16xi32>, vector<16xi32>], vector<16xf32>, vector<16xi1>
        tpu.vector_store_idx %arg12[%sub3A_216, %broadcast_in_dim3A_401], %gather3A_402 masked %lt3A_185 : memref<128x128xf32, #tpu.memory_space<vmem>>[vector<16xi32>, vector<16xi32>], vector<16xf32>, vector<16xi1>
        %broadcast_in_dim3A_403 = arith.constant 62 : i32
        %broadcast_in_dim3A_404 = vector.broadcast %broadcast_in_dim3A_403 : i32 to vector<16xi32>
        %gather3A_405 = tpu.vector_load_idx %arg10[%broadcast_in_dim3A_404, %shift_right_logical3A_209] masked %lt3A_185 : memref<64x128xf32, #tpu.memory_space<vmem>>[vector<16xi32>, vector<16xi32>], vector<16xf32>, vector<16xi1>
        tpu.vector_store_idx %arg12[%sub3A_216, %broadcast_in_dim3A_404], %gather3A_405 masked %lt3A_185 : memref<128x128xf32, #tpu.memory_space<vmem>>[vector<16xi32>, vector<16xi32>], vector<16xf32>, vector<16xi1>
        %broadcast_in_dim3A_406 = arith.constant 63 : i32
        %broadcast_in_dim3A_407 = vector.broadcast %broadcast_in_dim3A_406 : i32 to vector<16xi32>
        %gather3A_408 = tpu.vector_load_idx %arg10[%broadcast_in_dim3A_407, %shift_right_logical3A_209] masked %lt3A_185 : memref<64x128xf32, #tpu.memory_space<vmem>>[vector<16xi32>, vector<16xi32>], vector<16xf32>, vector<16xi1>
        tpu.vector_store_idx %arg12[%sub3A_216, %broadcast_in_dim3A_407], %gather3A_408 masked %lt3A_185 : memref<128x128xf32, #tpu.memory_space<vmem>>[vector<16xi32>, vector<16xi32>], vector<16xf32>, vector<16xi1>
        tpu.vector_store_idx %arg13[%sub3A_216], %and3A_207 masked %lt3A_185 : memref<128xi32, #tpu.memory_space<vmem>>[vector<16xi32>], vector<16xi32>, vector<16xi1>
        %add3A_409 = arith.addi %scan3A_164, %reduce_max3A_195 : i32
        %ge3A = arith.constant 112 : i32
        %ge3A_410 = arith.cmpi sge, %add3A_409, %ge3A : i32
        %convert_element_type3A_411 = arith.extui %ge3A_410 : i1 to i32
        %cond3A_412 = arith.constant 0 : i32
        %cond3A_413 = arith.cmpi ne, %convert_element_type3A_411, %cond3A_412 : i32
        %cond3A_414 = scf.if %cond3A_413 -> (i32) {
          %dma_start3A_415 = arith.constant 0 : i32
          %dma_start3A_416 = arith.constant 0 : i32
          %dma_start3A_417 = tpu.memref_slice %arg5[%dma_start3A_415, %dma_start3A_416] : memref<16512x128xf32, #tpu.memory_space<hbm>> -> memref<16512x128xf32, #tpu.memory_space<hbm>>
          tpu.enqueue_indirect_dma source(%arg12 : memref<128x128xf32, #tpu.memory_space<vmem>>) target(%dma_start3A_417 : memref<16512x128xf32, #tpu.memory_space<hbm>>) offsets(%arg13 : memref<128xi32, #tpu.memory_space<vmem>>) semaphore(%arg16 : memref<!tpu.dma_semaphore, #tpu.memory_space<semaphore_mem>>)
          %dma_wait3A_418 = arith.constant 0 : i32
          %dma_wait3A_419 = arith.constant 0 : i32
          %dma_wait3A_420 = tpu.memref_slice %arg5[%dma_wait3A_418, %dma_wait3A_419] : memref<16512x128xf32, #tpu.memory_space<hbm>> -> memref<16512x128xf32, #tpu.memory_space<hbm>>
          tpu.wait_indirect_dma semaphore(%arg16 : memref<!tpu.dma_semaphore, #tpu.memory_space<semaphore_mem>>) src(%arg12 : memref<128x128xf32, #tpu.memory_space<vmem>>) dst(%dma_wait3A_420 : memref<16512x128xf32, #tpu.memory_space<hbm>>)
          %cond3A_421 = arith.constant 0 : i32
          scf.yield %cond3A_421 : i32
        } else {
          scf.yield %add3A_409 : i32
        }
        scf.yield %cond3A_414 : i32
      } else {
        scf.yield %scan3A_164 : i32
      }
      scf.yield %cond3A_202 : i32
    } else {
      scf.yield %scan3A_164 : i32
    }
    %gt3A = arith.constant 0 : i32
    %gt3A_170 = arith.cmpi sgt, %scan3A_134, %gt3A : i32
    %convert_element_type3A_171 = arith.extui %gt3A_170 : i1 to i32
    %cond3A_172 = arith.constant 0 : i32
    %cond3A_173 = arith.cmpi ne, %convert_element_type3A_171, %cond3A_172 : i32
    %cond3A_174 = scf.if %cond3A_173 -> (i32) {
      %sub3A = arith.subi %add3A_15, %add3A_4 : i32
      %while3A = arith.constant 0 : i32
      %while3A_181 = arith.subi %sub3A, %while3A : i32
      %while3A_182 = arith.addi %while3A, %while3A_181 : i32
      %while3A_183 = arith.constant 1 : i32
      %while3A_184 = arith.divsi %while3A_181, %while3A_183 : i32
      %while3A_185 = arith.muli %while3A_184, %while3A_183 : i32
      %while3A_186 = arith.addi %while3A, %while3A_185 : i32
      %while3A_187 = arith.constant 1 : i32
      %while3A_188 = scf.for %while3A_191 = %while3A to %while3A_186 step %while3A_187 iter_args(%while3A_192 = %cond3A_169) -> (i32)  : i32 {
        %add3A_193 = arith.addi %add3A_4, %while3A_191 : i32
        %eq3A_194 = arith.constant 7812 : i32
        %eq3A_195 = arith.cmpi eq, %add3A_193, %eq3A_194 : i32
        %convert_element_type3A_196 = arith.extui %eq3A_195 : i1 to i32
        %cond3A_197 = arith.constant 0 : i32
        %cond3A_198 = arith.cmpi ne, %convert_element_type3A_196, %cond3A_197 : i32
        scf.if %cond3A_198 {
          "tpu.region"() ({
            %run_scoped3A = tpu.sem_alloc : memref<!tpu.dma_semaphore, #tpu.memory_space<semaphore_mem>>
            tpu.enqueue_dma source(%arg4 : memref<64x128xf32, #tpu.memory_space<hbm>>) target(%arg10 : memref<64x128xf32, #tpu.memory_space<vmem>>) target_semaphore(%run_scoped3A : memref<!tpu.dma_semaphore, #tpu.memory_space<semaphore_mem>>)
            tpu.wait_dma2 semaphore(%run_scoped3A : memref<!tpu.dma_semaphore, #tpu.memory_space<semaphore_mem>>) src(%arg4 : memref<64x128xf32, #tpu.memory_space<hbm>>) dst(%arg10 : memref<64x128xf32, #tpu.memory_space<vmem>>)
            tpu.yield
          }) : () -> ()
        } else {
        }
        %ne3A = arith.constant 7812 : i32
        %ne3A_199 = arith.cmpi ne, %add3A_193, %ne3A : i32
        %convert_element_type3A_200 = arith.extui %ne3A_199 : i1 to i32
        %cond3A_201 = arith.constant 0 : i32
        %cond3A_202 = arith.cmpi ne, %convert_element_type3A_200, %cond3A_201 : i32
        scf.if %cond3A_202 {
          %mul3A_209 = arith.constant 128 : i32
          %mul3A_210 = arith.muli %add3A_193, %mul3A_209 : i32
          %multiple_of3A_211 = tpu.assume_multiple %mul3A_210, 128 : i32
          "tpu.region"() ({
            %run_scoped3A = tpu.sem_alloc : memref<!tpu.dma_semaphore, #tpu.memory_space<semaphore_mem>>
            %dma_start3A_212 = arith.constant 0 : i32
            %dma_start3A_213 = tpu.memref_slice %arg3[%dma_start3A_212, %multiple_of3A_211] : memref<64x1000000xf32, #tpu.memory_space<hbm>> -> memref<64x128xf32, #tpu.memory_space<hbm>>
            %dma_start3A_214 = arith.constant 0 : i32
            %dma_start3A_215 = tpu.memref_slice %arg3[%dma_start3A_214, %multiple_of3A_211] : memref<64x1000000xf32, #tpu.memory_space<hbm>> -> memref<64x128xf32, #tpu.memory_space<hbm>>
            tpu.enqueue_dma source(%dma_start3A_215 : memref<64x128xf32, #tpu.memory_space<hbm>>) target(%arg10 : memref<64x128xf32, #tpu.memory_space<vmem>>) target_semaphore(%run_scoped3A : memref<!tpu.dma_semaphore, #tpu.memory_space<semaphore_mem>>)
            %dma_wait3A_216 = arith.constant 0 : i32
            %dma_wait3A_217 = tpu.memref_slice %arg3[%dma_wait3A_216, %multiple_of3A_211] : memref<64x1000000xf32, #tpu.memory_space<hbm>> -> memref<64x128xf32, #tpu.memory_space<hbm>>
            %dma_wait3A_218 = arith.constant 0 : i32
            %dma_wait3A_219 = tpu.memref_slice %arg3[%dma_wait3A_218, %multiple_of3A_211] : memref<64x1000000xf32, #tpu.memory_space<hbm>> -> memref<64x128xf32, #tpu.memory_space<hbm>>
            tpu.wait_dma2 semaphore(%run_scoped3A : memref<!tpu.dma_semaphore, #tpu.memory_space<semaphore_mem>>) src(%dma_wait3A_219 : memref<64x128xf32, #tpu.memory_space<hbm>>) dst(%arg10 : memref<64x128xf32, #tpu.memory_space<vmem>>)
            tpu.yield
          }) : () -> ()
        } else {
        }
        %scan3A_203 = arith.constant 0 : i32
        %scan3A_204 = arith.constant 1024 : i32
        %scan3A_205 = arith.addi %scan3A_203, %scan3A_204 : i32
        %scan3A_206 = arith.constant 1 : i32
        %scan3A_207 = scf.for %scan3A_209 = %scan3A_203 to %scan3A_205 step %scan3A_206 iter_args(%scan3A_210 = %while3A_192) -> (i32)  : i32 {
          %mul3A_211 = arith.constant 16 : i32
          %mul3A_212 = arith.muli %scan3A_209, %mul3A_211 : i32
          %get3A = arith.index_cast %mul3A_212 : i32 to index
          %get3A_213 = tpu.vector_load %arg6[%get3A] {strides = array<i32>} : memref<16384xi32, #tpu.memory_space<vmem>>, vector<16xi32>,
          %shift_right_logical3A = arith.constant 7 : i32
          %shift_right_logical3A_214 = vector.broadcast %shift_right_logical3A : i32 to vector<16xi32>
          %shift_right_logical3A_215 = arith.shrui %get3A_213, %shift_right_logical3A_214 : vector<16xi32>
          %eq3A_216 = vector.broadcast %add3A_193 : i32 to vector<16xi32>
          %eq3A_217 = arith.cmpi eq, %shift_right_logical3A_215, %eq3A_216 : vector<16xi32>
          %all_reduce_population_count3A = tpu.all_reduce %eq3A_217 {dim = 0 : i64, kind = #tpu.reduction_kind<sum>} : vector<16xi1> -> vector<16xi32>
          %reduce_max3A = arith.constant true
          %reduce_max3A_218 = vector.broadcast %reduce_max3A : i1 to vector<16xi1>
          %reduce_max3A_219 = arith.constant -2147483648 : i32
          %reduce_max3A_220 = vector.broadcast %reduce_max3A_219 : i32 to vector<16xi32>
          %reduce_max3A_221 = arith.xori %all_reduce_population_count3A, %reduce_max3A_220 : vector<16xi32>
          %reduce_max3A_222 = tpu.scan <max>, %reduce_max3A_221 masked %reduce_max3A_218 : vector<16xi32>, vector<16xi1> -> vector<16xi32>
          %reduce_max3A_223 = arith.xori %reduce_max3A_222, %reduce_max3A_220 : vector<16xi32>
          %reduce_max3A_224 = vector.extract %reduce_max3A_223[15] : i32 from vector<16xi32>
          %gt3A_225 = arith.constant 0 : i32
          %gt3A_226 = arith.cmpi sgt, %reduce_max3A_224, %gt3A_225 : i32
          %convert_element_type3A_227 = arith.extui %gt3A_226 : i1 to i32
          %cond3A_228 = arith.constant 0 : i32
          %cond3A_229 = arith.cmpi ne, %convert_element_type3A_227, %cond3A_228 : i32
          %cond3A_230 = scf.if %cond3A_229 -> (i32) {
            %iota3A = tpu.iota {dimensions = array<i32: 0>} : vector<16xi32>
            %mul3A_231 = arith.constant 16 : i32
            %mul3A_232 = arith.muli %scan3A_209, %mul3A_231 : i32
            %add3A_233 = vector.broadcast %mul3A_232 : i32 to vector<16xi32>
            %add3A_234 = arith.addi %iota3A, %add3A_233 : vector<16xi32>
            %and3A = arith.constant 127 : i32
            %and3A_235 = vector.broadcast %and3A : i32 to vector<16xi32>
            %and3A_236 = arith.andi %get3A_213, %and3A_235 : vector<16xi32>
            %convert_element_type3A_237 = arith.extui %eq3A_217 : vector<16xi1> to vector<16xi32>
            %broadcast_in_dim3A = arith.constant true
            %broadcast_in_dim3A_238 = vector.broadcast %broadcast_in_dim3A : i1 to vector<16xi1>
            %masked_cumsum3A = tpu.scan <sum>, %convert_element_type3A_237 masked %broadcast_in_dim3A_238 : vector<16xi32>, vector<16xi1> -> vector<16xi32>
            %add3A_239 = vector.broadcast %scan3A_210 : i32 to vector<16xi32>
            %add3A_240 = arith.addi %add3A_239, %masked_cumsum3A : vector<16xi32>
            %sub3A_241 = arith.constant 1 : i32
            %sub3A_242 = vector.broadcast %sub3A_241 : i32 to vector<16xi32>
            %sub3A_243 = arith.subi %add3A_240, %sub3A_242 : vector<16xi32>
            %broadcast_in_dim3A_244 = arith.constant 0 : i32
            %broadcast_in_dim3A_245 = vector.broadcast %broadcast_in_dim3A_244 : i32 to vector<16xi32>
            %gather3A = tpu.vector_load_idx %arg10[%broadcast_in_dim3A_245, %and3A_236] masked %eq3A_217 : memref<64x128xf32, #tpu.memory_space<vmem>>[vector<16xi32>, vector<16xi32>], vector<16xf32>, vector<16xi1>
            tpu.vector_store_idx %arg12[%sub3A_243, %broadcast_in_dim3A_245], %gather3A masked %eq3A_217 : memref<128x128xf32, #tpu.memory_space<vmem>>[vector<16xi32>, vector<16xi32>], vector<16xf32>, vector<16xi1>
            %broadcast_in_dim3A_246 = arith.constant 1 : i32
            %broadcast_in_dim3A_247 = vector.broadcast %broadcast_in_dim3A_246 : i32 to vector<16xi32>
            %gather3A_248 = tpu.vector_load_idx %arg10[%broadcast_in_dim3A_247, %and3A_236] masked %eq3A_217 : memref<64x128xf32, #tpu.memory_space<vmem>>[vector<16xi32>, vector<16xi32>], vector<16xf32>, vector<16xi1>
            tpu.vector_store_idx %arg12[%sub3A_243, %broadcast_in_dim3A_247], %gather3A_248 masked %eq3A_217 : memref<128x128xf32, #tpu.memory_space<vmem>>[vector<16xi32>, vector<16xi32>], vector<16xf32>, vector<16xi1>
            %broadcast_in_dim3A_249 = arith.constant 2 : i32
            %broadcast_in_dim3A_250 = vector.broadcast %broadcast_in_dim3A_249 : i32 to vector<16xi32>
            %gather3A_251 = tpu.vector_load_idx %arg10[%broadcast_in_dim3A_250, %and3A_236] masked %eq3A_217 : memref<64x128xf32, #tpu.memory_space<vmem>>[vector<16xi32>, vector<16xi32>], vector<16xf32>, vector<16xi1>
            tpu.vector_store_idx %arg12[%sub3A_243, %broadcast_in_dim3A_250], %gather3A_251 masked %eq3A_217 : memref<128x128xf32, #tpu.memory_space<vmem>>[vector<16xi32>, vector<16xi32>], vector<16xf32>, vector<16xi1>
            %broadcast_in_dim3A_252 = arith.constant 3 : i32
            %broadcast_in_dim3A_253 = vector.broadcast %broadcast_in_dim3A_252 : i32 to vector<16xi32>
            %gather3A_254 = tpu.vector_load_idx %arg10[%broadcast_in_dim3A_253, %and3A_236] masked %eq3A_217 : memref<64x128xf32, #tpu.memory_space<vmem>>[vector<16xi32>, vector<16xi32>], vector<16xf32>, vector<16xi1>
            tpu.vector_store_idx %arg12[%sub3A_243, %broadcast_in_dim3A_253], %gather3A_254 masked %eq3A_217 : memref<128x128xf32, #tpu.memory_space<vmem>>[vector<16xi32>, vector<16xi32>], vector<16xf32>, vector<16xi1>
            %broadcast_in_dim3A_255 = arith.constant 4 : i32
            %broadcast_in_dim3A_256 = vector.broadcast %broadcast_in_dim3A_255 : i32 to vector<16xi32>
            %gather3A_257 = tpu.vector_load_idx %arg10[%broadcast_in_dim3A_256, %and3A_236] masked %eq3A_217 : memref<64x128xf32, #tpu.memory_space<vmem>>[vector<16xi32>, vector<16xi32>], vector<16xf32>, vector<16xi1>
            tpu.vector_store_idx %arg12[%sub3A_243, %broadcast_in_dim3A_256], %gather3A_257 masked %eq3A_217 : memref<128x128xf32, #tpu.memory_space<vmem>>[vector<16xi32>, vector<16xi32>], vector<16xf32>, vector<16xi1>
            %broadcast_in_dim3A_258 = arith.constant 5 : i32
            %broadcast_in_dim3A_259 = vector.broadcast %broadcast_in_dim3A_258 : i32 to vector<16xi32>
            %gather3A_260 = tpu.vector_load_idx %arg10[%broadcast_in_dim3A_259, %and3A_236] masked %eq3A_217 : memref<64x128xf32, #tpu.memory_space<vmem>>[vector<16xi32>, vector<16xi32>], vector<16xf32>, vector<16xi1>
            tpu.vector_store_idx %arg12[%sub3A_243, %broadcast_in_dim3A_259], %gather3A_260 masked %eq3A_217 : memref<128x128xf32, #tpu.memory_space<vmem>>[vector<16xi32>, vector<16xi32>], vector<16xf32>, vector<16xi1>
            %broadcast_in_dim3A_261 = arith.constant 6 : i32
            %broadcast_in_dim3A_262 = vector.broadcast %broadcast_in_dim3A_261 : i32 to vector<16xi32>
            %gather3A_263 = tpu.vector_load_idx %arg10[%broadcast_in_dim3A_262, %and3A_236] masked %eq3A_217 : memref<64x128xf32, #tpu.memory_space<vmem>>[vector<16xi32>, vector<16xi32>], vector<16xf32>, vector<16xi1>
            tpu.vector_store_idx %arg12[%sub3A_243, %broadcast_in_dim3A_262], %gather3A_263 masked %eq3A_217 : memref<128x128xf32, #tpu.memory_space<vmem>>[vector<16xi32>, vector<16xi32>], vector<16xf32>, vector<16xi1>
            %broadcast_in_dim3A_264 = arith.constant 7 : i32
            %broadcast_in_dim3A_265 = vector.broadcast %broadcast_in_dim3A_264 : i32 to vector<16xi32>
            %gather3A_266 = tpu.vector_load_idx %arg10[%broadcast_in_dim3A_265, %and3A_236] masked %eq3A_217 : memref<64x128xf32, #tpu.memory_space<vmem>>[vector<16xi32>, vector<16xi32>], vector<16xf32>, vector<16xi1>
            tpu.vector_store_idx %arg12[%sub3A_243, %broadcast_in_dim3A_265], %gather3A_266 masked %eq3A_217 : memref<128x128xf32, #tpu.memory_space<vmem>>[vector<16xi32>, vector<16xi32>], vector<16xf32>, vector<16xi1>
            %broadcast_in_dim3A_267 = arith.constant 8 : i32
            %broadcast_in_dim3A_268 = vector.broadcast %broadcast_in_dim3A_267 : i32 to vector<16xi32>
            %gather3A_269 = tpu.vector_load_idx %arg10[%broadcast_in_dim3A_268, %and3A_236] masked %eq3A_217 : memref<64x128xf32, #tpu.memory_space<vmem>>[vector<16xi32>, vector<16xi32>], vector<16xf32>, vector<16xi1>
            tpu.vector_store_idx %arg12[%sub3A_243, %broadcast_in_dim3A_268], %gather3A_269 masked %eq3A_217 : memref<128x128xf32, #tpu.memory_space<vmem>>[vector<16xi32>, vector<16xi32>], vector<16xf32>, vector<16xi1>
            %broadcast_in_dim3A_270 = arith.constant 9 : i32
            %broadcast_in_dim3A_271 = vector.broadcast %broadcast_in_dim3A_270 : i32 to vector<16xi32>
            %gather3A_272 = tpu.vector_load_idx %arg10[%broadcast_in_dim3A_271, %and3A_236] masked %eq3A_217 : memref<64x128xf32, #tpu.memory_space<vmem>>[vector<16xi32>, vector<16xi32>], vector<16xf32>, vector<16xi1>
            tpu.vector_store_idx %arg12[%sub3A_243, %broadcast_in_dim3A_271], %gather3A_272 masked %eq3A_217 : memref<128x128xf32, #tpu.memory_space<vmem>>[vector<16xi32>, vector<16xi32>], vector<16xf32>, vector<16xi1>
            %broadcast_in_dim3A_273 = arith.constant 10 : i32
            %broadcast_in_dim3A_274 = vector.broadcast %broadcast_in_dim3A_273 : i32 to vector<16xi32>
            %gather3A_275 = tpu.vector_load_idx %arg10[%broadcast_in_dim3A_274, %and3A_236] masked %eq3A_217 : memref<64x128xf32, #tpu.memory_space<vmem>>[vector<16xi32>, vector<16xi32>], vector<16xf32>, vector<16xi1>
            tpu.vector_store_idx %arg12[%sub3A_243, %broadcast_in_dim3A_274], %gather3A_275 masked %eq3A_217 : memref<128x128xf32, #tpu.memory_space<vmem>>[vector<16xi32>, vector<16xi32>], vector<16xf32>, vector<16xi1>
            %broadcast_in_dim3A_276 = arith.constant 11 : i32
            %broadcast_in_dim3A_277 = vector.broadcast %broadcast_in_dim3A_276 : i32 to vector<16xi32>
            %gather3A_278 = tpu.vector_load_idx %arg10[%broadcast_in_dim3A_277, %and3A_236] masked %eq3A_217 : memref<64x128xf32, #tpu.memory_space<vmem>>[vector<16xi32>, vector<16xi32>], vector<16xf32>, vector<16xi1>
            tpu.vector_store_idx %arg12[%sub3A_243, %broadcast_in_dim3A_277], %gather3A_278 masked %eq3A_217 : memref<128x128xf32, #tpu.memory_space<vmem>>[vector<16xi32>, vector<16xi32>], vector<16xf32>, vector<16xi1>
            %broadcast_in_dim3A_279 = arith.constant 12 : i32
            %broadcast_in_dim3A_280 = vector.broadcast %broadcast_in_dim3A_279 : i32 to vector<16xi32>
            %gather3A_281 = tpu.vector_load_idx %arg10[%broadcast_in_dim3A_280, %and3A_236] masked %eq3A_217 : memref<64x128xf32, #tpu.memory_space<vmem>>[vector<16xi32>, vector<16xi32>], vector<16xf32>, vector<16xi1>
            tpu.vector_store_idx %arg12[%sub3A_243, %broadcast_in_dim3A_280], %gather3A_281 masked %eq3A_217 : memref<128x128xf32, #tpu.memory_space<vmem>>[vector<16xi32>, vector<16xi32>], vector<16xf32>, vector<16xi1>
            %broadcast_in_dim3A_282 = arith.constant 13 : i32
            %broadcast_in_dim3A_283 = vector.broadcast %broadcast_in_dim3A_282 : i32 to vector<16xi32>
            %gather3A_284 = tpu.vector_load_idx %arg10[%broadcast_in_dim3A_283, %and3A_236] masked %eq3A_217 : memref<64x128xf32, #tpu.memory_space<vmem>>[vector<16xi32>, vector<16xi32>], vector<16xf32>, vector<16xi1>
            tpu.vector_store_idx %arg12[%sub3A_243, %broadcast_in_dim3A_283], %gather3A_284 masked %eq3A_217 : memref<128x128xf32, #tpu.memory_space<vmem>>[vector<16xi32>, vector<16xi32>], vector<16xf32>, vector<16xi1>
            %broadcast_in_dim3A_285 = arith.constant 14 : i32
            %broadcast_in_dim3A_286 = vector.broadcast %broadcast_in_dim3A_285 : i32 to vector<16xi32>
            %gather3A_287 = tpu.vector_load_idx %arg10[%broadcast_in_dim3A_286, %and3A_236] masked %eq3A_217 : memref<64x128xf32, #tpu.memory_space<vmem>>[vector<16xi32>, vector<16xi32>], vector<16xf32>, vector<16xi1>
            tpu.vector_store_idx %arg12[%sub3A_243, %broadcast_in_dim3A_286], %gather3A_287 masked %eq3A_217 : memref<128x128xf32, #tpu.memory_space<vmem>>[vector<16xi32>, vector<16xi32>], vector<16xf32>, vector<16xi1>
            %broadcast_in_dim3A_288 = arith.constant 15 : i32
            %broadcast_in_dim3A_289 = vector.broadcast %broadcast_in_dim3A_288 : i32 to vector<16xi32>
            %gather3A_290 = tpu.vector_load_idx %arg10[%broadcast_in_dim3A_289, %and3A_236] masked %eq3A_217 : memref<64x128xf32, #tpu.memory_space<vmem>>[vector<16xi32>, vector<16xi32>], vector<16xf32>, vector<16xi1>
            tpu.vector_store_idx %arg12[%sub3A_243, %broadcast_in_dim3A_289], %gather3A_290 masked %eq3A_217 : memref<128x128xf32, #tpu.memory_space<vmem>>[vector<16xi32>, vector<16xi32>], vector<16xf32>, vector<16xi1>
            %broadcast_in_dim3A_291 = arith.constant 16 : i32
            %broadcast_in_dim3A_292 = vector.broadcast %broadcast_in_dim3A_291 : i32 to vector<16xi32>
            %gather3A_293 = tpu.vector_load_idx %arg10[%broadcast_in_dim3A_292, %and3A_236] masked %eq3A_217 : memref<64x128xf32, #tpu.memory_space<vmem>>[vector<16xi32>, vector<16xi32>], vector<16xf32>, vector<16xi1>
            tpu.vector_store_idx %arg12[%sub3A_243, %broadcast_in_dim3A_292], %gather3A_293 masked %eq3A_217 : memref<128x128xf32, #tpu.memory_space<vmem>>[vector<16xi32>, vector<16xi32>], vector<16xf32>, vector<16xi1>
            %broadcast_in_dim3A_294 = arith.constant 17 : i32
            %broadcast_in_dim3A_295 = vector.broadcast %broadcast_in_dim3A_294 : i32 to vector<16xi32>
            %gather3A_296 = tpu.vector_load_idx %arg10[%broadcast_in_dim3A_295, %and3A_236] masked %eq3A_217 : memref<64x128xf32, #tpu.memory_space<vmem>>[vector<16xi32>, vector<16xi32>], vector<16xf32>, vector<16xi1>
            tpu.vector_store_idx %arg12[%sub3A_243, %broadcast_in_dim3A_295], %gather3A_296 masked %eq3A_217 : memref<128x128xf32, #tpu.memory_space<vmem>>[vector<16xi32>, vector<16xi32>], vector<16xf32>, vector<16xi1>
            %broadcast_in_dim3A_297 = arith.constant 18 : i32
            %broadcast_in_dim3A_298 = vector.broadcast %broadcast_in_dim3A_297 : i32 to vector<16xi32>
            %gather3A_299 = tpu.vector_load_idx %arg10[%broadcast_in_dim3A_298, %and3A_236] masked %eq3A_217 : memref<64x128xf32, #tpu.memory_space<vmem>>[vector<16xi32>, vector<16xi32>], vector<16xf32>, vector<16xi1>
            tpu.vector_store_idx %arg12[%sub3A_243, %broadcast_in_dim3A_298], %gather3A_299 masked %eq3A_217 : memref<128x128xf32, #tpu.memory_space<vmem>>[vector<16xi32>, vector<16xi32>], vector<16xf32>, vector<16xi1>
            %broadcast_in_dim3A_300 = arith.constant 19 : i32
            %broadcast_in_dim3A_301 = vector.broadcast %broadcast_in_dim3A_300 : i32 to vector<16xi32>
            %gather3A_302 = tpu.vector_load_idx %arg10[%broadcast_in_dim3A_301, %and3A_236] masked %eq3A_217 : memref<64x128xf32, #tpu.memory_space<vmem>>[vector<16xi32>, vector<16xi32>], vector<16xf32>, vector<16xi1>
            tpu.vector_store_idx %arg12[%sub3A_243, %broadcast_in_dim3A_301], %gather3A_302 masked %eq3A_217 : memref<128x128xf32, #tpu.memory_space<vmem>>[vector<16xi32>, vector<16xi32>], vector<16xf32>, vector<16xi1>
            %broadcast_in_dim3A_303 = arith.constant 20 : i32
            %broadcast_in_dim3A_304 = vector.broadcast %broadcast_in_dim3A_303 : i32 to vector<16xi32>
            %gather3A_305 = tpu.vector_load_idx %arg10[%broadcast_in_dim3A_304, %and3A_236] masked %eq3A_217 : memref<64x128xf32, #tpu.memory_space<vmem>>[vector<16xi32>, vector<16xi32>], vector<16xf32>, vector<16xi1>
            tpu.vector_store_idx %arg12[%sub3A_243, %broadcast_in_dim3A_304], %gather3A_305 masked %eq3A_217 : memref<128x128xf32, #tpu.memory_space<vmem>>[vector<16xi32>, vector<16xi32>], vector<16xf32>, vector<16xi1>
            %broadcast_in_dim3A_306 = arith.constant 21 : i32
            %broadcast_in_dim3A_307 = vector.broadcast %broadcast_in_dim3A_306 : i32 to vector<16xi32>
            %gather3A_308 = tpu.vector_load_idx %arg10[%broadcast_in_dim3A_307, %and3A_236] masked %eq3A_217 : memref<64x128xf32, #tpu.memory_space<vmem>>[vector<16xi32>, vector<16xi32>], vector<16xf32>, vector<16xi1>
            tpu.vector_store_idx %arg12[%sub3A_243, %broadcast_in_dim3A_307], %gather3A_308 masked %eq3A_217 : memref<128x128xf32, #tpu.memory_space<vmem>>[vector<16xi32>, vector<16xi32>], vector<16xf32>, vector<16xi1>
            %broadcast_in_dim3A_309 = arith.constant 22 : i32
            %broadcast_in_dim3A_310 = vector.broadcast %broadcast_in_dim3A_309 : i32 to vector<16xi32>
            %gather3A_311 = tpu.vector_load_idx %arg10[%broadcast_in_dim3A_310, %and3A_236] masked %eq3A_217 : memref<64x128xf32, #tpu.memory_space<vmem>>[vector<16xi32>, vector<16xi32>], vector<16xf32>, vector<16xi1>
            tpu.vector_store_idx %arg12[%sub3A_243, %broadcast_in_dim3A_310], %gather3A_311 masked %eq3A_217 : memref<128x128xf32, #tpu.memory_space<vmem>>[vector<16xi32>, vector<16xi32>], vector<16xf32>, vector<16xi1>
            %broadcast_in_dim3A_312 = arith.constant 23 : i32
            %broadcast_in_dim3A_313 = vector.broadcast %broadcast_in_dim3A_312 : i32 to vector<16xi32>
            %gather3A_314 = tpu.vector_load_idx %arg10[%broadcast_in_dim3A_313, %and3A_236] masked %eq3A_217 : memref<64x128xf32, #tpu.memory_space<vmem>>[vector<16xi32>, vector<16xi32>], vector<16xf32>, vector<16xi1>
            tpu.vector_store_idx %arg12[%sub3A_243, %broadcast_in_dim3A_313], %gather3A_314 masked %eq3A_217 : memref<128x128xf32, #tpu.memory_space<vmem>>[vector<16xi32>, vector<16xi32>], vector<16xf32>, vector<16xi1>
            %broadcast_in_dim3A_315 = arith.constant 24 : i32
            %broadcast_in_dim3A_316 = vector.broadcast %broadcast_in_dim3A_315 : i32 to vector<16xi32>
            %gather3A_317 = tpu.vector_load_idx %arg10[%broadcast_in_dim3A_316, %and3A_236] masked %eq3A_217 : memref<64x128xf32, #tpu.memory_space<vmem>>[vector<16xi32>, vector<16xi32>], vector<16xf32>, vector<16xi1>
            tpu.vector_store_idx %arg12[%sub3A_243, %broadcast_in_dim3A_316], %gather3A_317 masked %eq3A_217 : memref<128x128xf32, #tpu.memory_space<vmem>>[vector<16xi32>, vector<16xi32>], vector<16xf32>, vector<16xi1>
            %broadcast_in_dim3A_318 = arith.constant 25 : i32
            %broadcast_in_dim3A_319 = vector.broadcast %broadcast_in_dim3A_318 : i32 to vector<16xi32>
            %gather3A_320 = tpu.vector_load_idx %arg10[%broadcast_in_dim3A_319, %and3A_236] masked %eq3A_217 : memref<64x128xf32, #tpu.memory_space<vmem>>[vector<16xi32>, vector<16xi32>], vector<16xf32>, vector<16xi1>
            tpu.vector_store_idx %arg12[%sub3A_243, %broadcast_in_dim3A_319], %gather3A_320 masked %eq3A_217 : memref<128x128xf32, #tpu.memory_space<vmem>>[vector<16xi32>, vector<16xi32>], vector<16xf32>, vector<16xi1>
            %broadcast_in_dim3A_321 = arith.constant 26 : i32
            %broadcast_in_dim3A_322 = vector.broadcast %broadcast_in_dim3A_321 : i32 to vector<16xi32>
            %gather3A_323 = tpu.vector_load_idx %arg10[%broadcast_in_dim3A_322, %and3A_236] masked %eq3A_217 : memref<64x128xf32, #tpu.memory_space<vmem>>[vector<16xi32>, vector<16xi32>], vector<16xf32>, vector<16xi1>
            tpu.vector_store_idx %arg12[%sub3A_243, %broadcast_in_dim3A_322], %gather3A_323 masked %eq3A_217 : memref<128x128xf32, #tpu.memory_space<vmem>>[vector<16xi32>, vector<16xi32>], vector<16xf32>, vector<16xi1>
            %broadcast_in_dim3A_324 = arith.constant 27 : i32
            %broadcast_in_dim3A_325 = vector.broadcast %broadcast_in_dim3A_324 : i32 to vector<16xi32>
            %gather3A_326 = tpu.vector_load_idx %arg10[%broadcast_in_dim3A_325, %and3A_236] masked %eq3A_217 : memref<64x128xf32, #tpu.memory_space<vmem>>[vector<16xi32>, vector<16xi32>], vector<16xf32>, vector<16xi1>
            tpu.vector_store_idx %arg12[%sub3A_243, %broadcast_in_dim3A_325], %gather3A_326 masked %eq3A_217 : memref<128x128xf32, #tpu.memory_space<vmem>>[vector<16xi32>, vector<16xi32>], vector<16xf32>, vector<16xi1>
            %broadcast_in_dim3A_327 = arith.constant 28 : i32
            %broadcast_in_dim3A_328 = vector.broadcast %broadcast_in_dim3A_327 : i32 to vector<16xi32>
            %gather3A_329 = tpu.vector_load_idx %arg10[%broadcast_in_dim3A_328, %and3A_236] masked %eq3A_217 : memref<64x128xf32, #tpu.memory_space<vmem>>[vector<16xi32>, vector<16xi32>], vector<16xf32>, vector<16xi1>
            tpu.vector_store_idx %arg12[%sub3A_243, %broadcast_in_dim3A_328], %gather3A_329 masked %eq3A_217 : memref<128x128xf32, #tpu.memory_space<vmem>>[vector<16xi32>, vector<16xi32>], vector<16xf32>, vector<16xi1>
            %broadcast_in_dim3A_330 = arith.constant 29 : i32
            %broadcast_in_dim3A_331 = vector.broadcast %broadcast_in_dim3A_330 : i32 to vector<16xi32>
            %gather3A_332 = tpu.vector_load_idx %arg10[%broadcast_in_dim3A_331, %and3A_236] masked %eq3A_217 : memref<64x128xf32, #tpu.memory_space<vmem>>[vector<16xi32>, vector<16xi32>], vector<16xf32>, vector<16xi1>
            tpu.vector_store_idx %arg12[%sub3A_243, %broadcast_in_dim3A_331], %gather3A_332 masked %eq3A_217 : memref<128x128xf32, #tpu.memory_space<vmem>>[vector<16xi32>, vector<16xi32>], vector<16xf32>, vector<16xi1>
            %broadcast_in_dim3A_333 = arith.constant 30 : i32
            %broadcast_in_dim3A_334 = vector.broadcast %broadcast_in_dim3A_333 : i32 to vector<16xi32>
            %gather3A_335 = tpu.vector_load_idx %arg10[%broadcast_in_dim3A_334, %and3A_236] masked %eq3A_217 : memref<64x128xf32, #tpu.memory_space<vmem>>[vector<16xi32>, vector<16xi32>], vector<16xf32>, vector<16xi1>
            tpu.vector_store_idx %arg12[%sub3A_243, %broadcast_in_dim3A_334], %gather3A_335 masked %eq3A_217 : memref<128x128xf32, #tpu.memory_space<vmem>>[vector<16xi32>, vector<16xi32>], vector<16xf32>, vector<16xi1>
            %broadcast_in_dim3A_336 = arith.constant 31 : i32
            %broadcast_in_dim3A_337 = vector.broadcast %broadcast_in_dim3A_336 : i32 to vector<16xi32>
            %gather3A_338 = tpu.vector_load_idx %arg10[%broadcast_in_dim3A_337, %and3A_236] masked %eq3A_217 : memref<64x128xf32, #tpu.memory_space<vmem>>[vector<16xi32>, vector<16xi32>], vector<16xf32>, vector<16xi1>
            tpu.vector_store_idx %arg12[%sub3A_243, %broadcast_in_dim3A_337], %gather3A_338 masked %eq3A_217 : memref<128x128xf32, #tpu.memory_space<vmem>>[vector<16xi32>, vector<16xi32>], vector<16xf32>, vector<16xi1>
            %broadcast_in_dim3A_339 = arith.constant 32 : i32
            %broadcast_in_dim3A_340 = vector.broadcast %broadcast_in_dim3A_339 : i32 to vector<16xi32>
            %gather3A_341 = tpu.vector_load_idx %arg10[%broadcast_in_dim3A_340, %and3A_236] masked %eq3A_217 : memref<64x128xf32, #tpu.memory_space<vmem>>[vector<16xi32>, vector<16xi32>], vector<16xf32>, vector<16xi1>
            tpu.vector_store_idx %arg12[%sub3A_243, %broadcast_in_dim3A_340], %gather3A_341 masked %eq3A_217 : memref<128x128xf32, #tpu.memory_space<vmem>>[vector<16xi32>, vector<16xi32>], vector<16xf32>, vector<16xi1>
            %broadcast_in_dim3A_342 = arith.constant 33 : i32
            %broadcast_in_dim3A_343 = vector.broadcast %broadcast_in_dim3A_342 : i32 to vector<16xi32>
            %gather3A_344 = tpu.vector_load_idx %arg10[%broadcast_in_dim3A_343, %and3A_236] masked %eq3A_217 : memref<64x128xf32, #tpu.memory_space<vmem>>[vector<16xi32>, vector<16xi32>], vector<16xf32>, vector<16xi1>
            tpu.vector_store_idx %arg12[%sub3A_243, %broadcast_in_dim3A_343], %gather3A_344 masked %eq3A_217 : memref<128x128xf32, #tpu.memory_space<vmem>>[vector<16xi32>, vector<16xi32>], vector<16xf32>, vector<16xi1>
            %broadcast_in_dim3A_345 = arith.constant 34 : i32
            %broadcast_in_dim3A_346 = vector.broadcast %broadcast_in_dim3A_345 : i32 to vector<16xi32>
            %gather3A_347 = tpu.vector_load_idx %arg10[%broadcast_in_dim3A_346, %and3A_236] masked %eq3A_217 : memref<64x128xf32, #tpu.memory_space<vmem>>[vector<16xi32>, vector<16xi32>], vector<16xf32>, vector<16xi1>
            tpu.vector_store_idx %arg12[%sub3A_243, %broadcast_in_dim3A_346], %gather3A_347 masked %eq3A_217 : memref<128x128xf32, #tpu.memory_space<vmem>>[vector<16xi32>, vector<16xi32>], vector<16xf32>, vector<16xi1>
            %broadcast_in_dim3A_348 = arith.constant 35 : i32
            %broadcast_in_dim3A_349 = vector.broadcast %broadcast_in_dim3A_348 : i32 to vector<16xi32>
            %gather3A_350 = tpu.vector_load_idx %arg10[%broadcast_in_dim3A_349, %and3A_236] masked %eq3A_217 : memref<64x128xf32, #tpu.memory_space<vmem>>[vector<16xi32>, vector<16xi32>], vector<16xf32>, vector<16xi1>
            tpu.vector_store_idx %arg12[%sub3A_243, %broadcast_in_dim3A_349], %gather3A_350 masked %eq3A_217 : memref<128x128xf32, #tpu.memory_space<vmem>>[vector<16xi32>, vector<16xi32>], vector<16xf32>, vector<16xi1>
            %broadcast_in_dim3A_351 = arith.constant 36 : i32
            %broadcast_in_dim3A_352 = vector.broadcast %broadcast_in_dim3A_351 : i32 to vector<16xi32>
            %gather3A_353 = tpu.vector_load_idx %arg10[%broadcast_in_dim3A_352, %and3A_236] masked %eq3A_217 : memref<64x128xf32, #tpu.memory_space<vmem>>[vector<16xi32>, vector<16xi32>], vector<16xf32>, vector<16xi1>
            tpu.vector_store_idx %arg12[%sub3A_243, %broadcast_in_dim3A_352], %gather3A_353 masked %eq3A_217 : memref<128x128xf32, #tpu.memory_space<vmem>>[vector<16xi32>, vector<16xi32>], vector<16xf32>, vector<16xi1>
            %broadcast_in_dim3A_354 = arith.constant 37 : i32
            %broadcast_in_dim3A_355 = vector.broadcast %broadcast_in_dim3A_354 : i32 to vector<16xi32>
            %gather3A_356 = tpu.vector_load_idx %arg10[%broadcast_in_dim3A_355, %and3A_236] masked %eq3A_217 : memref<64x128xf32, #tpu.memory_space<vmem>>[vector<16xi32>, vector<16xi32>], vector<16xf32>, vector<16xi1>
            tpu.vector_store_idx %arg12[%sub3A_243, %broadcast_in_dim3A_355], %gather3A_356 masked %eq3A_217 : memref<128x128xf32, #tpu.memory_space<vmem>>[vector<16xi32>, vector<16xi32>], vector<16xf32>, vector<16xi1>
            %broadcast_in_dim3A_357 = arith.constant 38 : i32
            %broadcast_in_dim3A_358 = vector.broadcast %broadcast_in_dim3A_357 : i32 to vector<16xi32>
            %gather3A_359 = tpu.vector_load_idx %arg10[%broadcast_in_dim3A_358, %and3A_236] masked %eq3A_217 : memref<64x128xf32, #tpu.memory_space<vmem>>[vector<16xi32>, vector<16xi32>], vector<16xf32>, vector<16xi1>
            tpu.vector_store_idx %arg12[%sub3A_243, %broadcast_in_dim3A_358], %gather3A_359 masked %eq3A_217 : memref<128x128xf32, #tpu.memory_space<vmem>>[vector<16xi32>, vector<16xi32>], vector<16xf32>, vector<16xi1>
            %broadcast_in_dim3A_360 = arith.constant 39 : i32
            %broadcast_in_dim3A_361 = vector.broadcast %broadcast_in_dim3A_360 : i32 to vector<16xi32>
            %gather3A_362 = tpu.vector_load_idx %arg10[%broadcast_in_dim3A_361, %and3A_236] masked %eq3A_217 : memref<64x128xf32, #tpu.memory_space<vmem>>[vector<16xi32>, vector<16xi32>], vector<16xf32>, vector<16xi1>
            tpu.vector_store_idx %arg12[%sub3A_243, %broadcast_in_dim3A_361], %gather3A_362 masked %eq3A_217 : memref<128x128xf32, #tpu.memory_space<vmem>>[vector<16xi32>, vector<16xi32>], vector<16xf32>, vector<16xi1>
            %broadcast_in_dim3A_363 = arith.constant 40 : i32
            %broadcast_in_dim3A_364 = vector.broadcast %broadcast_in_dim3A_363 : i32 to vector<16xi32>
            %gather3A_365 = tpu.vector_load_idx %arg10[%broadcast_in_dim3A_364, %and3A_236] masked %eq3A_217 : memref<64x128xf32, #tpu.memory_space<vmem>>[vector<16xi32>, vector<16xi32>], vector<16xf32>, vector<16xi1>
            tpu.vector_store_idx %arg12[%sub3A_243, %broadcast_in_dim3A_364], %gather3A_365 masked %eq3A_217 : memref<128x128xf32, #tpu.memory_space<vmem>>[vector<16xi32>, vector<16xi32>], vector<16xf32>, vector<16xi1>
            %broadcast_in_dim3A_366 = arith.constant 41 : i32
            %broadcast_in_dim3A_367 = vector.broadcast %broadcast_in_dim3A_366 : i32 to vector<16xi32>
            %gather3A_368 = tpu.vector_load_idx %arg10[%broadcast_in_dim3A_367, %and3A_236] masked %eq3A_217 : memref<64x128xf32, #tpu.memory_space<vmem>>[vector<16xi32>, vector<16xi32>], vector<16xf32>, vector<16xi1>
            tpu.vector_store_idx %arg12[%sub3A_243, %broadcast_in_dim3A_367], %gather3A_368 masked %eq3A_217 : memref<128x128xf32, #tpu.memory_space<vmem>>[vector<16xi32>, vector<16xi32>], vector<16xf32>, vector<16xi1>
            %broadcast_in_dim3A_369 = arith.constant 42 : i32
            %broadcast_in_dim3A_370 = vector.broadcast %broadcast_in_dim3A_369 : i32 to vector<16xi32>
            %gather3A_371 = tpu.vector_load_idx %arg10[%broadcast_in_dim3A_370, %and3A_236] masked %eq3A_217 : memref<64x128xf32, #tpu.memory_space<vmem>>[vector<16xi32>, vector<16xi32>], vector<16xf32>, vector<16xi1>
            tpu.vector_store_idx %arg12[%sub3A_243, %broadcast_in_dim3A_370], %gather3A_371 masked %eq3A_217 : memref<128x128xf32, #tpu.memory_space<vmem>>[vector<16xi32>, vector<16xi32>], vector<16xf32>, vector<16xi1>
            %broadcast_in_dim3A_372 = arith.constant 43 : i32
            %broadcast_in_dim3A_373 = vector.broadcast %broadcast_in_dim3A_372 : i32 to vector<16xi32>
            %gather3A_374 = tpu.vector_load_idx %arg10[%broadcast_in_dim3A_373, %and3A_236] masked %eq3A_217 : memref<64x128xf32, #tpu.memory_space<vmem>>[vector<16xi32>, vector<16xi32>], vector<16xf32>, vector<16xi1>
            tpu.vector_store_idx %arg12[%sub3A_243, %broadcast_in_dim3A_373], %gather3A_374 masked %eq3A_217 : memref<128x128xf32, #tpu.memory_space<vmem>>[vector<16xi32>, vector<16xi32>], vector<16xf32>, vector<16xi1>
            %broadcast_in_dim3A_375 = arith.constant 44 : i32
            %broadcast_in_dim3A_376 = vector.broadcast %broadcast_in_dim3A_375 : i32 to vector<16xi32>
            %gather3A_377 = tpu.vector_load_idx %arg10[%broadcast_in_dim3A_376, %and3A_236] masked %eq3A_217 : memref<64x128xf32, #tpu.memory_space<vmem>>[vector<16xi32>, vector<16xi32>], vector<16xf32>, vector<16xi1>
            tpu.vector_store_idx %arg12[%sub3A_243, %broadcast_in_dim3A_376], %gather3A_377 masked %eq3A_217 : memref<128x128xf32, #tpu.memory_space<vmem>>[vector<16xi32>, vector<16xi32>], vector<16xf32>, vector<16xi1>
            %broadcast_in_dim3A_378 = arith.constant 45 : i32
            %broadcast_in_dim3A_379 = vector.broadcast %broadcast_in_dim3A_378 : i32 to vector<16xi32>
            %gather3A_380 = tpu.vector_load_idx %arg10[%broadcast_in_dim3A_379, %and3A_236] masked %eq3A_217 : memref<64x128xf32, #tpu.memory_space<vmem>>[vector<16xi32>, vector<16xi32>], vector<16xf32>, vector<16xi1>
            tpu.vector_store_idx %arg12[%sub3A_243, %broadcast_in_dim3A_379], %gather3A_380 masked %eq3A_217 : memref<128x128xf32, #tpu.memory_space<vmem>>[vector<16xi32>, vector<16xi32>], vector<16xf32>, vector<16xi1>
            %broadcast_in_dim3A_381 = arith.constant 46 : i32
            %broadcast_in_dim3A_382 = vector.broadcast %broadcast_in_dim3A_381 : i32 to vector<16xi32>
            %gather3A_383 = tpu.vector_load_idx %arg10[%broadcast_in_dim3A_382, %and3A_236] masked %eq3A_217 : memref<64x128xf32, #tpu.memory_space<vmem>>[vector<16xi32>, vector<16xi32>], vector<16xf32>, vector<16xi1>
            tpu.vector_store_idx %arg12[%sub3A_243, %broadcast_in_dim3A_382], %gather3A_383 masked %eq3A_217 : memref<128x128xf32, #tpu.memory_space<vmem>>[vector<16xi32>, vector<16xi32>], vector<16xf32>, vector<16xi1>
            %broadcast_in_dim3A_384 = arith.constant 47 : i32
            %broadcast_in_dim3A_385 = vector.broadcast %broadcast_in_dim3A_384 : i32 to vector<16xi32>
            %gather3A_386 = tpu.vector_load_idx %arg10[%broadcast_in_dim3A_385, %and3A_236] masked %eq3A_217 : memref<64x128xf32, #tpu.memory_space<vmem>>[vector<16xi32>, vector<16xi32>], vector<16xf32>, vector<16xi1>
            tpu.vector_store_idx %arg12[%sub3A_243, %broadcast_in_dim3A_385], %gather3A_386 masked %eq3A_217 : memref<128x128xf32, #tpu.memory_space<vmem>>[vector<16xi32>, vector<16xi32>], vector<16xf32>, vector<16xi1>
            %broadcast_in_dim3A_387 = arith.constant 48 : i32
            %broadcast_in_dim3A_388 = vector.broadcast %broadcast_in_dim3A_387 : i32 to vector<16xi32>
            %gather3A_389 = tpu.vector_load_idx %arg10[%broadcast_in_dim3A_388, %and3A_236] masked %eq3A_217 : memref<64x128xf32, #tpu.memory_space<vmem>>[vector<16xi32>, vector<16xi32>], vector<16xf32>, vector<16xi1>
            tpu.vector_store_idx %arg12[%sub3A_243, %broadcast_in_dim3A_388], %gather3A_389 masked %eq3A_217 : memref<128x128xf32, #tpu.memory_space<vmem>>[vector<16xi32>, vector<16xi32>], vector<16xf32>, vector<16xi1>
            %broadcast_in_dim3A_390 = arith.constant 49 : i32
            %broadcast_in_dim3A_391 = vector.broadcast %broadcast_in_dim3A_390 : i32 to vector<16xi32>
            %gather3A_392 = tpu.vector_load_idx %arg10[%broadcast_in_dim3A_391, %and3A_236] masked %eq3A_217 : memref<64x128xf32, #tpu.memory_space<vmem>>[vector<16xi32>, vector<16xi32>], vector<16xf32>, vector<16xi1>
            tpu.vector_store_idx %arg12[%sub3A_243, %broadcast_in_dim3A_391], %gather3A_392 masked %eq3A_217 : memref<128x128xf32, #tpu.memory_space<vmem>>[vector<16xi32>, vector<16xi32>], vector<16xf32>, vector<16xi1>
            %broadcast_in_dim3A_393 = arith.constant 50 : i32
            %broadcast_in_dim3A_394 = vector.broadcast %broadcast_in_dim3A_393 : i32 to vector<16xi32>
            %gather3A_395 = tpu.vector_load_idx %arg10[%broadcast_in_dim3A_394, %and3A_236] masked %eq3A_217 : memref<64x128xf32, #tpu.memory_space<vmem>>[vector<16xi32>, vector<16xi32>], vector<16xf32>, vector<16xi1>
            tpu.vector_store_idx %arg12[%sub3A_243, %broadcast_in_dim3A_394], %gather3A_395 masked %eq3A_217 : memref<128x128xf32, #tpu.memory_space<vmem>>[vector<16xi32>, vector<16xi32>], vector<16xf32>, vector<16xi1>
            %broadcast_in_dim3A_396 = arith.constant 51 : i32
            %broadcast_in_dim3A_397 = vector.broadcast %broadcast_in_dim3A_396 : i32 to vector<16xi32>
            %gather3A_398 = tpu.vector_load_idx %arg10[%broadcast_in_dim3A_397, %and3A_236] masked %eq3A_217 : memref<64x128xf32, #tpu.memory_space<vmem>>[vector<16xi32>, vector<16xi32>], vector<16xf32>, vector<16xi1>
            tpu.vector_store_idx %arg12[%sub3A_243, %broadcast_in_dim3A_397], %gather3A_398 masked %eq3A_217 : memref<128x128xf32, #tpu.memory_space<vmem>>[vector<16xi32>, vector<16xi32>], vector<16xf32>, vector<16xi1>
            %broadcast_in_dim3A_399 = arith.constant 52 : i32
            %broadcast_in_dim3A_400 = vector.broadcast %broadcast_in_dim3A_399 : i32 to vector<16xi32>
            %gather3A_401 = tpu.vector_load_idx %arg10[%broadcast_in_dim3A_400, %and3A_236] masked %eq3A_217 : memref<64x128xf32, #tpu.memory_space<vmem>>[vector<16xi32>, vector<16xi32>], vector<16xf32>, vector<16xi1>
            tpu.vector_store_idx %arg12[%sub3A_243, %broadcast_in_dim3A_400], %gather3A_401 masked %eq3A_217 : memref<128x128xf32, #tpu.memory_space<vmem>>[vector<16xi32>, vector<16xi32>], vector<16xf32>, vector<16xi1>
            %broadcast_in_dim3A_402 = arith.constant 53 : i32
            %broadcast_in_dim3A_403 = vector.broadcast %broadcast_in_dim3A_402 : i32 to vector<16xi32>
            %gather3A_404 = tpu.vector_load_idx %arg10[%broadcast_in_dim3A_403, %and3A_236] masked %eq3A_217 : memref<64x128xf32, #tpu.memory_space<vmem>>[vector<16xi32>, vector<16xi32>], vector<16xf32>, vector<16xi1>
            tpu.vector_store_idx %arg12[%sub3A_243, %broadcast_in_dim3A_403], %gather3A_404 masked %eq3A_217 : memref<128x128xf32, #tpu.memory_space<vmem>>[vector<16xi32>, vector<16xi32>], vector<16xf32>, vector<16xi1>
            %broadcast_in_dim3A_405 = arith.constant 54 : i32
            %broadcast_in_dim3A_406 = vector.broadcast %broadcast_in_dim3A_405 : i32 to vector<16xi32>
            %gather3A_407 = tpu.vector_load_idx %arg10[%broadcast_in_dim3A_406, %and3A_236] masked %eq3A_217 : memref<64x128xf32, #tpu.memory_space<vmem>>[vector<16xi32>, vector<16xi32>], vector<16xf32>, vector<16xi1>
            tpu.vector_store_idx %arg12[%sub3A_243, %broadcast_in_dim3A_406], %gather3A_407 masked %eq3A_217 : memref<128x128xf32, #tpu.memory_space<vmem>>[vector<16xi32>, vector<16xi32>], vector<16xf32>, vector<16xi1>
            %broadcast_in_dim3A_408 = arith.constant 55 : i32
            %broadcast_in_dim3A_409 = vector.broadcast %broadcast_in_dim3A_408 : i32 to vector<16xi32>
            %gather3A_410 = tpu.vector_load_idx %arg10[%broadcast_in_dim3A_409, %and3A_236] masked %eq3A_217 : memref<64x128xf32, #tpu.memory_space<vmem>>[vector<16xi32>, vector<16xi32>], vector<16xf32>, vector<16xi1>
            tpu.vector_store_idx %arg12[%sub3A_243, %broadcast_in_dim3A_409], %gather3A_410 masked %eq3A_217 : memref<128x128xf32, #tpu.memory_space<vmem>>[vector<16xi32>, vector<16xi32>], vector<16xf32>, vector<16xi1>
            %broadcast_in_dim3A_411 = arith.constant 56 : i32
            %broadcast_in_dim3A_412 = vector.broadcast %broadcast_in_dim3A_411 : i32 to vector<16xi32>
            %gather3A_413 = tpu.vector_load_idx %arg10[%broadcast_in_dim3A_412, %and3A_236] masked %eq3A_217 : memref<64x128xf32, #tpu.memory_space<vmem>>[vector<16xi32>, vector<16xi32>], vector<16xf32>, vector<16xi1>
            tpu.vector_store_idx %arg12[%sub3A_243, %broadcast_in_dim3A_412], %gather3A_413 masked %eq3A_217 : memref<128x128xf32, #tpu.memory_space<vmem>>[vector<16xi32>, vector<16xi32>], vector<16xf32>, vector<16xi1>
            %broadcast_in_dim3A_414 = arith.constant 57 : i32
            %broadcast_in_dim3A_415 = vector.broadcast %broadcast_in_dim3A_414 : i32 to vector<16xi32>
            %gather3A_416 = tpu.vector_load_idx %arg10[%broadcast_in_dim3A_415, %and3A_236] masked %eq3A_217 : memref<64x128xf32, #tpu.memory_space<vmem>>[vector<16xi32>, vector<16xi32>], vector<16xf32>, vector<16xi1>
            tpu.vector_store_idx %arg12[%sub3A_243, %broadcast_in_dim3A_415], %gather3A_416 masked %eq3A_217 : memref<128x128xf32, #tpu.memory_space<vmem>>[vector<16xi32>, vector<16xi32>], vector<16xf32>, vector<16xi1>
            %broadcast_in_dim3A_417 = arith.constant 58 : i32
            %broadcast_in_dim3A_418 = vector.broadcast %broadcast_in_dim3A_417 : i32 to vector<16xi32>
            %gather3A_419 = tpu.vector_load_idx %arg10[%broadcast_in_dim3A_418, %and3A_236] masked %eq3A_217 : memref<64x128xf32, #tpu.memory_space<vmem>>[vector<16xi32>, vector<16xi32>], vector<16xf32>, vector<16xi1>
            tpu.vector_store_idx %arg12[%sub3A_243, %broadcast_in_dim3A_418], %gather3A_419 masked %eq3A_217 : memref<128x128xf32, #tpu.memory_space<vmem>>[vector<16xi32>, vector<16xi32>], vector<16xf32>, vector<16xi1>
            %broadcast_in_dim3A_420 = arith.constant 59 : i32
            %broadcast_in_dim3A_421 = vector.broadcast %broadcast_in_dim3A_420 : i32 to vector<16xi32>
            %gather3A_422 = tpu.vector_load_idx %arg10[%broadcast_in_dim3A_421, %and3A_236] masked %eq3A_217 : memref<64x128xf32, #tpu.memory_space<vmem>>[vector<16xi32>, vector<16xi32>], vector<16xf32>, vector<16xi1>
            tpu.vector_store_idx %arg12[%sub3A_243, %broadcast_in_dim3A_421], %gather3A_422 masked %eq3A_217 : memref<128x128xf32, #tpu.memory_space<vmem>>[vector<16xi32>, vector<16xi32>], vector<16xf32>, vector<16xi1>
            %broadcast_in_dim3A_423 = arith.constant 60 : i32
            %broadcast_in_dim3A_424 = vector.broadcast %broadcast_in_dim3A_423 : i32 to vector<16xi32>
            %gather3A_425 = tpu.vector_load_idx %arg10[%broadcast_in_dim3A_424, %and3A_236] masked %eq3A_217 : memref<64x128xf32, #tpu.memory_space<vmem>>[vector<16xi32>, vector<16xi32>], vector<16xf32>, vector<16xi1>
            tpu.vector_store_idx %arg12[%sub3A_243, %broadcast_in_dim3A_424], %gather3A_425 masked %eq3A_217 : memref<128x128xf32, #tpu.memory_space<vmem>>[vector<16xi32>, vector<16xi32>], vector<16xf32>, vector<16xi1>
            %broadcast_in_dim3A_426 = arith.constant 61 : i32
            %broadcast_in_dim3A_427 = vector.broadcast %broadcast_in_dim3A_426 : i32 to vector<16xi32>
            %gather3A_428 = tpu.vector_load_idx %arg10[%broadcast_in_dim3A_427, %and3A_236] masked %eq3A_217 : memref<64x128xf32, #tpu.memory_space<vmem>>[vector<16xi32>, vector<16xi32>], vector<16xf32>, vector<16xi1>
            tpu.vector_store_idx %arg12[%sub3A_243, %broadcast_in_dim3A_427], %gather3A_428 masked %eq3A_217 : memref<128x128xf32, #tpu.memory_space<vmem>>[vector<16xi32>, vector<16xi32>], vector<16xf32>, vector<16xi1>
            %broadcast_in_dim3A_429 = arith.constant 62 : i32
            %broadcast_in_dim3A_430 = vector.broadcast %broadcast_in_dim3A_429 : i32 to vector<16xi32>
            %gather3A_431 = tpu.vector_load_idx %arg10[%broadcast_in_dim3A_430, %and3A_236] masked %eq3A_217 : memref<64x128xf32, #tpu.memory_space<vmem>>[vector<16xi32>, vector<16xi32>], vector<16xf32>, vector<16xi1>
            tpu.vector_store_idx %arg12[%sub3A_243, %broadcast_in_dim3A_430], %gather3A_431 masked %eq3A_217 : memref<128x128xf32, #tpu.memory_space<vmem>>[vector<16xi32>, vector<16xi32>], vector<16xf32>, vector<16xi1>
            %broadcast_in_dim3A_432 = arith.constant 63 : i32
            %broadcast_in_dim3A_433 = vector.broadcast %broadcast_in_dim3A_432 : i32 to vector<16xi32>
            %gather3A_434 = tpu.vector_load_idx %arg10[%broadcast_in_dim3A_433, %and3A_236] masked %eq3A_217 : memref<64x128xf32, #tpu.memory_space<vmem>>[vector<16xi32>, vector<16xi32>], vector<16xf32>, vector<16xi1>
            tpu.vector_store_idx %arg12[%sub3A_243, %broadcast_in_dim3A_433], %gather3A_434 masked %eq3A_217 : memref<128x128xf32, #tpu.memory_space<vmem>>[vector<16xi32>, vector<16xi32>], vector<16xf32>, vector<16xi1>
            tpu.vector_store_idx %arg13[%sub3A_243], %add3A_234 masked %eq3A_217 : memref<128xi32, #tpu.memory_space<vmem>>[vector<16xi32>], vector<16xi32>, vector<16xi1>
            %add3A_435 = arith.addi %scan3A_210, %reduce_max3A_224 : i32
            %ge3A = arith.constant 112 : i32
            %ge3A_436 = arith.cmpi sge, %add3A_435, %ge3A : i32
            %convert_element_type3A_437 = arith.extui %ge3A_436 : i1 to i32
            %cond3A_438 = arith.constant 0 : i32
            %cond3A_439 = arith.cmpi ne, %convert_element_type3A_437, %cond3A_438 : i32
            %cond3A_440 = scf.if %cond3A_439 -> (i32) {
              %dma_start3A_441 = arith.constant 0 : i32
              %dma_start3A_442 = arith.constant 0 : i32
              %dma_start3A_443 = tpu.memref_slice %arg5[%dma_start3A_441, %dma_start3A_442] : memref<16512x128xf32, #tpu.memory_space<hbm>> -> memref<16512x128xf32, #tpu.memory_space<hbm>>
              tpu.enqueue_indirect_dma source(%arg12 : memref<128x128xf32, #tpu.memory_space<vmem>>) target(%dma_start3A_443 : memref<16512x128xf32, #tpu.memory_space<hbm>>) offsets(%arg13 : memref<128xi32, #tpu.memory_space<vmem>>) semaphore(%arg16 : memref<!tpu.dma_semaphore, #tpu.memory_space<semaphore_mem>>)
              %dma_wait3A_444 = arith.constant 0 : i32
              %dma_wait3A_445 = arith.constant 0 : i32
              %dma_wait3A_446 = tpu.memref_slice %arg5[%dma_wait3A_444, %dma_wait3A_445] : memref<16512x128xf32, #tpu.memory_space<hbm>> -> memref<16512x128xf32, #tpu.memory_space<hbm>>
              tpu.wait_indirect_dma semaphore(%arg16 : memref<!tpu.dma_semaphore, #tpu.memory_space<semaphore_mem>>) src(%arg12 : memref<128x128xf32, #tpu.memory_space<vmem>>) dst(%dma_wait3A_446 : memref<16512x128xf32, #tpu.memory_space<hbm>>)
              %cond3A_447 = arith.constant 0 : i32
              scf.yield %cond3A_447 : i32
            } else {
              scf.yield %add3A_435 : i32
            }
            scf.yield %cond3A_440 : i32
          } else {
            scf.yield %scan3A_210 : i32
          }
          scf.yield %cond3A_230 : i32
        }
        %scan3A_208 = arith.constant 1024 : i32
        scf.yield %scan3A_207 : i32
      }
      %while3A_189 = arith.constant 1 : i32
      %while3A_190 = scf.for %while3A_191 = %while3A_186 to %while3A_182 step %while3A_189 iter_args(%while3A_192 = %while3A_188) -> (i32)  : i32 {
        %add3A_193 = arith.addi %add3A_4, %while3A_191 : i32
        %eq3A_194 = arith.constant 7812 : i32
        %eq3A_195 = arith.cmpi eq, %add3A_193, %eq3A_194 : i32
        %convert_element_type3A_196 = arith.extui %eq3A_195 : i1 to i32
        %cond3A_197 = arith.constant 0 : i32
        %cond3A_198 = arith.cmpi ne, %convert_element_type3A_196, %cond3A_197 : i32
        scf.if %cond3A_198 {
          "tpu.region"() ({
            %run_scoped3A = tpu.sem_alloc : memref<!tpu.dma_semaphore, #tpu.memory_space<semaphore_mem>>
            tpu.enqueue_dma source(%arg4 : memref<64x128xf32, #tpu.memory_space<hbm>>) target(%arg10 : memref<64x128xf32, #tpu.memory_space<vmem>>) target_semaphore(%run_scoped3A : memref<!tpu.dma_semaphore, #tpu.memory_space<semaphore_mem>>)
            tpu.wait_dma2 semaphore(%run_scoped3A : memref<!tpu.dma_semaphore, #tpu.memory_space<semaphore_mem>>) src(%arg4 : memref<64x128xf32, #tpu.memory_space<hbm>>) dst(%arg10 : memref<64x128xf32, #tpu.memory_space<vmem>>)
            tpu.yield
          }) : () -> ()
        } else {
        }
        %ne3A = arith.constant 7812 : i32
        %ne3A_199 = arith.cmpi ne, %add3A_193, %ne3A : i32
        %convert_element_type3A_200 = arith.extui %ne3A_199 : i1 to i32
        %cond3A_201 = arith.constant 0 : i32
        %cond3A_202 = arith.cmpi ne, %convert_element_type3A_200, %cond3A_201 : i32
        scf.if %cond3A_202 {
          %mul3A_209 = arith.constant 128 : i32
          %mul3A_210 = arith.muli %add3A_193, %mul3A_209 : i32
          %multiple_of3A_211 = tpu.assume_multiple %mul3A_210, 128 : i32
          "tpu.region"() ({
            %run_scoped3A = tpu.sem_alloc : memref<!tpu.dma_semaphore, #tpu.memory_space<semaphore_mem>>
            %dma_start3A_212 = arith.constant 0 : i32
            %dma_start3A_213 = tpu.memref_slice %arg3[%dma_start3A_212, %multiple_of3A_211] : memref<64x1000000xf32, #tpu.memory_space<hbm>> -> memref<64x128xf32, #tpu.memory_space<hbm>>
            %dma_start3A_214 = arith.constant 0 : i32
            %dma_start3A_215 = tpu.memref_slice %arg3[%dma_start3A_214, %multiple_of3A_211] : memref<64x1000000xf32, #tpu.memory_space<hbm>> -> memref<64x128xf32, #tpu.memory_space<hbm>>
            tpu.enqueue_dma source(%dma_start3A_215 : memref<64x128xf32, #tpu.memory_space<hbm>>) target(%arg10 : memref<64x128xf32, #tpu.memory_space<vmem>>) target_semaphore(%run_scoped3A : memref<!tpu.dma_semaphore, #tpu.memory_space<semaphore_mem>>)
            %dma_wait3A_216 = arith.constant 0 : i32
            %dma_wait3A_217 = tpu.memref_slice %arg3[%dma_wait3A_216, %multiple_of3A_211] : memref<64x1000000xf32, #tpu.memory_space<hbm>> -> memref<64x128xf32, #tpu.memory_space<hbm>>
            %dma_wait3A_218 = arith.constant 0 : i32
            %dma_wait3A_219 = tpu.memref_slice %arg3[%dma_wait3A_218, %multiple_of3A_211] : memref<64x1000000xf32, #tpu.memory_space<hbm>> -> memref<64x128xf32, #tpu.memory_space<hbm>>
            tpu.wait_dma2 semaphore(%run_scoped3A : memref<!tpu.dma_semaphore, #tpu.memory_space<semaphore_mem>>) src(%dma_wait3A_219 : memref<64x128xf32, #tpu.memory_space<hbm>>) dst(%arg10 : memref<64x128xf32, #tpu.memory_space<vmem>>)
            tpu.yield
          }) : () -> ()
        } else {
        }
        %scan3A_203 = arith.constant 0 : i32
        %scan3A_204 = arith.constant 1024 : i32
        %scan3A_205 = arith.addi %scan3A_203, %scan3A_204 : i32
        %scan3A_206 = arith.constant 1 : i32
        %scan3A_207 = scf.for %scan3A_209 = %scan3A_203 to %scan3A_205 step %scan3A_206 iter_args(%scan3A_210 = %while3A_192) -> (i32)  : i32 {
          %mul3A_211 = arith.constant 16 : i32
          %mul3A_212 = arith.muli %scan3A_209, %mul3A_211 : i32
          %get3A = arith.index_cast %mul3A_212 : i32 to index
          %get3A_213 = tpu.vector_load %arg6[%get3A] {strides = array<i32>} : memref<16384xi32, #tpu.memory_space<vmem>>, vector<16xi32>,
          %shift_right_logical3A = arith.constant 7 : i32
          %shift_right_logical3A_214 = vector.broadcast %shift_right_logical3A : i32 to vector<16xi32>
          %shift_right_logical3A_215 = arith.shrui %get3A_213, %shift_right_logical3A_214 : vector<16xi32>
          %eq3A_216 = vector.broadcast %add3A_193 : i32 to vector<16xi32>
          %eq3A_217 = arith.cmpi eq, %shift_right_logical3A_215, %eq3A_216 : vector<16xi32>
          %all_reduce_population_count3A = tpu.all_reduce %eq3A_217 {dim = 0 : i64, kind = #tpu.reduction_kind<sum>} : vector<16xi1> -> vector<16xi32>
          %reduce_max3A = arith.constant true
          %reduce_max3A_218 = vector.broadcast %reduce_max3A : i1 to vector<16xi1>
          %reduce_max3A_219 = arith.constant -2147483648 : i32
          %reduce_max3A_220 = vector.broadcast %reduce_max3A_219 : i32 to vector<16xi32>
          %reduce_max3A_221 = arith.xori %all_reduce_population_count3A, %reduce_max3A_220 : vector<16xi32>
          %reduce_max3A_222 = tpu.scan <max>, %reduce_max3A_221 masked %reduce_max3A_218 : vector<16xi32>, vector<16xi1> -> vector<16xi32>
          %reduce_max3A_223 = arith.xori %reduce_max3A_222, %reduce_max3A_220 : vector<16xi32>
          %reduce_max3A_224 = vector.extract %reduce_max3A_223[15] : i32 from vector<16xi32>
          %gt3A_225 = arith.constant 0 : i32
          %gt3A_226 = arith.cmpi sgt, %reduce_max3A_224, %gt3A_225 : i32
          %convert_element_type3A_227 = arith.extui %gt3A_226 : i1 to i32
          %cond3A_228 = arith.constant 0 : i32
          %cond3A_229 = arith.cmpi ne, %convert_element_type3A_227, %cond3A_228 : i32
          %cond3A_230 = scf.if %cond3A_229 -> (i32) {
            %iota3A = tpu.iota {dimensions = array<i32: 0>} : vector<16xi32>
            %mul3A_231 = arith.constant 16 : i32
            %mul3A_232 = arith.muli %scan3A_209, %mul3A_231 : i32
            %add3A_233 = vector.broadcast %mul3A_232 : i32 to vector<16xi32>
            %add3A_234 = arith.addi %iota3A, %add3A_233 : vector<16xi32>
            %and3A = arith.constant 127 : i32
            %and3A_235 = vector.broadcast %and3A : i32 to vector<16xi32>
            %and3A_236 = arith.andi %get3A_213, %and3A_235 : vector<16xi32>
            %convert_element_type3A_237 = arith.extui %eq3A_217 : vector<16xi1> to vector<16xi32>
            %broadcast_in_dim3A = arith.constant true
            %broadcast_in_dim3A_238 = vector.broadcast %broadcast_in_dim3A : i1 to vector<16xi1>
            %masked_cumsum3A = tpu.scan <sum>, %convert_element_type3A_237 masked %broadcast_in_dim3A_238 : vector<16xi32>, vector<16xi1> -> vector<16xi32>
            %add3A_239 = vector.broadcast %scan3A_210 : i32 to vector<16xi32>
            %add3A_240 = arith.addi %add3A_239, %masked_cumsum3A : vector<16xi32>
            %sub3A_241 = arith.constant 1 : i32
            %sub3A_242 = vector.broadcast %sub3A_241 : i32 to vector<16xi32>
            %sub3A_243 = arith.subi %add3A_240, %sub3A_242 : vector<16xi32>
            %broadcast_in_dim3A_244 = arith.constant 0 : i32
            %broadcast_in_dim3A_245 = vector.broadcast %broadcast_in_dim3A_244 : i32 to vector<16xi32>
            %gather3A = tpu.vector_load_idx %arg10[%broadcast_in_dim3A_245, %and3A_236] masked %eq3A_217 : memref<64x128xf32, #tpu.memory_space<vmem>>[vector<16xi32>, vector<16xi32>], vector<16xf32>, vector<16xi1>
            tpu.vector_store_idx %arg12[%sub3A_243, %broadcast_in_dim3A_245], %gather3A masked %eq3A_217 : memref<128x128xf32, #tpu.memory_space<vmem>>[vector<16xi32>, vector<16xi32>], vector<16xf32>, vector<16xi1>
            %broadcast_in_dim3A_246 = arith.constant 1 : i32
            %broadcast_in_dim3A_247 = vector.broadcast %broadcast_in_dim3A_246 : i32 to vector<16xi32>
            %gather3A_248 = tpu.vector_load_idx %arg10[%broadcast_in_dim3A_247, %and3A_236] masked %eq3A_217 : memref<64x128xf32, #tpu.memory_space<vmem>>[vector<16xi32>, vector<16xi32>], vector<16xf32>, vector<16xi1>
            tpu.vector_store_idx %arg12[%sub3A_243, %broadcast_in_dim3A_247], %gather3A_248 masked %eq3A_217 : memref<128x128xf32, #tpu.memory_space<vmem>>[vector<16xi32>, vector<16xi32>], vector<16xf32>, vector<16xi1>
            %broadcast_in_dim3A_249 = arith.constant 2 : i32
            %broadcast_in_dim3A_250 = vector.broadcast %broadcast_in_dim3A_249 : i32 to vector<16xi32>
            %gather3A_251 = tpu.vector_load_idx %arg10[%broadcast_in_dim3A_250, %and3A_236] masked %eq3A_217 : memref<64x128xf32, #tpu.memory_space<vmem>>[vector<16xi32>, vector<16xi32>], vector<16xf32>, vector<16xi1>
            tpu.vector_store_idx %arg12[%sub3A_243, %broadcast_in_dim3A_250], %gather3A_251 masked %eq3A_217 : memref<128x128xf32, #tpu.memory_space<vmem>>[vector<16xi32>, vector<16xi32>], vector<16xf32>, vector<16xi1>
            %broadcast_in_dim3A_252 = arith.constant 3 : i32
            %broadcast_in_dim3A_253 = vector.broadcast %broadcast_in_dim3A_252 : i32 to vector<16xi32>
            %gather3A_254 = tpu.vector_load_idx %arg10[%broadcast_in_dim3A_253, %and3A_236] masked %eq3A_217 : memref<64x128xf32, #tpu.memory_space<vmem>>[vector<16xi32>, vector<16xi32>], vector<16xf32>, vector<16xi1>
            tpu.vector_store_idx %arg12[%sub3A_243, %broadcast_in_dim3A_253], %gather3A_254 masked %eq3A_217 : memref<128x128xf32, #tpu.memory_space<vmem>>[vector<16xi32>, vector<16xi32>], vector<16xf32>, vector<16xi1>
            %broadcast_in_dim3A_255 = arith.constant 4 : i32
            %broadcast_in_dim3A_256 = vector.broadcast %broadcast_in_dim3A_255 : i32 to vector<16xi32>
            %gather3A_257 = tpu.vector_load_idx %arg10[%broadcast_in_dim3A_256, %and3A_236] masked %eq3A_217 : memref<64x128xf32, #tpu.memory_space<vmem>>[vector<16xi32>, vector<16xi32>], vector<16xf32>, vector<16xi1>
            tpu.vector_store_idx %arg12[%sub3A_243, %broadcast_in_dim3A_256], %gather3A_257 masked %eq3A_217 : memref<128x128xf32, #tpu.memory_space<vmem>>[vector<16xi32>, vector<16xi32>], vector<16xf32>, vector<16xi1>
            %broadcast_in_dim3A_258 = arith.constant 5 : i32
            %broadcast_in_dim3A_259 = vector.broadcast %broadcast_in_dim3A_258 : i32 to vector<16xi32>
            %gather3A_260 = tpu.vector_load_idx %arg10[%broadcast_in_dim3A_259, %and3A_236] masked %eq3A_217 : memref<64x128xf32, #tpu.memory_space<vmem>>[vector<16xi32>, vector<16xi32>], vector<16xf32>, vector<16xi1>
            tpu.vector_store_idx %arg12[%sub3A_243, %broadcast_in_dim3A_259], %gather3A_260 masked %eq3A_217 : memref<128x128xf32, #tpu.memory_space<vmem>>[vector<16xi32>, vector<16xi32>], vector<16xf32>, vector<16xi1>
            %broadcast_in_dim3A_261 = arith.constant 6 : i32
            %broadcast_in_dim3A_262 = vector.broadcast %broadcast_in_dim3A_261 : i32 to vector<16xi32>
            %gather3A_263 = tpu.vector_load_idx %arg10[%broadcast_in_dim3A_262, %and3A_236] masked %eq3A_217 : memref<64x128xf32, #tpu.memory_space<vmem>>[vector<16xi32>, vector<16xi32>], vector<16xf32>, vector<16xi1>
            tpu.vector_store_idx %arg12[%sub3A_243, %broadcast_in_dim3A_262], %gather3A_263 masked %eq3A_217 : memref<128x128xf32, #tpu.memory_space<vmem>>[vector<16xi32>, vector<16xi32>], vector<16xf32>, vector<16xi1>
            %broadcast_in_dim3A_264 = arith.constant 7 : i32
            %broadcast_in_dim3A_265 = vector.broadcast %broadcast_in_dim3A_264 : i32 to vector<16xi32>
            %gather3A_266 = tpu.vector_load_idx %arg10[%broadcast_in_dim3A_265, %and3A_236] masked %eq3A_217 : memref<64x128xf32, #tpu.memory_space<vmem>>[vector<16xi32>, vector<16xi32>], vector<16xf32>, vector<16xi1>
            tpu.vector_store_idx %arg12[%sub3A_243, %broadcast_in_dim3A_265], %gather3A_266 masked %eq3A_217 : memref<128x128xf32, #tpu.memory_space<vmem>>[vector<16xi32>, vector<16xi32>], vector<16xf32>, vector<16xi1>
            %broadcast_in_dim3A_267 = arith.constant 8 : i32
            %broadcast_in_dim3A_268 = vector.broadcast %broadcast_in_dim3A_267 : i32 to vector<16xi32>
            %gather3A_269 = tpu.vector_load_idx %arg10[%broadcast_in_dim3A_268, %and3A_236] masked %eq3A_217 : memref<64x128xf32, #tpu.memory_space<vmem>>[vector<16xi32>, vector<16xi32>], vector<16xf32>, vector<16xi1>
            tpu.vector_store_idx %arg12[%sub3A_243, %broadcast_in_dim3A_268], %gather3A_269 masked %eq3A_217 : memref<128x128xf32, #tpu.memory_space<vmem>>[vector<16xi32>, vector<16xi32>], vector<16xf32>, vector<16xi1>
            %broadcast_in_dim3A_270 = arith.constant 9 : i32
            %broadcast_in_dim3A_271 = vector.broadcast %broadcast_in_dim3A_270 : i32 to vector<16xi32>
            %gather3A_272 = tpu.vector_load_idx %arg10[%broadcast_in_dim3A_271, %and3A_236] masked %eq3A_217 : memref<64x128xf32, #tpu.memory_space<vmem>>[vector<16xi32>, vector<16xi32>], vector<16xf32>, vector<16xi1>
            tpu.vector_store_idx %arg12[%sub3A_243, %broadcast_in_dim3A_271], %gather3A_272 masked %eq3A_217 : memref<128x128xf32, #tpu.memory_space<vmem>>[vector<16xi32>, vector<16xi32>], vector<16xf32>, vector<16xi1>
            %broadcast_in_dim3A_273 = arith.constant 10 : i32
            %broadcast_in_dim3A_274 = vector.broadcast %broadcast_in_dim3A_273 : i32 to vector<16xi32>
            %gather3A_275 = tpu.vector_load_idx %arg10[%broadcast_in_dim3A_274, %and3A_236] masked %eq3A_217 : memref<64x128xf32, #tpu.memory_space<vmem>>[vector<16xi32>, vector<16xi32>], vector<16xf32>, vector<16xi1>
            tpu.vector_store_idx %arg12[%sub3A_243, %broadcast_in_dim3A_274], %gather3A_275 masked %eq3A_217 : memref<128x128xf32, #tpu.memory_space<vmem>>[vector<16xi32>, vector<16xi32>], vector<16xf32>, vector<16xi1>
            %broadcast_in_dim3A_276 = arith.constant 11 : i32
            %broadcast_in_dim3A_277 = vector.broadcast %broadcast_in_dim3A_276 : i32 to vector<16xi32>
            %gather3A_278 = tpu.vector_load_idx %arg10[%broadcast_in_dim3A_277, %and3A_236] masked %eq3A_217 : memref<64x128xf32, #tpu.memory_space<vmem>>[vector<16xi32>, vector<16xi32>], vector<16xf32>, vector<16xi1>
            tpu.vector_store_idx %arg12[%sub3A_243, %broadcast_in_dim3A_277], %gather3A_278 masked %eq3A_217 : memref<128x128xf32, #tpu.memory_space<vmem>>[vector<16xi32>, vector<16xi32>], vector<16xf32>, vector<16xi1>
            %broadcast_in_dim3A_279 = arith.constant 12 : i32
            %broadcast_in_dim3A_280 = vector.broadcast %broadcast_in_dim3A_279 : i32 to vector<16xi32>
            %gather3A_281 = tpu.vector_load_idx %arg10[%broadcast_in_dim3A_280, %and3A_236] masked %eq3A_217 : memref<64x128xf32, #tpu.memory_space<vmem>>[vector<16xi32>, vector<16xi32>], vector<16xf32>, vector<16xi1>
            tpu.vector_store_idx %arg12[%sub3A_243, %broadcast_in_dim3A_280], %gather3A_281 masked %eq3A_217 : memref<128x128xf32, #tpu.memory_space<vmem>>[vector<16xi32>, vector<16xi32>], vector<16xf32>, vector<16xi1>
            %broadcast_in_dim3A_282 = arith.constant 13 : i32
            %broadcast_in_dim3A_283 = vector.broadcast %broadcast_in_dim3A_282 : i32 to vector<16xi32>
            %gather3A_284 = tpu.vector_load_idx %arg10[%broadcast_in_dim3A_283, %and3A_236] masked %eq3A_217 : memref<64x128xf32, #tpu.memory_space<vmem>>[vector<16xi32>, vector<16xi32>], vector<16xf32>, vector<16xi1>
            tpu.vector_store_idx %arg12[%sub3A_243, %broadcast_in_dim3A_283], %gather3A_284 masked %eq3A_217 : memref<128x128xf32, #tpu.memory_space<vmem>>[vector<16xi32>, vector<16xi32>], vector<16xf32>, vector<16xi1>
            %broadcast_in_dim3A_285 = arith.constant 14 : i32
            %broadcast_in_dim3A_286 = vector.broadcast %broadcast_in_dim3A_285 : i32 to vector<16xi32>
            %gather3A_287 = tpu.vector_load_idx %arg10[%broadcast_in_dim3A_286, %and3A_236] masked %eq3A_217 : memref<64x128xf32, #tpu.memory_space<vmem>>[vector<16xi32>, vector<16xi32>], vector<16xf32>, vector<16xi1>
            tpu.vector_store_idx %arg12[%sub3A_243, %broadcast_in_dim3A_286], %gather3A_287 masked %eq3A_217 : memref<128x128xf32, #tpu.memory_space<vmem>>[vector<16xi32>, vector<16xi32>], vector<16xf32>, vector<16xi1>
            %broadcast_in_dim3A_288 = arith.constant 15 : i32
            %broadcast_in_dim3A_289 = vector.broadcast %broadcast_in_dim3A_288 : i32 to vector<16xi32>
            %gather3A_290 = tpu.vector_load_idx %arg10[%broadcast_in_dim3A_289, %and3A_236] masked %eq3A_217 : memref<64x128xf32, #tpu.memory_space<vmem>>[vector<16xi32>, vector<16xi32>], vector<16xf32>, vector<16xi1>
            tpu.vector_store_idx %arg12[%sub3A_243, %broadcast_in_dim3A_289], %gather3A_290 masked %eq3A_217 : memref<128x128xf32, #tpu.memory_space<vmem>>[vector<16xi32>, vector<16xi32>], vector<16xf32>, vector<16xi1>
            %broadcast_in_dim3A_291 = arith.constant 16 : i32
            %broadcast_in_dim3A_292 = vector.broadcast %broadcast_in_dim3A_291 : i32 to vector<16xi32>
            %gather3A_293 = tpu.vector_load_idx %arg10[%broadcast_in_dim3A_292, %and3A_236] masked %eq3A_217 : memref<64x128xf32, #tpu.memory_space<vmem>>[vector<16xi32>, vector<16xi32>], vector<16xf32>, vector<16xi1>
            tpu.vector_store_idx %arg12[%sub3A_243, %broadcast_in_dim3A_292], %gather3A_293 masked %eq3A_217 : memref<128x128xf32, #tpu.memory_space<vmem>>[vector<16xi32>, vector<16xi32>], vector<16xf32>, vector<16xi1>
            %broadcast_in_dim3A_294 = arith.constant 17 : i32
            %broadcast_in_dim3A_295 = vector.broadcast %broadcast_in_dim3A_294 : i32 to vector<16xi32>
            %gather3A_296 = tpu.vector_load_idx %arg10[%broadcast_in_dim3A_295, %and3A_236] masked %eq3A_217 : memref<64x128xf32, #tpu.memory_space<vmem>>[vector<16xi32>, vector<16xi32>], vector<16xf32>, vector<16xi1>
            tpu.vector_store_idx %arg12[%sub3A_243, %broadcast_in_dim3A_295], %gather3A_296 masked %eq3A_217 : memref<128x128xf32, #tpu.memory_space<vmem>>[vector<16xi32>, vector<16xi32>], vector<16xf32>, vector<16xi1>
            %broadcast_in_dim3A_297 = arith.constant 18 : i32
            %broadcast_in_dim3A_298 = vector.broadcast %broadcast_in_dim3A_297 : i32 to vector<16xi32>
            %gather3A_299 = tpu.vector_load_idx %arg10[%broadcast_in_dim3A_298, %and3A_236] masked %eq3A_217 : memref<64x128xf32, #tpu.memory_space<vmem>>[vector<16xi32>, vector<16xi32>], vector<16xf32>, vector<16xi1>
            tpu.vector_store_idx %arg12[%sub3A_243, %broadcast_in_dim3A_298], %gather3A_299 masked %eq3A_217 : memref<128x128xf32, #tpu.memory_space<vmem>>[vector<16xi32>, vector<16xi32>], vector<16xf32>, vector<16xi1>
            %broadcast_in_dim3A_300 = arith.constant 19 : i32
            %broadcast_in_dim3A_301 = vector.broadcast %broadcast_in_dim3A_300 : i32 to vector<16xi32>
            %gather3A_302 = tpu.vector_load_idx %arg10[%broadcast_in_dim3A_301, %and3A_236] masked %eq3A_217 : memref<64x128xf32, #tpu.memory_space<vmem>>[vector<16xi32>, vector<16xi32>], vector<16xf32>, vector<16xi1>
            tpu.vector_store_idx %arg12[%sub3A_243, %broadcast_in_dim3A_301], %gather3A_302 masked %eq3A_217 : memref<128x128xf32, #tpu.memory_space<vmem>>[vector<16xi32>, vector<16xi32>], vector<16xf32>, vector<16xi1>
            %broadcast_in_dim3A_303 = arith.constant 20 : i32
            %broadcast_in_dim3A_304 = vector.broadcast %broadcast_in_dim3A_303 : i32 to vector<16xi32>
            %gather3A_305 = tpu.vector_load_idx %arg10[%broadcast_in_dim3A_304, %and3A_236] masked %eq3A_217 : memref<64x128xf32, #tpu.memory_space<vmem>>[vector<16xi32>, vector<16xi32>], vector<16xf32>, vector<16xi1>
            tpu.vector_store_idx %arg12[%sub3A_243, %broadcast_in_dim3A_304], %gather3A_305 masked %eq3A_217 : memref<128x128xf32, #tpu.memory_space<vmem>>[vector<16xi32>, vector<16xi32>], vector<16xf32>, vector<16xi1>
            %broadcast_in_dim3A_306 = arith.constant 21 : i32
            %broadcast_in_dim3A_307 = vector.broadcast %broadcast_in_dim3A_306 : i32 to vector<16xi32>
            %gather3A_308 = tpu.vector_load_idx %arg10[%broadcast_in_dim3A_307, %and3A_236] masked %eq3A_217 : memref<64x128xf32, #tpu.memory_space<vmem>>[vector<16xi32>, vector<16xi32>], vector<16xf32>, vector<16xi1>
            tpu.vector_store_idx %arg12[%sub3A_243, %broadcast_in_dim3A_307], %gather3A_308 masked %eq3A_217 : memref<128x128xf32, #tpu.memory_space<vmem>>[vector<16xi32>, vector<16xi32>], vector<16xf32>, vector<16xi1>
            %broadcast_in_dim3A_309 = arith.constant 22 : i32
            %broadcast_in_dim3A_310 = vector.broadcast %broadcast_in_dim3A_309 : i32 to vector<16xi32>
            %gather3A_311 = tpu.vector_load_idx %arg10[%broadcast_in_dim3A_310, %and3A_236] masked %eq3A_217 : memref<64x128xf32, #tpu.memory_space<vmem>>[vector<16xi32>, vector<16xi32>], vector<16xf32>, vector<16xi1>
            tpu.vector_store_idx %arg12[%sub3A_243, %broadcast_in_dim3A_310], %gather3A_311 masked %eq3A_217 : memref<128x128xf32, #tpu.memory_space<vmem>>[vector<16xi32>, vector<16xi32>], vector<16xf32>, vector<16xi1>
            %broadcast_in_dim3A_312 = arith.constant 23 : i32
            %broadcast_in_dim3A_313 = vector.broadcast %broadcast_in_dim3A_312 : i32 to vector<16xi32>
            %gather3A_314 = tpu.vector_load_idx %arg10[%broadcast_in_dim3A_313, %and3A_236] masked %eq3A_217 : memref<64x128xf32, #tpu.memory_space<vmem>>[vector<16xi32>, vector<16xi32>], vector<16xf32>, vector<16xi1>
            tpu.vector_store_idx %arg12[%sub3A_243, %broadcast_in_dim3A_313], %gather3A_314 masked %eq3A_217 : memref<128x128xf32, #tpu.memory_space<vmem>>[vector<16xi32>, vector<16xi32>], vector<16xf32>, vector<16xi1>
            %broadcast_in_dim3A_315 = arith.constant 24 : i32
            %broadcast_in_dim3A_316 = vector.broadcast %broadcast_in_dim3A_315 : i32 to vector<16xi32>
            %gather3A_317 = tpu.vector_load_idx %arg10[%broadcast_in_dim3A_316, %and3A_236] masked %eq3A_217 : memref<64x128xf32, #tpu.memory_space<vmem>>[vector<16xi32>, vector<16xi32>], vector<16xf32>, vector<16xi1>
            tpu.vector_store_idx %arg12[%sub3A_243, %broadcast_in_dim3A_316], %gather3A_317 masked %eq3A_217 : memref<128x128xf32, #tpu.memory_space<vmem>>[vector<16xi32>, vector<16xi32>], vector<16xf32>, vector<16xi1>
            %broadcast_in_dim3A_318 = arith.constant 25 : i32
            %broadcast_in_dim3A_319 = vector.broadcast %broadcast_in_dim3A_318 : i32 to vector<16xi32>
            %gather3A_320 = tpu.vector_load_idx %arg10[%broadcast_in_dim3A_319, %and3A_236] masked %eq3A_217 : memref<64x128xf32, #tpu.memory_space<vmem>>[vector<16xi32>, vector<16xi32>], vector<16xf32>, vector<16xi1>
            tpu.vector_store_idx %arg12[%sub3A_243, %broadcast_in_dim3A_319], %gather3A_320 masked %eq3A_217 : memref<128x128xf32, #tpu.memory_space<vmem>>[vector<16xi32>, vector<16xi32>], vector<16xf32>, vector<16xi1>
            %broadcast_in_dim3A_321 = arith.constant 26 : i32
            %broadcast_in_dim3A_322 = vector.broadcast %broadcast_in_dim3A_321 : i32 to vector<16xi32>
            %gather3A_323 = tpu.vector_load_idx %arg10[%broadcast_in_dim3A_322, %and3A_236] masked %eq3A_217 : memref<64x128xf32, #tpu.memory_space<vmem>>[vector<16xi32>, vector<16xi32>], vector<16xf32>, vector<16xi1>
            tpu.vector_store_idx %arg12[%sub3A_243, %broadcast_in_dim3A_322], %gather3A_323 masked %eq3A_217 : memref<128x128xf32, #tpu.memory_space<vmem>>[vector<16xi32>, vector<16xi32>], vector<16xf32>, vector<16xi1>
            %broadcast_in_dim3A_324 = arith.constant 27 : i32
            %broadcast_in_dim3A_325 = vector.broadcast %broadcast_in_dim3A_324 : i32 to vector<16xi32>
            %gather3A_326 = tpu.vector_load_idx %arg10[%broadcast_in_dim3A_325, %and3A_236] masked %eq3A_217 : memref<64x128xf32, #tpu.memory_space<vmem>>[vector<16xi32>, vector<16xi32>], vector<16xf32>, vector<16xi1>
            tpu.vector_store_idx %arg12[%sub3A_243, %broadcast_in_dim3A_325], %gather3A_326 masked %eq3A_217 : memref<128x128xf32, #tpu.memory_space<vmem>>[vector<16xi32>, vector<16xi32>], vector<16xf32>, vector<16xi1>
            %broadcast_in_dim3A_327 = arith.constant 28 : i32
            %broadcast_in_dim3A_328 = vector.broadcast %broadcast_in_dim3A_327 : i32 to vector<16xi32>
            %gather3A_329 = tpu.vector_load_idx %arg10[%broadcast_in_dim3A_328, %and3A_236] masked %eq3A_217 : memref<64x128xf32, #tpu.memory_space<vmem>>[vector<16xi32>, vector<16xi32>], vector<16xf32>, vector<16xi1>
            tpu.vector_store_idx %arg12[%sub3A_243, %broadcast_in_dim3A_328], %gather3A_329 masked %eq3A_217 : memref<128x128xf32, #tpu.memory_space<vmem>>[vector<16xi32>, vector<16xi32>], vector<16xf32>, vector<16xi1>
            %broadcast_in_dim3A_330 = arith.constant 29 : i32
            %broadcast_in_dim3A_331 = vector.broadcast %broadcast_in_dim3A_330 : i32 to vector<16xi32>
            %gather3A_332 = tpu.vector_load_idx %arg10[%broadcast_in_dim3A_331, %and3A_236] masked %eq3A_217 : memref<64x128xf32, #tpu.memory_space<vmem>>[vector<16xi32>, vector<16xi32>], vector<16xf32>, vector<16xi1>
            tpu.vector_store_idx %arg12[%sub3A_243, %broadcast_in_dim3A_331], %gather3A_332 masked %eq3A_217 : memref<128x128xf32, #tpu.memory_space<vmem>>[vector<16xi32>, vector<16xi32>], vector<16xf32>, vector<16xi1>
            %broadcast_in_dim3A_333 = arith.constant 30 : i32
            %broadcast_in_dim3A_334 = vector.broadcast %broadcast_in_dim3A_333 : i32 to vector<16xi32>
            %gather3A_335 = tpu.vector_load_idx %arg10[%broadcast_in_dim3A_334, %and3A_236] masked %eq3A_217 : memref<64x128xf32, #tpu.memory_space<vmem>>[vector<16xi32>, vector<16xi32>], vector<16xf32>, vector<16xi1>
            tpu.vector_store_idx %arg12[%sub3A_243, %broadcast_in_dim3A_334], %gather3A_335 masked %eq3A_217 : memref<128x128xf32, #tpu.memory_space<vmem>>[vector<16xi32>, vector<16xi32>], vector<16xf32>, vector<16xi1>
            %broadcast_in_dim3A_336 = arith.constant 31 : i32
            %broadcast_in_dim3A_337 = vector.broadcast %broadcast_in_dim3A_336 : i32 to vector<16xi32>
            %gather3A_338 = tpu.vector_load_idx %arg10[%broadcast_in_dim3A_337, %and3A_236] masked %eq3A_217 : memref<64x128xf32, #tpu.memory_space<vmem>>[vector<16xi32>, vector<16xi32>], vector<16xf32>, vector<16xi1>
            tpu.vector_store_idx %arg12[%sub3A_243, %broadcast_in_dim3A_337], %gather3A_338 masked %eq3A_217 : memref<128x128xf32, #tpu.memory_space<vmem>>[vector<16xi32>, vector<16xi32>], vector<16xf32>, vector<16xi1>
            %broadcast_in_dim3A_339 = arith.constant 32 : i32
            %broadcast_in_dim3A_340 = vector.broadcast %broadcast_in_dim3A_339 : i32 to vector<16xi32>
            %gather3A_341 = tpu.vector_load_idx %arg10[%broadcast_in_dim3A_340, %and3A_236] masked %eq3A_217 : memref<64x128xf32, #tpu.memory_space<vmem>>[vector<16xi32>, vector<16xi32>], vector<16xf32>, vector<16xi1>
            tpu.vector_store_idx %arg12[%sub3A_243, %broadcast_in_dim3A_340], %gather3A_341 masked %eq3A_217 : memref<128x128xf32, #tpu.memory_space<vmem>>[vector<16xi32>, vector<16xi32>], vector<16xf32>, vector<16xi1>
            %broadcast_in_dim3A_342 = arith.constant 33 : i32
            %broadcast_in_dim3A_343 = vector.broadcast %broadcast_in_dim3A_342 : i32 to vector<16xi32>
            %gather3A_344 = tpu.vector_load_idx %arg10[%broadcast_in_dim3A_343, %and3A_236] masked %eq3A_217 : memref<64x128xf32, #tpu.memory_space<vmem>>[vector<16xi32>, vector<16xi32>], vector<16xf32>, vector<16xi1>
            tpu.vector_store_idx %arg12[%sub3A_243, %broadcast_in_dim3A_343], %gather3A_344 masked %eq3A_217 : memref<128x128xf32, #tpu.memory_space<vmem>>[vector<16xi32>, vector<16xi32>], vector<16xf32>, vector<16xi1>
            %broadcast_in_dim3A_345 = arith.constant 34 : i32
            %broadcast_in_dim3A_346 = vector.broadcast %broadcast_in_dim3A_345 : i32 to vector<16xi32>
            %gather3A_347 = tpu.vector_load_idx %arg10[%broadcast_in_dim3A_346, %and3A_236] masked %eq3A_217 : memref<64x128xf32, #tpu.memory_space<vmem>>[vector<16xi32>, vector<16xi32>], vector<16xf32>, vector<16xi1>
            tpu.vector_store_idx %arg12[%sub3A_243, %broadcast_in_dim3A_346], %gather3A_347 masked %eq3A_217 : memref<128x128xf32, #tpu.memory_space<vmem>>[vector<16xi32>, vector<16xi32>], vector<16xf32>, vector<16xi1>
            %broadcast_in_dim3A_348 = arith.constant 35 : i32
            %broadcast_in_dim3A_349 = vector.broadcast %broadcast_in_dim3A_348 : i32 to vector<16xi32>
            %gather3A_350 = tpu.vector_load_idx %arg10[%broadcast_in_dim3A_349, %and3A_236] masked %eq3A_217 : memref<64x128xf32, #tpu.memory_space<vmem>>[vector<16xi32>, vector<16xi32>], vector<16xf32>, vector<16xi1>
            tpu.vector_store_idx %arg12[%sub3A_243, %broadcast_in_dim3A_349], %gather3A_350 masked %eq3A_217 : memref<128x128xf32, #tpu.memory_space<vmem>>[vector<16xi32>, vector<16xi32>], vector<16xf32>, vector<16xi1>
            %broadcast_in_dim3A_351 = arith.constant 36 : i32
            %broadcast_in_dim3A_352 = vector.broadcast %broadcast_in_dim3A_351 : i32 to vector<16xi32>
            %gather3A_353 = tpu.vector_load_idx %arg10[%broadcast_in_dim3A_352, %and3A_236] masked %eq3A_217 : memref<64x128xf32, #tpu.memory_space<vmem>>[vector<16xi32>, vector<16xi32>], vector<16xf32>, vector<16xi1>
            tpu.vector_store_idx %arg12[%sub3A_243, %broadcast_in_dim3A_352], %gather3A_353 masked %eq3A_217 : memref<128x128xf32, #tpu.memory_space<vmem>>[vector<16xi32>, vector<16xi32>], vector<16xf32>, vector<16xi1>
            %broadcast_in_dim3A_354 = arith.constant 37 : i32
            %broadcast_in_dim3A_355 = vector.broadcast %broadcast_in_dim3A_354 : i32 to vector<16xi32>
            %gather3A_356 = tpu.vector_load_idx %arg10[%broadcast_in_dim3A_355, %and3A_236] masked %eq3A_217 : memref<64x128xf32, #tpu.memory_space<vmem>>[vector<16xi32>, vector<16xi32>], vector<16xf32>, vector<16xi1>
            tpu.vector_store_idx %arg12[%sub3A_243, %broadcast_in_dim3A_355], %gather3A_356 masked %eq3A_217 : memref<128x128xf32, #tpu.memory_space<vmem>>[vector<16xi32>, vector<16xi32>], vector<16xf32>, vector<16xi1>
            %broadcast_in_dim3A_357 = arith.constant 38 : i32
            %broadcast_in_dim3A_358 = vector.broadcast %broadcast_in_dim3A_357 : i32 to vector<16xi32>
            %gather3A_359 = tpu.vector_load_idx %arg10[%broadcast_in_dim3A_358, %and3A_236] masked %eq3A_217 : memref<64x128xf32, #tpu.memory_space<vmem>>[vector<16xi32>, vector<16xi32>], vector<16xf32>, vector<16xi1>
            tpu.vector_store_idx %arg12[%sub3A_243, %broadcast_in_dim3A_358], %gather3A_359 masked %eq3A_217 : memref<128x128xf32, #tpu.memory_space<vmem>>[vector<16xi32>, vector<16xi32>], vector<16xf32>, vector<16xi1>
            %broadcast_in_dim3A_360 = arith.constant 39 : i32
            %broadcast_in_dim3A_361 = vector.broadcast %broadcast_in_dim3A_360 : i32 to vector<16xi32>
            %gather3A_362 = tpu.vector_load_idx %arg10[%broadcast_in_dim3A_361, %and3A_236] masked %eq3A_217 : memref<64x128xf32, #tpu.memory_space<vmem>>[vector<16xi32>, vector<16xi32>], vector<16xf32>, vector<16xi1>
            tpu.vector_store_idx %arg12[%sub3A_243, %broadcast_in_dim3A_361], %gather3A_362 masked %eq3A_217 : memref<128x128xf32, #tpu.memory_space<vmem>>[vector<16xi32>, vector<16xi32>], vector<16xf32>, vector<16xi1>
            %broadcast_in_dim3A_363 = arith.constant 40 : i32
            %broadcast_in_dim3A_364 = vector.broadcast %broadcast_in_dim3A_363 : i32 to vector<16xi32>
            %gather3A_365 = tpu.vector_load_idx %arg10[%broadcast_in_dim3A_364, %and3A_236] masked %eq3A_217 : memref<64x128xf32, #tpu.memory_space<vmem>>[vector<16xi32>, vector<16xi32>], vector<16xf32>, vector<16xi1>
            tpu.vector_store_idx %arg12[%sub3A_243, %broadcast_in_dim3A_364], %gather3A_365 masked %eq3A_217 : memref<128x128xf32, #tpu.memory_space<vmem>>[vector<16xi32>, vector<16xi32>], vector<16xf32>, vector<16xi1>
            %broadcast_in_dim3A_366 = arith.constant 41 : i32
            %broadcast_in_dim3A_367 = vector.broadcast %broadcast_in_dim3A_366 : i32 to vector<16xi32>
            %gather3A_368 = tpu.vector_load_idx %arg10[%broadcast_in_dim3A_367, %and3A_236] masked %eq3A_217 : memref<64x128xf32, #tpu.memory_space<vmem>>[vector<16xi32>, vector<16xi32>], vector<16xf32>, vector<16xi1>
            tpu.vector_store_idx %arg12[%sub3A_243, %broadcast_in_dim3A_367], %gather3A_368 masked %eq3A_217 : memref<128x128xf32, #tpu.memory_space<vmem>>[vector<16xi32>, vector<16xi32>], vector<16xf32>, vector<16xi1>
            %broadcast_in_dim3A_369 = arith.constant 42 : i32
            %broadcast_in_dim3A_370 = vector.broadcast %broadcast_in_dim3A_369 : i32 to vector<16xi32>
            %gather3A_371 = tpu.vector_load_idx %arg10[%broadcast_in_dim3A_370, %and3A_236] masked %eq3A_217 : memref<64x128xf32, #tpu.memory_space<vmem>>[vector<16xi32>, vector<16xi32>], vector<16xf32>, vector<16xi1>
            tpu.vector_store_idx %arg12[%sub3A_243, %broadcast_in_dim3A_370], %gather3A_371 masked %eq3A_217 : memref<128x128xf32, #tpu.memory_space<vmem>>[vector<16xi32>, vector<16xi32>], vector<16xf32>, vector<16xi1>
            %broadcast_in_dim3A_372 = arith.constant 43 : i32
            %broadcast_in_dim3A_373 = vector.broadcast %broadcast_in_dim3A_372 : i32 to vector<16xi32>
            %gather3A_374 = tpu.vector_load_idx %arg10[%broadcast_in_dim3A_373, %and3A_236] masked %eq3A_217 : memref<64x128xf32, #tpu.memory_space<vmem>>[vector<16xi32>, vector<16xi32>], vector<16xf32>, vector<16xi1>
            tpu.vector_store_idx %arg12[%sub3A_243, %broadcast_in_dim3A_373], %gather3A_374 masked %eq3A_217 : memref<128x128xf32, #tpu.memory_space<vmem>>[vector<16xi32>, vector<16xi32>], vector<16xf32>, vector<16xi1>
            %broadcast_in_dim3A_375 = arith.constant 44 : i32
            %broadcast_in_dim3A_376 = vector.broadcast %broadcast_in_dim3A_375 : i32 to vector<16xi32>
            %gather3A_377 = tpu.vector_load_idx %arg10[%broadcast_in_dim3A_376, %and3A_236] masked %eq3A_217 : memref<64x128xf32, #tpu.memory_space<vmem>>[vector<16xi32>, vector<16xi32>], vector<16xf32>, vector<16xi1>
            tpu.vector_store_idx %arg12[%sub3A_243, %broadcast_in_dim3A_376], %gather3A_377 masked %eq3A_217 : memref<128x128xf32, #tpu.memory_space<vmem>>[vector<16xi32>, vector<16xi32>], vector<16xf32>, vector<16xi1>
            %broadcast_in_dim3A_378 = arith.constant 45 : i32
            %broadcast_in_dim3A_379 = vector.broadcast %broadcast_in_dim3A_378 : i32 to vector<16xi32>
            %gather3A_380 = tpu.vector_load_idx %arg10[%broadcast_in_dim3A_379, %and3A_236] masked %eq3A_217 : memref<64x128xf32, #tpu.memory_space<vmem>>[vector<16xi32>, vector<16xi32>], vector<16xf32>, vector<16xi1>
            tpu.vector_store_idx %arg12[%sub3A_243, %broadcast_in_dim3A_379], %gather3A_380 masked %eq3A_217 : memref<128x128xf32, #tpu.memory_space<vmem>>[vector<16xi32>, vector<16xi32>], vector<16xf32>, vector<16xi1>
            %broadcast_in_dim3A_381 = arith.constant 46 : i32
            %broadcast_in_dim3A_382 = vector.broadcast %broadcast_in_dim3A_381 : i32 to vector<16xi32>
            %gather3A_383 = tpu.vector_load_idx %arg10[%broadcast_in_dim3A_382, %and3A_236] masked %eq3A_217 : memref<64x128xf32, #tpu.memory_space<vmem>>[vector<16xi32>, vector<16xi32>], vector<16xf32>, vector<16xi1>
            tpu.vector_store_idx %arg12[%sub3A_243, %broadcast_in_dim3A_382], %gather3A_383 masked %eq3A_217 : memref<128x128xf32, #tpu.memory_space<vmem>>[vector<16xi32>, vector<16xi32>], vector<16xf32>, vector<16xi1>
            %broadcast_in_dim3A_384 = arith.constant 47 : i32
            %broadcast_in_dim3A_385 = vector.broadcast %broadcast_in_dim3A_384 : i32 to vector<16xi32>
            %gather3A_386 = tpu.vector_load_idx %arg10[%broadcast_in_dim3A_385, %and3A_236] masked %eq3A_217 : memref<64x128xf32, #tpu.memory_space<vmem>>[vector<16xi32>, vector<16xi32>], vector<16xf32>, vector<16xi1>
            tpu.vector_store_idx %arg12[%sub3A_243, %broadcast_in_dim3A_385], %gather3A_386 masked %eq3A_217 : memref<128x128xf32, #tpu.memory_space<vmem>>[vector<16xi32>, vector<16xi32>], vector<16xf32>, vector<16xi1>
            %broadcast_in_dim3A_387 = arith.constant 48 : i32
            %broadcast_in_dim3A_388 = vector.broadcast %broadcast_in_dim3A_387 : i32 to vector<16xi32>
            %gather3A_389 = tpu.vector_load_idx %arg10[%broadcast_in_dim3A_388, %and3A_236] masked %eq3A_217 : memref<64x128xf32, #tpu.memory_space<vmem>>[vector<16xi32>, vector<16xi32>], vector<16xf32>, vector<16xi1>
            tpu.vector_store_idx %arg12[%sub3A_243, %broadcast_in_dim3A_388], %gather3A_389 masked %eq3A_217 : memref<128x128xf32, #tpu.memory_space<vmem>>[vector<16xi32>, vector<16xi32>], vector<16xf32>, vector<16xi1>
            %broadcast_in_dim3A_390 = arith.constant 49 : i32
            %broadcast_in_dim3A_391 = vector.broadcast %broadcast_in_dim3A_390 : i32 to vector<16xi32>
            %gather3A_392 = tpu.vector_load_idx %arg10[%broadcast_in_dim3A_391, %and3A_236] masked %eq3A_217 : memref<64x128xf32, #tpu.memory_space<vmem>>[vector<16xi32>, vector<16xi32>], vector<16xf32>, vector<16xi1>
            tpu.vector_store_idx %arg12[%sub3A_243, %broadcast_in_dim3A_391], %gather3A_392 masked %eq3A_217 : memref<128x128xf32, #tpu.memory_space<vmem>>[vector<16xi32>, vector<16xi32>], vector<16xf32>, vector<16xi1>
            %broadcast_in_dim3A_393 = arith.constant 50 : i32
            %broadcast_in_dim3A_394 = vector.broadcast %broadcast_in_dim3A_393 : i32 to vector<16xi32>
            %gather3A_395 = tpu.vector_load_idx %arg10[%broadcast_in_dim3A_394, %and3A_236] masked %eq3A_217 : memref<64x128xf32, #tpu.memory_space<vmem>>[vector<16xi32>, vector<16xi32>], vector<16xf32>, vector<16xi1>
            tpu.vector_store_idx %arg12[%sub3A_243, %broadcast_in_dim3A_394], %gather3A_395 masked %eq3A_217 : memref<128x128xf32, #tpu.memory_space<vmem>>[vector<16xi32>, vector<16xi32>], vector<16xf32>, vector<16xi1>
            %broadcast_in_dim3A_396 = arith.constant 51 : i32
            %broadcast_in_dim3A_397 = vector.broadcast %broadcast_in_dim3A_396 : i32 to vector<16xi32>
            %gather3A_398 = tpu.vector_load_idx %arg10[%broadcast_in_dim3A_397, %and3A_236] masked %eq3A_217 : memref<64x128xf32, #tpu.memory_space<vmem>>[vector<16xi32>, vector<16xi32>], vector<16xf32>, vector<16xi1>
            tpu.vector_store_idx %arg12[%sub3A_243, %broadcast_in_dim3A_397], %gather3A_398 masked %eq3A_217 : memref<128x128xf32, #tpu.memory_space<vmem>>[vector<16xi32>, vector<16xi32>], vector<16xf32>, vector<16xi1>
            %broadcast_in_dim3A_399 = arith.constant 52 : i32
            %broadcast_in_dim3A_400 = vector.broadcast %broadcast_in_dim3A_399 : i32 to vector<16xi32>
            %gather3A_401 = tpu.vector_load_idx %arg10[%broadcast_in_dim3A_400, %and3A_236] masked %eq3A_217 : memref<64x128xf32, #tpu.memory_space<vmem>>[vector<16xi32>, vector<16xi32>], vector<16xf32>, vector<16xi1>
            tpu.vector_store_idx %arg12[%sub3A_243, %broadcast_in_dim3A_400], %gather3A_401 masked %eq3A_217 : memref<128x128xf32, #tpu.memory_space<vmem>>[vector<16xi32>, vector<16xi32>], vector<16xf32>, vector<16xi1>
            %broadcast_in_dim3A_402 = arith.constant 53 : i32
            %broadcast_in_dim3A_403 = vector.broadcast %broadcast_in_dim3A_402 : i32 to vector<16xi32>
            %gather3A_404 = tpu.vector_load_idx %arg10[%broadcast_in_dim3A_403, %and3A_236] masked %eq3A_217 : memref<64x128xf32, #tpu.memory_space<vmem>>[vector<16xi32>, vector<16xi32>], vector<16xf32>, vector<16xi1>
            tpu.vector_store_idx %arg12[%sub3A_243, %broadcast_in_dim3A_403], %gather3A_404 masked %eq3A_217 : memref<128x128xf32, #tpu.memory_space<vmem>>[vector<16xi32>, vector<16xi32>], vector<16xf32>, vector<16xi1>
            %broadcast_in_dim3A_405 = arith.constant 54 : i32
            %broadcast_in_dim3A_406 = vector.broadcast %broadcast_in_dim3A_405 : i32 to vector<16xi32>
            %gather3A_407 = tpu.vector_load_idx %arg10[%broadcast_in_dim3A_406, %and3A_236] masked %eq3A_217 : memref<64x128xf32, #tpu.memory_space<vmem>>[vector<16xi32>, vector<16xi32>], vector<16xf32>, vector<16xi1>
            tpu.vector_store_idx %arg12[%sub3A_243, %broadcast_in_dim3A_406], %gather3A_407 masked %eq3A_217 : memref<128x128xf32, #tpu.memory_space<vmem>>[vector<16xi32>, vector<16xi32>], vector<16xf32>, vector<16xi1>
            %broadcast_in_dim3A_408 = arith.constant 55 : i32
            %broadcast_in_dim3A_409 = vector.broadcast %broadcast_in_dim3A_408 : i32 to vector<16xi32>
            %gather3A_410 = tpu.vector_load_idx %arg10[%broadcast_in_dim3A_409, %and3A_236] masked %eq3A_217 : memref<64x128xf32, #tpu.memory_space<vmem>>[vector<16xi32>, vector<16xi32>], vector<16xf32>, vector<16xi1>
            tpu.vector_store_idx %arg12[%sub3A_243, %broadcast_in_dim3A_409], %gather3A_410 masked %eq3A_217 : memref<128x128xf32, #tpu.memory_space<vmem>>[vector<16xi32>, vector<16xi32>], vector<16xf32>, vector<16xi1>
            %broadcast_in_dim3A_411 = arith.constant 56 : i32
            %broadcast_in_dim3A_412 = vector.broadcast %broadcast_in_dim3A_411 : i32 to vector<16xi32>
            %gather3A_413 = tpu.vector_load_idx %arg10[%broadcast_in_dim3A_412, %and3A_236] masked %eq3A_217 : memref<64x128xf32, #tpu.memory_space<vmem>>[vector<16xi32>, vector<16xi32>], vector<16xf32>, vector<16xi1>
            tpu.vector_store_idx %arg12[%sub3A_243, %broadcast_in_dim3A_412], %gather3A_413 masked %eq3A_217 : memref<128x128xf32, #tpu.memory_space<vmem>>[vector<16xi32>, vector<16xi32>], vector<16xf32>, vector<16xi1>
            %broadcast_in_dim3A_414 = arith.constant 57 : i32
            %broadcast_in_dim3A_415 = vector.broadcast %broadcast_in_dim3A_414 : i32 to vector<16xi32>
            %gather3A_416 = tpu.vector_load_idx %arg10[%broadcast_in_dim3A_415, %and3A_236] masked %eq3A_217 : memref<64x128xf32, #tpu.memory_space<vmem>>[vector<16xi32>, vector<16xi32>], vector<16xf32>, vector<16xi1>
            tpu.vector_store_idx %arg12[%sub3A_243, %broadcast_in_dim3A_415], %gather3A_416 masked %eq3A_217 : memref<128x128xf32, #tpu.memory_space<vmem>>[vector<16xi32>, vector<16xi32>], vector<16xf32>, vector<16xi1>
            %broadcast_in_dim3A_417 = arith.constant 58 : i32
            %broadcast_in_dim3A_418 = vector.broadcast %broadcast_in_dim3A_417 : i32 to vector<16xi32>
            %gather3A_419 = tpu.vector_load_idx %arg10[%broadcast_in_dim3A_418, %and3A_236] masked %eq3A_217 : memref<64x128xf32, #tpu.memory_space<vmem>>[vector<16xi32>, vector<16xi32>], vector<16xf32>, vector<16xi1>
            tpu.vector_store_idx %arg12[%sub3A_243, %broadcast_in_dim3A_418], %gather3A_419 masked %eq3A_217 : memref<128x128xf32, #tpu.memory_space<vmem>>[vector<16xi32>, vector<16xi32>], vector<16xf32>, vector<16xi1>
            %broadcast_in_dim3A_420 = arith.constant 59 : i32
            %broadcast_in_dim3A_421 = vector.broadcast %broadcast_in_dim3A_420 : i32 to vector<16xi32>
            %gather3A_422 = tpu.vector_load_idx %arg10[%broadcast_in_dim3A_421, %and3A_236] masked %eq3A_217 : memref<64x128xf32, #tpu.memory_space<vmem>>[vector<16xi32>, vector<16xi32>], vector<16xf32>, vector<16xi1>
            tpu.vector_store_idx %arg12[%sub3A_243, %broadcast_in_dim3A_421], %gather3A_422 masked %eq3A_217 : memref<128x128xf32, #tpu.memory_space<vmem>>[vector<16xi32>, vector<16xi32>], vector<16xf32>, vector<16xi1>
            %broadcast_in_dim3A_423 = arith.constant 60 : i32
            %broadcast_in_dim3A_424 = vector.broadcast %broadcast_in_dim3A_423 : i32 to vector<16xi32>
            %gather3A_425 = tpu.vector_load_idx %arg10[%broadcast_in_dim3A_424, %and3A_236] masked %eq3A_217 : memref<64x128xf32, #tpu.memory_space<vmem>>[vector<16xi32>, vector<16xi32>], vector<16xf32>, vector<16xi1>
            tpu.vector_store_idx %arg12[%sub3A_243, %broadcast_in_dim3A_424], %gather3A_425 masked %eq3A_217 : memref<128x128xf32, #tpu.memory_space<vmem>>[vector<16xi32>, vector<16xi32>], vector<16xf32>, vector<16xi1>
            %broadcast_in_dim3A_426 = arith.constant 61 : i32
            %broadcast_in_dim3A_427 = vector.broadcast %broadcast_in_dim3A_426 : i32 to vector<16xi32>
            %gather3A_428 = tpu.vector_load_idx %arg10[%broadcast_in_dim3A_427, %and3A_236] masked %eq3A_217 : memref<64x128xf32, #tpu.memory_space<vmem>>[vector<16xi32>, vector<16xi32>], vector<16xf32>, vector<16xi1>
            tpu.vector_store_idx %arg12[%sub3A_243, %broadcast_in_dim3A_427], %gather3A_428 masked %eq3A_217 : memref<128x128xf32, #tpu.memory_space<vmem>>[vector<16xi32>, vector<16xi32>], vector<16xf32>, vector<16xi1>
            %broadcast_in_dim3A_429 = arith.constant 62 : i32
            %broadcast_in_dim3A_430 = vector.broadcast %broadcast_in_dim3A_429 : i32 to vector<16xi32>
            %gather3A_431 = tpu.vector_load_idx %arg10[%broadcast_in_dim3A_430, %and3A_236] masked %eq3A_217 : memref<64x128xf32, #tpu.memory_space<vmem>>[vector<16xi32>, vector<16xi32>], vector<16xf32>, vector<16xi1>
            tpu.vector_store_idx %arg12[%sub3A_243, %broadcast_in_dim3A_430], %gather3A_431 masked %eq3A_217 : memref<128x128xf32, #tpu.memory_space<vmem>>[vector<16xi32>, vector<16xi32>], vector<16xf32>, vector<16xi1>
            %broadcast_in_dim3A_432 = arith.constant 63 : i32
            %broadcast_in_dim3A_433 = vector.broadcast %broadcast_in_dim3A_432 : i32 to vector<16xi32>
            %gather3A_434 = tpu.vector_load_idx %arg10[%broadcast_in_dim3A_433, %and3A_236] masked %eq3A_217 : memref<64x128xf32, #tpu.memory_space<vmem>>[vector<16xi32>, vector<16xi32>], vector<16xf32>, vector<16xi1>
            tpu.vector_store_idx %arg12[%sub3A_243, %broadcast_in_dim3A_433], %gather3A_434 masked %eq3A_217 : memref<128x128xf32, #tpu.memory_space<vmem>>[vector<16xi32>, vector<16xi32>], vector<16xf32>, vector<16xi1>
            tpu.vector_store_idx %arg13[%sub3A_243], %add3A_234 masked %eq3A_217 : memref<128xi32, #tpu.memory_space<vmem>>[vector<16xi32>], vector<16xi32>, vector<16xi1>
            %add3A_435 = arith.addi %scan3A_210, %reduce_max3A_224 : i32
            %ge3A = arith.constant 112 : i32
            %ge3A_436 = arith.cmpi sge, %add3A_435, %ge3A : i32
            %convert_element_type3A_437 = arith.extui %ge3A_436 : i1 to i32
            %cond3A_438 = arith.constant 0 : i32
            %cond3A_439 = arith.cmpi ne, %convert_element_type3A_437, %cond3A_438 : i32
            %cond3A_440 = scf.if %cond3A_439 -> (i32) {
              %dma_start3A_441 = arith.constant 0 : i32
              %dma_start3A_442 = arith.constant 0 : i32
              %dma_start3A_443 = tpu.memref_slice %arg5[%dma_start3A_441, %dma_start3A_442] : memref<16512x128xf32, #tpu.memory_space<hbm>> -> memref<16512x128xf32, #tpu.memory_space<hbm>>
              tpu.enqueue_indirect_dma source(%arg12 : memref<128x128xf32, #tpu.memory_space<vmem>>) target(%dma_start3A_443 : memref<16512x128xf32, #tpu.memory_space<hbm>>) offsets(%arg13 : memref<128xi32, #tpu.memory_space<vmem>>) semaphore(%arg16 : memref<!tpu.dma_semaphore, #tpu.memory_space<semaphore_mem>>)
              %dma_wait3A_444 = arith.constant 0 : i32
              %dma_wait3A_445 = arith.constant 0 : i32
              %dma_wait3A_446 = tpu.memref_slice %arg5[%dma_wait3A_444, %dma_wait3A_445] : memref<16512x128xf32, #tpu.memory_space<hbm>> -> memref<16512x128xf32, #tpu.memory_space<hbm>>
              tpu.wait_indirect_dma semaphore(%arg16 : memref<!tpu.dma_semaphore, #tpu.memory_space<semaphore_mem>>) src(%arg12 : memref<128x128xf32, #tpu.memory_space<vmem>>) dst(%dma_wait3A_446 : memref<16512x128xf32, #tpu.memory_space<hbm>>)
              %cond3A_447 = arith.constant 0 : i32
              scf.yield %cond3A_447 : i32
            } else {
              scf.yield %add3A_435 : i32
            }
            scf.yield %cond3A_440 : i32
          } else {
            scf.yield %scan3A_210 : i32
          }
          scf.yield %cond3A_230 : i32
        }
        %scan3A_208 = arith.constant 1024 : i32
        scf.yield %scan3A_207 : i32
      }
      scf.yield %while3A_190 : i32
    } else {
      scf.yield %cond3A_169 : i32
    }
    %dma_start3A_175 = arith.constant 0 : i32
    %dma_start3A_176 = arith.constant 0 : i32
    %dma_start3A_177 = tpu.memref_slice %arg5[%dma_start3A_175, %dma_start3A_176] : memref<16512x128xf32, #tpu.memory_space<hbm>> -> memref<16512x128xf32, #tpu.memory_space<hbm>>
    tpu.enqueue_indirect_dma source(%arg12 : memref<128x128xf32, #tpu.memory_space<vmem>>) target(%dma_start3A_177 : memref<16512x128xf32, #tpu.memory_space<hbm>>) offsets(%arg13 : memref<128xi32, #tpu.memory_space<vmem>>) semaphore(%arg16 : memref<!tpu.dma_semaphore, #tpu.memory_space<semaphore_mem>>)
    %dma_wait3A_178 = arith.constant 0 : i32
    %dma_wait3A_179 = arith.constant 0 : i32
    %dma_wait3A_180 = tpu.memref_slice %arg5[%dma_wait3A_178, %dma_wait3A_179] : memref<16512x128xf32, #tpu.memory_space<hbm>> -> memref<16512x128xf32, #tpu.memory_space<hbm>>
    tpu.wait_indirect_dma semaphore(%arg16 : memref<!tpu.dma_semaphore, #tpu.memory_space<semaphore_mem>>) src(%arg12 : memref<128x128xf32, #tpu.memory_space<vmem>>) dst(%dma_wait3A_180 : memref<16512x128xf32, #tpu.memory_space<hbm>>)
    return
  }
}

</mosaic_0001>

<sc_bundles>
// kernel: _gather_scan.3.cloned.1.call-start
scs
__scs_entry_jumppad:
0x0: {  	(pc) =	sbr.rel $0x88, $3  }
0x1: {  	(tag) =	ssettag $0x0;
	lr =	simm.s32 $0x1  }
0x2: {  	[smem:$0x3F9E] =	sst lr;
	_ =	strace $0xD0000000  }
0x3: {  	_ = 	snop  }
0x4: {  	_ = 	snop  }
0x5: {  	_ = 	snop  }
0x6: {  	_ = 	snop  }
0x7: {  	_ = 	snop  }
__scs_overlays_trampoline_lowered:
0x8: {  	[smem:$0x3FAD] =	sst s0  }
0x9: {  	[smem:$0x3FAE] =	sst s1  }
0xa: {  	[smem:$0x3FAF] =	sst s2  }
0xb: {  	[smem:$0x3FB0] =	sst s3  }
0xc: {  	[smem:$0x3FB1] =	sst s4  }
0xd: {  	[smem:$0x3FB2] =	sst s5  }
0xe: {  	[smem:$0x3FB3] =	sst s6  }
0xf: {  	[smem:$0x3FB4] =	sst s7  }
0x10: {  	[smem:$0x3FB5] =	sst s8  }
0x11: {  	[smem:$0x3FB6] =	sst s9;
	s0 =	simm.s32 @!p0 $0x0  }
0x12: {  	s1 =	sld [smem:$0x3F9C];
	s0 =	simm.s32 @p0 $0x1  }
0x13: {  	[smem:$0x3FB7] =	sst s0;
	s0 =	simm.s32 @!p1 $0x0  }
0x14: {  	s2 =	sld [smem:$0x3F9B];
	s0 =	simm.s32 @p1 $0x1  }
0x15: {  	[smem:$0x3FB8] =	sst s0;
	s0 =	simm.s32 @!p2 $0x0  }
0x16: {  	s3 =	sld [smem:$0x3FDB];
	s0 =	simm.s32 @p2 $0x1  }
0x17: {  	s4 =	simm.s32 $0x1BF5;
	[smem:$0x3FBA] =	sst s0  }
0x18: {  	s0 =	sld [smem:$0x3F9D];
	_ =	swait.ge [sflag:s4], $0x0  }
0x19: {  	s7 =	sld [smem:$0x3F9E]  }
0x1a: {  	s8 =	sadd.s32 $0xFFFFE003, lr  }
0x1b: {  	s9 =	sadd.s32 $0xFFFFFEF7, lr;
	s5 =	simm.s32 $0xFFFFFFFF;
	p2 =	slt.u32 s8, $0xFFFFF086  }
0x1c: {  	p1 =	slt.u32 s9, $0xF7A;
	s5 =	simm.s32 @!p2 $0x0  }
0x1d: {  	s5 =	simm.s32 @p1 $0x1;
	p0 =	seq.s32 s7, s2  }
0x1e: {  	s7 =	smul.u32 @!p0 $0xF7A, s2;
	p2 =	seq.s32 @!p0 s5, $0x0  }
0x1f: {  	s9 =	smul.u32 $0xF7A, s1;
	s8 =	simm.s32 @!p0 $0x1BF5;
	p2 =	por !p2, p0  }
0x20: {  	[sflag:s8] =	ssyncset.s32 @!p0 $0xFFFFF086;
	s6 =	sadd.s32 @!p0 s3, s7;
	s7 =	simm.s32 @!p0 $0x108  }
0x21: {  	s3 =	sadd.s32 s3, s9;
	s6 =	sadd.s32 @!p0 $0x88, s6;
	s7 =	simm.s32 @p2 $0x1082  }
0x22: {  	[simem:s7], [sflag:s8] =	dma.local @!p0 [hbm:s6], $0xF7A  }
0x23: {  	s9 =	sor.u32 $0xD0000000, s2;
	s6 =	simm.s32 $0x108;
	_ =	swait.ge @!p0 [sflag:s8], $0x0  }
0x24: {  	s3 =	sadd.s32 $0x88, s3;
	s6 =	simm.s32 @!p1 $0x1082;
	[sflag:s4] =	ssyncset.s32 $0xFFFFF086  }
0x25: {  	[simem:s6], [sflag:s4] =	dma.local [hbm:s3], $0xF7A  }
0x26: {  	[smem:$0x3F9E] =	sst s1;
	(tag) =	ssettag s2;
	_ =	strace s9  }
0x27: {  	s1 =	sld [smem:$0x3FAE]  }
0x28: {  	s2 =	sld [smem:$0x3FAF]  }
0x29: {  	s4 =	sld [smem:$0x3FB1]  }
0x2a: {  	p0 =	seq.s32 s5, $0x0;
	s5 =	sld [smem:$0x3FB2]  }
0x2b: {  	s6 =	sld [smem:$0x3FB3]  }
0x2c: {  	s7 =	sld [smem:$0x3FB4]  }
0x2d: {  	s3 =	simm.s32 $0x108;
	s8 =	sld [smem:$0x3FB5]  }
0x2e: {  	s3 =	simm.s32 @!p0 $0x1082;
	s9 =	sld [smem:$0x3FB6]  }
0x2f: {  	lr =	sadd.s32 s0, s3;
	s0 =	sld [smem:$0x3FAD]  }
0x30: {  	s3 =	sld [smem:$0x3FB0]  }
0x31: {  	[smem:$0x3FB9] =	sst s10  }
0x32: {  	s10 =	sld [smem:$0x3FB7];
	_ =	sdelay $0x3  }
0x33: {  	p0 =	seq.s32 s10, $0x1;
	s10 =	sld [smem:$0x3FB9];
	_ =	sdelay $0x3  }
0x34: {  	[smem:$0x3FB9] =	sst s10  }
0x35: {  	s10 =	sld [smem:$0x3FB8];
	_ =	sdelay $0x3  }
0x36: {  	p1 =	seq.s32 s10, $0x1;
	s10 =	sld [smem:$0x3FB9];
	_ =	sdelay $0x3  }
0x37: {  	[smem:$0x3FB9] =	sst s10  }
0x38: {  	s10 =	sld [smem:$0x3FBA]  }
0x39: {  	_ = 	snop;
	(pc) =	sbr.ind lr, $3  }
0x3a: {  	_ = 	snop  }
0x3b: {  	_ = 	snop  }
0x3c: {  	p2 =	seq.s32 s10, $0x1;
	s10 =	sld [smem:$0x3FB9]  }
0x3d: {  	_ =	shalt  }
0x3e: {  	_ =	shalt  }
0x3f: {  	_ =	shalt  }
0x40: {  	_ =	shalt  }
0x41: {  	_ =	shalt  }
0x42: {  	_ =	shalt  }
0x43: {  	_ =	shalt  }
0x44: {  	_ =	shalt  }
0x45: {  	_ =	shalt  }
0x46: {  	_ =	shalt  }
0x47: {  	_ =	shalt  }
0x48: {  	_ =	shalt  }
0x49: {  	_ =	shalt  }
0x4a: {  	_ =	shalt  }
0x4b: {  	_ =	shalt  }
0x4c: {  	_ =	shalt  }
0x4d: {  	_ =	shalt  }
0x4e: {  	_ =	shalt  }
0x4f: {  	_ =	shalt  }
0x50: {  	_ =	shalt  }
0x51: {  	_ =	shalt  }
0x52: {  	_ =	shalt  }
0x53: {  	_ =	shalt  }
0x54: {  	_ =	shalt  }
0x55: {  	_ =	shalt  }
0x56: {  	_ =	shalt  }
0x57: {  	_ =	shalt  }
0x58: {  	_ =	shalt  }
0x59: {  	_ =	shalt  }
0x5a: {  	_ =	shalt  }
0x5b: {  	_ =	shalt  }
0x5c: {  	_ =	shalt  }
0x5d: {  	_ =	shalt  }
0x5e: {  	_ =	shalt  }
0x5f: {  	_ =	shalt  }
0x60: {  	_ =	shalt  }
0x61: {  	_ =	shalt  }
0x62: {  	_ =	shalt  }
0x63: {  	_ =	shalt  }
0x64: {  	_ =	shalt  }
0x65: {  	_ =	shalt  }
0x66: {  	_ =	shalt  }
0x67: {  	_ =	shalt  }
0x68: {  	_ =	shalt  }
0x69: {  	_ =	shalt  }
0x6a: {  	_ =	shalt  }
0x6b: {  	_ =	shalt  }
0x6c: {  	_ =	shalt  }
0x6d: {  	_ =	shalt  }
0x6e: {  	_ =	shalt  }
0x6f: {  	_ =	shalt  }
0x70: {  	_ =	shalt  }
0x71: {  	_ =	shalt  }
0x72: {  	_ =	shalt  }
0x73: {  	_ =	shalt  }
0x74: {  	_ =	shalt  }
0x75: {  	_ =	shalt  }
0x76: {  	_ =	shalt  }
0x77: {  	_ =	shalt  }
0x78: {  	_ =	shalt  }
0x79: {  	_ =	shalt  }
0x7a: {  	_ =	shalt  }
0x7b: {  	_ =	shalt  }
0x7c: {  	_ =	shalt  }
0x7d: {  	_ =	shalt  }
0x7e: {  	_ =	shalt  }
0x7f: {  	_ =	shalt  }
0x80: {  	_ =	shalt  }
0x81: {  	_ =	shalt  }
0x82: {  	_ =	shalt  }
0x83: {  	_ =	shalt  }
0x84: {  	_ =	shalt  }
0x85: {  	_ =	shalt  }
0x86: {  	_ =	shalt  }
0x87: {  	_ =	shalt  }
.Lfunc_end0:
.L_simem_size_0:
called_computation_lowered:
.L_overlay_start_0:
0x88: {  	s2 =	sld [smem:$0x3FD9]  }
0x89: {  	s3 =	sld [smem:$0x3FFE];
	_ =	sdelay $0x1  }
0x8a: {  	s1 =	srdreg.scid  }
0x8b: {  	s0 =	sand.u32 $0x1, s1  }
0x8c: {  	s18 =	sshll.u32 s0, $0xA;
	s2 =	sadd.s32 s3, s2  }
0x8d: {  	s2 =	sadd.s32 s2, s18  }
0x8e: {  	[smem:$0x3FC5] =	sst s2  }
0x8f: {  	_ = 	snop  }
0x90: {  	s2 =	sld [smem:$0x3FC9]  }
0x91: {  	s19 =	sld [smem:$0x3FC8]  }
0x92: {  	s4 =	sld [smem:$0x3FC7]  }
0x93: {  	s5 =	sld [smem:$0x3FD0];
	(tm) =	ssettm $0x1  }
0x94: {  	s6 =	sld [smem:$0x3FFB];
	_ =	sdelay $0x3  }
0x95: {  	_ =	strace s6  }
0x96: {  	s6 =	sld [smem:$0x3FFC];
	_ =	sdelay $0x3  }
0x97: {  	_ =	strace s6  }
0x98: {  	s6 =	sld [smem:$0x3FFD];
	_ =	sdelay $0x3  }
0x99: {  	_ =	strace s6  }
0x9a: {  	_ =	strace $0x8FFFFFFF  }
0x9b: {  	s20 =	sld [smem:$0x3FDB];
	_ =	sdelay $0x1  }
0x9c: {  	s7 =	simm.s32 $_scs_section_size  }
0x9d: {  	s8 =	simm.s32 $_size__tile_overlayer_lowered;
	s9 =	simm.s32 $_tile_overlayer_lowered  }
0x9e: {  	s23 =	simm.s32 $0x1BFF;
	s22 =	sshll.u32 s9, $0x1;
	s6 =	sadd.s32 s7, s20  }
0x9f: {  	s10 =	simm.s32 $0x0;
	s21 =	sshll.u32 s8, $0x1;
	s8 =	sadd.s32 s22, s6  }
0xa0: {  	[timem:s10], [sflag:s23] =	dma.local [hbm:s8], s21  }
0xa1: {  	_ =	swait.ge [sflag:s23], s21  }
0xa2: {  	s7 =	ssub.s32 $0x0, s21;
	[sflag:s23] =	ssyncset.done $0x0  }
0xa3: {  	[sflag:s23] =	ssyncadd.s32 s7;
	_ =	sdelay $0x1  }
0xa4: {  	s24 =	simm.s32 $0x1B8B  }
0xa5: {  	_ =	swait.ge [sflag:s24], $0x1  }
0xa6: {  	[sflag:s24] =	ssyncset.done $0x0  }
0xa7: {  	s25 =	simm.s32 $0x1B8E;
	[sflag:s24] =	ssyncadd.s32 $0xFFFFFFFF  }
0xa8: {  	s26 =	simm.s32 $execute0_lowered;
	[smem:$0x3FD2] =	sst s25  }
0xa9: {  	s7 =	sshll.u32 s26, $0x1;
	_ =	strace $0x80000046;
	[dreg:$0x1] =	wrdreg $0xFFFFFFFF  }
0xaa: {  	s28 =	simm.s32 $_size_execute0_lowered;
	s6 =	sadd.s32 s6, s7;
	[dreg:$0x0] =	wrdreg $0x0  }
0xab: {  	s7 =	sshll.u32 s28, $0x1;
	[dreg:$0x2] =	wrdreg s6  }
0xac: {  	[dreg:$0x3] =	wrdreg s7  }
0xad: {  	[dreg:$0x4] =	wrdreg $0xC0  }
0xae: {  	_ =	task [dreg:s10], $0x5FFFF  }
0xaf: {  	[dreg:$0x1] =	wrdreg $0xFFFFFFFF  }
0xb0: {  	[dreg:$0x0] =	wrdreg $0x60  }
0xb1: {  	[dreg:$0x2] =	wrdreg s2  }
0xb2: {  	[dreg:$0x3] =	wrdreg s19  }
0xb3: {  	[dreg:$0x4] =	wrdreg s4  }
0xb4: {  	[dreg:$0x5] =	wrdreg s5  }
0xb5: {  	[dreg:$0x6] =	wrdreg $0x51000  }
0xb6: {  	[dreg:$0x7] =	wrdreg $0x9  }
0xb7: {  	_ =	task.clear_ibuf [dreg:s10], $0x8FFFF;
	_ =	strace $0x90000046  }
0xb8: {  	s29 =	simm.s32 $0x9;
	_ =	strace $0x80000048  }
0xb9: {  	_ =	swait.ge [sflag:s29], $0x1  }
0xba: {  	[sflag:s29] =	ssyncadd.s32 $0xFFFFFFFF  }
0xbb: {  	_ =	strace $0x90000048  }
0xbc: {  	_ =	sfence  }
0xbd: {  	s30 =	sld [smem:$0x0];
	_ =	sdelay $0x2  }
0xbe: {  	s31 =	sshll.u32 s1, $0xD;
	s1 =	sshrl.u32 s1, $0x2  }
0xbf: {  	s3 =	sand.u32 $0x4000, s31;
	s1 =	sadd.s32 s1, s30  }
0xc0: {  	s0 =	sor.u32 s3, s0;
	s1 =	sshll.u32 s1, $0x11  }
0xc1: {  	s0 =	sor.u32 s1, s0  }
0xc2: {  	s0 =	sadd.s32 $0x8F2B, s0  }
0xc3: {  	[sflag:s0] =	ssyncadd.remote.s32 $0x1  }
0xc4: {  	_ =	sfence.sel $0xFFFF  }
0xc5: {  	[dreg:$0x0] =	wrdreg $0xFFFFFFFF;
	(pc) =	sbr.abs _section_cstart, $3  }
0xc6: {  	[dreg:$0x1] =	wrdreg $0xFFFFFFFF  }
0xc7: {  	_ =	task.clear_ibuf [dreg:s10], $0x2FFFF;
	_ =	strace $0x9FFFFFFF  }
0xc8: {  	(tm) =	ssettm $0x7FFFFFFF  }
0xc9: {  	_ =	shalt  }
tec
execute0_lowered:
.L_overlay_start_1:
0x0: {  	(tag) =	ssettag $0x1  }
0x1: {  	s12 =	rddreg [dreg:$0x1]  }
0x2: {  	s5 =	rddreg [dreg:$0x3]  }
0x3: {  	s0 =	rddreg [dreg:$0x4]  }
0x4: {  	s1 =	srdreg.scid;
	s3 =	stileid.u32  }
0x5: {  	s4 =	simm.s32 $0x0;
	s24 =	simm.s32 $0xF5;
	s1 =	sand.u32 $0x1, s1  }
0x6: {  	s2 =	sshll.u32 s3, $0x1;
	[smem:$0x7FF] =	sst s4;
	s10 =	smul.u32 $0x30000, s3  }
0x7: {  	s28 =	sshll.u32 s3, $0x6;
	s14 =	smul.u32 $0x1E8, s3;
	s6 =	ssub.s32 $0x2, s1  }
0x8: {  	s2 =	sor.u32 s1, s2;
	_ =	strace $0x80000047;
	[dreg:$0x8] =	wrdreg s28  }
0x9: {  	s29 =	sor.u32 $0x1C01, s28;
	s30 =	smul.u32 $0xF4, s1;
	s1 =	simm.s32 $0x9  }
0xa: {  	s7 =	sshrl.u32 s6, $0x1;
	s8 =	smul.u32 $0xF4, s2;
	s11 =	smin.u32 s2, $0x5  }
0xb: {  	p0 =	slt.u32 s2, $0x5;
	p1 =	seq.s32 s2, $0x1F;
	s10 =	sshrl.u32 s10, $0x2  }
0xc: {  	[dreg:$0xa] =	wrdreg s29;
	s6 =	ssub.s32 s6, s7;
	s24 =	simm.s32 @!p0 $0xF4  }
0xd: {  	s10 =	sadd.s32 s10, s0;
	s0 =	sadd.s32 s30, s14;
	s14 =	simm.s32 $0x11100  }
0xe: {  	s23 =	sadd.s32 s11, s8;
	s8 =	simm.s32 $0xF3;
	s31 =	sadd.s32 $0x2000, s10  }
0xf: {  	s7 =	sadd.s32 $0x4000, s10;
	s17 =	sadd.s32 $0x8000, s10;
	s0 =	sadd.s32 s11, s0  }
0x10: {  	s18 =	sadd.s32 $0xA000, s10;
	s20 =	smax.u32 s6, $0x1;
	s6 =	simm.s32 $0x4000  }
0x11: {  	[dreg:$0x7] =	wrdreg s24;
	s8 =	simm.s32 @!p1 $0xF4;
	s13 =	sadd.s32 s24, s23  }
0x12: {  	s26 =	sshll.u32 s23, $0x7;
	[dreg:$0xf] =	wrdreg s20;
	s0 =	sshll.u32 s0, $0x7  }
0x13: {  	s22 =	sshrl.u32 s31, $0x3;
	s28 =	sshrl.u32 s18, $0x3;
	[dreg:$0x6] =	wrdreg s23  }
0x14: {  	s31 =	sadd.s32 $0xE000, s10;
	s18 =	simm.s32 $0x13100;
	[dreg:$0xc] =	wrdreg s7  }
0x15: {  	s8 =	simm.s32 @p0 $0xF5;
	s3 =	sadd.s32 s12, s26;
	[dreg:$0x10] =	wrdreg s22  }
0x16: {  	p0 =	sne.s32 s2, $0x1F;
	s21 =	sadd.s32 $0x300, s0;
	[dreg:$0x13] =	wrdreg s28  }
0x17: {  	s0 =	sadd.s32 $0x380, s0;
	s26 =	sshrl.u32 s17, $0x3;
	[dreg:$0x16] =	wrdreg s31  }
0x18: {  	s17 =	simm.s32 $0x19100;
	s9 =	sadd.s32 $0x80, s3;
	[dreg:$0x12] =	wrdreg s26  }
0x19: {  	s15 =	sadd.s32 $0x100, s3;
	s16 =	sadd.s32 $0x180, s3;
	[dreg:$0x9] =	wrdreg s3  }
0x1a: {  	s19 =	sand.u32 $0x3FFF80, s21;
	s20 =	sand.u32 $0x3FFF80, s0;
	[dreg:$0xb] =	wrdreg s9  }
.Ltmp0:
0x1b: {  	s29 =	sadd.s32 $0x200, s3;
	[dreg:$0xd] =	wrdreg s15;
	(pc) =	sbr.rel .LBB2_1-.Ltmp0, $4  }
0x1c: {  	s30 =	sadd.s32 $0x280, s3;
	s21 =	simm.s32 $0x80;
	[dreg:$0xe] =	wrdreg s16  }
0x1d: {  	s0 =	simm.s32 $0x5000;
	s15 =	sadd.s32 $0x6000, s10;
	[dreg:$0x14] =	wrdreg s29  }
0x1e: {  	v2 =	vimm.s32 $0x4000;
	v3 =	vimm.s32 $0x0;
	s3 =	simm.s32 $0x0;
	[dreg:$0x15] =	wrdreg s30;
	s25 =	sshrl.u32 s15, $0x3  }
0x1f: {  	v4 =	vlaneseq.u32;
	v1 =	vmov s23;
	v0 =	vmov s13;
	s16 =	simm.s32 $0x15100;
	s15 =	simm.s32 $0x8;
	[dreg:$0x11] =	wrdreg s25  }
.LBB2_20:
0x20: {  	s21 =	simm.s32 $0x80;
	s15 =	simm.s32 $0x8  }
0x21: {  	[hbm4b:s5+s21] =	stream.indirect.scatter [tilespmem:s16], [sflag:$0x8], $0x80, s17, s21, $0xb8;
	[tilespmem:$0x19180] =	vst v63  }
0x22: {  	_ =	swait.ge [sflag:s15], $0x4000  }
0x23: {  	s3 =	rddreg [dreg:$0x17]  }
0x24: {  	s2 =	rddreg [dreg:$0xf];
	s3 =	sadd.s32 $0x1, s3  }
0x25: {  	p1 =	sne.s32 s3, s2  }
.Ltmp1:
0x26: {  	_ = 	snop;
	(pc) =	sbr.rel @!p1 .LBB2_21-.Ltmp1, $3  }
0x27: {  	_ =	sdelay $0x1  }
0x28: {  	[sflag:s15] =	ssyncset.done $0x0  }
0x29: {  	s7 =	rddreg [dreg:$0xc];
	[sflag:s15] =	ssyncadd.s32 $0xFFFFC000  }
.LBB2_1:
0x2a: {  	[dreg:$0x17] =	wrdreg s3  }
0x2b: {  	s22 =	rddreg [dreg:$0x9]  }
0x2c: {  	s2 =	sshrl.u32 s10, $0x3;
	s4 =	rddreg [dreg:$0xa];
	s13 =	simm.s32 $0xF4280  }
0x2d: {  	[spmem:s2@s21], [sflag:s4] =	dma.strided [hbm:s22@s13], $0x400, s15, $0x10   }
0x2e: {  	s3 =	rddreg [dreg:$0x8]  }
0x2f: {  	s4 =	rddreg [dreg:$0xb]  }
0x30: {  	s9 =	rddreg [dreg:$0x10];
	s23 =	sor.u32 $0x1C02, s3  }
0x31: {  	[spmem:s9@s21], [sflag:s23] =	dma.strided [hbm:s4@s13], $0x400, s15, $0x10   }
0x32: {  	s11 =	sshrl.u32 s7, $0x3;
	s24 =	sor.u32 $0x1C03, s3;
	s4 =	rddreg [dreg:$0xd]  }
0x33: {  	[spmem:s11@s21], [sflag:s24] =	dma.strided [hbm:s4@s13], $0x400, s15, $0x10   }
0x34: {  	s4 =	rddreg [dreg:$0xe]  }
0x35: {  	s25 =	sor.u32 $0x1C04, s3;
	s26 =	rddreg [dreg:$0x11]  }
0x36: {  	[spmem:s26@s21], [sflag:s25] =	dma.strided [hbm:s4@s13], $0x400, s15, $0x10   }
0x37: {  	s4 =	rddreg [dreg:$0x12]  }
0x38: {  	s28 =	sor.u32 $0x1C05, s3;
	s9 =	rddreg [dreg:$0x14]  }
0x39: {  	[spmem:s4@s21], [sflag:s28] =	dma.strided [hbm:s9@s13], $0x400, s15, $0x10   }
0x3a: {  	s30 =	rddreg [dreg:$0x13]  }
0x3b: {  	s29 =	sor.u32 $0x1C06, s3;
	s4 =	rddreg [dreg:$0x15]  }
0x3c: {  	[spmem:s30@s21], [sflag:s29] =	dma.strided [hbm:s4@s13], $0x400, s15, $0x10 ;
	[tilespmem:$0x19100] =	vst v2  }
0x3d: {  	[tilespmem:$0x19110] =	vst v2  }
0x3e: {  	[tilespmem:$0x19120] =	vst v2  }
0x3f: {  	[tilespmem:$0x19130] =	vst v2  }
0x40: {  	[tilespmem:$0x19140] =	vst v2  }
0x41: {  	[tilespmem:$0x19150] =	vst v2  }
0x42: {  	[tilespmem:$0x19160] =	vst v2  }
0x43: {  	[tilespmem:$0x19170] =	vst v2  }
0x44: {  	[tilespmem:$0x5000] =	vst v3  }
0x45: {  	[tilespmem:$0x5010] =	vst v3  }
0x46: {  	[tilespmem:$0x5020] =	vst v3  }
0x47: {  	[tilespmem:$0x5030] =	vst v3  }
0x48: {  	[tilespmem:$0x5040] =	vst v3  }
0x49: {  	[tilespmem:$0x5050] =	vst v3  }
0x4a: {  	[tilespmem:$0x5060] =	vst v3  }
0x4b: {  	[tilespmem:$0x5070] =	vst v3  }
0x4c: {  	[tilespmem:$0x5080] =	vst v3  }
0x4d: {  	[tilespmem:$0x5090] =	vst v3  }
0x4e: {  	[tilespmem:$0x50A0] =	vst v3  }
0x4f: {  	[tilespmem:$0x50B0] =	vst v3  }
0x50: {  	[tilespmem:$0x50C0] =	vst v3  }
0x51: {  	[tilespmem:$0x50D0] =	vst v3  }
0x52: {  	[tilespmem:$0x50E0] =	vst v3  }
0x53: {  	s31 =	simm.s32 $0x0;
	[tilespmem:$0x50F0] =	vst v3;
	s2 =	rddreg [dreg:$0x0]  }
0x54: {  	[tilespmem:s31], [sflag:$0x9] =	stream.linear.gather [hbm4b:s2+s31], $0x4000, $0x38;
	[tilespmem:$0x19180] =	vst v63  }
0x55: {  	_ =	swait.ge [sflag:s1], $0x4000  }
0x56: {  	[sflag:s1] =	ssyncset.done $0x0  }
0x57: {  	[sflag:s1] =	ssyncadd.s32 $0xFFFFC000  }
0x58: {  	v5 =	vld [tilespmem:s31+$0x0]  }
0x59: {  	s11 =	simm.s32 $0x10;
	s13 =	simm.s32 $0x0;
	s2 =	simm.s32 $0x0  }
.LBB2_2:
0x5a: {  	p1 =	sne.s32 s11, $0x3FF0;
	_ =	sdelay $0x2  }
0x5b: {  	v6 =	vshrl.u32 v5, $0x7  }
0x5c: {  	vm0 =	vge.u32 v6, v1;
	vm1 =	vlt.u32 v6, v0  }
0x5d: {  	v6 =	vsub.s32 v6, v1;
	vm0 =	vmand vm0, vm1  }
0x5e: {  	(xrf1) =	vunique.msk.u32 vm0, v6;
	_ =	sdelay $0x8  }
0x5f: {  	v7 =	vld.idx.msk [tilespmem:v6+s0+$0x0], vm0;
	_ =	sdelay $0x4  }
0x60: {  	_, v8, vm1 =	vpop (xrf1)  }
0x61: {  	v7 =	vadd.s32 v7, v8;
	vm1 =	vmand vm0, vm1  }
0x62: {  	v8 =	vadd.s32 $0xFFFFFFFF, v7  }
0x63: {  	vm2 =	vlt.s32 v8, $0x10  }
0x64: {  	v9 =	vshll.u32 v6, $0x4;
	vm0 =	vmand vm0, vm2  }
0x65: {  	v8 =	vadd.s32 v9, v8  }
0x66: {  	v5 =	vshll.u32 v5, $0xE  }
0x67: {  	v5 =	vand.u32 $0x1FC000, v5  }
0x68: {  	v5 =	vor.u32 s2, v5;
	s2 =	smov.u32 s11  }
.Ltmp2:
0x69: {  	v5 =	vor.u32 v4, v5;
	(pc) =	sbr.rel @p1 .LBB2_2-.Ltmp2, $4  }
0x6a: {  	[tilespmem:v8+s6+$0x0] =	vst.idx.msk vm0, v5  }
0x6b: {  	s13 =	sadd.s32 $0x10, s13;
	[tilespmem:v6+s0+$0x0] =	vst.idx.msk vm1, v7  }
0x6c: {  	v5 =	vld [tilespmem:s13+$0x0]  }
0x6d: {  	s11 =	sadd.s32 $0x10, s11  }
0x6e: {  	_ =	sdelay $0x2  }
0x6f: {  	v6 =	vshrl.u32 v5, $0x7  }
0x70: {  	vm0 =	vge.u32 v6, v1;
	vm1 =	vlt.u32 v6, v0  }
0x71: {  	v6 =	vsub.s32 v6, v1;
	vm0 =	vmand vm0, vm1  }
0x72: {  	(xrf1) =	vunique.msk.u32 vm0, v6;
	_ =	sdelay $0x9  }
0x73: {  	v7 =	vld.idx.msk [tilespmem:v6+s0+$0x0], vm0;
	_ =	sdelay $0x3  }
0x74: {  	_, v8, vm15 =	vpop (xrf1)  }
0x75: {  	v7 =	vadd.s32 v7, v8  }
0x76: {  	v8 =	vadd.s32 $0xFFFFFFFF, v7  }
0x77: {  	vm2 =	vlt.s32 v8, $0x10  }
0x78: {  	v9 =	vshll.u32 v6, $0x4;
	vm2 =	vmand vm0, vm2  }
0x79: {  	v8 =	vadd.s32 v9, v8;
	vm0 =	vmand vm0, vm15  }
0x7a: {  	v5 =	vshll.u32 v5, $0xE  }
0x7b: {  	v5 =	vand.u32 $0x1FC000, v5  }
0x7c: {  	v5 =	vor.u32 s2, v5  }
0x7d: {  	v5 =	vor.u32 v4, v5  }
0x7e: {  	[tilespmem:v8+s6+$0x0] =	vst.idx.msk vm2, v5  }
0x7f: {  	[tilespmem:v6+s0+$0x0] =	vst.idx.msk vm0, v7  }
0x80: {  	v20 =	vld [tilespmem:$0x5000]  }
0x81: {  	v19 =	vld [tilespmem:$0x5010]  }
0x82: {  	v18 =	vld [tilespmem:$0x5020]  }
0x83: {  	v17 =	vld [tilespmem:$0x5030]  }
0x84: {  	v16 =	vld [tilespmem:$0x5040]  }
0x85: {  	v15 =	vld [tilespmem:$0x5050]  }
0x86: {  	v14 =	vld [tilespmem:$0x5060]  }
0x87: {  	v13 =	vld [tilespmem:$0x5070]  }
0x88: {  	v12 =	vld [tilespmem:$0x5080]  }
0x89: {  	v11 =	vld [tilespmem:$0x5090]  }
0x8a: {  	v10 =	vld [tilespmem:$0x50A0]  }
0x8b: {  	v9 =	vld [tilespmem:$0x50B0]  }
0x8c: {  	v8 =	vld [tilespmem:$0x50C0]  }
0x8d: {  	s30 =	simm.s32 $0x1;
	s22 =	simm.s32 $0x0;
	s23 =	simm.s32 $0x4010;
	v7 =	vld [tilespmem:$0x50D0]  }
.Ltmp3:
0x8e: {  	s24 =	simm.s32 $0x8;
	s25 =	simm.s32 $0x6;
	v6 =	vld [tilespmem:$0x50E0];
	(pc) =	sbr.rel .LBB2_4-.Ltmp3, $4  }
0x8f: {  	s26 =	simm.s32 $0x3;
	s28 =	simm.s32 $0x2;
	v5 =	vld [tilespmem:$0x50F0];
	_ =	swait.ge [sflag:s30], $0x400  }
0x90: {  	s15 =	smov.u32 s7;
	s31 =	simm.s32 $0x0;
	[sflag:s30] =	ssyncset.done $0x0  }
0x91: {  	s2 =	smov.u32 s12;
	s13 =	rddreg [dreg:$0x16];
	[sflag:s30] =	ssyncadd.s32 $0xFFFFFC00  }
0x92: {  	[tilespmem:s14], [sflag:$0x7] =	stream.linear.gather [spmem:s10], $0x2000, $0x38;
	[tilespmem:$0x19180] =	vst v63  }
.LBB2_9:
0x93: {  	vm0 =	vgt.s32 v21, v4;
	v21 =	vld [tilespmem:s23+$0x0]  }
0x94: {  	v22 =	vsel vm0, $0x1, v3  }
0x95: {  	(xrf0) =	vadd.scan.msk.s32 $0xffff, v22;
	_ =	sdelay $0x2  }
0x96: {  	v22 =	vmov s22;
	v23 =	vshrl.u32 v21, $0xE  }
0x97: {  	v22 =	vadd.s32 $0xFFFFFFFF, v22  }
0x98: {  	v22 =	vbroadcast v22, $0x0  }
0x99: {  	v24, _, _ =	vpop (xrf0)  }
0x9a: {  	v22 =	vadd.s32 v24, v22  }
0x9b: {  	v25 =	vld.idx.msk [tilespmem:v23+s18+$0x0], vm0;
	v24 =	vshll.u32 v22, $0x7  }
0x9c: {  	v26 =	vadd.s32 $0x80, v23;
	_ =	sdelay $0x3  }
0x9d: {  	[tilespmem:v24+s16+$0x0] =	vst.idx.msk vm0, v25  }
0x9e: {  	v44 =	vor.u32 $0x1, v24;
	v25 =	vld.idx.msk [tilespmem:v26+s18+$0x0], vm0  }
0x9f: {  	v27 =	vadd.s32 $0x100, v23;
	_ =	sdelay $0x3  }
0xa0: {  	[tilespmem:v44+s16+$0x0] =	vst.idx.msk vm0, v25  }
0xa1: {  	v45 =	vor.u32 $0x2, v24;
	v25 =	vld.idx.msk [tilespmem:v27+s18+$0x0], vm0  }
0xa2: {  	v46 =	vadd.s32 $0x180, v23;
	_ =	sdelay $0x3  }
0xa3: {  	[tilespmem:v45+s16+$0x0] =	vst.idx.msk vm0, v25  }
0xa4: {  	v47 =	vor.u32 $0x3, v24;
	v25 =	vld.idx.msk [tilespmem:v46+s18+$0x0], vm0  }
0xa5: {  	v48 =	vadd.s32 $0x200, v23;
	_ =	sdelay $0x3  }
0xa6: {  	[tilespmem:v47+s16+$0x0] =	vst.idx.msk vm0, v25  }
0xa7: {  	v49 =	vor.u32 $0x4, v24;
	v25 =	vld.idx.msk [tilespmem:v48+s18+$0x0], vm0  }
0xa8: {  	v50 =	vadd.s32 $0x280, v23;
	_ =	sdelay $0x3  }
0xa9: {  	[tilespmem:v49+s16+$0x0] =	vst.idx.msk vm0, v25  }
0xaa: {  	v51 =	vor.u32 $0x5, v24;
	v25 =	vld.idx.msk [tilespmem:v50+s18+$0x0], vm0  }
0xab: {  	v52 =	vadd.s32 $0x300, v23;
	_ =	sdelay $0x3  }
0xac: {  	[tilespmem:v51+s16+$0x0] =	vst.idx.msk vm0, v25  }
0xad: {  	v53 =	vor.u32 $0x6, v24;
	v25 =	vld.idx.msk [tilespmem:v52+s18+$0x0], vm0  }
0xae: {  	v54 =	vadd.s32 $0x380, v23;
	_ =	sdelay $0x3  }
0xaf: {  	[tilespmem:v53+s16+$0x0] =	vst.idx.msk vm0, v25  }
0xb0: {  	v55 =	vor.u32 $0x7, v24;
	v25 =	vld.idx.msk [tilespmem:v54+s18+$0x0], vm0  }
0xb1: {  	v56 =	vadd.s32 $0x400, v23;
	_ =	sdelay $0x3  }
0xb2: {  	[tilespmem:v55+s16+$0x0] =	vst.idx.msk vm0, v25  }
0xb3: {  	v57 =	vor.u32 $0x8, v24;
	v25 =	vld.idx.msk [tilespmem:v56+s18+$0x0], vm0  }
0xb4: {  	v58 =	vadd.s32 $0x480, v23;
	_ =	sdelay $0x3  }
0xb5: {  	[tilespmem:v57+s16+$0x0] =	vst.idx.msk vm0, v25  }
0xb6: {  	v59 =	vor.u32 $0x9, v24;
	v25 =	vld.idx.msk [tilespmem:v58+s18+$0x0], vm0  }
0xb7: {  	v60 =	vadd.s32 $0x500, v23;
	_ =	sdelay $0x3  }
0xb8: {  	[tilespmem:v59+s16+$0x0] =	vst.idx.msk vm0, v25  }
0xb9: {  	v61 =	vor.u32 $0xA, v24;
	v25 =	vld.idx.msk [tilespmem:v60+s18+$0x0], vm0  }
0xba: {  	v62 =	vadd.s32 $0x580, v23;
	_ =	sdelay $0x3  }
0xbb: {  	[tilespmem:v61+s16+$0x0] =	vst.idx.msk vm0, v25  }
0xbc: {  	v63 =	vor.u32 $0xB, v24;
	v25 =	vld.idx.msk [tilespmem:v62+s18+$0x0], vm0  }
0xbd: {  	v30 =	vadd.s32 $0x600, v23;
	_ =	sdelay $0x3  }
0xbe: {  	[tilespmem:v63+s16+$0x0] =	vst.idx.msk vm0, v25  }
0xbf: {  	v31 =	vor.u32 $0xC, v24;
	v25 =	vld.idx.msk [tilespmem:v30+s18+$0x0], vm0  }
0xc0: {  	v32 =	vadd.s32 $0x680, v23;
	_ =	sdelay $0x3  }
0xc1: {  	[tilespmem:v31+s16+$0x0] =	vst.idx.msk vm0, v25  }
0xc2: {  	v33 =	vor.u32 $0xD, v24;
	v25 =	vld.idx.msk [tilespmem:v32+s18+$0x0], vm0  }
0xc3: {  	v34 =	vadd.s32 $0x700, v23;
	_ =	sdelay $0x3  }
0xc4: {  	[tilespmem:v33+s16+$0x0] =	vst.idx.msk vm0, v25  }
0xc5: {  	v35 =	vor.u32 $0xE, v24;
	v25 =	vld.idx.msk [tilespmem:v34+s18+$0x0], vm0  }
0xc6: {  	v36 =	vadd.s32 $0x780, v23;
	_ =	sdelay $0x3  }
0xc7: {  	[tilespmem:v35+s16+$0x0] =	vst.idx.msk vm0, v25  }
0xc8: {  	v37 =	vor.u32 $0xF, v24;
	v25 =	vld.idx.msk [tilespmem:v36+s18+$0x0], vm0  }
0xc9: {  	v38 =	vadd.s32 $0x800, v23;
	_ =	sdelay $0x3  }
0xca: {  	[tilespmem:v37+s16+$0x0] =	vst.idx.msk vm0, v25  }
0xcb: {  	v39 =	vor.u32 $0x10, v24;
	v25 =	vld.idx.msk [tilespmem:v38+s18+$0x0], vm0  }
0xcc: {  	v40 =	vadd.s32 $0x880, v23;
	_ =	sdelay $0x3  }
0xcd: {  	[tilespmem:v39+s16+$0x0] =	vst.idx.msk vm0, v25  }
0xce: {  	v41 =	vor.u32 $0x11, v24;
	v25 =	vld.idx.msk [tilespmem:v40+s18+$0x0], vm0  }
0xcf: {  	v42 =	vadd.s32 $0x900, v23;
	_ =	sdelay $0x3  }
0xd0: {  	[tilespmem:v41+s16+$0x0] =	vst.idx.msk vm0, v25  }
0xd1: {  	v43 =	vor.u32 $0x12, v24;
	v25 =	vld.idx.msk [tilespmem:v42+s18+$0x0], vm0  }
0xd2: {  	v44 =	vadd.s32 $0x980, v23;
	_ =	sdelay $0x3  }
0xd3: {  	[tilespmem:v43+s16+$0x0] =	vst.idx.msk vm0, v25  }
0xd4: {  	v45 =	vor.u32 $0x13, v24;
	v25 =	vld.idx.msk [tilespmem:v44+s18+$0x0], vm0  }
0xd5: {  	v46 =	vadd.s32 $0xA00, v23;
	_ =	sdelay $0x3  }
0xd6: {  	[tilespmem:v45+s16+$0x0] =	vst.idx.msk vm0, v25  }
0xd7: {  	v47 =	vor.u32 $0x14, v24;
	v25 =	vld.idx.msk [tilespmem:v46+s18+$0x0], vm0  }
0xd8: {  	v48 =	vadd.s32 $0xA80, v23;
	_ =	sdelay $0x3  }
0xd9: {  	[tilespmem:v47+s16+$0x0] =	vst.idx.msk vm0, v25  }
0xda: {  	v49 =	vor.u32 $0x15, v24;
	v25 =	vld.idx.msk [tilespmem:v48+s18+$0x0], vm0  }
0xdb: {  	v50 =	vadd.s32 $0xB00, v23;
	_ =	sdelay $0x3  }
0xdc: {  	[tilespmem:v49+s16+$0x0] =	vst.idx.msk vm0, v25  }
0xdd: {  	v51 =	vor.u32 $0x16, v24;
	v25 =	vld.idx.msk [tilespmem:v50+s18+$0x0], vm0  }
0xde: {  	v52 =	vadd.s32 $0xB80, v23;
	_ =	sdelay $0x3  }
0xdf: {  	[tilespmem:v51+s16+$0x0] =	vst.idx.msk vm0, v25  }
0xe0: {  	v53 =	vor.u32 $0x17, v24;
	v25 =	vld.idx.msk [tilespmem:v52+s18+$0x0], vm0  }
0xe1: {  	v54 =	vadd.s32 $0xC00, v23;
	_ =	sdelay $0x3  }
0xe2: {  	[tilespmem:v53+s16+$0x0] =	vst.idx.msk vm0, v25  }
0xe3: {  	v55 =	vor.u32 $0x18, v24;
	v25 =	vld.idx.msk [tilespmem:v54+s18+$0x0], vm0  }
0xe4: {  	v56 =	vadd.s32 $0xC80, v23;
	_ =	sdelay $0x3  }
0xe5: {  	[tilespmem:v55+s16+$0x0] =	vst.idx.msk vm0, v25  }
0xe6: {  	v57 =	vor.u32 $0x19, v24;
	v25 =	vld.idx.msk [tilespmem:v56+s18+$0x0], vm0  }
0xe7: {  	v58 =	vadd.s32 $0xD00, v23;
	_ =	sdelay $0x3  }
0xe8: {  	[tilespmem:v57+s16+$0x0] =	vst.idx.msk vm0, v25  }
0xe9: {  	v59 =	vor.u32 $0x1A, v24;
	v25 =	vld.idx.msk [tilespmem:v58+s18+$0x0], vm0  }
0xea: {  	v60 =	vadd.s32 $0xD80, v23;
	_ =	sdelay $0x3  }
0xeb: {  	[tilespmem:v59+s16+$0x0] =	vst.idx.msk vm0, v25  }
0xec: {  	v61 =	vor.u32 $0x1B, v24;
	v25 =	vld.idx.msk [tilespmem:v60+s18+$0x0], vm0  }
0xed: {  	v62 =	vadd.s32 $0xE00, v23;
	_ =	sdelay $0x3  }
0xee: {  	[tilespmem:v61+s16+$0x0] =	vst.idx.msk vm0, v25  }
0xef: {  	v63 =	vor.u32 $0x1C, v24;
	v25 =	vld.idx.msk [tilespmem:v62+s18+$0x0], vm0  }
0xf0: {  	v30 =	vadd.s32 $0xE80, v23;
	_ =	sdelay $0x3  }
0xf1: {  	[tilespmem:v63+s16+$0x0] =	vst.idx.msk vm0, v25  }
0xf2: {  	v31 =	vor.u32 $0x1D, v24;
	v25 =	vld.idx.msk [tilespmem:v30+s18+$0x0], vm0  }
0xf3: {  	v32 =	vadd.s32 $0xF00, v23;
	_ =	sdelay $0x3  }
0xf4: {  	[tilespmem:v31+s16+$0x0] =	vst.idx.msk vm0, v25  }
0xf5: {  	v33 =	vor.u32 $0x1E, v24;
	v25 =	vld.idx.msk [tilespmem:v32+s18+$0x0], vm0  }
0xf6: {  	v34 =	vadd.s32 $0xF80, v23;
	_ =	sdelay $0x3  }
0xf7: {  	[tilespmem:v33+s16+$0x0] =	vst.idx.msk vm0, v25  }
0xf8: {  	v35 =	vor.u32 $0x1F, v24;
	v25 =	vld.idx.msk [tilespmem:v34+s18+$0x0], vm0  }
0xf9: {  	v36 =	vadd.s32 $0x1000, v23;
	_ =	sdelay $0x3  }
0xfa: {  	[tilespmem:v35+s16+$0x0] =	vst.idx.msk vm0, v25  }
0xfb: {  	v37 =	vor.u32 $0x20, v24;
	v25 =	vld.idx.msk [tilespmem:v36+s18+$0x0], vm0  }
0xfc: {  	v38 =	vadd.s32 $0x1080, v23;
	_ =	sdelay $0x3  }
0xfd: {  	[tilespmem:v37+s16+$0x0] =	vst.idx.msk vm0, v25  }
0xfe: {  	v39 =	vor.u32 $0x21, v24;
	v25 =	vld.idx.msk [tilespmem:v38+s18+$0x0], vm0  }
0xff: {  	v40 =	vadd.s32 $0x1100, v23;
	_ =	sdelay $0x3  }
0x100: {  	[tilespmem:v39+s16+$0x0] =	vst.idx.msk vm0, v25  }
0x101: {  	v41 =	vor.u32 $0x22, v24;
	v25 =	vld.idx.msk [tilespmem:v40+s18+$0x0], vm0  }
0x102: {  	v42 =	vadd.s32 $0x1180, v23;
	_ =	sdelay $0x3  }
0x103: {  	[tilespmem:v41+s16+$0x0] =	vst.idx.msk vm0, v25  }
0x104: {  	v43 =	vor.u32 $0x23, v24;
	v25 =	vld.idx.msk [tilespmem:v42+s18+$0x0], vm0  }
0x105: {  	v44 =	vadd.s32 $0x1200, v23;
	_ =	sdelay $0x3  }
0x106: {  	[tilespmem:v43+s16+$0x0] =	vst.idx.msk vm0, v25  }
0x107: {  	v45 =	vor.u32 $0x24, v24;
	v25 =	vld.idx.msk [tilespmem:v44+s18+$0x0], vm0  }
0x108: {  	v46 =	vadd.s32 $0x1280, v23;
	_ =	sdelay $0x3  }
0x109: {  	[tilespmem:v45+s16+$0x0] =	vst.idx.msk vm0, v25  }
0x10a: {  	v47 =	vor.u32 $0x25, v24;
	v25 =	vld.idx.msk [tilespmem:v46+s18+$0x0], vm0  }
0x10b: {  	v48 =	vadd.s32 $0x1300, v23;
	_ =	sdelay $0x3  }
0x10c: {  	[tilespmem:v47+s16+$0x0] =	vst.idx.msk vm0, v25  }
0x10d: {  	v49 =	vor.u32 $0x26, v24;
	v25 =	vld.idx.msk [tilespmem:v48+s18+$0x0], vm0  }
0x10e: {  	v50 =	vadd.s32 $0x1380, v23;
	_ =	sdelay $0x3  }
0x10f: {  	[tilespmem:v49+s16+$0x0] =	vst.idx.msk vm0, v25  }
0x110: {  	v51 =	vor.u32 $0x27, v24;
	v25 =	vld.idx.msk [tilespmem:v50+s18+$0x0], vm0  }
0x111: {  	v52 =	vadd.s32 $0x1400, v23;
	_ =	sdelay $0x3  }
0x112: {  	[tilespmem:v51+s16+$0x0] =	vst.idx.msk vm0, v25  }
0x113: {  	v53 =	vor.u32 $0x28, v24;
	v25 =	vld.idx.msk [tilespmem:v52+s18+$0x0], vm0  }
0x114: {  	v54 =	vadd.s32 $0x1480, v23;
	_ =	sdelay $0x3  }
0x115: {  	[tilespmem:v53+s16+$0x0] =	vst.idx.msk vm0, v25  }
0x116: {  	v55 =	vor.u32 $0x29, v24;
	v25 =	vld.idx.msk [tilespmem:v54+s18+$0x0], vm0  }
0x117: {  	v56 =	vadd.s32 $0x1500, v23;
	_ =	sdelay $0x3  }
0x118: {  	[tilespmem:v55+s16+$0x0] =	vst.idx.msk vm0, v25  }
0x119: {  	v57 =	vor.u32 $0x2A, v24;
	v25 =	vld.idx.msk [tilespmem:v56+s18+$0x0], vm0  }
0x11a: {  	v58 =	vadd.s32 $0x1580, v23;
	_ =	sdelay $0x3  }
0x11b: {  	[tilespmem:v57+s16+$0x0] =	vst.idx.msk vm0, v25  }
0x11c: {  	v59 =	vor.u32 $0x2B, v24;
	v25 =	vld.idx.msk [tilespmem:v58+s18+$0x0], vm0  }
0x11d: {  	v60 =	vadd.s32 $0x1600, v23;
	_ =	sdelay $0x3  }
0x11e: {  	[tilespmem:v59+s16+$0x0] =	vst.idx.msk vm0, v25  }
0x11f: {  	v61 =	vor.u32 $0x2C, v24;
	v25 =	vld.idx.msk [tilespmem:v60+s18+$0x0], vm0  }
0x120: {  	v62 =	vadd.s32 $0x1680, v23;
	_ =	sdelay $0x3  }
0x121: {  	[tilespmem:v61+s16+$0x0] =	vst.idx.msk vm0, v25  }
0x122: {  	v63 =	vor.u32 $0x2D, v24;
	v25 =	vld.idx.msk [tilespmem:v62+s18+$0x0], vm0  }
0x123: {  	v30 =	vadd.s32 $0x1700, v23;
	_ =	sdelay $0x3  }
0x124: {  	[tilespmem:v63+s16+$0x0] =	vst.idx.msk vm0, v25  }
0x125: {  	v31 =	vor.u32 $0x2E, v24;
	v25 =	vld.idx.msk [tilespmem:v30+s18+$0x0], vm0  }
0x126: {  	v32 =	vadd.s32 $0x1780, v23;
	_ =	sdelay $0x3  }
0x127: {  	[tilespmem:v31+s16+$0x0] =	vst.idx.msk vm0, v25  }
0x128: {  	v33 =	vor.u32 $0x2F, v24;
	v25 =	vld.idx.msk [tilespmem:v32+s18+$0x0], vm0  }
0x129: {  	v34 =	vadd.s32 $0x1800, v23;
	_ =	sdelay $0x3  }
0x12a: {  	[tilespmem:v33+s16+$0x0] =	vst.idx.msk vm0, v25  }
0x12b: {  	v35 =	vor.u32 $0x30, v24;
	v25 =	vld.idx.msk [tilespmem:v34+s18+$0x0], vm0  }
0x12c: {  	v36 =	vadd.s32 $0x1880, v23;
	_ =	sdelay $0x3  }
0x12d: {  	[tilespmem:v35+s16+$0x0] =	vst.idx.msk vm0, v25  }
0x12e: {  	v37 =	vor.u32 $0x31, v24;
	v25 =	vld.idx.msk [tilespmem:v36+s18+$0x0], vm0  }
0x12f: {  	v38 =	vadd.s32 $0x1900, v23;
	_ =	sdelay $0x3  }
0x130: {  	[tilespmem:v37+s16+$0x0] =	vst.idx.msk vm0, v25  }
0x131: {  	v39 =	vor.u32 $0x32, v24;
	v25 =	vld.idx.msk [tilespmem:v38+s18+$0x0], vm0  }
0x132: {  	v40 =	vadd.s32 $0x1980, v23;
	_ =	sdelay $0x3  }
0x133: {  	[tilespmem:v39+s16+$0x0] =	vst.idx.msk vm0, v25  }
0x134: {  	v41 =	vor.u32 $0x33, v24;
	v25 =	vld.idx.msk [tilespmem:v40+s18+$0x0], vm0  }
0x135: {  	v42 =	vadd.s32 $0x1A00, v23;
	_ =	sdelay $0x3  }
0x136: {  	[tilespmem:v41+s16+$0x0] =	vst.idx.msk vm0, v25  }
0x137: {  	v43 =	vor.u32 $0x34, v24;
	v25 =	vld.idx.msk [tilespmem:v42+s18+$0x0], vm0  }
0x138: {  	v44 =	vadd.s32 $0x1A80, v23;
	_ =	sdelay $0x3  }
0x139: {  	[tilespmem:v43+s16+$0x0] =	vst.idx.msk vm0, v25  }
0x13a: {  	v45 =	vor.u32 $0x35, v24;
	v25 =	vld.idx.msk [tilespmem:v44+s18+$0x0], vm0  }
0x13b: {  	v46 =	vadd.s32 $0x1B00, v23;
	_ =	sdelay $0x3  }
0x13c: {  	[tilespmem:v45+s16+$0x0] =	vst.idx.msk vm0, v25  }
0x13d: {  	v47 =	vor.u32 $0x36, v24;
	v25 =	vld.idx.msk [tilespmem:v46+s18+$0x0], vm0  }
0x13e: {  	v48 =	vadd.s32 $0x1B80, v23;
	_ =	sdelay $0x3  }
0x13f: {  	[tilespmem:v47+s16+$0x0] =	vst.idx.msk vm0, v25  }
0x140: {  	v49 =	vor.u32 $0x37, v24;
	v25 =	vld.idx.msk [tilespmem:v48+s18+$0x0], vm0  }
0x141: {  	v50 =	vadd.s32 $0x1C00, v23;
	_ =	sdelay $0x3  }
0x142: {  	[tilespmem:v49+s16+$0x0] =	vst.idx.msk vm0, v25  }
0x143: {  	v51 =	vor.u32 $0x38, v24;
	v25 =	vld.idx.msk [tilespmem:v50+s18+$0x0], vm0  }
0x144: {  	v52 =	vadd.s32 $0x1C80, v23;
	_ =	sdelay $0x3  }
0x145: {  	[tilespmem:v51+s16+$0x0] =	vst.idx.msk vm0, v25  }
0x146: {  	v53 =	vor.u32 $0x39, v24;
	v25 =	vld.idx.msk [tilespmem:v52+s18+$0x0], vm0  }
0x147: {  	v54 =	vadd.s32 $0x1D00, v23;
	_ =	sdelay $0x3  }
0x148: {  	[tilespmem:v53+s16+$0x0] =	vst.idx.msk vm0, v25  }
0x149: {  	v55 =	vor.u32 $0x3A, v24;
	v25 =	vld.idx.msk [tilespmem:v54+s18+$0x0], vm0  }
0x14a: {  	v56 =	vadd.s32 $0x1D80, v23;
	_ =	sdelay $0x3  }
0x14b: {  	[tilespmem:v55+s16+$0x0] =	vst.idx.msk vm0, v25  }
0x14c: {  	v57 =	vor.u32 $0x3B, v24;
	v25 =	vld.idx.msk [tilespmem:v56+s18+$0x0], vm0  }
0x14d: {  	v58 =	vadd.s32 $0x1E00, v23;
	_ =	sdelay $0x3  }
0x14e: {  	[tilespmem:v57+s16+$0x0] =	vst.idx.msk vm0, v25  }
0x14f: {  	v59 =	vor.u32 $0x3C, v24;
	v25 =	vld.idx.msk [tilespmem:v58+s18+$0x0], vm0  }
0x150: {  	v60 =	vadd.s32 $0x1E80, v23;
	_ =	sdelay $0x3  }
0x151: {  	[tilespmem:v59+s16+$0x0] =	vst.idx.msk vm0, v25  }
0x152: {  	v61 =	vor.u32 $0x3D, v24;
	v25 =	vld.idx.msk [tilespmem:v60+s18+$0x0], vm0  }
0x153: {  	v62 =	vadd.s32 $0x1F00, v23;
	_ =	sdelay $0x3  }
0x154: {  	[tilespmem:v61+s16+$0x0] =	vst.idx.msk vm0, v25  }
0x155: {  	v63 =	vor.u32 $0x3E, v24;
	v25 =	vld.idx.msk [tilespmem:v62+s18+$0x0], vm0  }
0x156: {  	v23 =	vadd.s32 $0x1F80, v23;
	_ =	sdelay $0x3  }
0x157: {  	[tilespmem:v63+s16+$0x0] =	vst.idx.msk vm0, v25  }
0x158: {  	v24 =	vor.u32 $0x3F, v24;
	v23 =	vld.idx.msk [tilespmem:v23+s18+$0x0], vm0;
	_ =	sdelay $0x3  }
0x159: {  	s22 =	sadd.s32 s22, s11  }
0x15a: {  	p1 =	slt.s32 s22, $0x70;
	v21 =	vand.u32 $0x3FFF, v21;
	[tilespmem:v24+s16+$0x0] =	vst.idx.msk vm0, v23  }
0x15b: {  	s3 =	simm.s32 @!p1 $0x80;
	s4 =	simm.s32 @!p1 $0x19100;
	s7 =	simm.s32 @!p1 $0x15100;
	[tilespmem:v22+s17+$0x0] =	vst.idx.msk vm0, v21  }
0x15c: {  	[hbm4b:s5+s3] =	stream.indirect.scatter @!p1 [tilespmem:s7], [sflag:$0x8], $0x80, s4, s3, $0xb8;
	[tilespmem:$0x19180] =	vst v63  }
0x15d: {  	s3 =	simm.s32 @!p1 $0x8  }
0x15e: {  	_ =	swait.ge @!p1 [sflag:s3], $0x4000  }
0x15f: {  	[sflag:s3] =	ssyncset.done @!p1 $0x0  }
0x160: {  	s22 =	simm.s32 @!p1 $0x0;
	[sflag:s3] =	ssyncadd.s32 @!p1 $0xFFFFC000  }
.LBB2_10:
0x161: {  	s31 =	sadd.s32 $0x2, s31  }
0x162: {  	p1 =	sne.s32 s31, $0xF6  }
.Ltmp4:
0x163: {  	_ = 	snop;
	(pc) =	sbr.rel @!p1 .LBB2_11-.Ltmp4, $4  }
0x164: {  	_ = 	snop  }
0x165: {  	s23 =	sadd.s32 $0x20, s23;
	s2 =	sadd.s32 $0x100, s2  }
0x166: {  	s24 =	sadd.s32 $0x2, s24;
	s25 =	sadd.s32 $0x2, s25;
	s13 =	sadd.s32 $0x4000, s13  }
0x167: {  	s26 =	sadd.s32 $0x2, s26;
	s28 =	sadd.s32 $0x2, s28;
	s15 =	sadd.s32 $0x4000, s15  }
.LBB2_4:
0x168: {  	p1 =	sge.u32 s31, s8  }
0x169: {  	s11 =	sadd.s32 @!p1 $0x6, s31  }
0x16a: {  	p2 =	sge.u32 @!p1 s11, s8  }
0x16b: {  	p3 =	por p2, p1  }
0x16c: {  	s21 =	smul.u32 @!p3 $0xAB, s11;
	_ =	sdelay $0x1  }
0x16d: {  	s3 =	stileid.u32;
	s30 =	sadd.s32 @!p1 $0x1, s31;
	s21 =	sshrl.u32 @!p3 s21, $0xA  }
0x16e: {  	s29 =	simm.s32 @!p1 $0x7;
	p2 =	sge.u32 @!p1 s30, s8;
	s21 =	sand.u32 @!p3 $0x3F, s21  }
0x16f: {  	_ =	swait.ge @!p1 [sflag:s29], $0x2000;
	p2 =	por p2, p1;
	s21 =	smul.u32 @!p3 $0x6, s21  }
0x170: {  	[sflag:s29] =	ssyncset.done @!p1 $0x0;
	s4 =	sshll.u32 @!p3 s3, $0x6;
	s12 =	smul.u32 @!p2 $0xAB, s30  }
0x171: {  	[sflag:s29] =	ssyncadd.s32 @!p1 $0xFFFFE000;
	s29 =	simm.s32 @!p3 $0x8;
	s11 =	ssub.s32 @!p3 s11, s21  }
0x172: {  	s7 =	simm.s32 @!p3 $0x80;
	s12 =	sshrl.u32 @!p2 s12, $0xA;
	s11 =	sand.u32 @!p3 $0xFF, s11  }
0x173: {  	s9 =	simm.s32 @!p3 $0xF4280;
	s12 =	sand.u32 @!p2 $0x3F, s12;
	s21 =	sshll.u32 @!p3 s11, $0xD  }
0x174: {  	s12 =	smul.u32 @!p2 $0x6, s12;
	s4 =	sadd.s32 @!p3 s4, s11;
	s21 =	sadd.s32 @!p3 s21, s10  }
0x175: {  	s11 =	sadd.s32 @!p3 s2, s19;
	s4 =	sadd.s32 @!p3 $0x1C01, s4;
	s21 =	sshrl.u32 @!p3 s21, $0x3  }
0x176: {  	[spmem:s21@s7], [sflag:s4] =	dma.strided @!p3 [hbm:s11@s9], $0x400, s29, $0x10   }
0x177: {  	v21 =	vmov @!p1 s31;
	s4 =	ssub.s32 @!p2 s30, s12  }
0x178: {  	v21 =	vand.u32 @!p1 $0xFFFFFFFE, v21;
	s4 =	sand.u32 @!p2 $0xFF, s4  }
0x179: {  	v21 =	vbroadcast @!p1 v21, $0x0;
	s7 =	sadd.s32 @!p2 $0x1, s4  }
0x17a: {  	_ =	swait.ge @!p2 [sflag:s7], $0x400  }
0x17b: {  	s4 =	sshll.u32 @!p2 s4, $0xD;
	[sflag:s7] =	ssyncset.done @!p2 $0x0  }
0x17c: {  	s4 =	sadd.s32 @!p2 s4, s10;
	[sflag:s7] =	ssyncadd.s32 @!p2 $0xFFFFFC00;
	s7 =	simm.s32 @!p2 $0x13100  }
0x17d: {  	[tilespmem:s7], [sflag:$0x7] =	stream.linear.gather @!p2 [spmem:s4], $0x2000, $0x38;
	[tilespmem:$0x19180] =	vst v63  }
0x17e: {  	s4 =	simm.s32 @!p1 $0x5000  }
0x17f: {  	v21 =	vld.idx.msk @!p1 [tilespmem:v21+s4+$0x0], $0xffff;
	_ =	sdelay $0x4  }
0x180: {  	vm0 =	vlt.s32 @!p1 v21, $0x10  }
0x181: {  	v22 =	vnsel @!p1 vm0, $0x10, v21  }
0x182: {  	v22 =	vxor.u32 @!p1 $0x80000000, v22  }
0x183: {  	(xrf0) =	vmax.scan.msk.u32 @!p1 $0xffff, v22;
	_ =	sdelay $0x5  }
0x184: {  	v22, _, _ =	vpop @!p1 (xrf0)  }
0x185: {  	(v2sf) =	vpush @!p1 v22, $0xF;
	_ =	sdelay $0xe  }
0x186: {  	s4 =	spop @!p1 (v2sf)  }
0x187: {  	s11 =	sxor.u32 @!p1 $0x80000000, s4  }
0x188: {  	p2 =	slt.s32 @!p1 s11, $0x1  }
0x189: {  	p2 =	por p1, p2  }
.Ltmp5:
0x18a: {  	_ = 	snop;
	(pc) =	sbr.rel @p2 .LBB2_5-.Ltmp5, $1  }
0x18b: {  	_ =	sdelay $0x3  }
0x18c: {  	vm0 =	vgt.s32 v21, v4;
	v21 =	vld [tilespmem:s23+$0xFFFFFFF0]  }
0x18d: {  	v22 =	vsel vm0, $0x1, v3  }
0x18e: {  	(xrf0) =	vadd.scan.msk.s32 $0xffff, v22;
	_ =	sdelay $0x2  }
0x18f: {  	v22 =	vmov s22;
	v23 =	vshrl.u32 v21, $0xE  }
0x190: {  	v22 =	vadd.s32 $0xFFFFFFFF, v22  }
0x191: {  	v22 =	vbroadcast v22, $0x0  }
0x192: {  	v24, _, _ =	vpop (xrf0)  }
0x193: {  	v22 =	vadd.s32 v24, v22  }
0x194: {  	v25 =	vld.idx.msk [tilespmem:v23+s14+$0x0], vm0;
	v24 =	vshll.u32 v22, $0x7  }
0x195: {  	v26 =	vadd.s32 $0x80, v23;
	_ =	sdelay $0x3  }
0x196: {  	[tilespmem:v24+s16+$0x0] =	vst.idx.msk vm0, v25  }
0x197: {  	v44 =	vor.u32 $0x1, v24;
	v25 =	vld.idx.msk [tilespmem:v26+s14+$0x0], vm0  }
0x198: {  	v27 =	vadd.s32 $0x100, v23;
	_ =	sdelay $0x3  }
0x199: {  	[tilespmem:v44+s16+$0x0] =	vst.idx.msk vm0, v25  }
0x19a: {  	v45 =	vor.u32 $0x2, v24;
	v25 =	vld.idx.msk [tilespmem:v27+s14+$0x0], vm0  }
0x19b: {  	v46 =	vadd.s32 $0x180, v23;
	_ =	sdelay $0x3  }
0x19c: {  	[tilespmem:v45+s16+$0x0] =	vst.idx.msk vm0, v25  }
0x19d: {  	v47 =	vor.u32 $0x3, v24;
	v25 =	vld.idx.msk [tilespmem:v46+s14+$0x0], vm0  }
0x19e: {  	v48 =	vadd.s32 $0x200, v23;
	_ =	sdelay $0x3  }
0x19f: {  	[tilespmem:v47+s16+$0x0] =	vst.idx.msk vm0, v25  }
0x1a0: {  	v49 =	vor.u32 $0x4, v24;
	v25 =	vld.idx.msk [tilespmem:v48+s14+$0x0], vm0  }
0x1a1: {  	v50 =	vadd.s32 $0x280, v23;
	_ =	sdelay $0x3  }
0x1a2: {  	[tilespmem:v49+s16+$0x0] =	vst.idx.msk vm0, v25  }
0x1a3: {  	v51 =	vor.u32 $0x5, v24;
	v25 =	vld.idx.msk [tilespmem:v50+s14+$0x0], vm0  }
0x1a4: {  	v52 =	vadd.s32 $0x300, v23;
	_ =	sdelay $0x3  }
0x1a5: {  	[tilespmem:v51+s16+$0x0] =	vst.idx.msk vm0, v25  }
0x1a6: {  	v53 =	vor.u32 $0x6, v24;
	v25 =	vld.idx.msk [tilespmem:v52+s14+$0x0], vm0  }
0x1a7: {  	v54 =	vadd.s32 $0x380, v23;
	_ =	sdelay $0x3  }
0x1a8: {  	[tilespmem:v53+s16+$0x0] =	vst.idx.msk vm0, v25  }
0x1a9: {  	v55 =	vor.u32 $0x7, v24;
	v25 =	vld.idx.msk [tilespmem:v54+s14+$0x0], vm0  }
0x1aa: {  	v56 =	vadd.s32 $0x400, v23;
	_ =	sdelay $0x3  }
0x1ab: {  	[tilespmem:v55+s16+$0x0] =	vst.idx.msk vm0, v25  }
0x1ac: {  	v57 =	vor.u32 $0x8, v24;
	v25 =	vld.idx.msk [tilespmem:v56+s14+$0x0], vm0  }
0x1ad: {  	v58 =	vadd.s32 $0x480, v23;
	_ =	sdelay $0x3  }
0x1ae: {  	[tilespmem:v57+s16+$0x0] =	vst.idx.msk vm0, v25  }
0x1af: {  	v59 =	vor.u32 $0x9, v24;
	v25 =	vld.idx.msk [tilespmem:v58+s14+$0x0], vm0  }
0x1b0: {  	v60 =	vadd.s32 $0x500, v23;
	_ =	sdelay $0x3  }
0x1b1: {  	[tilespmem:v59+s16+$0x0] =	vst.idx.msk vm0, v25  }
0x1b2: {  	v61 =	vor.u32 $0xA, v24;
	v25 =	vld.idx.msk [tilespmem:v60+s14+$0x0], vm0  }
0x1b3: {  	v62 =	vadd.s32 $0x580, v23;
	_ =	sdelay $0x3  }
0x1b4: {  	[tilespmem:v61+s16+$0x0] =	vst.idx.msk vm0, v25  }
0x1b5: {  	v63 =	vor.u32 $0xB, v24;
	v25 =	vld.idx.msk [tilespmem:v62+s14+$0x0], vm0  }
0x1b6: {  	v30 =	vadd.s32 $0x600, v23;
	_ =	sdelay $0x3  }
0x1b7: {  	[tilespmem:v63+s16+$0x0] =	vst.idx.msk vm0, v25  }
0x1b8: {  	v31 =	vor.u32 $0xC, v24;
	v25 =	vld.idx.msk [tilespmem:v30+s14+$0x0], vm0  }
0x1b9: {  	v32 =	vadd.s32 $0x680, v23;
	_ =	sdelay $0x3  }
0x1ba: {  	[tilespmem:v31+s16+$0x0] =	vst.idx.msk vm0, v25  }
0x1bb: {  	v33 =	vor.u32 $0xD, v24;
	v25 =	vld.idx.msk [tilespmem:v32+s14+$0x0], vm0  }
0x1bc: {  	v34 =	vadd.s32 $0x700, v23;
	_ =	sdelay $0x3  }
0x1bd: {  	[tilespmem:v33+s16+$0x0] =	vst.idx.msk vm0, v25  }
0x1be: {  	v35 =	vor.u32 $0xE, v24;
	v25 =	vld.idx.msk [tilespmem:v34+s14+$0x0], vm0  }
0x1bf: {  	v36 =	vadd.s32 $0x780, v23;
	_ =	sdelay $0x3  }
0x1c0: {  	[tilespmem:v35+s16+$0x0] =	vst.idx.msk vm0, v25  }
0x1c1: {  	v37 =	vor.u32 $0xF, v24;
	v25 =	vld.idx.msk [tilespmem:v36+s14+$0x0], vm0  }
0x1c2: {  	v38 =	vadd.s32 $0x800, v23;
	_ =	sdelay $0x3  }
0x1c3: {  	[tilespmem:v37+s16+$0x0] =	vst.idx.msk vm0, v25  }
0x1c4: {  	v39 =	vor.u32 $0x10, v24;
	v25 =	vld.idx.msk [tilespmem:v38+s14+$0x0], vm0  }
0x1c5: {  	v40 =	vadd.s32 $0x880, v23;
	_ =	sdelay $0x3  }
0x1c6: {  	[tilespmem:v39+s16+$0x0] =	vst.idx.msk vm0, v25  }
0x1c7: {  	v41 =	vor.u32 $0x11, v24;
	v25 =	vld.idx.msk [tilespmem:v40+s14+$0x0], vm0  }
0x1c8: {  	v42 =	vadd.s32 $0x900, v23;
	_ =	sdelay $0x3  }
0x1c9: {  	[tilespmem:v41+s16+$0x0] =	vst.idx.msk vm0, v25  }
0x1ca: {  	v43 =	vor.u32 $0x12, v24;
	v25 =	vld.idx.msk [tilespmem:v42+s14+$0x0], vm0  }
0x1cb: {  	v44 =	vadd.s32 $0x980, v23;
	_ =	sdelay $0x3  }
0x1cc: {  	[tilespmem:v43+s16+$0x0] =	vst.idx.msk vm0, v25  }
0x1cd: {  	v45 =	vor.u32 $0x13, v24;
	v25 =	vld.idx.msk [tilespmem:v44+s14+$0x0], vm0  }
0x1ce: {  	v46 =	vadd.s32 $0xA00, v23;
	_ =	sdelay $0x3  }
0x1cf: {  	[tilespmem:v45+s16+$0x0] =	vst.idx.msk vm0, v25  }
0x1d0: {  	v47 =	vor.u32 $0x14, v24;
	v25 =	vld.idx.msk [tilespmem:v46+s14+$0x0], vm0  }
0x1d1: {  	v48 =	vadd.s32 $0xA80, v23;
	_ =	sdelay $0x3  }
0x1d2: {  	[tilespmem:v47+s16+$0x0] =	vst.idx.msk vm0, v25  }
0x1d3: {  	v49 =	vor.u32 $0x15, v24;
	v25 =	vld.idx.msk [tilespmem:v48+s14+$0x0], vm0  }
0x1d4: {  	v50 =	vadd.s32 $0xB00, v23;
	_ =	sdelay $0x3  }
0x1d5: {  	[tilespmem:v49+s16+$0x0] =	vst.idx.msk vm0, v25  }
0x1d6: {  	v51 =	vor.u32 $0x16, v24;
	v25 =	vld.idx.msk [tilespmem:v50+s14+$0x0], vm0  }
0x1d7: {  	v52 =	vadd.s32 $0xB80, v23;
	_ =	sdelay $0x3  }
0x1d8: {  	[tilespmem:v51+s16+$0x0] =	vst.idx.msk vm0, v25  }
0x1d9: {  	v53 =	vor.u32 $0x17, v24;
	v25 =	vld.idx.msk [tilespmem:v52+s14+$0x0], vm0  }
0x1da: {  	v54 =	vadd.s32 $0xC00, v23;
	_ =	sdelay $0x3  }
0x1db: {  	[tilespmem:v53+s16+$0x0] =	vst.idx.msk vm0, v25  }
0x1dc: {  	v55 =	vor.u32 $0x18, v24;
	v25 =	vld.idx.msk [tilespmem:v54+s14+$0x0], vm0  }
0x1dd: {  	v56 =	vadd.s32 $0xC80, v23;
	_ =	sdelay $0x3  }
0x1de: {  	[tilespmem:v55+s16+$0x0] =	vst.idx.msk vm0, v25  }
0x1df: {  	v57 =	vor.u32 $0x19, v24;
	v25 =	vld.idx.msk [tilespmem:v56+s14+$0x0], vm0  }
0x1e0: {  	v58 =	vadd.s32 $0xD00, v23;
	_ =	sdelay $0x3  }
0x1e1: {  	[tilespmem:v57+s16+$0x0] =	vst.idx.msk vm0, v25  }
0x1e2: {  	v59 =	vor.u32 $0x1A, v24;
	v25 =	vld.idx.msk [tilespmem:v58+s14+$0x0], vm0  }
0x1e3: {  	v60 =	vadd.s32 $0xD80, v23;
	_ =	sdelay $0x3  }
0x1e4: {  	[tilespmem:v59+s16+$0x0] =	vst.idx.msk vm0, v25  }
0x1e5: {  	v61 =	vor.u32 $0x1B, v24;
	v25 =	vld.idx.msk [tilespmem:v60+s14+$0x0], vm0  }
0x1e6: {  	v62 =	vadd.s32 $0xE00, v23;
	_ =	sdelay $0x3  }
0x1e7: {  	[tilespmem:v61+s16+$0x0] =	vst.idx.msk vm0, v25  }
0x1e8: {  	v63 =	vor.u32 $0x1C, v24;
	v25 =	vld.idx.msk [tilespmem:v62+s14+$0x0], vm0  }
0x1e9: {  	v30 =	vadd.s32 $0xE80, v23;
	_ =	sdelay $0x3  }
0x1ea: {  	[tilespmem:v63+s16+$0x0] =	vst.idx.msk vm0, v25  }
0x1eb: {  	v31 =	vor.u32 $0x1D, v24;
	v25 =	vld.idx.msk [tilespmem:v30+s14+$0x0], vm0  }
0x1ec: {  	v32 =	vadd.s32 $0xF00, v23;
	_ =	sdelay $0x3  }
0x1ed: {  	[tilespmem:v31+s16+$0x0] =	vst.idx.msk vm0, v25  }
0x1ee: {  	v33 =	vor.u32 $0x1E, v24;
	v25 =	vld.idx.msk [tilespmem:v32+s14+$0x0], vm0  }
0x1ef: {  	v34 =	vadd.s32 $0xF80, v23;
	_ =	sdelay $0x3  }
0x1f0: {  	[tilespmem:v33+s16+$0x0] =	vst.idx.msk vm0, v25  }
0x1f1: {  	v35 =	vor.u32 $0x1F, v24;
	v25 =	vld.idx.msk [tilespmem:v34+s14+$0x0], vm0  }
0x1f2: {  	v36 =	vadd.s32 $0x1000, v23;
	_ =	sdelay $0x3  }
0x1f3: {  	[tilespmem:v35+s16+$0x0] =	vst.idx.msk vm0, v25  }
0x1f4: {  	v37 =	vor.u32 $0x20, v24;
	v25 =	vld.idx.msk [tilespmem:v36+s14+$0x0], vm0  }
0x1f5: {  	v38 =	vadd.s32 $0x1080, v23;
	_ =	sdelay $0x3  }
0x1f6: {  	[tilespmem:v37+s16+$0x0] =	vst.idx.msk vm0, v25  }
0x1f7: {  	v39 =	vor.u32 $0x21, v24;
	v25 =	vld.idx.msk [tilespmem:v38+s14+$0x0], vm0  }
0x1f8: {  	v40 =	vadd.s32 $0x1100, v23;
	_ =	sdelay $0x3  }
0x1f9: {  	[tilespmem:v39+s16+$0x0] =	vst.idx.msk vm0, v25  }
0x1fa: {  	v41 =	vor.u32 $0x22, v24;
	v25 =	vld.idx.msk [tilespmem:v40+s14+$0x0], vm0  }
0x1fb: {  	v42 =	vadd.s32 $0x1180, v23;
	_ =	sdelay $0x3  }
0x1fc: {  	[tilespmem:v41+s16+$0x0] =	vst.idx.msk vm0, v25  }
0x1fd: {  	v43 =	vor.u32 $0x23, v24;
	v25 =	vld.idx.msk [tilespmem:v42+s14+$0x0], vm0  }
0x1fe: {  	v44 =	vadd.s32 $0x1200, v23;
	_ =	sdelay $0x3  }
0x1ff: {  	[tilespmem:v43+s16+$0x0] =	vst.idx.msk vm0, v25  }
0x200: {  	v45 =	vor.u32 $0x24, v24;
	v25 =	vld.idx.msk [tilespmem:v44+s14+$0x0], vm0  }
0x201: {  	v46 =	vadd.s32 $0x1280, v23;
	_ =	sdelay $0x3  }
0x202: {  	[tilespmem:v45+s16+$0x0] =	vst.idx.msk vm0, v25  }
0x203: {  	v47 =	vor.u32 $0x25, v24;
	v25 =	vld.idx.msk [tilespmem:v46+s14+$0x0], vm0  }
0x204: {  	v48 =	vadd.s32 $0x1300, v23;
	_ =	sdelay $0x3  }
0x205: {  	[tilespmem:v47+s16+$0x0] =	vst.idx.msk vm0, v25  }
0x206: {  	v49 =	vor.u32 $0x26, v24;
	v25 =	vld.idx.msk [tilespmem:v48+s14+$0x0], vm0  }
0x207: {  	v50 =	vadd.s32 $0x1380, v23;
	_ =	sdelay $0x3  }
0x208: {  	[tilespmem:v49+s16+$0x0] =	vst.idx.msk vm0, v25  }
0x209: {  	v51 =	vor.u32 $0x27, v24;
	v25 =	vld.idx.msk [tilespmem:v50+s14+$0x0], vm0  }
0x20a: {  	v52 =	vadd.s32 $0x1400, v23;
	_ =	sdelay $0x3  }
0x20b: {  	[tilespmem:v51+s16+$0x0] =	vst.idx.msk vm0, v25  }
0x20c: {  	v53 =	vor.u32 $0x28, v24;
	v25 =	vld.idx.msk [tilespmem:v52+s14+$0x0], vm0  }
0x20d: {  	v54 =	vadd.s32 $0x1480, v23;
	_ =	sdelay $0x3  }
0x20e: {  	[tilespmem:v53+s16+$0x0] =	vst.idx.msk vm0, v25  }
0x20f: {  	v55 =	vor.u32 $0x29, v24;
	v25 =	vld.idx.msk [tilespmem:v54+s14+$0x0], vm0  }
0x210: {  	v56 =	vadd.s32 $0x1500, v23;
	_ =	sdelay $0x3  }
0x211: {  	[tilespmem:v55+s16+$0x0] =	vst.idx.msk vm0, v25  }
0x212: {  	v57 =	vor.u32 $0x2A, v24;
	v25 =	vld.idx.msk [tilespmem:v56+s14+$0x0], vm0  }
0x213: {  	v58 =	vadd.s32 $0x1580, v23;
	_ =	sdelay $0x3  }
0x214: {  	[tilespmem:v57+s16+$0x0] =	vst.idx.msk vm0, v25  }
0x215: {  	v59 =	vor.u32 $0x2B, v24;
	v25 =	vld.idx.msk [tilespmem:v58+s14+$0x0], vm0  }
0x216: {  	v60 =	vadd.s32 $0x1600, v23;
	_ =	sdelay $0x3  }
0x217: {  	[tilespmem:v59+s16+$0x0] =	vst.idx.msk vm0, v25  }
0x218: {  	v61 =	vor.u32 $0x2C, v24;
	v25 =	vld.idx.msk [tilespmem:v60+s14+$0x0], vm0  }
0x219: {  	v62 =	vadd.s32 $0x1680, v23;
	_ =	sdelay $0x3  }
0x21a: {  	[tilespmem:v61+s16+$0x0] =	vst.idx.msk vm0, v25  }
0x21b: {  	v63 =	vor.u32 $0x2D, v24;
	v25 =	vld.idx.msk [tilespmem:v62+s14+$0x0], vm0  }
0x21c: {  	v30 =	vadd.s32 $0x1700, v23;
	_ =	sdelay $0x3  }
0x21d: {  	[tilespmem:v63+s16+$0x0] =	vst.idx.msk vm0, v25  }
0x21e: {  	v31 =	vor.u32 $0x2E, v24;
	v25 =	vld.idx.msk [tilespmem:v30+s14+$0x0], vm0  }
0x21f: {  	v32 =	vadd.s32 $0x1780, v23;
	_ =	sdelay $0x3  }
0x220: {  	[tilespmem:v31+s16+$0x0] =	vst.idx.msk vm0, v25  }
0x221: {  	v33 =	vor.u32 $0x2F, v24;
	v25 =	vld.idx.msk [tilespmem:v32+s14+$0x0], vm0  }
0x222: {  	v34 =	vadd.s32 $0x1800, v23;
	_ =	sdelay $0x3  }
0x223: {  	[tilespmem:v33+s16+$0x0] =	vst.idx.msk vm0, v25  }
0x224: {  	v35 =	vor.u32 $0x30, v24;
	v25 =	vld.idx.msk [tilespmem:v34+s14+$0x0], vm0  }
0x225: {  	v36 =	vadd.s32 $0x1880, v23;
	_ =	sdelay $0x3  }
0x226: {  	[tilespmem:v35+s16+$0x0] =	vst.idx.msk vm0, v25  }
0x227: {  	v37 =	vor.u32 $0x31, v24;
	v25 =	vld.idx.msk [tilespmem:v36+s14+$0x0], vm0  }
0x228: {  	v38 =	vadd.s32 $0x1900, v23;
	_ =	sdelay $0x3  }
0x229: {  	[tilespmem:v37+s16+$0x0] =	vst.idx.msk vm0, v25  }
0x22a: {  	v39 =	vor.u32 $0x32, v24;
	v25 =	vld.idx.msk [tilespmem:v38+s14+$0x0], vm0  }
0x22b: {  	v40 =	vadd.s32 $0x1980, v23;
	_ =	sdelay $0x3  }
0x22c: {  	[tilespmem:v39+s16+$0x0] =	vst.idx.msk vm0, v25  }
0x22d: {  	v41 =	vor.u32 $0x33, v24;
	v25 =	vld.idx.msk [tilespmem:v40+s14+$0x0], vm0  }
0x22e: {  	v42 =	vadd.s32 $0x1A00, v23;
	_ =	sdelay $0x3  }
0x22f: {  	[tilespmem:v41+s16+$0x0] =	vst.idx.msk vm0, v25  }
0x230: {  	v43 =	vor.u32 $0x34, v24;
	v25 =	vld.idx.msk [tilespmem:v42+s14+$0x0], vm0  }
0x231: {  	v44 =	vadd.s32 $0x1A80, v23;
	_ =	sdelay $0x3  }
0x232: {  	[tilespmem:v43+s16+$0x0] =	vst.idx.msk vm0, v25  }
0x233: {  	v45 =	vor.u32 $0x35, v24;
	v25 =	vld.idx.msk [tilespmem:v44+s14+$0x0], vm0  }
0x234: {  	v46 =	vadd.s32 $0x1B00, v23;
	_ =	sdelay $0x3  }
0x235: {  	[tilespmem:v45+s16+$0x0] =	vst.idx.msk vm0, v25  }
0x236: {  	v47 =	vor.u32 $0x36, v24;
	v25 =	vld.idx.msk [tilespmem:v46+s14+$0x0], vm0  }
0x237: {  	v48 =	vadd.s32 $0x1B80, v23;
	_ =	sdelay $0x3  }
0x238: {  	[tilespmem:v47+s16+$0x0] =	vst.idx.msk vm0, v25  }
0x239: {  	v49 =	vor.u32 $0x37, v24;
	v25 =	vld.idx.msk [tilespmem:v48+s14+$0x0], vm0  }
0x23a: {  	v50 =	vadd.s32 $0x1C00, v23;
	_ =	sdelay $0x3  }
0x23b: {  	[tilespmem:v49+s16+$0x0] =	vst.idx.msk vm0, v25  }
0x23c: {  	v51 =	vor.u32 $0x38, v24;
	v25 =	vld.idx.msk [tilespmem:v50+s14+$0x0], vm0  }
0x23d: {  	v52 =	vadd.s32 $0x1C80, v23;
	_ =	sdelay $0x3  }
0x23e: {  	[tilespmem:v51+s16+$0x0] =	vst.idx.msk vm0, v25  }
0x23f: {  	v53 =	vor.u32 $0x39, v24;
	v25 =	vld.idx.msk [tilespmem:v52+s14+$0x0], vm0  }
0x240: {  	v54 =	vadd.s32 $0x1D00, v23;
	_ =	sdelay $0x3  }
0x241: {  	[tilespmem:v53+s16+$0x0] =	vst.idx.msk vm0, v25  }
0x242: {  	v55 =	vor.u32 $0x3A, v24;
	v25 =	vld.idx.msk [tilespmem:v54+s14+$0x0], vm0  }
0x243: {  	v56 =	vadd.s32 $0x1D80, v23;
	_ =	sdelay $0x3  }
0x244: {  	[tilespmem:v55+s16+$0x0] =	vst.idx.msk vm0, v25  }
0x245: {  	v57 =	vor.u32 $0x3B, v24;
	v25 =	vld.idx.msk [tilespmem:v56+s14+$0x0], vm0  }
0x246: {  	v58 =	vadd.s32 $0x1E00, v23;
	_ =	sdelay $0x3  }
0x247: {  	[tilespmem:v57+s16+$0x0] =	vst.idx.msk vm0, v25  }
0x248: {  	v59 =	vor.u32 $0x3C, v24;
	v25 =	vld.idx.msk [tilespmem:v58+s14+$0x0], vm0  }
0x249: {  	v60 =	vadd.s32 $0x1E80, v23;
	_ =	sdelay $0x3  }
0x24a: {  	[tilespmem:v59+s16+$0x0] =	vst.idx.msk vm0, v25  }
0x24b: {  	v61 =	vor.u32 $0x3D, v24;
	v25 =	vld.idx.msk [tilespmem:v60+s14+$0x0], vm0  }
0x24c: {  	v62 =	vadd.s32 $0x1F00, v23;
	_ =	sdelay $0x3  }
0x24d: {  	[tilespmem:v61+s16+$0x0] =	vst.idx.msk vm0, v25  }
0x24e: {  	v63 =	vor.u32 $0x3E, v24;
	v25 =	vld.idx.msk [tilespmem:v62+s14+$0x0], vm0  }
0x24f: {  	v23 =	vadd.s32 $0x1F80, v23;
	_ =	sdelay $0x3  }
0x250: {  	[tilespmem:v63+s16+$0x0] =	vst.idx.msk vm0, v25  }
0x251: {  	v24 =	vor.u32 $0x3F, v24;
	v23 =	vld.idx.msk [tilespmem:v23+s14+$0x0], vm0;
	_ =	sdelay $0x3  }
0x252: {  	s22 =	sadd.s32 s22, s11  }
0x253: {  	p1 =	slt.s32 s22, $0x70;
	v21 =	vand.u32 $0x3FFF, v21;
	[tilespmem:v24+s16+$0x0] =	vst.idx.msk vm0, v23  }
0x254: {  	s4 =	simm.s32 @!p1 $0x80;
	s7 =	simm.s32 @!p1 $0x19100;
	s9 =	simm.s32 @!p1 $0x15100;
	[tilespmem:v22+s17+$0x0] =	vst.idx.msk vm0, v21  }
0x255: {  	[hbm4b:s5+s4] =	stream.indirect.scatter @!p1 [tilespmem:s9], [sflag:$0x8], $0x80, s7, s4, $0xb8;
	[tilespmem:$0x19180] =	vst v63  }
.Ltmp6:
0x256: {  	_ = 	snop;
	(pc) =	sbr.rel .LBB2_7-.Ltmp6, $4  }
0x257: {  	s4 =	simm.s32 @!p1 $0x8  }
0x258: {  	_ =	swait.ge @!p1 [sflag:s4], $0x4000  }
0x259: {  	[sflag:s4] =	ssyncset.done @!p1 $0x0  }
0x25a: {  	s22 =	simm.s32 @!p1 $0x0;
	[sflag:s4] =	ssyncadd.s32 @!p1 $0xFFFFC000  }
.LBB2_5:
0x25b: {  	s22 =	smov.u32 @p1 s22  }
.LBB2_7:
0x25c: {  	s4 =	smulhi.u32 $0xAAAAAAAB, s25  }
0x25d: {  	s9 =	sadd.s32 $0x1, s31  }
0x25e: {  	s12 =	smulhi.u32 $0xAAAAAAAB, s28;
	p1 =	sge.u32 s9, s8;
	s4 =	sshrl.u32 s4, $0x2  }
0x25f: {  	s3 =	stileid.u32;
	s11 =	sadd.s32 @!p1 $0x7, s31;
	s7 =	smul.u32 $0xFFFFFFE8, s4  }
0x260: {  	s21 =	simm.s32 @!p1 $0x7;
	s4 =	smul.u32 $0xFFFD0000, s4;
	p2 =	sge.u32 @!p1 s11, s8  }
0x261: {  	_ =	swait.ge @!p1 [sflag:s21], $0x2000;
	s11 =	sshrl.u32 s12, $0x2;
	p2 =	por p2, p1  }
0x262: {  	[sflag:s21] =	ssyncset.done @!p1 $0x0;
	s29 =	smul.u32 $0xFFFFFFE8, s11;
	s7 =	sshra.s32 s7, $0x2  }
0x263: {  	s4 =	sshra.s32 s4, $0x2;
	s12 =	sshll.u32 @!p2 s3, $0x6;
	[sflag:s21] =	ssyncadd.s32 @!p1 $0xFFFFE000  }
0x264: {  	s21 =	simm.s32 @!p2 $0x8;
	s30 =	simm.s32 @!p2 $0x80;
	s7 =	sadd.s32 s7, s24  }
0x265: {  	s3 =	simm.s32 @!p2 $0xF4280;
	s4 =	sadd.s32 s4, s13;
	s7 =	sadd.s32 @!p2 s7, s12  }
0x266: {  	s12 =	sadd.s32 @!p2 s2, s20;
	s4 =	sshrl.u32 @!p2 s4, $0x3;
	s7 =	sadd.s32 @!p2 $0x1C00, s7  }
0x267: {  	[spmem:s4@s30], [sflag:s7] =	dma.strided @!p2 [hbm:s12@s3], $0x400, s21, $0x10   }
0x268: {  	s3 =	sadd.s32 @!p1 $0x2, s31  }
0x269: {  	s29 =	sshra.s32 s29, $0x2;
	p2 =	sge.u32 @!p1 s3, s8  }
0x26a: {  	s30 =	smul.u32 $0xFFFD0000, s11;
	s3 =	sadd.s32 s29, s26;
	p2 =	por p2, p1  }
0x26b: {  	v21 =	vmov @!p1 s9;
	_ =	swait.ge @!p2 [sflag:s3], $0x400  }
0x26c: {  	s4 =	sshra.s32 s30, $0x2;
	[sflag:s3] =	ssyncset.done @!p2 $0x0  }
0x26d: {  	s4 =	sadd.s32 s4, s15;
	[sflag:s3] =	ssyncadd.s32 @!p2 $0xFFFFFC00;
	s3 =	simm.s32 @!p2 $0x11100  }
0x26e: {  	[tilespmem:s3], [sflag:$0x7] =	stream.linear.gather @!p2 [spmem:s4], $0x2000, $0x38;
	[tilespmem:$0x19180] =	vst v63  }
0x26f: {  	s3 =	simm.s32 @!p1 $0x5000  }
0x270: {  	v21 =	vld.idx.msk @!p1 [tilespmem:v21+s3+$0x0], $0xffff;
	_ =	sdelay $0x4  }
0x271: {  	vm0 =	vlt.s32 @!p1 v21, $0x10  }
0x272: {  	v22 =	vnsel @!p1 vm0, $0x10, v21  }
0x273: {  	v22 =	vxor.u32 @!p1 $0x80000000, v22  }
0x274: {  	(xrf0) =	vmax.scan.msk.u32 @!p1 $0xffff, v22;
	_ =	sdelay $0x5  }
0x275: {  	v22, _, _ =	vpop @!p1 (xrf0)  }
0x276: {  	(v2sf) =	vpush @!p1 v22, $0xF;
	_ =	sdelay $0xe  }
0x277: {  	s3 =	spop @!p1 (v2sf)  }
0x278: {  	s11 =	sxor.u32 @!p1 $0x80000000, s3  }
0x279: {  	p2 =	slt.s32 @!p1 s11, $0x1  }
0x27a: {  	p2 =	por p1, p2  }
.Ltmp7:
0x27b: {  	_ = 	snop;
	(pc) =	sbr.rel @!p2 .LBB2_9-.Ltmp7, $1  }
0x27c: {  	_ =	sdelay $0x3  }
.Ltmp8:
0x27d: {  	(pc) =	sbr.rel .LBB2_10-.Ltmp8, $2  }
0x27e: {  	_ =	sdelay $0x2  }
0x27f: {  	s22 =	smov.u32 @p1 s22  }
.LBB2_11:
0x280: {  	v20 =	vadd.s32 $0xFFFFFFF0, v20  }
0x281: {  	v19 =	vadd.s32 $0xFFFFFFF0, v19;
	v18 =	vadd.s32 $0xFFFFFFF0, v18;
	v17 =	vadd.s32 $0xFFFFFFF0, v17  }
0x282: {  	v16 =	vadd.s32 $0xFFFFFFF0, v16;
	v15 =	vadd.s32 $0xFFFFFFF0, v15;
	vm0 =	vgt.s32 v20, $0x0  }
0x283: {  	v14 =	vadd.s32 $0xFFFFFFF0, v14;
	vm13 =	vgt.s32 v19, $0x0;
	v20 =	vnsel vm0, $0x0, v20  }
0x284: {  	v13 =	vadd.s32 $0xFFFFFFF0, v13;
	vm14 =	vgt.s32 v18, $0x0;
	v19 =	vnsel vm13, $0x0, v19;
	(xrf0) =	vadd.scan.msk.s32 $0xffff, v20  }
0x285: {  	v12 =	vadd.s32 $0xFFFFFFF0, v12;
	vm15 =	vgt.s32 v17, $0x0;
	v18 =	vnsel vm14, $0x0, v18;
	(xrf0) =	vadd.scan.msk.s32 $0xffff, v19  }
0x286: {  	v11 =	vadd.s32 $0xFFFFFFF0, v11;
	vm4 =	vgt.s32 v16, $0x0;
	v17 =	vnsel vm15, $0x0, v17;
	(xrf0) =	vadd.scan.msk.s32 $0xffff, v18  }
0x287: {  	v10 =	vadd.s32 $0xFFFFFFF0, v10;
	v9 =	vadd.s32 $0xFFFFFFF0, v9;
	v16 =	vnsel vm4, $0x0, v16;
	(xrf0) =	vadd.scan.msk.s32 $0xffff, v17  }
0x288: {  	v8 =	vadd.s32 $0xFFFFFFF0, v8;
	v7 =	vadd.s32 $0xFFFFFFF0, v7;
	vm5 =	vgt.s32 v15, $0x0;
	(xrf0) =	vadd.scan.msk.s32 $0xffff, v16  }
0x289: {  	v6 =	vadd.s32 $0xFFFFFFF0, v6;
	vm6 =	vgt.s32 v14, $0x0;
	v15 =	vnsel vm5, $0x0, v15  }
0x28a: {  	vm7 =	vgt.s32 v13, $0x0;
	vm8 =	vgt.s32 v12, $0x0;
	v14 =	vnsel vm6, $0x0, v14;
	v56, _, _ =	vpop (xrf0);
	(xrf0) =	vadd.scan.msk.s32 $0xffff, v15  }
0x28b: {  	vm9 =	vgt.s32 v11, $0x0;
	vm10 =	vgt.s32 v10, $0x0;
	v13 =	vnsel vm7, $0x0, v13;
	v57, _, _ =	vpop (xrf0);
	(xrf0) =	vadd.scan.msk.s32 $0xffff, v14  }
0x28c: {  	vm11 =	vgt.s32 v9, $0x0;
	v12 =	vnsel vm8, $0x0, v12;
	(v2sf) =	vpush v56, $0xF;
	v58, _, _ =	vpop (xrf0);
	(xrf0) =	vadd.scan.msk.s32 $0xffff, v13  }
0x28d: {  	vm12 =	vgt.s32 v8, $0x0;
	v11 =	vnsel vm9, $0x0, v11;
	(v2sf) =	vpush v57, $0xF;
	v59, _, _ =	vpop (xrf0);
	(xrf0) =	vadd.scan.msk.s32 $0xffff, v12  }
0x28e: {  	v10 =	vnsel vm10, $0x0, v10;
	v9 =	vnsel vm11, $0x0, v9;
	(v2sf) =	vpush v58, $0xF;
	v60, _, _ =	vpop (xrf0);
	(xrf0) =	vadd.scan.msk.s32 $0xffff, v11  }
0x28f: {  	v8 =	vnsel vm12, $0x0, v8;
	vm13 =	vgt.s32 v7, $0x0;
	(v2sf) =	vpush v59, $0xF;
	(xrf0) =	vadd.scan.msk.s32 $0xffff, v10  }
0x290: {  	vm14 =	vgt.s32 v6, $0x0;
	v7 =	vnsel vm13, $0x0, v7;
	(v2sf) =	vpush v60, $0xF;
	v61, _, _ =	vpop (xrf0);
	(xrf0) =	vadd.scan.msk.s32 $0xffff, v9  }
0x291: {  	v5 =	vadd.s32 $0xFFFFFFF0, v5;
	v6 =	vnsel vm14, $0x0, v6;
	(v2sf) =	vpush v61, $0xF;
	v62, _, _ =	vpop (xrf0);
	(xrf0) =	vadd.scan.msk.s32 $0xffff, v8  }
0x292: {  	vm15 =	vgt.s32 v5, $0x0;
	(v2sf) =	vpush v62, $0xF;
	v63, _, _ =	vpop (xrf0);
	(xrf0) =	vadd.scan.msk.s32 $0xffff, v7  }
0x293: {  	v5 =	vnsel vm15, $0x0, v5;
	(v2sf) =	vpush v63, $0xF;
	v7, _, _ =	vpop (xrf0);
	(xrf0) =	vadd.scan.msk.s32 $0xffff, v6  }
0x294: {  	v6, _, _ =	vpop (xrf0);
	(v2sf) =	vpush v7, $0xF  }
0x295: {  	(xrf0) =	vadd.scan.msk.s32 $0xffff, v5;
	(v2sf) =	vpush v6, $0xF;
	v6, _, _ =	vpop (xrf0)  }
0x296: {  	v5, _, _ =	vpop (xrf0);
	(v2sf) =	vpush v6, $0xF  }
0x297: {  	v6, _, _ =	vpop (xrf0);
	(v2sf) =	vpush v5, $0xF  }
0x298: {  	v5, _, _ =	vpop (xrf0);
	(v2sf) =	vpush v6, $0xF  }
0x299: {  	v6, _, _ =	vpop (xrf0);
	(v2sf) =	vpush v5, $0xF  }
0x29a: {  	(v2sf) =	vpush v6, $0xF  }
0x29b: {  	s9 =	spop (v2sf);
	v5, _, _ =	vpop (xrf0)  }
0x29c: {  	s12 =	spop (v2sf);
	(v2sf) =	vpush v5, $0xF  }
0x29d: {  	s15 =	spop (v2sf)  }
0x29e: {  	s23 =	spop (v2sf)  }
0x29f: {  	s24 =	spop (v2sf)  }
0x2a0: {  	s25 =	spop (v2sf)  }
0x2a1: {  	s26 =	spop (v2sf)  }
0x2a2: {  	s28 =	spop (v2sf)  }
0x2a3: {  	s31 =	spop (v2sf)  }
0x2a4: {  	s30 =	spop (v2sf)  }
0x2a5: {  	s29 =	spop (v2sf)  }
0x2a6: {  	s7 =	spop (v2sf)  }
0x2a7: {  	s21 =	spop (v2sf)  }
0x2a8: {  	s3 =	simm.s32 @!p0 $0x11100;
	s4 =	rddreg [dreg:$0x2];
	s2 =	spop (v2sf)  }
0x2a9: {  	[dreg:$0x18] =	wrdreg s2;
	s13 =	spop (v2sf);
	s2 =	simm.s32 @!p0 $0x0  }
0x2aa: {  	v5 =	vimm.s32 @!p0 $0xF3;
	[tilespmem:s3], [sflag:$0x9] =	stream.linear.gather @!p0 [hbm4b:s4+s2], $0x2000, $0x38;
	[tilespmem:$0x19180] =	vst v63  }
0x2ab: {  	s2 =	spop (v2sf);
	s3 =	simm.s32 @!p0 $0x9  }
0x2ac: {  	_ =	swait.ge @!p0 [sflag:s3], $0x2000  }
0x2ad: {  	[sflag:s3] =	ssyncset.done @!p0 $0x0  }
0x2ae: {  	[sflag:s3] =	ssyncadd.s32 @!p0 $0xFFFFE000;
	s3 =	simm.s32 @!p0 $0x5000  }
0x2af: {  	v5 =	vld.idx.msk @!p0 [tilespmem:v5+s3+$0x0], $0xffff;
	_ =	sdelay $0x4  }
0x2b0: {  	vm0 =	vlt.s32 @!p0 v5, $0x10  }
0x2b1: {  	v6 =	vnsel @!p0 vm0, $0x10, v5  }
0x2b2: {  	v6 =	vxor.u32 @!p0 $0x80000000, v6  }
0x2b3: {  	(xrf0) =	vmax.scan.msk.u32 @!p0 $0xffff, v6;
	_ =	sdelay $0x5  }
0x2b4: {  	v6, _, _ =	vpop @!p0 (xrf0)  }
0x2b5: {  	(v2sf) =	vpush @!p0 v6, $0xF;
	_ =	sdelay $0xe  }
0x2b6: {  	s3 =	spop @!p0 (v2sf)  }
0x2b7: {  	s11 =	sxor.u32 @!p0 $0x80000000, s3  }
0x2b8: {  	p1 =	slt.s32 @!p0 s11, $0x1  }
0x2b9: {  	p1 =	por p0, p1  }
.Ltmp9:
0x2ba: {  	_ = 	snop;
	(pc) =	sbr.rel @p1 .LBB2_12-.Ltmp9, $1  }
0x2bb: {  	_ =	sdelay $0x3  }
0x2bc: {  	vm0 =	vgt.s32 v5, v4;
	v5 =	vld [tilespmem:$0x4F30]  }
0x2bd: {  	v6 =	vsel vm0, $0x1, v3  }
0x2be: {  	(xrf0) =	vadd.scan.msk.s32 $0xffff, v6;
	_ =	sdelay $0x2  }
0x2bf: {  	v6 =	vmov s22;
	v7 =	vshrl.u32 v5, $0xE  }
0x2c0: {  	v6 =	vadd.s32 $0xFFFFFFFF, v6  }
0x2c1: {  	v6 =	vbroadcast v6, $0x0  }
0x2c2: {  	v8, _, _ =	vpop (xrf0)  }
0x2c3: {  	v6 =	vadd.s32 v8, v6  }
0x2c4: {  	v9 =	vld.idx.msk [tilespmem:v7+s14+$0x0], vm0;
	v8 =	vshll.u32 v6, $0x7  }
0x2c5: {  	v10 =	vadd.s32 $0x80, v7;
	_ =	sdelay $0x3  }
0x2c6: {  	[tilespmem:v8+s16+$0x0] =	vst.idx.msk vm0, v9  }
0x2c7: {  	v46 =	vor.u32 $0x1, v8;
	v9 =	vld.idx.msk [tilespmem:v10+s14+$0x0], vm0  }
0x2c8: {  	v11 =	vadd.s32 $0x100, v7;
	_ =	sdelay $0x3  }
0x2c9: {  	[tilespmem:v46+s16+$0x0] =	vst.idx.msk vm0, v9  }
0x2ca: {  	v47 =	vor.u32 $0x2, v8;
	v9 =	vld.idx.msk [tilespmem:v11+s14+$0x0], vm0  }
0x2cb: {  	v48 =	vadd.s32 $0x180, v7;
	_ =	sdelay $0x3  }
0x2cc: {  	[tilespmem:v47+s16+$0x0] =	vst.idx.msk vm0, v9  }
0x2cd: {  	v49 =	vor.u32 $0x3, v8;
	v9 =	vld.idx.msk [tilespmem:v48+s14+$0x0], vm0  }
0x2ce: {  	v50 =	vadd.s32 $0x200, v7;
	_ =	sdelay $0x3  }
0x2cf: {  	[tilespmem:v49+s16+$0x0] =	vst.idx.msk vm0, v9  }
0x2d0: {  	v51 =	vor.u32 $0x4, v8;
	v9 =	vld.idx.msk [tilespmem:v50+s14+$0x0], vm0  }
0x2d1: {  	v52 =	vadd.s32 $0x280, v7;
	_ =	sdelay $0x3  }
0x2d2: {  	[tilespmem:v51+s16+$0x0] =	vst.idx.msk vm0, v9  }
0x2d3: {  	v53 =	vor.u32 $0x5, v8;
	v9 =	vld.idx.msk [tilespmem:v52+s14+$0x0], vm0  }
0x2d4: {  	v54 =	vadd.s32 $0x300, v7;
	_ =	sdelay $0x3  }
0x2d5: {  	[tilespmem:v53+s16+$0x0] =	vst.idx.msk vm0, v9  }
0x2d6: {  	v55 =	vor.u32 $0x6, v8;
	v9 =	vld.idx.msk [tilespmem:v54+s14+$0x0], vm0  }
0x2d7: {  	v56 =	vadd.s32 $0x380, v7;
	_ =	sdelay $0x3  }
0x2d8: {  	[tilespmem:v55+s16+$0x0] =	vst.idx.msk vm0, v9  }
0x2d9: {  	v57 =	vor.u32 $0x7, v8;
	v9 =	vld.idx.msk [tilespmem:v56+s14+$0x0], vm0  }
0x2da: {  	v58 =	vadd.s32 $0x400, v7;
	_ =	sdelay $0x3  }
0x2db: {  	[tilespmem:v57+s16+$0x0] =	vst.idx.msk vm0, v9  }
0x2dc: {  	v59 =	vor.u32 $0x8, v8;
	v9 =	vld.idx.msk [tilespmem:v58+s14+$0x0], vm0  }
0x2dd: {  	v60 =	vadd.s32 $0x480, v7;
	_ =	sdelay $0x3  }
0x2de: {  	[tilespmem:v59+s16+$0x0] =	vst.idx.msk vm0, v9  }
0x2df: {  	v61 =	vor.u32 $0x9, v8;
	v9 =	vld.idx.msk [tilespmem:v60+s14+$0x0], vm0  }
0x2e0: {  	v62 =	vadd.s32 $0x500, v7;
	_ =	sdelay $0x3  }
0x2e1: {  	[tilespmem:v61+s16+$0x0] =	vst.idx.msk vm0, v9  }
0x2e2: {  	v63 =	vor.u32 $0xA, v8;
	v9 =	vld.idx.msk [tilespmem:v62+s14+$0x0], vm0  }
0x2e3: {  	v12 =	vadd.s32 $0x580, v7;
	_ =	sdelay $0x3  }
0x2e4: {  	[tilespmem:v63+s16+$0x0] =	vst.idx.msk vm0, v9  }
0x2e5: {  	v13 =	vor.u32 $0xB, v8;
	v9 =	vld.idx.msk [tilespmem:v12+s14+$0x0], vm0  }
0x2e6: {  	v14 =	vadd.s32 $0x600, v7;
	_ =	sdelay $0x3  }
0x2e7: {  	[tilespmem:v13+s16+$0x0] =	vst.idx.msk vm0, v9  }
0x2e8: {  	v15 =	vor.u32 $0xC, v8;
	v9 =	vld.idx.msk [tilespmem:v14+s14+$0x0], vm0  }
0x2e9: {  	v16 =	vadd.s32 $0x680, v7;
	_ =	sdelay $0x3  }
0x2ea: {  	[tilespmem:v15+s16+$0x0] =	vst.idx.msk vm0, v9  }
0x2eb: {  	v17 =	vor.u32 $0xD, v8;
	v9 =	vld.idx.msk [tilespmem:v16+s14+$0x0], vm0  }
0x2ec: {  	v18 =	vadd.s32 $0x700, v7;
	_ =	sdelay $0x3  }
0x2ed: {  	[tilespmem:v17+s16+$0x0] =	vst.idx.msk vm0, v9  }
0x2ee: {  	v19 =	vor.u32 $0xE, v8;
	v9 =	vld.idx.msk [tilespmem:v18+s14+$0x0], vm0  }
0x2ef: {  	v20 =	vadd.s32 $0x780, v7;
	_ =	sdelay $0x3  }
0x2f0: {  	[tilespmem:v19+s16+$0x0] =	vst.idx.msk vm0, v9  }
0x2f1: {  	v21 =	vor.u32 $0xF, v8;
	v9 =	vld.idx.msk [tilespmem:v20+s14+$0x0], vm0  }
0x2f2: {  	v22 =	vadd.s32 $0x800, v7;
	_ =	sdelay $0x3  }
0x2f3: {  	[tilespmem:v21+s16+$0x0] =	vst.idx.msk vm0, v9  }
0x2f4: {  	v23 =	vor.u32 $0x10, v8;
	v9 =	vld.idx.msk [tilespmem:v22+s14+$0x0], vm0  }
0x2f5: {  	v24 =	vadd.s32 $0x880, v7;
	_ =	sdelay $0x3  }
0x2f6: {  	[tilespmem:v23+s16+$0x0] =	vst.idx.msk vm0, v9  }
0x2f7: {  	v25 =	vor.u32 $0x11, v8;
	v9 =	vld.idx.msk [tilespmem:v24+s14+$0x0], vm0  }
0x2f8: {  	v26 =	vadd.s32 $0x900, v7;
	_ =	sdelay $0x3  }
0x2f9: {  	[tilespmem:v25+s16+$0x0] =	vst.idx.msk vm0, v9  }
0x2fa: {  	v27 =	vor.u32 $0x12, v8;
	v9 =	vld.idx.msk [tilespmem:v26+s14+$0x0], vm0  }
0x2fb: {  	v28 =	vadd.s32 $0x980, v7;
	_ =	sdelay $0x3  }
0x2fc: {  	[tilespmem:v27+s16+$0x0] =	vst.idx.msk vm0, v9  }
0x2fd: {  	v29 =	vor.u32 $0x13, v8;
	v9 =	vld.idx.msk [tilespmem:v28+s14+$0x0], vm0  }
0x2fe: {  	v30 =	vadd.s32 $0xA00, v7;
	_ =	sdelay $0x3  }
0x2ff: {  	[tilespmem:v29+s16+$0x0] =	vst.idx.msk vm0, v9  }
0x300: {  	v31 =	vor.u32 $0x14, v8;
	v9 =	vld.idx.msk [tilespmem:v30+s14+$0x0], vm0  }
0x301: {  	v32 =	vadd.s32 $0xA80, v7;
	_ =	sdelay $0x3  }
0x302: {  	[tilespmem:v31+s16+$0x0] =	vst.idx.msk vm0, v9  }
0x303: {  	v33 =	vor.u32 $0x15, v8;
	v9 =	vld.idx.msk [tilespmem:v32+s14+$0x0], vm0  }
0x304: {  	v34 =	vadd.s32 $0xB00, v7;
	_ =	sdelay $0x3  }
0x305: {  	[tilespmem:v33+s16+$0x0] =	vst.idx.msk vm0, v9  }
0x306: {  	v35 =	vor.u32 $0x16, v8;
	v9 =	vld.idx.msk [tilespmem:v34+s14+$0x0], vm0  }
0x307: {  	v36 =	vadd.s32 $0xB80, v7;
	_ =	sdelay $0x3  }
0x308: {  	[tilespmem:v35+s16+$0x0] =	vst.idx.msk vm0, v9  }
0x309: {  	v37 =	vor.u32 $0x17, v8;
	v9 =	vld.idx.msk [tilespmem:v36+s14+$0x0], vm0  }
0x30a: {  	v38 =	vadd.s32 $0xC00, v7;
	_ =	sdelay $0x3  }
0x30b: {  	[tilespmem:v37+s16+$0x0] =	vst.idx.msk vm0, v9  }
0x30c: {  	v39 =	vor.u32 $0x18, v8;
	v9 =	vld.idx.msk [tilespmem:v38+s14+$0x0], vm0  }
0x30d: {  	v40 =	vadd.s32 $0xC80, v7;
	_ =	sdelay $0x3  }
0x30e: {  	[tilespmem:v39+s16+$0x0] =	vst.idx.msk vm0, v9  }
0x30f: {  	v41 =	vor.u32 $0x19, v8;
	v9 =	vld.idx.msk [tilespmem:v40+s14+$0x0], vm0  }
0x310: {  	v42 =	vadd.s32 $0xD00, v7;
	_ =	sdelay $0x3  }
0x311: {  	[tilespmem:v41+s16+$0x0] =	vst.idx.msk vm0, v9  }
0x312: {  	v43 =	vor.u32 $0x1A, v8;
	v9 =	vld.idx.msk [tilespmem:v42+s14+$0x0], vm0  }
0x313: {  	v44 =	vadd.s32 $0xD80, v7;
	_ =	sdelay $0x3  }
0x314: {  	[tilespmem:v43+s16+$0x0] =	vst.idx.msk vm0, v9  }
0x315: {  	v45 =	vor.u32 $0x1B, v8;
	v9 =	vld.idx.msk [tilespmem:v44+s14+$0x0], vm0  }
0x316: {  	v46 =	vadd.s32 $0xE00, v7;
	_ =	sdelay $0x3  }
0x317: {  	[tilespmem:v45+s16+$0x0] =	vst.idx.msk vm0, v9  }
0x318: {  	v47 =	vor.u32 $0x1C, v8;
	v9 =	vld.idx.msk [tilespmem:v46+s14+$0x0], vm0  }
0x319: {  	v48 =	vadd.s32 $0xE80, v7;
	_ =	sdelay $0x3  }
0x31a: {  	[tilespmem:v47+s16+$0x0] =	vst.idx.msk vm0, v9  }
0x31b: {  	v49 =	vor.u32 $0x1D, v8;
	v9 =	vld.idx.msk [tilespmem:v48+s14+$0x0], vm0  }
0x31c: {  	v50 =	vadd.s32 $0xF00, v7;
	_ =	sdelay $0x3  }
0x31d: {  	[tilespmem:v49+s16+$0x0] =	vst.idx.msk vm0, v9  }
0x31e: {  	v51 =	vor.u32 $0x1E, v8;
	v9 =	vld.idx.msk [tilespmem:v50+s14+$0x0], vm0  }
0x31f: {  	v52 =	vadd.s32 $0xF80, v7;
	_ =	sdelay $0x3  }
0x320: {  	[tilespmem:v51+s16+$0x0] =	vst.idx.msk vm0, v9  }
0x321: {  	v53 =	vor.u32 $0x1F, v8;
	v9 =	vld.idx.msk [tilespmem:v52+s14+$0x0], vm0  }
0x322: {  	v54 =	vadd.s32 $0x1000, v7;
	_ =	sdelay $0x3  }
0x323: {  	[tilespmem:v53+s16+$0x0] =	vst.idx.msk vm0, v9  }
0x324: {  	v55 =	vor.u32 $0x20, v8;
	v9 =	vld.idx.msk [tilespmem:v54+s14+$0x0], vm0  }
0x325: {  	v56 =	vadd.s32 $0x1080, v7;
	_ =	sdelay $0x3  }
0x326: {  	[tilespmem:v55+s16+$0x0] =	vst.idx.msk vm0, v9  }
0x327: {  	v57 =	vor.u32 $0x21, v8;
	v9 =	vld.idx.msk [tilespmem:v56+s14+$0x0], vm0  }
0x328: {  	v58 =	vadd.s32 $0x1100, v7;
	_ =	sdelay $0x3  }
0x329: {  	[tilespmem:v57+s16+$0x0] =	vst.idx.msk vm0, v9  }
0x32a: {  	v59 =	vor.u32 $0x22, v8;
	v9 =	vld.idx.msk [tilespmem:v58+s14+$0x0], vm0  }
0x32b: {  	v60 =	vadd.s32 $0x1180, v7;
	_ =	sdelay $0x3  }
0x32c: {  	[tilespmem:v59+s16+$0x0] =	vst.idx.msk vm0, v9  }
0x32d: {  	v61 =	vor.u32 $0x23, v8;
	v9 =	vld.idx.msk [tilespmem:v60+s14+$0x0], vm0  }
0x32e: {  	v62 =	vadd.s32 $0x1200, v7;
	_ =	sdelay $0x3  }
0x32f: {  	[tilespmem:v61+s16+$0x0] =	vst.idx.msk vm0, v9  }
0x330: {  	v63 =	vor.u32 $0x24, v8;
	v9 =	vld.idx.msk [tilespmem:v62+s14+$0x0], vm0  }
0x331: {  	v12 =	vadd.s32 $0x1280, v7;
	_ =	sdelay $0x3  }
0x332: {  	[tilespmem:v63+s16+$0x0] =	vst.idx.msk vm0, v9  }
0x333: {  	v13 =	vor.u32 $0x25, v8;
	v9 =	vld.idx.msk [tilespmem:v12+s14+$0x0], vm0  }
0x334: {  	v14 =	vadd.s32 $0x1300, v7;
	_ =	sdelay $0x3  }
0x335: {  	[tilespmem:v13+s16+$0x0] =	vst.idx.msk vm0, v9  }
0x336: {  	v15 =	vor.u32 $0x26, v8;
	v9 =	vld.idx.msk [tilespmem:v14+s14+$0x0], vm0  }
0x337: {  	v16 =	vadd.s32 $0x1380, v7;
	_ =	sdelay $0x3  }
0x338: {  	[tilespmem:v15+s16+$0x0] =	vst.idx.msk vm0, v9  }
0x339: {  	v17 =	vor.u32 $0x27, v8;
	v9 =	vld.idx.msk [tilespmem:v16+s14+$0x0], vm0  }
0x33a: {  	v18 =	vadd.s32 $0x1400, v7;
	_ =	sdelay $0x3  }
0x33b: {  	[tilespmem:v17+s16+$0x0] =	vst.idx.msk vm0, v9  }
0x33c: {  	v19 =	vor.u32 $0x28, v8;
	v9 =	vld.idx.msk [tilespmem:v18+s14+$0x0], vm0  }
0x33d: {  	v20 =	vadd.s32 $0x1480, v7;
	_ =	sdelay $0x3  }
0x33e: {  	[tilespmem:v19+s16+$0x0] =	vst.idx.msk vm0, v9  }
0x33f: {  	v21 =	vor.u32 $0x29, v8;
	v9 =	vld.idx.msk [tilespmem:v20+s14+$0x0], vm0  }
0x340: {  	v22 =	vadd.s32 $0x1500, v7;
	_ =	sdelay $0x3  }
0x341: {  	[tilespmem:v21+s16+$0x0] =	vst.idx.msk vm0, v9  }
0x342: {  	v23 =	vor.u32 $0x2A, v8;
	v9 =	vld.idx.msk [tilespmem:v22+s14+$0x0], vm0  }
0x343: {  	v24 =	vadd.s32 $0x1580, v7;
	_ =	sdelay $0x3  }
0x344: {  	[tilespmem:v23+s16+$0x0] =	vst.idx.msk vm0, v9  }
0x345: {  	v25 =	vor.u32 $0x2B, v8;
	v9 =	vld.idx.msk [tilespmem:v24+s14+$0x0], vm0  }
0x346: {  	v26 =	vadd.s32 $0x1600, v7;
	_ =	sdelay $0x3  }
0x347: {  	[tilespmem:v25+s16+$0x0] =	vst.idx.msk vm0, v9  }
0x348: {  	v27 =	vor.u32 $0x2C, v8;
	v9 =	vld.idx.msk [tilespmem:v26+s14+$0x0], vm0  }
0x349: {  	v28 =	vadd.s32 $0x1680, v7;
	_ =	sdelay $0x3  }
0x34a: {  	[tilespmem:v27+s16+$0x0] =	vst.idx.msk vm0, v9  }
0x34b: {  	v29 =	vor.u32 $0x2D, v8;
	v9 =	vld.idx.msk [tilespmem:v28+s14+$0x0], vm0  }
0x34c: {  	v30 =	vadd.s32 $0x1700, v7;
	_ =	sdelay $0x3  }
0x34d: {  	[tilespmem:v29+s16+$0x0] =	vst.idx.msk vm0, v9  }
0x34e: {  	v31 =	vor.u32 $0x2E, v8;
	v9 =	vld.idx.msk [tilespmem:v30+s14+$0x0], vm0  }
0x34f: {  	v32 =	vadd.s32 $0x1780, v7;
	_ =	sdelay $0x3  }
0x350: {  	[tilespmem:v31+s16+$0x0] =	vst.idx.msk vm0, v9  }
0x351: {  	v33 =	vor.u32 $0x2F, v8;
	v9 =	vld.idx.msk [tilespmem:v32+s14+$0x0], vm0  }
0x352: {  	v34 =	vadd.s32 $0x1800, v7;
	_ =	sdelay $0x3  }
0x353: {  	[tilespmem:v33+s16+$0x0] =	vst.idx.msk vm0, v9  }
0x354: {  	v35 =	vor.u32 $0x30, v8;
	v9 =	vld.idx.msk [tilespmem:v34+s14+$0x0], vm0  }
0x355: {  	v36 =	vadd.s32 $0x1880, v7;
	_ =	sdelay $0x3  }
0x356: {  	[tilespmem:v35+s16+$0x0] =	vst.idx.msk vm0, v9  }
0x357: {  	v37 =	vor.u32 $0x31, v8;
	v9 =	vld.idx.msk [tilespmem:v36+s14+$0x0], vm0  }
0x358: {  	v38 =	vadd.s32 $0x1900, v7;
	_ =	sdelay $0x3  }
0x359: {  	[tilespmem:v37+s16+$0x0] =	vst.idx.msk vm0, v9  }
0x35a: {  	v39 =	vor.u32 $0x32, v8;
	v9 =	vld.idx.msk [tilespmem:v38+s14+$0x0], vm0  }
0x35b: {  	v40 =	vadd.s32 $0x1980, v7;
	_ =	sdelay $0x3  }
0x35c: {  	[tilespmem:v39+s16+$0x0] =	vst.idx.msk vm0, v9  }
0x35d: {  	v41 =	vor.u32 $0x33, v8;
	v9 =	vld.idx.msk [tilespmem:v40+s14+$0x0], vm0  }
0x35e: {  	v42 =	vadd.s32 $0x1A00, v7;
	_ =	sdelay $0x3  }
0x35f: {  	[tilespmem:v41+s16+$0x0] =	vst.idx.msk vm0, v9  }
0x360: {  	v43 =	vor.u32 $0x34, v8;
	v9 =	vld.idx.msk [tilespmem:v42+s14+$0x0], vm0  }
0x361: {  	v44 =	vadd.s32 $0x1A80, v7;
	_ =	sdelay $0x3  }
0x362: {  	[tilespmem:v43+s16+$0x0] =	vst.idx.msk vm0, v9  }
0x363: {  	v45 =	vor.u32 $0x35, v8;
	v9 =	vld.idx.msk [tilespmem:v44+s14+$0x0], vm0  }
0x364: {  	v46 =	vadd.s32 $0x1B00, v7;
	_ =	sdelay $0x3  }
0x365: {  	[tilespmem:v45+s16+$0x0] =	vst.idx.msk vm0, v9  }
0x366: {  	v47 =	vor.u32 $0x36, v8;
	v9 =	vld.idx.msk [tilespmem:v46+s14+$0x0], vm0  }
0x367: {  	v48 =	vadd.s32 $0x1B80, v7;
	_ =	sdelay $0x3  }
0x368: {  	[tilespmem:v47+s16+$0x0] =	vst.idx.msk vm0, v9  }
0x369: {  	v49 =	vor.u32 $0x37, v8;
	v9 =	vld.idx.msk [tilespmem:v48+s14+$0x0], vm0  }
0x36a: {  	v50 =	vadd.s32 $0x1C00, v7;
	_ =	sdelay $0x3  }
0x36b: {  	[tilespmem:v49+s16+$0x0] =	vst.idx.msk vm0, v9  }
0x36c: {  	v51 =	vor.u32 $0x38, v8;
	v9 =	vld.idx.msk [tilespmem:v50+s14+$0x0], vm0  }
0x36d: {  	v52 =	vadd.s32 $0x1C80, v7;
	_ =	sdelay $0x3  }
0x36e: {  	[tilespmem:v51+s16+$0x0] =	vst.idx.msk vm0, v9  }
0x36f: {  	v53 =	vor.u32 $0x39, v8;
	v9 =	vld.idx.msk [tilespmem:v52+s14+$0x0], vm0  }
0x370: {  	v54 =	vadd.s32 $0x1D00, v7;
	_ =	sdelay $0x3  }
0x371: {  	[tilespmem:v53+s16+$0x0] =	vst.idx.msk vm0, v9  }
0x372: {  	v55 =	vor.u32 $0x3A, v8;
	v9 =	vld.idx.msk [tilespmem:v54+s14+$0x0], vm0  }
0x373: {  	v56 =	vadd.s32 $0x1D80, v7;
	_ =	sdelay $0x3  }
0x374: {  	[tilespmem:v55+s16+$0x0] =	vst.idx.msk vm0, v9  }
0x375: {  	v57 =	vor.u32 $0x3B, v8;
	v9 =	vld.idx.msk [tilespmem:v56+s14+$0x0], vm0  }
0x376: {  	v58 =	vadd.s32 $0x1E00, v7;
	_ =	sdelay $0x3  }
0x377: {  	[tilespmem:v57+s16+$0x0] =	vst.idx.msk vm0, v9  }
0x378: {  	v59 =	vor.u32 $0x3C, v8;
	v9 =	vld.idx.msk [tilespmem:v58+s14+$0x0], vm0  }
0x379: {  	v60 =	vadd.s32 $0x1E80, v7;
	_ =	sdelay $0x3  }
0x37a: {  	[tilespmem:v59+s16+$0x0] =	vst.idx.msk vm0, v9  }
0x37b: {  	v61 =	vor.u32 $0x3D, v8;
	v9 =	vld.idx.msk [tilespmem:v60+s14+$0x0], vm0  }
0x37c: {  	v62 =	vadd.s32 $0x1F00, v7;
	_ =	sdelay $0x3  }
0x37d: {  	[tilespmem:v61+s16+$0x0] =	vst.idx.msk vm0, v9  }
0x37e: {  	v63 =	vor.u32 $0x3E, v8;
	v9 =	vld.idx.msk [tilespmem:v62+s14+$0x0], vm0  }
0x37f: {  	v7 =	vadd.s32 $0x1F80, v7;
	_ =	sdelay $0x3  }
0x380: {  	[tilespmem:v63+s16+$0x0] =	vst.idx.msk vm0, v9  }
0x381: {  	v8 =	vor.u32 $0x3F, v8;
	v7 =	vld.idx.msk [tilespmem:v7+s14+$0x0], vm0;
	_ =	sdelay $0x3  }
0x382: {  	s22 =	sadd.s32 s22, s11  }
0x383: {  	s11 =	smov.u32 s7;
	p1 =	slt.s32 s22, $0x70;
	v5 =	vand.u32 $0x3FFF, v5;
	[tilespmem:v8+s16+$0x0] =	vst.idx.msk vm0, v7  }
0x384: {  	s3 =	simm.s32 @!p1 $0x80;
	s4 =	simm.s32 @!p1 $0x19100;
	s7 =	simm.s32 @!p1 $0x15100;
	[tilespmem:v6+s17+$0x0] =	vst.idx.msk vm0, v5  }
0x385: {  	[hbm4b:s5+s3] =	stream.indirect.scatter @!p1 [tilespmem:s7], [sflag:$0x8], $0x80, s4, s3, $0xb8;
	[tilespmem:$0x19180] =	vst v63  }
.Ltmp10:
0x386: {  	_ = 	snop;
	(pc) =	sbr.rel .LBB2_14-.Ltmp10, $4  }
0x387: {  	s3 =	simm.s32 @!p1 $0x8  }
0x388: {  	_ =	swait.ge @!p1 [sflag:s3], $0x4000  }
0x389: {  	[sflag:s3] =	ssyncset.done @!p1 $0x0  }
0x38a: {  	s22 =	simm.s32 @!p1 $0x0;
	s7 =	smov.u32 s11;
	[sflag:s3] =	ssyncadd.s32 @!p1 $0xFFFFC000  }
.LBB2_12:
0x38b: {  	s22 =	smov.u32 @p0 s22  }
.LBB2_14:
0x38c: {  	s3 =	sadd.s32 s9, s12  }
0x38d: {  	s3 =	sadd.s32 s3, s15  }
0x38e: {  	s3 =	sadd.s32 s3, s23  }
0x38f: {  	s3 =	sadd.s32 s3, s24  }
0x390: {  	s3 =	sadd.s32 s3, s25  }
0x391: {  	s3 =	sadd.s32 s3, s26  }
0x392: {  	s3 =	sadd.s32 s3, s28  }
0x393: {  	s3 =	sadd.s32 s3, s31  }
0x394: {  	s3 =	sadd.s32 s3, s30  }
0x395: {  	s3 =	sadd.s32 s3, s29  }
0x396: {  	s3 =	sadd.s32 s3, s7  }
0x397: {  	s4 =	rddreg [dreg:$0x18];
	s3 =	sadd.s32 s3, s21  }
0x398: {  	s3 =	sadd.s32 s3, s4  }
0x399: {  	s3 =	sadd.s32 s3, s13  }
0x39a: {  	s2 =	sadd.s32 s3, s2  }
0x39b: {  	p1 =	slt.s32 s2, $0x1  }
.Ltmp11:
0x39c: {  	_ = 	snop;
	(pc) =	sbr.rel @!p1 .LBB2_15-.Ltmp11, $4  }
.Ltmp12:
0x39d: {  	s12 =	rddreg [dreg:$0x1];
	(pc) =	sbr.rel @p1 .LBB2_20-.Ltmp12, $4  }
0x39e: {  	s23 =	rddreg [dreg:$0x6]  }
0x39f: {  	s24 =	rddreg [dreg:$0x7]  }
0x3a0: {  	s21 =	rddreg [dreg:$0x2];
	s2 =	simm.s32 $0x0  }
0x3a1: {  	_ = 	snop  }
.LBB2_19:
0x3a2: {  	s2 =	sadd.s32 $0x1, s2  }
0x3a3: {  	p1 =	sne.s32 s2, s24  }
.Ltmp13:
0x3a4: {  	_ = 	snop;
	(pc) =	sbr.rel @!p1 .LBB2_20-.Ltmp13, $1  }
0x3a5: {  	_ =	sdelay $0x3  }
.LBB2_15:
0x3a6: {  	s3 =	sadd.s32 s23, s2  }
0x3a7: {  	p1 =	sne.s32 s3, $0x1E84  }
0x3a8: {  	s4 =	sshll.u32 @p1 s3, $0x7  }
0x3a9: {  	s7 =	simm.s32 @p1 $0x400;
	s4 =	sand.u32 @p1 $0x1FFFFF80, s4  }
0x3aa: {  	s9 =	simm.s32 @p1 $0x7A1400;
	s11 =	simm.s32 @p1 $0x11100;
	s4 =	sadd.s32 @p1 s12, s4  }
0x3ab: {  	[tilespmem:s11], [sflag:$0x9] =	stream.strided.gather @p1 [hbm4b:s4+s7], $0x2000, s9, s7, $0x38;
	[tilespmem:$0x19180] =	vst v63  }
.Ltmp14:
0x3ac: {  	s4 =	simm.s32 @!p1 $0x0;
	s7 =	simm.s32 @!p1 $0x11100;
	(pc) =	sbr.rel .LBB2_16-.Ltmp14, $4  }
0x3ad: {  	[tilespmem:s7], [sflag:$0x9] =	stream.linear.gather @!p1 [hbm4b:s21+s4], $0x2000, $0x38;
	[tilespmem:$0x19180] =	vst v63  }
0x3ae: {  	_ =	swait.ge [sflag:s1], $0x2000  }
0x3af: {  	[sflag:s1] =	ssyncset.done $0x0  }
0x3b0: {  	s13 =	simm.s32 $0x0;
	v5 =	vmov s3;
	s11 =	simm.s32 $0x0;
	[sflag:s1] =	ssyncadd.s32 $0xFFFFE000  }
.LBB2_18:
0x3b1: {  	s13 =	sadd.s32 $0x10, s13  }
0x3b2: {  	p1 =	sne.s32 s13, $0x4000  }
.Ltmp15:
0x3b3: {  	_ = 	snop;
	(pc) =	sbr.rel @!p1 .LBB2_19-.Ltmp15, $2  }
0x3b4: {  	_ =	sdelay $0x2  }
0x3b5: {  	s11 =	sadd.s32 $0x10, s11  }
.LBB2_16:
0x3b6: {  	v6 =	vld [tilespmem:s11+$0x0];
	_ =	sdelay $0x4  }
0x3b7: {  	v7 =	vshrl.u32 v6, $0x7  }
0x3b8: {  	vm0 =	veq.s32 v7, v5  }
0x3b9: {  	v7 =	vmpcnt.ones.xlane vm0;
	_ =	sdelay $0x1  }
0x3ba: {  	v7 =	vxor.u32 $0x80000000, v7  }
0x3bb: {  	(xrf0) =	vmax.scan.msk.u32 $0xffff, v7;
	_ =	sdelay $0x5  }
0x3bc: {  	v7, _, _ =	vpop (xrf0)  }
0x3bd: {  	(v2sf) =	vpush v7, $0xF;
	_ =	sdelay $0xe  }
0x3be: {  	s3 =	spop (v2sf)  }
0x3bf: {  	s15 =	sxor.u32 $0x80000000, s3  }
0x3c0: {  	p1 =	slt.s32 s15, $0x1  }
.Ltmp16:
0x3c1: {  	_ = 	snop;
	(pc) =	sbr.rel @p1 .LBB2_18-.Ltmp16, $1  }
0x3c2: {  	_ =	sdelay $0x3  }
0x3c3: {  	v7 =	vsel vm0, $0x1, v3  }
0x3c4: {  	(xrf0) =	vadd.scan.msk.s32 $0xffff, v7;
	_ =	sdelay $0x2  }
0x3c5: {  	v7 =	vand.u32 $0x7F, v6;
	v6 =	vmov s22  }
0x3c6: {  	v6 =	vadd.s32 $0xFFFFFFFF, v6  }
0x3c7: {  	v6 =	vbroadcast v6, $0x0  }
0x3c8: {  	v8, _, _ =	vpop (xrf0)  }
0x3c9: {  	v6 =	vadd.s32 v8, v6  }
0x3ca: {  	v9 =	vld.idx.msk [tilespmem:v7+s14+$0x0], vm0;
	v8 =	vshll.u32 v6, $0x7  }
0x3cb: {  	v10 =	vor.u32 $0x80, v7;
	_ =	sdelay $0x3  }
0x3cc: {  	[tilespmem:v8+s16+$0x0] =	vst.idx.msk vm0, v9  }
0x3cd: {  	v45 =	vor.u32 $0x1, v8;
	v9 =	vld.idx.msk [tilespmem:v10+s14+$0x0], vm0  }
0x3ce: {  	v11 =	vor.u32 $0x100, v7;
	_ =	sdelay $0x3  }
0x3cf: {  	[tilespmem:v45+s16+$0x0] =	vst.idx.msk vm0, v9  }
0x3d0: {  	v46 =	vor.u32 $0x2, v8;
	v9 =	vld.idx.msk [tilespmem:v11+s14+$0x0], vm0  }
0x3d1: {  	v47 =	vor.u32 $0x180, v7;
	_ =	sdelay $0x3  }
0x3d2: {  	[tilespmem:v46+s16+$0x0] =	vst.idx.msk vm0, v9  }
0x3d3: {  	v48 =	vor.u32 $0x3, v8;
	v9 =	vld.idx.msk [tilespmem:v47+s14+$0x0], vm0  }
0x3d4: {  	v49 =	vor.u32 $0x200, v7;
	_ =	sdelay $0x3  }
0x3d5: {  	[tilespmem:v48+s16+$0x0] =	vst.idx.msk vm0, v9  }
0x3d6: {  	v50 =	vor.u32 $0x4, v8;
	v9 =	vld.idx.msk [tilespmem:v49+s14+$0x0], vm0  }
0x3d7: {  	v51 =	vor.u32 $0x280, v7;
	_ =	sdelay $0x3  }
0x3d8: {  	[tilespmem:v50+s16+$0x0] =	vst.idx.msk vm0, v9  }
0x3d9: {  	v52 =	vor.u32 $0x5, v8;
	v9 =	vld.idx.msk [tilespmem:v51+s14+$0x0], vm0  }
0x3da: {  	v53 =	vor.u32 $0x300, v7;
	_ =	sdelay $0x3  }
0x3db: {  	[tilespmem:v52+s16+$0x0] =	vst.idx.msk vm0, v9  }
0x3dc: {  	v54 =	vor.u32 $0x6, v8;
	v9 =	vld.idx.msk [tilespmem:v53+s14+$0x0], vm0  }
0x3dd: {  	v55 =	vor.u32 $0x380, v7;
	_ =	sdelay $0x3  }
0x3de: {  	[tilespmem:v54+s16+$0x0] =	vst.idx.msk vm0, v9  }
0x3df: {  	v56 =	vor.u32 $0x7, v8;
	v9 =	vld.idx.msk [tilespmem:v55+s14+$0x0], vm0  }
0x3e0: {  	v57 =	vor.u32 $0x400, v7;
	_ =	sdelay $0x3  }
0x3e1: {  	[tilespmem:v56+s16+$0x0] =	vst.idx.msk vm0, v9  }
0x3e2: {  	v58 =	vor.u32 $0x8, v8;
	v9 =	vld.idx.msk [tilespmem:v57+s14+$0x0], vm0  }
0x3e3: {  	v59 =	vor.u32 $0x480, v7;
	_ =	sdelay $0x3  }
0x3e4: {  	[tilespmem:v58+s16+$0x0] =	vst.idx.msk vm0, v9  }
0x3e5: {  	v60 =	vor.u32 $0x9, v8;
	v9 =	vld.idx.msk [tilespmem:v59+s14+$0x0], vm0  }
0x3e6: {  	v61 =	vor.u32 $0x500, v7;
	_ =	sdelay $0x3  }
0x3e7: {  	[tilespmem:v60+s16+$0x0] =	vst.idx.msk vm0, v9  }
0x3e8: {  	v62 =	vor.u32 $0xA, v8;
	v9 =	vld.idx.msk [tilespmem:v61+s14+$0x0], vm0  }
0x3e9: {  	v63 =	vor.u32 $0x580, v7;
	_ =	sdelay $0x3  }
0x3ea: {  	[tilespmem:v62+s16+$0x0] =	vst.idx.msk vm0, v9  }
0x3eb: {  	v12 =	vor.u32 $0xB, v8;
	v9 =	vld.idx.msk [tilespmem:v63+s14+$0x0], vm0  }
0x3ec: {  	v13 =	vor.u32 $0x600, v7;
	_ =	sdelay $0x3  }
0x3ed: {  	[tilespmem:v12+s16+$0x0] =	vst.idx.msk vm0, v9  }
0x3ee: {  	v14 =	vor.u32 $0xC, v8;
	v9 =	vld.idx.msk [tilespmem:v13+s14+$0x0], vm0  }
0x3ef: {  	v15 =	vor.u32 $0x680, v7;
	_ =	sdelay $0x3  }
0x3f0: {  	[tilespmem:v14+s16+$0x0] =	vst.idx.msk vm0, v9  }
0x3f1: {  	v16 =	vor.u32 $0xD, v8;
	v9 =	vld.idx.msk [tilespmem:v15+s14+$0x0], vm0  }
0x3f2: {  	v17 =	vor.u32 $0x700, v7;
	_ =	sdelay $0x3  }
0x3f3: {  	[tilespmem:v16+s16+$0x0] =	vst.idx.msk vm0, v9  }
0x3f4: {  	v18 =	vor.u32 $0xE, v8;
	v9 =	vld.idx.msk [tilespmem:v17+s14+$0x0], vm0  }
0x3f5: {  	v19 =	vor.u32 $0x780, v7;
	_ =	sdelay $0x3  }
0x3f6: {  	[tilespmem:v18+s16+$0x0] =	vst.idx.msk vm0, v9  }
0x3f7: {  	v20 =	vor.u32 $0xF, v8;
	v9 =	vld.idx.msk [tilespmem:v19+s14+$0x0], vm0  }
0x3f8: {  	v21 =	vor.u32 $0x800, v7;
	_ =	sdelay $0x3  }
0x3f9: {  	[tilespmem:v20+s16+$0x0] =	vst.idx.msk vm0, v9  }
0x3fa: {  	v22 =	vor.u32 $0x10, v8;
	v9 =	vld.idx.msk [tilespmem:v21+s14+$0x0], vm0  }
0x3fb: {  	v23 =	vor.u32 $0x880, v7;
	_ =	sdelay $0x3  }
0x3fc: {  	[tilespmem:v22+s16+$0x0] =	vst.idx.msk vm0, v9  }
0x3fd: {  	v24 =	vor.u32 $0x11, v8;
	v9 =	vld.idx.msk [tilespmem:v23+s14+$0x0], vm0  }
0x3fe: {  	v25 =	vor.u32 $0x900, v7;
	_ =	sdelay $0x3  }
0x3ff: {  	[tilespmem:v24+s16+$0x0] =	vst.idx.msk vm0, v9  }
0x400: {  	v26 =	vor.u32 $0x12, v8;
	v9 =	vld.idx.msk [tilespmem:v25+s14+$0x0], vm0  }
0x401: {  	v27 =	vor.u32 $0x980, v7;
	_ =	sdelay $0x3  }
0x402: {  	[tilespmem:v26+s16+$0x0] =	vst.idx.msk vm0, v9  }
0x403: {  	v28 =	vor.u32 $0x13, v8;
	v9 =	vld.idx.msk [tilespmem:v27+s14+$0x0], vm0  }
0x404: {  	v29 =	vor.u32 $0xA00, v7;
	_ =	sdelay $0x3  }
0x405: {  	[tilespmem:v28+s16+$0x0] =	vst.idx.msk vm0, v9  }
0x406: {  	v30 =	vor.u32 $0x14, v8;
	v9 =	vld.idx.msk [tilespmem:v29+s14+$0x0], vm0  }
0x407: {  	v31 =	vor.u32 $0xA80, v7;
	_ =	sdelay $0x3  }
0x408: {  	[tilespmem:v30+s16+$0x0] =	vst.idx.msk vm0, v9  }
0x409: {  	v32 =	vor.u32 $0x15, v8;
	v9 =	vld.idx.msk [tilespmem:v31+s14+$0x0], vm0  }
0x40a: {  	v33 =	vor.u32 $0xB00, v7;
	_ =	sdelay $0x3  }
0x40b: {  	[tilespmem:v32+s16+$0x0] =	vst.idx.msk vm0, v9  }
0x40c: {  	v34 =	vor.u32 $0x16, v8;
	v9 =	vld.idx.msk [tilespmem:v33+s14+$0x0], vm0  }
0x40d: {  	v35 =	vor.u32 $0xB80, v7;
	_ =	sdelay $0x3  }
0x40e: {  	[tilespmem:v34+s16+$0x0] =	vst.idx.msk vm0, v9  }
0x40f: {  	v36 =	vor.u32 $0x17, v8;
	v9 =	vld.idx.msk [tilespmem:v35+s14+$0x0], vm0  }
0x410: {  	v37 =	vor.u32 $0xC00, v7;
	_ =	sdelay $0x3  }
0x411: {  	[tilespmem:v36+s16+$0x0] =	vst.idx.msk vm0, v9  }
0x412: {  	v38 =	vor.u32 $0x18, v8;
	v9 =	vld.idx.msk [tilespmem:v37+s14+$0x0], vm0  }
0x413: {  	v39 =	vor.u32 $0xC80, v7;
	_ =	sdelay $0x3  }
0x414: {  	[tilespmem:v38+s16+$0x0] =	vst.idx.msk vm0, v9  }
0x415: {  	v40 =	vor.u32 $0x19, v8;
	v9 =	vld.idx.msk [tilespmem:v39+s14+$0x0], vm0  }
0x416: {  	v41 =	vor.u32 $0xD00, v7;
	_ =	sdelay $0x3  }
0x417: {  	[tilespmem:v40+s16+$0x0] =	vst.idx.msk vm0, v9  }
0x418: {  	v42 =	vor.u32 $0x1A, v8;
	v9 =	vld.idx.msk [tilespmem:v41+s14+$0x0], vm0  }
0x419: {  	v43 =	vor.u32 $0xD80, v7;
	_ =	sdelay $0x3  }
0x41a: {  	[tilespmem:v42+s16+$0x0] =	vst.idx.msk vm0, v9  }
0x41b: {  	v44 =	vor.u32 $0x1B, v8;
	v9 =	vld.idx.msk [tilespmem:v43+s14+$0x0], vm0  }
0x41c: {  	v45 =	vor.u32 $0xE00, v7;
	_ =	sdelay $0x3  }
0x41d: {  	[tilespmem:v44+s16+$0x0] =	vst.idx.msk vm0, v9  }
0x41e: {  	v46 =	vor.u32 $0x1C, v8;
	v9 =	vld.idx.msk [tilespmem:v45+s14+$0x0], vm0  }
0x41f: {  	v47 =	vor.u32 $0xE80, v7;
	_ =	sdelay $0x3  }
0x420: {  	[tilespmem:v46+s16+$0x0] =	vst.idx.msk vm0, v9  }
0x421: {  	v48 =	vor.u32 $0x1D, v8;
	v9 =	vld.idx.msk [tilespmem:v47+s14+$0x0], vm0  }
0x422: {  	v49 =	vor.u32 $0xF00, v7;
	_ =	sdelay $0x3  }
0x423: {  	[tilespmem:v48+s16+$0x0] =	vst.idx.msk vm0, v9  }
0x424: {  	v50 =	vor.u32 $0x1E, v8;
	v9 =	vld.idx.msk [tilespmem:v49+s14+$0x0], vm0  }
0x425: {  	v51 =	vor.u32 $0xF80, v7;
	_ =	sdelay $0x3  }
0x426: {  	[tilespmem:v50+s16+$0x0] =	vst.idx.msk vm0, v9  }
0x427: {  	v52 =	vor.u32 $0x1F, v8;
	v9 =	vld.idx.msk [tilespmem:v51+s14+$0x0], vm0  }
0x428: {  	v53 =	vor.u32 $0x1000, v7;
	_ =	sdelay $0x3  }
0x429: {  	[tilespmem:v52+s16+$0x0] =	vst.idx.msk vm0, v9  }
0x42a: {  	v54 =	vor.u32 $0x20, v8;
	v9 =	vld.idx.msk [tilespmem:v53+s14+$0x0], vm0  }
0x42b: {  	v55 =	vor.u32 $0x1080, v7;
	_ =	sdelay $0x3  }
0x42c: {  	[tilespmem:v54+s16+$0x0] =	vst.idx.msk vm0, v9  }
0x42d: {  	v56 =	vor.u32 $0x21, v8;
	v9 =	vld.idx.msk [tilespmem:v55+s14+$0x0], vm0  }
0x42e: {  	v57 =	vor.u32 $0x1100, v7;
	_ =	sdelay $0x3  }
0x42f: {  	[tilespmem:v56+s16+$0x0] =	vst.idx.msk vm0, v9  }
0x430: {  	v58 =	vor.u32 $0x22, v8;
	v9 =	vld.idx.msk [tilespmem:v57+s14+$0x0], vm0  }
0x431: {  	v59 =	vor.u32 $0x1180, v7;
	_ =	sdelay $0x3  }
0x432: {  	[tilespmem:v58+s16+$0x0] =	vst.idx.msk vm0, v9  }
0x433: {  	v60 =	vor.u32 $0x23, v8;
	v9 =	vld.idx.msk [tilespmem:v59+s14+$0x0], vm0  }
0x434: {  	v61 =	vor.u32 $0x1200, v7;
	_ =	sdelay $0x3  }
0x435: {  	[tilespmem:v60+s16+$0x0] =	vst.idx.msk vm0, v9  }
0x436: {  	v62 =	vor.u32 $0x24, v8;
	v9 =	vld.idx.msk [tilespmem:v61+s14+$0x0], vm0  }
0x437: {  	v63 =	vor.u32 $0x1280, v7;
	_ =	sdelay $0x3  }
0x438: {  	[tilespmem:v62+s16+$0x0] =	vst.idx.msk vm0, v9  }
0x439: {  	v12 =	vor.u32 $0x25, v8;
	v9 =	vld.idx.msk [tilespmem:v63+s14+$0x0], vm0  }
0x43a: {  	v13 =	vor.u32 $0x1300, v7;
	_ =	sdelay $0x3  }
0x43b: {  	[tilespmem:v12+s16+$0x0] =	vst.idx.msk vm0, v9  }
0x43c: {  	v14 =	vor.u32 $0x26, v8;
	v9 =	vld.idx.msk [tilespmem:v13+s14+$0x0], vm0  }
0x43d: {  	v15 =	vor.u32 $0x1380, v7;
	_ =	sdelay $0x3  }
0x43e: {  	[tilespmem:v14+s16+$0x0] =	vst.idx.msk vm0, v9  }
0x43f: {  	v16 =	vor.u32 $0x27, v8;
	v9 =	vld.idx.msk [tilespmem:v15+s14+$0x0], vm0  }
0x440: {  	v17 =	vor.u32 $0x1400, v7;
	_ =	sdelay $0x3  }
0x441: {  	[tilespmem:v16+s16+$0x0] =	vst.idx.msk vm0, v9  }
0x442: {  	v18 =	vor.u32 $0x28, v8;
	v9 =	vld.idx.msk [tilespmem:v17+s14+$0x0], vm0  }
0x443: {  	v19 =	vor.u32 $0x1480, v7;
	_ =	sdelay $0x3  }
0x444: {  	[tilespmem:v18+s16+$0x0] =	vst.idx.msk vm0, v9  }
0x445: {  	v20 =	vor.u32 $0x29, v8;
	v9 =	vld.idx.msk [tilespmem:v19+s14+$0x0], vm0  }
0x446: {  	v21 =	vor.u32 $0x1500, v7;
	_ =	sdelay $0x3  }
0x447: {  	[tilespmem:v20+s16+$0x0] =	vst.idx.msk vm0, v9  }
0x448: {  	v22 =	vor.u32 $0x2A, v8;
	v9 =	vld.idx.msk [tilespmem:v21+s14+$0x0], vm0  }
0x449: {  	v23 =	vor.u32 $0x1580, v7;
	_ =	sdelay $0x3  }
0x44a: {  	[tilespmem:v22+s16+$0x0] =	vst.idx.msk vm0, v9  }
0x44b: {  	v24 =	vor.u32 $0x2B, v8;
	v9 =	vld.idx.msk [tilespmem:v23+s14+$0x0], vm0  }
0x44c: {  	v25 =	vor.u32 $0x1600, v7;
	_ =	sdelay $0x3  }
0x44d: {  	[tilespmem:v24+s16+$0x0] =	vst.idx.msk vm0, v9  }
0x44e: {  	v26 =	vor.u32 $0x2C, v8;
	v9 =	vld.idx.msk [tilespmem:v25+s14+$0x0], vm0  }
0x44f: {  	v27 =	vor.u32 $0x1680, v7;
	_ =	sdelay $0x3  }
0x450: {  	[tilespmem:v26+s16+$0x0] =	vst.idx.msk vm0, v9  }
0x451: {  	v28 =	vor.u32 $0x2D, v8;
	v9 =	vld.idx.msk [tilespmem:v27+s14+$0x0], vm0  }
0x452: {  	v29 =	vor.u32 $0x1700, v7;
	_ =	sdelay $0x3  }
0x453: {  	[tilespmem:v28+s16+$0x0] =	vst.idx.msk vm0, v9  }
0x454: {  	v30 =	vor.u32 $0x2E, v8;
	v9 =	vld.idx.msk [tilespmem:v29+s14+$0x0], vm0  }
0x455: {  	v31 =	vor.u32 $0x1780, v7;
	_ =	sdelay $0x3  }
0x456: {  	[tilespmem:v30+s16+$0x0] =	vst.idx.msk vm0, v9  }
0x457: {  	v32 =	vor.u32 $0x2F, v8;
	v9 =	vld.idx.msk [tilespmem:v31+s14+$0x0], vm0  }
0x458: {  	v33 =	vor.u32 $0x1800, v7;
	_ =	sdelay $0x3  }
0x459: {  	[tilespmem:v32+s16+$0x0] =	vst.idx.msk vm0, v9  }
0x45a: {  	v34 =	vor.u32 $0x30, v8;
	v9 =	vld.idx.msk [tilespmem:v33+s14+$0x0], vm0  }
0x45b: {  	v35 =	vor.u32 $0x1880, v7;
	_ =	sdelay $0x3  }
0x45c: {  	[tilespmem:v34+s16+$0x0] =	vst.idx.msk vm0, v9  }
0x45d: {  	v36 =	vor.u32 $0x31, v8;
	v9 =	vld.idx.msk [tilespmem:v35+s14+$0x0], vm0  }
0x45e: {  	v37 =	vor.u32 $0x1900, v7;
	_ =	sdelay $0x3  }
0x45f: {  	[tilespmem:v36+s16+$0x0] =	vst.idx.msk vm0, v9  }
0x460: {  	v38 =	vor.u32 $0x32, v8;
	v9 =	vld.idx.msk [tilespmem:v37+s14+$0x0], vm0  }
0x461: {  	v39 =	vor.u32 $0x1980, v7;
	_ =	sdelay $0x3  }
0x462: {  	[tilespmem:v38+s16+$0x0] =	vst.idx.msk vm0, v9  }
0x463: {  	v40 =	vor.u32 $0x33, v8;
	v9 =	vld.idx.msk [tilespmem:v39+s14+$0x0], vm0  }
0x464: {  	v41 =	vor.u32 $0x1A00, v7;
	_ =	sdelay $0x3  }
0x465: {  	[tilespmem:v40+s16+$0x0] =	vst.idx.msk vm0, v9  }
0x466: {  	v42 =	vor.u32 $0x34, v8;
	v9 =	vld.idx.msk [tilespmem:v41+s14+$0x0], vm0  }
0x467: {  	v43 =	vor.u32 $0x1A80, v7;
	_ =	sdelay $0x3  }
0x468: {  	[tilespmem:v42+s16+$0x0] =	vst.idx.msk vm0, v9  }
0x469: {  	v44 =	vor.u32 $0x35, v8;
	v9 =	vld.idx.msk [tilespmem:v43+s14+$0x0], vm0  }
0x46a: {  	v45 =	vor.u32 $0x1B00, v7;
	_ =	sdelay $0x3  }
0x46b: {  	[tilespmem:v44+s16+$0x0] =	vst.idx.msk vm0, v9  }
0x46c: {  	v46 =	vor.u32 $0x36, v8;
	v9 =	vld.idx.msk [tilespmem:v45+s14+$0x0], vm0  }
0x46d: {  	v47 =	vor.u32 $0x1B80, v7;
	_ =	sdelay $0x3  }
0x46e: {  	[tilespmem:v46+s16+$0x0] =	vst.idx.msk vm0, v9  }
0x46f: {  	v48 =	vor.u32 $0x37, v8;
	v9 =	vld.idx.msk [tilespmem:v47+s14+$0x0], vm0  }
0x470: {  	v49 =	vor.u32 $0x1C00, v7;
	_ =	sdelay $0x3  }
0x471: {  	[tilespmem:v48+s16+$0x0] =	vst.idx.msk vm0, v9  }
0x472: {  	v50 =	vor.u32 $0x38, v8;
	v9 =	vld.idx.msk [tilespmem:v49+s14+$0x0], vm0  }
0x473: {  	v51 =	vor.u32 $0x1C80, v7;
	_ =	sdelay $0x3  }
0x474: {  	[tilespmem:v50+s16+$0x0] =	vst.idx.msk vm0, v9  }
0x475: {  	v52 =	vor.u32 $0x39, v8;
	v9 =	vld.idx.msk [tilespmem:v51+s14+$0x0], vm0  }
0x476: {  	v53 =	vor.u32 $0x1D00, v7;
	_ =	sdelay $0x3  }
0x477: {  	[tilespmem:v52+s16+$0x0] =	vst.idx.msk vm0, v9  }
0x478: {  	v54 =	vor.u32 $0x3A, v8;
	v9 =	vld.idx.msk [tilespmem:v53+s14+$0x0], vm0  }
0x479: {  	v55 =	vor.u32 $0x1D80, v7;
	_ =	sdelay $0x3  }
0x47a: {  	[tilespmem:v54+s16+$0x0] =	vst.idx.msk vm0, v9  }
0x47b: {  	v56 =	vor.u32 $0x3B, v8;
	v9 =	vld.idx.msk [tilespmem:v55+s14+$0x0], vm0  }
0x47c: {  	v57 =	vor.u32 $0x1E00, v7;
	_ =	sdelay $0x3  }
0x47d: {  	[tilespmem:v56+s16+$0x0] =	vst.idx.msk vm0, v9  }
0x47e: {  	v58 =	vor.u32 $0x3C, v8;
	v9 =	vld.idx.msk [tilespmem:v57+s14+$0x0], vm0  }
0x47f: {  	v59 =	vor.u32 $0x1E80, v7;
	_ =	sdelay $0x3  }
0x480: {  	[tilespmem:v58+s16+$0x0] =	vst.idx.msk vm0, v9  }
0x481: {  	v60 =	vor.u32 $0x3D, v8;
	v9 =	vld.idx.msk [tilespmem:v59+s14+$0x0], vm0  }
0x482: {  	v61 =	vor.u32 $0x1F00, v7;
	_ =	sdelay $0x3  }
0x483: {  	[tilespmem:v60+s16+$0x0] =	vst.idx.msk vm0, v9  }
0x484: {  	v62 =	vor.u32 $0x3E, v8;
	v9 =	vld.idx.msk [tilespmem:v61+s14+$0x0], vm0  }
0x485: {  	v7 =	vor.u32 $0x1F80, v7;
	_ =	sdelay $0x3  }
0x486: {  	[tilespmem:v62+s16+$0x0] =	vst.idx.msk vm0, v9  }
0x487: {  	v8 =	vor.u32 $0x3F, v8;
	v7 =	vld.idx.msk [tilespmem:v7+s14+$0x0], vm0;
	_ =	sdelay $0x3  }
0x488: {  	s22 =	sadd.s32 s22, s15  }
0x489: {  	p1 =	slt.s32 s22, $0x70;
	v63 =	vor.u32 s13, v4;
	[tilespmem:v8+s16+$0x0] =	vst.idx.msk vm0, v7  }
0x48a: {  	s3 =	simm.s32 @!p1 $0x80;
	s4 =	simm.s32 @!p1 $0x19100;
	s7 =	simm.s32 @!p1 $0x15100;
	[tilespmem:v6+s17+$0x0] =	vst.idx.msk vm0, v63  }
0x48b: {  	[hbm4b:s5+s3] =	stream.indirect.scatter @!p1 [tilespmem:s7], [sflag:$0x8], $0x80, s4, s3, $0xb8;
	[tilespmem:$0x19180] =	vst v63  }
.Ltmp17:
0x48c: {  	_ = 	snop;
	(pc) =	sbr.rel .LBB2_18-.Ltmp17, $4  }
0x48d: {  	s3 =	simm.s32 @!p1 $0x8  }
0x48e: {  	_ =	swait.ge @!p1 [sflag:s3], $0x4000  }
0x48f: {  	[sflag:s3] =	ssyncset.done @!p1 $0x0  }
0x490: {  	s22 =	simm.s32 @!p1 $0x0;
	[sflag:s3] =	ssyncadd.s32 @!p1 $0xFFFFC000  }
.LBB2_21:
0x491: {  	_ =	sfence.sel $0x180000  }
0x492: {  	[bflag:$0x0] =	sbarrier.arrive $0xFFFF  }
0x493: {  	_ =	strace $0x90000047  }
0x494: {  	s0 =	stileid.u32;
	[bflag:$0x2] =	sbarrier.arrive $0xFFFF  }
0x495: {  	p0 =	sne.s32 s0, $0x0;
	s0 =	rddreg [dreg:$0x5]  }
0x496: {  	s0 =	sadd.s32 @!p0 $0x100000, s0  }
0x497: {  	[sflag:s0] =	ssyncadd.tile.s32 @!p0 $0x1;
	_ =	shalt  }
.Lfunc_end2:
_tile_overlayer_lowered:
.L_overlay_start_2:
0x498: {  	(tag) =	ssettag $0x2  }
0x499: {  	s0 =	rddreg [dreg:$0x0];
	s2 =	stileid.u32  }
0x49a: {  	s1 =	rddreg [dreg:$0x1];
	p0 =	sne.s32 s2, $0x0  }
0x49b: {  	s3 =	rddreg [dreg:$0x2];
	[bflag:$0x3] =	sbarrier.arrive $0xFFFF;
	s2 =	simm.s32 @!p0 $0x1C09  }
0x49c: {  	[timem:s3], [sflag:s2] =	dma.local @!p0 [hbm:s0], s1  }
0x49d: {  	s0 =	simm.s32 @!p0 $0x9  }
0x49e: {  	_ =	swait.ge @!p0 [sflag:s0], s1  }
0x49f: {  	s1 =	ssub.s32 @!p0 $0x0, s1;
	[sflag:s0] =	ssyncset.done @!p0 $0x0  }
0x4a0: {  	[sflag:s0] =	ssyncadd.s32 @!p0 s1  }
0x4a1: {  	[bflag:$0x3] =	sbarrier.arrive $0xFFFF  }
0x4a2: {  	_ =	shalt  }

</sc_bundles>
